<compile_context>
chip_gen: v7x
topology: tpu7x:2x2x1
jax: 0.10.2.dev20260603
libtpu: 0.0.44.dev20260713+nightly
codegen_flags: <defaults>
</compile_context>

<pallas_src>
import jax
import jax.numpy as jnp
from jax.experimental import pallas as pl
from jax.experimental.pallas import tpu as pltpu
from jax.experimental.pallas import tpu_sc as plsc

N_NODES = 10000
N_EDGES = 320000
D_FEAT = 128
HIDDEN = 256
HALF = HIDDEN // 2

NODE_BLOCK = 5000
N_NODE_BLOCKS = N_NODES // NODE_BLOCK

CHUNK_SIZES = (102400, 102400, 102400, 12800)

GATHER_WINDOW = 256

EDGE_BLOCK = 12800
OUT_SUB = EDGE_BLOCK // 128


def _pack_bf16_pair(lo, hi):

    def rne(v):
        u = jax.lax.bitcast_convert_type(v, jnp.uint32)
        return (u + jnp.uint32(0x7FFF) + ((u >> 16) & jnp.uint32(1))) >> 16

    return rne(lo) | (rne(hi) << 16)


def _tc_tables(x, W1a, W1b, b1):

    def body(x_ref, w1a_ref, w1b_ref, b1_ref, t_ref):
        pid = pl.program_id(0)
        xb = x_ref[...].astype(jnp.bfloat16)

        @pl.when(pid < N_NODE_BLOCKS)
        def _():
            r = jnp.dot(xb, w1a_ref[...], preferred_element_type=jnp.float32)
            t_ref[...] = _pack_bf16_pair(r[:, :HALF], r[:, HALF:])

        @pl.when(pid >= N_NODE_BLOCKS)
        def _():
            r = (
                jnp.dot(xb, w1b_ref[...], preferred_element_type=jnp.float32)
                + b1_ref[...]
            )
            t_ref[...] = _pack_bf16_pair(r[:, :HALF], r[:, HALF:])

    return pl.pallas_call(
        body,
        grid=(2 * N_NODE_BLOCKS,),
        in_specs=[
            pl.BlockSpec((NODE_BLOCK, D_FEAT), lambda i: (i % N_NODE_BLOCKS, 0)),
            pl.BlockSpec((D_FEAT, HIDDEN), lambda i: (0, 0)),
            pl.BlockSpec((D_FEAT, HIDDEN), lambda i: (0, 0)),
            pl.BlockSpec((1, HIDDEN), lambda i: (0, 0)),
        ],
        out_specs=pl.BlockSpec((NODE_BLOCK, HALF), lambda i: (i, 0)),
        out_shape=jax.ShapeDtypeStruct((2 * N_NODES, HALF), jnp.uint32),
    )(x, W1a, W1b, b1)


def _sc_gather(t, idx2d, chunk):
    mesh = plsc.VectorSubcoreMesh(core_axis_name="core", subcore_axis_name="subcore")
    nb = chunk // GATHER_WINDOW

    @pl.kernel(
        out_type=jax.ShapeDtypeStruct((chunk, 2 * HALF), jnp.uint32),
        mesh=mesh,
    )
    def gather_kernel(t_hbm, i_hbm, o_hbm):
        def body(i_vmem, o_vmem):
            pltpu.sync_copy(t_hbm.at[i_vmem.at[0]], o_vmem)

        pltpu.emit_pipeline(
            body,
            grid=(2 * nb,),
            in_specs=[
                pl.BlockSpec((1, GATHER_WINDOW), index_map=lambda i: (0, i))
            ],
            out_specs=[
                pl.BlockSpec(
                    (GATHER_WINDOW, HALF),
                    index_map=lambda i, nb=nb: (i % nb, i // nb),
                )
            ],
            core_axis_name=("core", "subcore"),
            dimension_semantics=(pltpu.PARALLEL,),
        )(i_hbm, o_hbm)

    return gather_kernel(t, idx2d)


def _tc_consume(g, W2, b2):
    def body(g_ref, w2_ref, b2_ref, o_ref):
        gv = g_ref[...]
        ua = gv[:, :HALF]
        ub = gv[:, HALF:]

        def unpack_lo(u):
            return jax.lax.bitcast_convert_type(u << 16, jnp.float32)

        def unpack_hi(u):
            return jax.lax.bitcast_convert_type(
                u & jnp.uint32(0xFFFF0000), jnp.float32
            )

        h_lo = jnp.maximum(unpack_lo(ua) + unpack_lo(ub), 0.0)
        h_hi = jnp.maximum(unpack_hi(ua) + unpack_hi(ub), 0.0)
        r = (
            jnp.dot(
                h_lo.astype(jnp.bfloat16),
                w2_ref[:HALF],
                preferred_element_type=jnp.float32,
            )
            + jnp.dot(
                h_hi.astype(jnp.bfloat16),
                w2_ref[HALF:],
                preferred_element_type=jnp.float32,
            )
            + b2_ref[...]
        )
        o_ref[...] = r.reshape(1, OUT_SUB, 128)

    n_blocks = g.shape[0] // EDGE_BLOCK
    return pl.pallas_call(
        body,
        grid=(n_blocks,),
        in_specs=[
            pl.BlockSpec((EDGE_BLOCK, 2 * HALF), lambda i: (i, 0)),
            pl.BlockSpec((HIDDEN, 1), lambda i: (0, 0)),
            pl.BlockSpec((1, 1), lambda i: (0, 0)),
        ],
        out_specs=pl.BlockSpec((1, OUT_SUB, 128), lambda i: (i, 0, 0)),
        out_shape=jax.ShapeDtypeStruct((n_blocks, OUT_SUB, 128), jnp.float32),
    )(g, W2, b2)


def kernel(x, start, end, W1, b1, W2, b2):
    W1bf = W1.astype(jnp.bfloat16)
    T = _tc_tables(x, W1bf[:D_FEAT], W1bf[D_FEAT:], b1.reshape(1, HIDDEN))
    W2bf = W2.astype(jnp.bfloat16)
    b2r = b2.reshape(1, 1)
    ends = end + N_NODES
    outs = []
    lo = 0
    for chunk in CHUNK_SIZES:
        hi = lo + chunk
        idx2d = jnp.concatenate([start[lo:hi], ends[lo:hi]]).reshape(1, 2 * chunk)
        g = _sc_gather(T, idx2d, chunk)
        outs.append(_tc_consume(g, W2bf, b2r))
        lo = hi
    return jnp.concatenate(outs, axis=0).reshape(N_EDGES, 1)

# --- scband reference (transcript-rebuilt; emitter-appended) ---
"""Pipeline reference for scband-output-net-5781025980522 (READ-ONLY COPY).

The authoritative reference and input builder live on the scoring server;
editing this copy changes nothing except your own understanding.
"""

import jax, jax.numpy as jnp
import numpy as np

N_NODES = 10000
N_EDGES = 320000
D_FEAT = 128
HIDDEN = 256


def setup_inputs(seed: int = 0) -> dict:
    key = jax.random.key(seed)
    k_x, k_s, k_e, k_w1, k_b1, k_w2, k_b2 = jax.random.split(key, 7)
    x = jax.random.normal(k_x, (N_NODES, D_FEAT), dtype=jnp.float32)
    start = jax.random.randint(k_s, (N_EDGES,), 0, N_NODES, dtype=jnp.int64 if jax.config.jax_enable_x64 else jnp.int32).astype(jnp.int32)
    end = jax.random.randint(k_e, (N_EDGES,), 0, N_NODES, dtype=jnp.int64 if jax.config.jax_enable_x64 else jnp.int32).astype(jnp.int32)
    # edge_network parameters: Linear(2*D_FEAT -> HIDDEN), ReLU, Linear(HIDDEN -> 1)
    W1 = jax.random.normal(k_w1, (2 * D_FEAT, HIDDEN), dtype=jnp.float32) * (1.0 / np.sqrt(2 * D_FEAT))
    b1 = jax.random.normal(k_b1, (HIDDEN,), dtype=jnp.float32) * 0.01
    W2 = jax.random.normal(k_w2, (HIDDEN, 1), dtype=jnp.float32) * (1.0 / np.sqrt(HIDDEN))
    b2 = jax.random.normal(k_b2, (1,), dtype=jnp.float32) * 0.01
    return {"x": x, "start": start, "end": end, "W1": W1, "b1": b1, "W2": W2, "b2": b2}


def reference(x, start, end, W1, b1, W2, b2):
    # edge_inputs = torch.cat([x[start], x[end]], dim=1)
    edge_inputs = jnp.concatenate([jnp.take(x, start, axis=0), jnp.take(x, end, axis=0)], axis=1)
    # edge_network: Linear -> ReLU -> Linear
    h = jax.nn.relu(edge_inputs @ W1 + b1)
    out = h @ W2 + b2
    return out

if __name__ == "__main__":
    import jax
    _d = setup_inputs()
    print(jax.jit(kernel)(*tuple(_d.values())))

</pallas_src>

<mosaic_0001>
#map = affine_map<(d0, d1) -> (0, 0)>
module attributes {stable_mosaic.version = 14 : i64} {
  func.func @gather_kernel(%arg0: i32, %arg1: i32, %arg2: memref<20000x128xi32, #tpu.memory_space<hbm>>, %arg3: memref<1x204800xi32, #tpu.memory_space<hbm>>, %arg4: memref<102400x256xi32, #tpu.memory_space<hbm>>) attributes {dimension_semantics = [#tpu.dimension_semantics<core_parallel>, #tpu.dimension_semantics<subcore_parallel>], iteration_bounds = array<i64: 2, 16>, scalar_prefetch = 0 : i64, scratch_operands = 0 : i64, tpu.core_type = #tpu.core_type<sc_vector_subcore>, window_params = [{transform_indices = #map}, {transform_indices = #map}, {transform_indices = #map}]} {
    %mul3A = arith.constant 1 : i32
    %mul3A_0 = arith.muli %arg1, %mul3A : i32
    %add3A = arith.constant 0 : i32
    %add3A_1 = arith.addi %add3A, %mul3A_0 : i32
    %mul3A_2 = arith.constant 16 : i32
    %mul3A_3 = arith.muli %arg0, %mul3A_2 : i32
    %add3A_4 = arith.addi %add3A_1, %mul3A_3 : i32
    %mul3A_5 = arith.constant 25 : i32
    %mul3A_6 = arith.muli %add3A_4, %mul3A_5 : i32
    "tpu.region"() ({
      %run_scoped3A = memref.alloca() : memref<2x1x256xi32, #tpu.memory_space<vmem>>
      %run_scoped3A_7 = tpu.sem_alloc : memref<2x!tpu.dma_semaphore, #tpu.memory_space<semaphore_mem>>
      %run_scoped3A_8 = memref.alloca() : memref<2x256x128xi32, #tpu.memory_space<vmem>>
      %run_scoped3A_9 = tpu.sem_alloc : memref<2x!tpu.dma_semaphore, #tpu.memory_space<semaphore_mem>>
      %add3A_10 = arith.constant 0 : i32
      %add3A_11 = arith.addi %add3A_10, %mul3A_6 : i32
      %select_n3A = arith.constant true
      %select_n3A_12 = arith.constant 0 : i32
      %select_n3A_13 = arith.constant -1 : i32
      %select_n3A_14 = arith.select %select_n3A, %select_n3A_13, %select_n3A_12 : i32
      %eq3A = arith.constant -1 : i32
      %eq3A_15 = arith.cmpi eq, %select_n3A_14, %eq3A : i32
      %select_n3A_16 = arith.constant 24 : i32
      %select_n3A_17 = arith.select %eq3A_15, %select_n3A_16, %select_n3A_14 : i32
      %add3A_18 = arith.addi %select_n3A_17, %mul3A_6 : i32
      %select_n3A_19 = arith.constant true
      %select_n3A_20 = arith.constant 0 : i32
      %select_n3A_21 = arith.constant 1 : i32
      %select_n3A_22 = arith.select %select_n3A_19, %select_n3A_21, %select_n3A_20 : i32
      %eq3A_23 = arith.constant 25 : i32
      %eq3A_24 = arith.cmpi eq, %select_n3A_22, %eq3A_23 : i32
      %select_n3A_25 = arith.constant 0 : i32
      %select_n3A_26 = arith.select %eq3A_24, %select_n3A_25, %select_n3A_22 : i32
      %add3A_27 = arith.addi %select_n3A_26, %mul3A_6 : i32
      %add3A_28 = arith.constant 1 : i32
      %add3A_29 = arith.addi %select_n3A_26, %add3A_28 : i32
      %select_n3A_30 = arith.constant true
      %select_n3A_31 = arith.select %select_n3A_30, %add3A_29, %select_n3A_26 : i32
      %eq3A_32 = arith.constant 25 : i32
      %eq3A_33 = arith.cmpi eq, %select_n3A_31, %eq3A_32 : i32
      %select_n3A_34 = arith.constant 0 : i32
      %select_n3A_35 = arith.select %eq3A_33, %select_n3A_34, %select_n3A_31 : i32
      %add3A_36 = arith.addi %select_n3A_35, %mul3A_6 : i32
      "tpu.trace_start"() <{level = 10 : i32, message = "ep_initialize_0"}> : () -> ()
      %rem3A = arith.constant 0 : i32
      %rem3A_37 = arith.constant 2 : i32
      %rem3A_38 = arith.remui %rem3A, %rem3A_37 : i32
      %mul3A_39 = arith.constant 256 : i32
      %mul3A_40 = arith.muli %mul3A_39, %add3A_11 : i32
      %dma_start3A = arith.constant 0 : i32
      %dma_start3A_41 = arith.constant 0 : i32
      %dma_start3A_42 = tpu.memref_slice %run_scoped3A[%rem3A_38, %dma_start3A, %dma_start3A_41] : memref<2x1x256xi32, #tpu.memory_space<vmem>> -> memref<1x1x256xi32, #tpu.memory_space<vmem>>
      %dma_start3A_43 = tpu.memref_squeeze %dma_start3A_42 : memref<1x1x256xi32, #tpu.memory_space<vmem>> -> memref<1x256xi32, #tpu.memory_space<vmem>>
      %dma_start3A_44 = arith.constant 0 : i32
      %dma_start3A_45 = tpu.memref_slice %arg3[%dma_start3A_44, %mul3A_40] : memref<1x204800xi32, #tpu.memory_space<hbm>> -> memref<1x256xi32, #tpu.memory_space<hbm>>
      %dma_start3A_46 = tpu.memref_slice %run_scoped3A_7[%rem3A_38] : memref<2x!tpu.dma_semaphore, #tpu.memory_space<semaphore_mem>> -> memref<1x!tpu.dma_semaphore, #tpu.memory_space<semaphore_mem>>
      %dma_start3A_47 = tpu.memref_squeeze %dma_start3A_46 : memref<1x!tpu.dma_semaphore, #tpu.memory_space<semaphore_mem>> -> memref<!tpu.dma_semaphore, #tpu.memory_space<semaphore_mem>>
      %dma_start3A_48 = arith.constant 0 : i32
      %dma_start3A_49 = arith.constant 0 : i32
      %dma_start3A_50 = tpu.memref_slice %run_scoped3A[%rem3A_38, %dma_start3A_48, %dma_start3A_49] : memref<2x1x256xi32, #tpu.memory_space<vmem>> -> memref<1x1x256xi32, #tpu.memory_space<vmem>>
      %dma_start3A_51 = tpu.memref_squeeze %dma_start3A_50 : memref<1x1x256xi32, #tpu.memory_space<vmem>> -> memref<1x256xi32, #tpu.memory_space<vmem>>
      %dma_start3A_52 = arith.constant 0 : i32
      %dma_start3A_53 = tpu.memref_slice %arg3[%dma_start3A_52, %mul3A_40] : memref<1x204800xi32, #tpu.memory_space<hbm>> -> memref<1x256xi32, #tpu.memory_space<hbm>>
      tpu.enqueue_dma source(%dma_start3A_53 : memref<1x256xi32, #tpu.memory_space<hbm>>) target(%dma_start3A_51 : memref<1x256xi32, #tpu.memory_space<vmem>>) target_semaphore(%dma_start3A_47 : memref<!tpu.dma_semaphore, #tpu.memory_space<semaphore_mem>>)
      %add3A_54 = arith.constant 0 : i32
      %add3A_55 = arith.constant 1 : i32
      %add3A_56 = arith.addi %add3A_54, %add3A_55 : i32
      %select_n3A_57 = arith.constant true
      %select_n3A_58 = arith.constant 0 : i32
      %select_n3A_59 = arith.select %select_n3A_57, %add3A_56, %select_n3A_58 : i32
      "tpu.trace_stop"() : () -> ()
      %scan3A = arith.constant 0 : i32
      %scan3A_60 = arith.constant 0 : i32
      %scan3A_61 = arith.constant 0 : i32
      %scan3A_62 = arith.constant 0 : i32
      %scan3A_63 = arith.constant 0 : i32
      %scan3A_64 = arith.constant 25 : i32
      %scan3A_65 = arith.addi %scan3A_63, %scan3A_64 : i32
      %scan3A_66 = arith.constant 1 : i32
      %scan3A_67:5 = scf.for %scan3A_155 = %scan3A_63 to %scan3A_65 step %scan3A_66 iter_args(%scan3A_156 = %select_n3A_59, %scan3A_157 = %scan3A, %scan3A_158 = %scan3A_60, %scan3A_159 = %scan3A_61, %scan3A_160 = %scan3A_62) -> (i32, i32, i32, i32, i32)  : i32 {
        %eq3A_161 = arith.constant 0 : i32
        %eq3A_162 = arith.cmpi eq, %scan3A_155, %eq3A_161 : i32
        %eq3A_163 = arith.constant 24 : i32
        %eq3A_164 = arith.cmpi eq, %scan3A_155, %eq3A_163 : i32
        %add3A_165 = arith.addi %scan3A_160, %mul3A_6 : i32
        %sub3A_166 = arith.constant 1 : i32
        %sub3A_167 = arith.subi %scan3A_160, %sub3A_166 : i32
        %select_n3A_168 = arith.constant true
        %select_n3A_169 = arith.select %select_n3A_168, %sub3A_167, %scan3A_160 : i32
        %eq3A_170 = arith.constant -1 : i32
        %eq3A_171 = arith.cmpi eq, %select_n3A_169, %eq3A_170 : i32
        %select_n3A_172 = arith.constant 24 : i32
        %select_n3A_173 = arith.select %eq3A_171, %select_n3A_172, %select_n3A_169 : i32
        %add3A_174 = arith.addi %select_n3A_173, %mul3A_6 : i32
        %add3A_175 = arith.constant 1 : i32
        %add3A_176 = arith.addi %scan3A_160, %add3A_175 : i32
        %select_n3A_177 = arith.constant true
        %select_n3A_178 = arith.select %select_n3A_177, %add3A_176, %scan3A_160 : i32
        %eq3A_179 = arith.constant 25 : i32
        %eq3A_180 = arith.cmpi eq, %select_n3A_178, %eq3A_179 : i32
        %select_n3A_181 = arith.constant 0 : i32
        %select_n3A_182 = arith.select %eq3A_180, %select_n3A_181, %select_n3A_178 : i32
        %add3A_183 = arith.addi %select_n3A_182, %mul3A_6 : i32
        %add3A_184 = arith.constant 1 : i32
        %add3A_185 = arith.addi %select_n3A_182, %add3A_184 : i32
        %select_n3A_186 = arith.constant true
        %select_n3A_187 = arith.select %select_n3A_186, %add3A_185, %select_n3A_182 : i32
        %eq3A_188 = arith.constant 25 : i32
        %eq3A_189 = arith.cmpi eq, %select_n3A_187, %eq3A_188 : i32
        %select_n3A_190 = arith.constant 0 : i32
        %select_n3A_191 = arith.select %eq3A_189, %select_n3A_190, %select_n3A_187 : i32
        %add3A_192 = arith.addi %select_n3A_191, %mul3A_6 : i32
        %ne3A_193 = arith.cmpi ne, %add3A_165, %add3A_183 : i32
        %or3A = arith.constant false
        %or3A_194 = arith.ori %or3A, %ne3A_193 : i1
        %ge3A = arith.constant 24 : i32
        %ge3A_195 = arith.cmpi sge, %scan3A_155, %ge3A : i32
        %not3A = arith.constant true
        %not3A_196 = arith.xori %ge3A_195, %not3A : i1
        %and3A_197 = arith.andi %or3A_194, %not3A_196 : i1
        %convert_element_type3A = arith.extui %and3A_197 : i1 to i32
        %cond3A = arith.constant 0 : i32
        %cond3A_198 = arith.cmpi ne, %convert_element_type3A, %cond3A : i32
        scf.if %cond3A_198 {
          "tpu.trace_start"() <{level = 10 : i32, message = "ep_copy_in"}> : () -> ()
          %rem3A_620 = arith.constant 2 : i32
          %rem3A_621 = arith.remui %scan3A_156, %rem3A_620 : i32
          %mul3A_622 = arith.constant 256 : i32
          %mul3A_623 = arith.muli %mul3A_622, %add3A_183 : i32
          %dma_start3A_624 = arith.constant 0 : i32
          %dma_start3A_625 = arith.constant 0 : i32
          %dma_start3A_626 = tpu.memref_slice %run_scoped3A[%rem3A_621, %dma_start3A_624, %dma_start3A_625] : memref<2x1x256xi32, #tpu.memory_space<vmem>> -> memref<1x1x256xi32, #tpu.memory_space<vmem>>
          %dma_start3A_627 = tpu.memref_squeeze %dma_start3A_626 : memref<1x1x256xi32, #tpu.memory_space<vmem>> -> memref<1x256xi32, #tpu.memory_space<vmem>>
          %dma_start3A_628 = arith.constant 0 : i32
          %dma_start3A_629 = tpu.memref_slice %arg3[%dma_start3A_628, %mul3A_623] : memref<1x204800xi32, #tpu.memory_space<hbm>> -> memref<1x256xi32, #tpu.memory_space<hbm>>
          %dma_start3A_630 = tpu.memref_slice %run_scoped3A_7[%rem3A_621] : memref<2x!tpu.dma_semaphore, #tpu.memory_space<semaphore_mem>> -> memref<1x!tpu.dma_semaphore, #tpu.memory_space<semaphore_mem>>
          %dma_start3A_631 = tpu.memref_squeeze %dma_start3A_630 : memref<1x!tpu.dma_semaphore, #tpu.memory_space<semaphore_mem>> -> memref<!tpu.dma_semaphore, #tpu.memory_space<semaphore_mem>>
          %dma_start3A_632 = arith.constant 0 : i32
          %dma_start3A_633 = arith.constant 0 : i32
          %dma_start3A_634 = tpu.memref_slice %run_scoped3A[%rem3A_621, %dma_start3A_632, %dma_start3A_633] : memref<2x1x256xi32, #tpu.memory_space<vmem>> -> memref<1x1x256xi32, #tpu.memory_space<vmem>>
          %dma_start3A_635 = tpu.memref_squeeze %dma_start3A_634 : memref<1x1x256xi32, #tpu.memory_space<vmem>> -> memref<1x256xi32, #tpu.memory_space<vmem>>
          %dma_start3A_636 = arith.constant 0 : i32
          %dma_start3A_637 = tpu.memref_slice %arg3[%dma_start3A_636, %mul3A_623] : memref<1x204800xi32, #tpu.memory_space<hbm>> -> memref<1x256xi32, #tpu.memory_space<hbm>>
          tpu.enqueue_dma source(%dma_start3A_637 : memref<1x256xi32, #tpu.memory_space<hbm>>) target(%dma_start3A_635 : memref<1x256xi32, #tpu.memory_space<vmem>>) target_semaphore(%dma_start3A_631 : memref<!tpu.dma_semaphore, #tpu.memory_space<semaphore_mem>>)
          "tpu.trace_stop"() : () -> ()
        } else {
        }
        %and3A_199 = arith.constant true
        %and3A_200 = arith.andi %and3A_197, %and3A_199 : i1
        %add3A_201 = arith.constant 1 : i32
        %add3A_202 = arith.addi %scan3A_156, %add3A_201 : i32
        %select_n3A_203 = arith.select %and3A_200, %add3A_202, %scan3A_156 : i32
        %jit3A_204 = arith.constant 400 : i32
        %eq3A_205 = arith.constant 0 : i32
        %eq3A_206 = arith.cmpi eq, %jit3A_204, %eq3A_205 : i32
        %jit3A_207 = arith.constant 1 : i32
        %select_n3A_208 = arith.select %eq3A_206, %jit3A_207, %jit3A_204 : i32
        %rem3A_209 = arith.remsi %add3A_165, %select_n3A_208 : i32
        %ne3A_210 = arith.constant 0 : i32
        %ne3A_211 = arith.cmpi ne, %rem3A_209, %ne3A_210 : i32
        %lt3A_212 = arith.constant 0 : i32
        %lt3A_213 = arith.cmpi slt, %rem3A_209, %lt3A_212 : i32
        %lt3A_214 = arith.constant 0 : i32
        %lt3A_215 = arith.cmpi slt, %select_n3A_208, %lt3A_214 : i32
        %ne3A_216 = arith.xori %lt3A_213, %lt3A_215 : i1
        %and3A_217 = arith.andi %ne3A_216, %ne3A_211 : i1
        %add3A_218 = arith.addi %rem3A_209, %select_n3A_208 : i32
        %select_n3A_219 = arith.select %and3A_217, %add3A_218, %rem3A_209 : i32
        %jit3A_220 = arith.constant 400 : i32
        %div3A_221 = arith.divsi %add3A_165, %jit3A_220 : i32
        %sign3A_222 = arith.constant 0 : i32
        %sign3A_223 = arith.cmpi sgt, %add3A_165, %sign3A_222 : i32
        %sign3A_224 = arith.extui %sign3A_223 : i1 to i32
        %sign3A_225 = arith.constant 0 : i32
        %sign3A_226 = arith.cmpi slt, %add3A_165, %sign3A_225 : i32
        %sign3A_227 = arith.extui %sign3A_226 : i1 to i32
        %sign3A_228 = arith.subi %sign3A_224, %sign3A_227 : i32
        %sign3A_229 = arith.constant 0 : i32
        %sign3A_230 = arith.cmpi sgt, %jit3A_220, %sign3A_229 : i32
        %sign3A_231 = arith.extui %sign3A_230 : i1 to i32
        %sign3A_232 = arith.constant 0 : i32
        %sign3A_233 = arith.cmpi slt, %jit3A_220, %sign3A_232 : i32
        %sign3A_234 = arith.extui %sign3A_233 : i1 to i32
        %sign3A_235 = arith.subi %sign3A_231, %sign3A_234 : i32
        %ne3A_236 = arith.cmpi ne, %sign3A_228, %sign3A_235 : i32
        %rem3A_237 = arith.remsi %add3A_165, %jit3A_220 : i32
        %ne3A_238 = arith.constant 0 : i32
        %ne3A_239 = arith.cmpi ne, %rem3A_237, %ne3A_238 : i32
        %and3A_240 = arith.andi %ne3A_236, %ne3A_239 : i1
        %sub3A_241 = arith.constant 1 : i32
        %sub3A_242 = arith.subi %div3A_221, %sub3A_241 : i32
        %select_n3A_243 = arith.select %and3A_240, %sub3A_242, %div3A_221 : i32
        %jit3A_244 = arith.constant 400 : i32
        %eq3A_245 = arith.constant 0 : i32
        %eq3A_246 = arith.cmpi eq, %jit3A_244, %eq3A_245 : i32
        %jit3A_247 = arith.constant 1 : i32
        %select_n3A_248 = arith.select %eq3A_246, %jit3A_247, %jit3A_244 : i32
        %rem3A_249 = arith.remsi %add3A_183, %select_n3A_248 : i32
        %ne3A_250 = arith.constant 0 : i32
        %ne3A_251 = arith.cmpi ne, %rem3A_249, %ne3A_250 : i32
        %lt3A_252 = arith.constant 0 : i32
        %lt3A_253 = arith.cmpi slt, %rem3A_249, %lt3A_252 : i32
        %lt3A_254 = arith.constant 0 : i32
        %lt3A_255 = arith.cmpi slt, %select_n3A_248, %lt3A_254 : i32
        %ne3A_256 = arith.xori %lt3A_253, %lt3A_255 : i1
        %and3A_257 = arith.andi %ne3A_256, %ne3A_251 : i1
        %add3A_258 = arith.addi %rem3A_249, %select_n3A_248 : i32
        %select_n3A_259 = arith.select %and3A_257, %add3A_258, %rem3A_249 : i32
        %jit3A_260 = arith.constant 400 : i32
        %div3A_261 = arith.divsi %add3A_183, %jit3A_260 : i32
        %sign3A_262 = arith.constant 0 : i32
        %sign3A_263 = arith.cmpi sgt, %add3A_183, %sign3A_262 : i32
        %sign3A_264 = arith.extui %sign3A_263 : i1 to i32
        %sign3A_265 = arith.constant 0 : i32
        %sign3A_266 = arith.cmpi slt, %add3A_183, %sign3A_265 : i32
        %sign3A_267 = arith.extui %sign3A_266 : i1 to i32
        %sign3A_268 = arith.subi %sign3A_264, %sign3A_267 : i32
        %sign3A_269 = arith.constant 0 : i32
        %sign3A_270 = arith.cmpi sgt, %jit3A_260, %sign3A_269 : i32
        %sign3A_271 = arith.extui %sign3A_270 : i1 to i32
        %sign3A_272 = arith.constant 0 : i32
        %sign3A_273 = arith.cmpi slt, %jit3A_260, %sign3A_272 : i32
        %sign3A_274 = arith.extui %sign3A_273 : i1 to i32
        %sign3A_275 = arith.subi %sign3A_271, %sign3A_274 : i32
        %ne3A_276 = arith.cmpi ne, %sign3A_268, %sign3A_275 : i32
        %rem3A_277 = arith.remsi %add3A_183, %jit3A_260 : i32
        %ne3A_278 = arith.constant 0 : i32
        %ne3A_279 = arith.cmpi ne, %rem3A_277, %ne3A_278 : i32
        %and3A_280 = arith.andi %ne3A_276, %ne3A_279 : i1
        %sub3A_281 = arith.constant 1 : i32
        %sub3A_282 = arith.subi %div3A_261, %sub3A_281 : i32
        %select_n3A_283 = arith.select %and3A_280, %sub3A_282, %div3A_261 : i32
        %ne3A_284 = arith.cmpi ne, %select_n3A_219, %select_n3A_259 : i32
        %ne3A_285 = arith.cmpi ne, %select_n3A_243, %select_n3A_283 : i32
        %or3A_286 = arith.constant false
        %or3A_287 = arith.ori %or3A_286, %ne3A_284 : i1
        %or3A_288 = arith.ori %or3A_287, %ne3A_285 : i1
        %ge3A_289 = arith.constant 24 : i32
        %ge3A_290 = arith.cmpi sge, %scan3A_155, %ge3A_289 : i32
        %not3A_291 = arith.constant true
        %not3A_292 = arith.xori %ge3A_290, %not3A_291 : i1
        %and3A_293 = arith.andi %or3A_288, %not3A_292 : i1
        %ne3A_294 = arith.cmpi ne, %add3A_165, %add3A_174 : i32
        %or3A_295 = arith.constant false
        %or3A_296 = arith.ori %or3A_295, %ne3A_294 : i1
        %or3A_297 = arith.ori %or3A_296, %eq3A_162 : i1
        %convert_element_type3A_298 = arith.extui %or3A_297 : i1 to i32
        %cond3A_299 = arith.constant 0 : i32
        %cond3A_300 = arith.cmpi ne, %convert_element_type3A_298, %cond3A_299 : i32
        scf.if %cond3A_300 {
          "tpu.trace_start"() <{level = 10 : i32, message = "ep_wait_in"}> : () -> ()
          %mul3A_620 = arith.constant 256 : i32
          %mul3A_621 = arith.muli %mul3A_620, %add3A_165 : i32
          %rem3A_622 = arith.constant 2 : i32
          %rem3A_623 = arith.remui %scan3A_157, %rem3A_622 : i32
          %dma_wait3A_624 = arith.constant 0 : i32
          %dma_wait3A_625 = arith.constant 0 : i32
          %dma_wait3A_626 = tpu.memref_slice %run_scoped3A[%rem3A_623, %dma_wait3A_624, %dma_wait3A_625] : memref<2x1x256xi32, #tpu.memory_space<vmem>> -> memref<1x1x256xi32, #tpu.memory_space<vmem>>
          %dma_wait3A_627 = tpu.memref_squeeze %dma_wait3A_626 : memref<1x1x256xi32, #tpu.memory_space<vmem>> -> memref<1x256xi32, #tpu.memory_space<vmem>>
          %dma_wait3A_628 = arith.constant 0 : i32
          %dma_wait3A_629 = tpu.memref_slice %arg3[%dma_wait3A_628, %mul3A_621] : memref<1x204800xi32, #tpu.memory_space<hbm>> -> memref<1x256xi32, #tpu.memory_space<hbm>>
          %dma_wait3A_630 = tpu.memref_slice %run_scoped3A_7[%rem3A_623] : memref<2x!tpu.dma_semaphore, #tpu.memory_space<semaphore_mem>> -> memref<1x!tpu.dma_semaphore, #tpu.memory_space<semaphore_mem>>
          %dma_wait3A_631 = tpu.memref_squeeze %dma_wait3A_630 : memref<1x!tpu.dma_semaphore, #tpu.memory_space<semaphore_mem>> -> memref<!tpu.dma_semaphore, #tpu.memory_space<semaphore_mem>>
          %dma_wait3A_632 = arith.constant 0 : i32
          %dma_wait3A_633 = arith.constant 0 : i32
          %dma_wait3A_634 = tpu.memref_slice %run_scoped3A[%rem3A_623, %dma_wait3A_632, %dma_wait3A_633] : memref<2x1x256xi32, #tpu.memory_space<vmem>> -> memref<1x1x256xi32, #tpu.memory_space<vmem>>
          %dma_wait3A_635 = tpu.memref_squeeze %dma_wait3A_634 : memref<1x1x256xi32, #tpu.memory_space<vmem>> -> memref<1x256xi32, #tpu.memory_space<vmem>>
          %dma_wait3A_636 = arith.constant 0 : i32
          %dma_wait3A_637 = tpu.memref_slice %arg3[%dma_wait3A_636, %mul3A_621] : memref<1x204800xi32, #tpu.memory_space<hbm>> -> memref<1x256xi32, #tpu.memory_space<hbm>>
          tpu.wait_dma2 semaphore(%dma_wait3A_631 : memref<!tpu.dma_semaphore, #tpu.memory_space<semaphore_mem>>) src(%dma_wait3A_637 : memref<1x256xi32, #tpu.memory_space<hbm>>) dst(%dma_wait3A_635 : memref<1x256xi32, #tpu.memory_space<vmem>>)
          "tpu.trace_stop"() : () -> ()
        } else {
        }
        %jit3A_301 = arith.constant 400 : i32
        %eq3A_302 = arith.constant 0 : i32
        %eq3A_303 = arith.cmpi eq, %jit3A_301, %eq3A_302 : i32
        %jit3A_304 = arith.constant 1 : i32
        %select_n3A_305 = arith.select %eq3A_303, %jit3A_304, %jit3A_301 : i32
        %rem3A_306 = arith.remsi %add3A_165, %select_n3A_305 : i32
        %ne3A_307 = arith.constant 0 : i32
        %ne3A_308 = arith.cmpi ne, %rem3A_306, %ne3A_307 : i32
        %lt3A_309 = arith.constant 0 : i32
        %lt3A_310 = arith.cmpi slt, %rem3A_306, %lt3A_309 : i32
        %lt3A_311 = arith.constant 0 : i32
        %lt3A_312 = arith.cmpi slt, %select_n3A_305, %lt3A_311 : i32
        %ne3A_313 = arith.xori %lt3A_310, %lt3A_312 : i1
        %and3A_314 = arith.andi %ne3A_313, %ne3A_308 : i1
        %add3A_315 = arith.addi %rem3A_306, %select_n3A_305 : i32
        %select_n3A_316 = arith.select %and3A_314, %add3A_315, %rem3A_306 : i32
        %jit3A_317 = arith.constant 400 : i32
        %div3A_318 = arith.divsi %add3A_165, %jit3A_317 : i32
        %sign3A_319 = arith.constant 0 : i32
        %sign3A_320 = arith.cmpi sgt, %add3A_165, %sign3A_319 : i32
        %sign3A_321 = arith.extui %sign3A_320 : i1 to i32
        %sign3A_322 = arith.constant 0 : i32
        %sign3A_323 = arith.cmpi slt, %add3A_165, %sign3A_322 : i32
        %sign3A_324 = arith.extui %sign3A_323 : i1 to i32
        %sign3A_325 = arith.subi %sign3A_321, %sign3A_324 : i32
        %sign3A_326 = arith.constant 0 : i32
        %sign3A_327 = arith.cmpi sgt, %jit3A_317, %sign3A_326 : i32
        %sign3A_328 = arith.extui %sign3A_327 : i1 to i32
        %sign3A_329 = arith.constant 0 : i32
        %sign3A_330 = arith.cmpi slt, %jit3A_317, %sign3A_329 : i32
        %sign3A_331 = arith.extui %sign3A_330 : i1 to i32
        %sign3A_332 = arith.subi %sign3A_328, %sign3A_331 : i32
        %ne3A_333 = arith.cmpi ne, %sign3A_325, %sign3A_332 : i32
        %rem3A_334 = arith.remsi %add3A_165, %jit3A_317 : i32
        %ne3A_335 = arith.constant 0 : i32
        %ne3A_336 = arith.cmpi ne, %rem3A_334, %ne3A_335 : i32
        %and3A_337 = arith.andi %ne3A_333, %ne3A_336 : i1
        %sub3A_338 = arith.constant 1 : i32
        %sub3A_339 = arith.subi %div3A_318, %sub3A_338 : i32
        %select_n3A_340 = arith.select %and3A_337, %sub3A_339, %div3A_318 : i32
        %jit3A_341 = arith.constant 400 : i32
        %eq3A_342 = arith.constant 0 : i32
        %eq3A_343 = arith.cmpi eq, %jit3A_341, %eq3A_342 : i32
        %jit3A_344 = arith.constant 1 : i32
        %select_n3A_345 = arith.select %eq3A_343, %jit3A_344, %jit3A_341 : i32
        %rem3A_346 = arith.remsi %add3A_174, %select_n3A_345 : i32
        %ne3A_347 = arith.constant 0 : i32
        %ne3A_348 = arith.cmpi ne, %rem3A_346, %ne3A_347 : i32
        %lt3A_349 = arith.constant 0 : i32
        %lt3A_350 = arith.cmpi slt, %rem3A_346, %lt3A_349 : i32
        %lt3A_351 = arith.constant 0 : i32
        %lt3A_352 = arith.cmpi slt, %select_n3A_345, %lt3A_351 : i32
        %ne3A_353 = arith.xori %lt3A_350, %lt3A_352 : i1
        %and3A_354 = arith.andi %ne3A_353, %ne3A_348 : i1
        %add3A_355 = arith.addi %rem3A_346, %select_n3A_345 : i32
        %select_n3A_356 = arith.select %and3A_354, %add3A_355, %rem3A_346 : i32
        %jit3A_357 = arith.constant 400 : i32
        %div3A_358 = arith.divsi %add3A_174, %jit3A_357 : i32
        %sign3A_359 = arith.constant 0 : i32
        %sign3A_360 = arith.cmpi sgt, %add3A_174, %sign3A_359 : i32
        %sign3A_361 = arith.extui %sign3A_360 : i1 to i32
        %sign3A_362 = arith.constant 0 : i32
        %sign3A_363 = arith.cmpi slt, %add3A_174, %sign3A_362 : i32
        %sign3A_364 = arith.extui %sign3A_363 : i1 to i32
        %sign3A_365 = arith.subi %sign3A_361, %sign3A_364 : i32
        %sign3A_366 = arith.constant 0 : i32
        %sign3A_367 = arith.cmpi sgt, %jit3A_357, %sign3A_366 : i32
        %sign3A_368 = arith.extui %sign3A_367 : i1 to i32
        %sign3A_369 = arith.constant 0 : i32
        %sign3A_370 = arith.cmpi slt, %jit3A_357, %sign3A_369 : i32
        %sign3A_371 = arith.extui %sign3A_370 : i1 to i32
        %sign3A_372 = arith.subi %sign3A_368, %sign3A_371 : i32
        %ne3A_373 = arith.cmpi ne, %sign3A_365, %sign3A_372 : i32
        %rem3A_374 = arith.remsi %add3A_174, %jit3A_357 : i32
        %ne3A_375 = arith.constant 0 : i32
        %ne3A_376 = arith.cmpi ne, %rem3A_374, %ne3A_375 : i32
        %and3A_377 = arith.andi %ne3A_373, %ne3A_376 : i1
        %sub3A_378 = arith.constant 1 : i32
        %sub3A_379 = arith.subi %div3A_358, %sub3A_378 : i32
        %select_n3A_380 = arith.select %and3A_377, %sub3A_379, %div3A_358 : i32
        %ne3A_381 = arith.cmpi ne, %select_n3A_316, %select_n3A_356 : i32
        %ne3A_382 = arith.cmpi ne, %select_n3A_340, %select_n3A_380 : i32
        %or3A_383 = arith.constant false
        %or3A_384 = arith.ori %or3A_383, %ne3A_381 : i1
        %or3A_385 = arith.ori %or3A_384, %ne3A_382 : i1
        %or3A_386 = arith.ori %or3A_385, %eq3A_162 : i1
        %convert_element_type3A_387 = arith.extui %or3A_386 : i1 to i32
        %cond3A_388 = arith.constant 0 : i32
        %cond3A_389 = arith.cmpi ne, %convert_element_type3A_387, %cond3A_388 : i32
        scf.if %cond3A_389 {
        } else {
        }
        %rem3A_390 = arith.constant 2 : i32
        %rem3A_391 = arith.remui %scan3A_157, %rem3A_390 : i32
        %rem3A_392 = arith.constant 2 : i32
        %rem3A_393 = arith.remui %scan3A_158, %rem3A_392 : i32
        %run_scoped3A_394 = arith.constant 0 : i32
        "tpu.trace_start"() <{level = 10 : i32, message = "ep_run_kernel"}> : () -> ()
        "tpu.region"() ({
          %run_scoped3A_620 = tpu.sem_alloc : memref<!tpu.dma_semaphore, #tpu.memory_space<semaphore_mem>>
          %dma_start3A_621 = arith.constant 0 : i32
          %dma_start3A_622 = arith.constant 0 : i32
          %dma_start3A_623 = tpu.memref_slice %run_scoped3A_8[%rem3A_393, %dma_start3A_621, %dma_start3A_622] : memref<2x256x128xi32, #tpu.memory_space<vmem>> -> memref<1x256x128xi32, #tpu.memory_space<vmem>>
          %dma_start3A_624 = tpu.memref_squeeze %dma_start3A_623 : memref<1x256x128xi32, #tpu.memory_space<vmem>> -> memref<256x128xi32, #tpu.memory_space<vmem>>
          %dma_start3A_625 = arith.constant 0 : i32
          %dma_start3A_626 = arith.constant 0 : i32
          %dma_start3A_627 = tpu.memref_slice %run_scoped3A[%rem3A_391, %dma_start3A_625, %dma_start3A_626] : memref<2x1x256xi32, #tpu.memory_space<vmem>> -> memref<1x1x256xi32, #tpu.memory_space<vmem>>
          %dma_start3A_628 = tpu.memref_squeeze %dma_start3A_627 : memref<1x1x256xi32, #tpu.memory_space<vmem>> -> memref<1x256xi32, #tpu.memory_space<vmem>>
          %dma_start3A_629 = arith.constant 0 : i32
          %dma_start3A_630 = tpu.memref_slice %dma_start3A_628[%run_scoped3A_394, %dma_start3A_629] : memref<1x256xi32, #tpu.memory_space<vmem>> -> memref<1x256xi32, #tpu.memory_space<vmem>>
          %dma_start3A_631 = tpu.memref_squeeze %dma_start3A_630 : memref<1x256xi32, #tpu.memory_space<vmem>> -> memref<256xi32, #tpu.memory_space<vmem>>
          %dma_start3A_632 = arith.constant 0 : i32
          %dma_start3A_633 = arith.constant 0 : i32
          %dma_start3A_634 = tpu.memref_slice %arg2[%dma_start3A_632, %dma_start3A_633] : memref<20000x128xi32, #tpu.memory_space<hbm>> -> memref<20000x128xi32, #tpu.memory_space<hbm>>
          tpu.enqueue_indirect_dma source(%dma_start3A_634 : memref<20000x128xi32, #tpu.memory_space<hbm>>) target(%dma_start3A_624 : memref<256x128xi32, #tpu.memory_space<vmem>>) offsets(%dma_start3A_631 : memref<256xi32, #tpu.memory_space<vmem>>) semaphore(%run_scoped3A_620 : memref<!tpu.dma_semaphore, #tpu.memory_space<semaphore_mem>>)
          %dma_wait3A_635 = arith.constant 0 : i32
          %dma_wait3A_636 = arith.constant 0 : i32
          %dma_wait3A_637 = tpu.memref_slice %run_scoped3A_8[%rem3A_393, %dma_wait3A_635, %dma_wait3A_636] : memref<2x256x128xi32, #tpu.memory_space<vmem>> -> memref<1x256x128xi32, #tpu.memory_space<vmem>>
          %dma_wait3A_638 = tpu.memref_squeeze %dma_wait3A_637 : memref<1x256x128xi32, #tpu.memory_space<vmem>> -> memref<256x128xi32, #tpu.memory_space<vmem>>
          %dma_wait3A_639 = arith.constant 0 : i32
          %dma_wait3A_640 = arith.constant 0 : i32
          %dma_wait3A_641 = tpu.memref_slice %run_scoped3A[%rem3A_391, %dma_wait3A_639, %dma_wait3A_640] : memref<2x1x256xi32, #tpu.memory_space<vmem>> -> memref<1x1x256xi32, #tpu.memory_space<vmem>>
          %dma_wait3A_642 = tpu.memref_squeeze %dma_wait3A_641 : memref<1x1x256xi32, #tpu.memory_space<vmem>> -> memref<1x256xi32, #tpu.memory_space<vmem>>
          %dma_wait3A_643 = arith.constant 0 : i32
          %dma_wait3A_644 = tpu.memref_slice %dma_wait3A_642[%run_scoped3A_394, %dma_wait3A_643] : memref<1x256xi32, #tpu.memory_space<vmem>> -> memref<1x256xi32, #tpu.memory_space<vmem>>
          %dma_wait3A_645 = tpu.memref_squeeze %dma_wait3A_644 : memref<1x256xi32, #tpu.memory_space<vmem>> -> memref<256xi32, #tpu.memory_space<vmem>>
          %dma_wait3A_646 = arith.constant 0 : i32
          %dma_wait3A_647 = arith.constant 0 : i32
          %dma_wait3A_648 = tpu.memref_slice %arg2[%dma_wait3A_646, %dma_wait3A_647] : memref<20000x128xi32, #tpu.memory_space<hbm>> -> memref<20000x128xi32, #tpu.memory_space<hbm>>
          tpu.wait_indirect_dma semaphore(%run_scoped3A_620 : memref<!tpu.dma_semaphore, #tpu.memory_space<semaphore_mem>>) src(%dma_wait3A_648 : memref<20000x128xi32, #tpu.memory_space<hbm>>) dst(%dma_wait3A_638 : memref<256x128xi32, #tpu.memory_space<vmem>>)
          tpu.yield
        }) : () -> ()
        "tpu.trace_stop"() : () -> ()
        %ne3A_395 = arith.cmpi ne, %add3A_165, %add3A_183 : i32
        %or3A_396 = arith.constant false
        %or3A_397 = arith.ori %or3A_396, %ne3A_395 : i1
        %or3A_398 = arith.ori %or3A_397, %eq3A_164 : i1
        %convert_element_type3A_399 = arith.extui %or3A_398 : i1 to i32
        %cond3A_400 = arith.constant 0 : i32
        %cond3A_401 = arith.cmpi ne, %convert_element_type3A_399, %cond3A_400 : i32
        scf.if %cond3A_401 {
        } else {
        }
        %and3A_402 = arith.constant false
        %and3A_403 = arith.andi %or3A_398, %and3A_402 : i1
        %jit3A_404 = arith.constant 400 : i32
        %eq3A_405 = arith.constant 0 : i32
        %eq3A_406 = arith.cmpi eq, %jit3A_404, %eq3A_405 : i32
        %jit3A_407 = arith.constant 1 : i32
        %select_n3A_408 = arith.select %eq3A_406, %jit3A_407, %jit3A_404 : i32
        %rem3A_409 = arith.remsi %add3A_165, %select_n3A_408 : i32
        %ne3A_410 = arith.constant 0 : i32
        %ne3A_411 = arith.cmpi ne, %rem3A_409, %ne3A_410 : i32
        %lt3A_412 = arith.constant 0 : i32
        %lt3A_413 = arith.cmpi slt, %rem3A_409, %lt3A_412 : i32
        %lt3A_414 = arith.constant 0 : i32
        %lt3A_415 = arith.cmpi slt, %select_n3A_408, %lt3A_414 : i32
        %ne3A_416 = arith.xori %lt3A_413, %lt3A_415 : i1
        %and3A_417 = arith.andi %ne3A_416, %ne3A_411 : i1
        %add3A_418 = arith.addi %rem3A_409, %select_n3A_408 : i32
        %select_n3A_419 = arith.select %and3A_417, %add3A_418, %rem3A_409 : i32
        %jit3A_420 = arith.constant 400 : i32
        %div3A_421 = arith.divsi %add3A_165, %jit3A_420 : i32
        %sign3A_422 = arith.constant 0 : i32
        %sign3A_423 = arith.cmpi sgt, %add3A_165, %sign3A_422 : i32
        %sign3A_424 = arith.extui %sign3A_423 : i1 to i32
        %sign3A_425 = arith.constant 0 : i32
        %sign3A_426 = arith.cmpi slt, %add3A_165, %sign3A_425 : i32
        %sign3A_427 = arith.extui %sign3A_426 : i1 to i32
        %sign3A_428 = arith.subi %sign3A_424, %sign3A_427 : i32
        %sign3A_429 = arith.constant 0 : i32
        %sign3A_430 = arith.cmpi sgt, %jit3A_420, %sign3A_429 : i32
        %sign3A_431 = arith.extui %sign3A_430 : i1 to i32
        %sign3A_432 = arith.constant 0 : i32
        %sign3A_433 = arith.cmpi slt, %jit3A_420, %sign3A_432 : i32
        %sign3A_434 = arith.extui %sign3A_433 : i1 to i32
        %sign3A_435 = arith.subi %sign3A_431, %sign3A_434 : i32
        %ne3A_436 = arith.cmpi ne, %sign3A_428, %sign3A_435 : i32
        %rem3A_437 = arith.remsi %add3A_165, %jit3A_420 : i32
        %ne3A_438 = arith.constant 0 : i32
        %ne3A_439 = arith.cmpi ne, %rem3A_437, %ne3A_438 : i32
        %and3A_440 = arith.andi %ne3A_436, %ne3A_439 : i1
        %sub3A_441 = arith.constant 1 : i32
        %sub3A_442 = arith.subi %div3A_421, %sub3A_441 : i32
        %select_n3A_443 = arith.select %and3A_440, %sub3A_442, %div3A_421 : i32
        %jit3A_444 = arith.constant 400 : i32
        %eq3A_445 = arith.constant 0 : i32
        %eq3A_446 = arith.cmpi eq, %jit3A_444, %eq3A_445 : i32
        %jit3A_447 = arith.constant 1 : i32
        %select_n3A_448 = arith.select %eq3A_446, %jit3A_447, %jit3A_444 : i32
        %rem3A_449 = arith.remsi %add3A_183, %select_n3A_448 : i32
        %ne3A_450 = arith.constant 0 : i32
        %ne3A_451 = arith.cmpi ne, %rem3A_449, %ne3A_450 : i32
        %lt3A_452 = arith.constant 0 : i32
        %lt3A_453 = arith.cmpi slt, %rem3A_449, %lt3A_452 : i32
        %lt3A_454 = arith.constant 0 : i32
        %lt3A_455 = arith.cmpi slt, %select_n3A_448, %lt3A_454 : i32
        %ne3A_456 = arith.xori %lt3A_453, %lt3A_455 : i1
        %and3A_457 = arith.andi %ne3A_456, %ne3A_451 : i1
        %add3A_458 = arith.addi %rem3A_449, %select_n3A_448 : i32
        %select_n3A_459 = arith.select %and3A_457, %add3A_458, %rem3A_449 : i32
        %jit3A_460 = arith.constant 400 : i32
        %div3A_461 = arith.divsi %add3A_183, %jit3A_460 : i32
        %sign3A_462 = arith.constant 0 : i32
        %sign3A_463 = arith.cmpi sgt, %add3A_183, %sign3A_462 : i32
        %sign3A_464 = arith.extui %sign3A_463 : i1 to i32
        %sign3A_465 = arith.constant 0 : i32
        %sign3A_466 = arith.cmpi slt, %add3A_183, %sign3A_465 : i32
        %sign3A_467 = arith.extui %sign3A_466 : i1 to i32
        %sign3A_468 = arith.subi %sign3A_464, %sign3A_467 : i32
        %sign3A_469 = arith.constant 0 : i32
        %sign3A_470 = arith.cmpi sgt, %jit3A_460, %sign3A_469 : i32
        %sign3A_471 = arith.extui %sign3A_470 : i1 to i32
        %sign3A_472 = arith.constant 0 : i32
        %sign3A_473 = arith.cmpi slt, %jit3A_460, %sign3A_472 : i32
        %sign3A_474 = arith.extui %sign3A_473 : i1 to i32
        %sign3A_475 = arith.subi %sign3A_471, %sign3A_474 : i32
        %ne3A_476 = arith.cmpi ne, %sign3A_468, %sign3A_475 : i32
        %rem3A_477 = arith.remsi %add3A_183, %jit3A_460 : i32
        %ne3A_478 = arith.constant 0 : i32
        %ne3A_479 = arith.cmpi ne, %rem3A_477, %ne3A_478 : i32
        %and3A_480 = arith.andi %ne3A_476, %ne3A_479 : i1
        %sub3A_481 = arith.constant 1 : i32
        %sub3A_482 = arith.subi %div3A_461, %sub3A_481 : i32
        %select_n3A_483 = arith.select %and3A_480, %sub3A_482, %div3A_461 : i32
        %ne3A_484 = arith.cmpi ne, %select_n3A_419, %select_n3A_459 : i32
        %ne3A_485 = arith.cmpi ne, %select_n3A_443, %select_n3A_483 : i32
        %or3A_486 = arith.constant false
        %or3A_487 = arith.ori %or3A_486, %ne3A_484 : i1
        %or3A_488 = arith.ori %or3A_487, %ne3A_485 : i1
        %or3A_489 = arith.ori %or3A_488, %eq3A_164 : i1
        %convert_element_type3A_490 = arith.extui %or3A_489 : i1 to i32
        %cond3A_491 = arith.constant 0 : i32
        %cond3A_492 = arith.cmpi ne, %convert_element_type3A_490, %cond3A_491 : i32
        scf.if %cond3A_492 {
          "tpu.trace_start"() <{level = 10 : i32, message = "ep_copy_out"}> : () -> ()
          %rem3A_620 = arith.constant 2 : i32
          %rem3A_621 = arith.remui %scan3A_158, %rem3A_620 : i32
          %jit3A_622 = arith.constant 400 : i32
          %eq3A_623 = arith.constant 0 : i32
          %eq3A_624 = arith.cmpi eq, %jit3A_622, %eq3A_623 : i32
          %jit3A_625 = arith.constant 1 : i32
          %select_n3A_626 = arith.select %eq3A_624, %jit3A_625, %jit3A_622 : i32
          %rem3A_627 = arith.remsi %add3A_165, %select_n3A_626 : i32
          %ne3A_628 = arith.constant 0 : i32
          %ne3A_629 = arith.cmpi ne, %rem3A_627, %ne3A_628 : i32
          %lt3A_630 = arith.constant 0 : i32
          %lt3A_631 = arith.cmpi slt, %rem3A_627, %lt3A_630 : i32
          %lt3A_632 = arith.constant 0 : i32
          %lt3A_633 = arith.cmpi slt, %select_n3A_626, %lt3A_632 : i32
          %ne3A_634 = arith.xori %lt3A_631, %lt3A_633 : i1
          %and3A_635 = arith.andi %ne3A_634, %ne3A_629 : i1
          %add3A_636 = arith.addi %rem3A_627, %select_n3A_626 : i32
          %select_n3A_637 = arith.select %and3A_635, %add3A_636, %rem3A_627 : i32
          %jit3A_638 = arith.constant 400 : i32
          %div3A_639 = arith.divsi %add3A_165, %jit3A_638 : i32
          %sign3A_640 = arith.constant 0 : i32
          %sign3A_641 = arith.cmpi sgt, %add3A_165, %sign3A_640 : i32
          %sign3A_642 = arith.extui %sign3A_641 : i1 to i32
          %sign3A_643 = arith.constant 0 : i32
          %sign3A_644 = arith.cmpi slt, %add3A_165, %sign3A_643 : i32
          %sign3A_645 = arith.extui %sign3A_644 : i1 to i32
          %sign3A_646 = arith.subi %sign3A_642, %sign3A_645 : i32
          %sign3A_647 = arith.constant 0 : i32
          %sign3A_648 = arith.cmpi sgt, %jit3A_638, %sign3A_647 : i32
          %sign3A_649 = arith.extui %sign3A_648 : i1 to i32
          %sign3A_650 = arith.constant 0 : i32
          %sign3A_651 = arith.cmpi slt, %jit3A_638, %sign3A_650 : i32
          %sign3A_652 = arith.extui %sign3A_651 : i1 to i32
          %sign3A_653 = arith.subi %sign3A_649, %sign3A_652 : i32
          %ne3A_654 = arith.cmpi ne, %sign3A_646, %sign3A_653 : i32
          %rem3A_655 = arith.remsi %add3A_165, %jit3A_638 : i32
          %ne3A_656 = arith.constant 0 : i32
          %ne3A_657 = arith.cmpi ne, %rem3A_655, %ne3A_656 : i32
          %and3A_658 = arith.andi %ne3A_654, %ne3A_657 : i1
          %sub3A_659 = arith.constant 1 : i32
          %sub3A_660 = arith.subi %div3A_639, %sub3A_659 : i32
          %select_n3A_661 = arith.select %and3A_658, %sub3A_660, %div3A_639 : i32
          %mul3A_662 = arith.constant 256 : i32
          %mul3A_663 = arith.muli %mul3A_662, %select_n3A_637 : i32
          %mul3A_664 = arith.constant 128 : i32
          %mul3A_665 = arith.muli %mul3A_664, %select_n3A_661 : i32
          %dma_start3A_666 = arith.constant 0 : i32
          %dma_start3A_667 = arith.constant 0 : i32
          %dma_start3A_668 = tpu.memref_slice %run_scoped3A_8[%rem3A_621, %dma_start3A_666, %dma_start3A_667] : memref<2x256x128xi32, #tpu.memory_space<vmem>> -> memref<1x256x128xi32, #tpu.memory_space<vmem>>
          %dma_start3A_669 = tpu.memref_squeeze %dma_start3A_668 : memref<1x256x128xi32, #tpu.memory_space<vmem>> -> memref<256x128xi32, #tpu.memory_space<vmem>>
          %dma_start3A_670 = tpu.memref_slice %arg4[%mul3A_663, %mul3A_665] : memref<102400x256xi32, #tpu.memory_space<hbm>> -> memref<256x128xi32, #tpu.memory_space<hbm>>
          %dma_start3A_671 = tpu.memref_slice %run_scoped3A_9[%rem3A_621] : memref<2x!tpu.dma_semaphore, #tpu.memory_space<semaphore_mem>> -> memref<1x!tpu.dma_semaphore, #tpu.memory_space<semaphore_mem>>
          %dma_start3A_672 = tpu.memref_squeeze %dma_start3A_671 : memref<1x!tpu.dma_semaphore, #tpu.memory_space<semaphore_mem>> -> memref<!tpu.dma_semaphore, #tpu.memory_space<semaphore_mem>>
          %dma_start3A_673 = tpu.memref_slice %arg4[%mul3A_663, %mul3A_665] : memref<102400x256xi32, #tpu.memory_space<hbm>> -> memref<256x128xi32, #tpu.memory_space<hbm>>
          %dma_start3A_674 = arith.constant 0 : i32
          %dma_start3A_675 = arith.constant 0 : i32
          %dma_start3A_676 = tpu.memref_slice %run_scoped3A_8[%rem3A_621, %dma_start3A_674, %dma_start3A_675] : memref<2x256x128xi32, #tpu.memory_space<vmem>> -> memref<1x256x128xi32, #tpu.memory_space<vmem>>
          %dma_start3A_677 = tpu.memref_squeeze %dma_start3A_676 : memref<1x256x128xi32, #tpu.memory_space<vmem>> -> memref<256x128xi32, #tpu.memory_space<vmem>>
          tpu.enqueue_dma source(%dma_start3A_677 : memref<256x128xi32, #tpu.memory_space<vmem>>) target(%dma_start3A_673 : memref<256x128xi32, #tpu.memory_space<hbm>>) target_semaphore(%dma_start3A_672 : memref<!tpu.dma_semaphore, #tpu.memory_space<semaphore_mem>>)
          "tpu.trace_stop"() : () -> ()
        } else {
        }
        %and3A_493 = arith.constant true
        %and3A_494 = arith.andi %or3A_489, %and3A_493 : i1
        %add3A_495 = arith.constant 1 : i32
        %add3A_496 = arith.addi %scan3A_158, %add3A_495 : i32
        %select_n3A_497 = arith.select %and3A_494, %add3A_496, %scan3A_158 : i32
        %ne3A_498 = arith.cmpi ne, %add3A_165, %add3A_174 : i32
        %or3A_499 = arith.constant false
        %or3A_500 = arith.ori %or3A_499, %ne3A_498 : i1
        %not3A_501 = arith.constant true
        %not3A_502 = arith.xori %eq3A_162, %not3A_501 : i1
        %and3A_503 = arith.andi %or3A_500, %not3A_502 : i1
        %convert_element_type3A_504 = arith.extui %and3A_503 : i1 to i32
        %cond3A_505 = arith.constant 0 : i32
        %cond3A_506 = arith.cmpi ne, %convert_element_type3A_504, %cond3A_505 : i32
        scf.if %cond3A_506 {
        } else {
        }
        %and3A_507 = arith.constant false
        %and3A_508 = arith.andi %and3A_503, %and3A_507 : i1
        %jit3A_509 = arith.constant 400 : i32
        %eq3A_510 = arith.constant 0 : i32
        %eq3A_511 = arith.cmpi eq, %jit3A_509, %eq3A_510 : i32
        %jit3A_512 = arith.constant 1 : i32
        %select_n3A_513 = arith.select %eq3A_511, %jit3A_512, %jit3A_509 : i32
        %rem3A_514 = arith.remsi %add3A_165, %select_n3A_513 : i32
        %ne3A_515 = arith.constant 0 : i32
        %ne3A_516 = arith.cmpi ne, %rem3A_514, %ne3A_515 : i32
        %lt3A_517 = arith.constant 0 : i32
        %lt3A_518 = arith.cmpi slt, %rem3A_514, %lt3A_517 : i32
        %lt3A_519 = arith.constant 0 : i32
        %lt3A_520 = arith.cmpi slt, %select_n3A_513, %lt3A_519 : i32
        %ne3A_521 = arith.xori %lt3A_518, %lt3A_520 : i1
        %and3A_522 = arith.andi %ne3A_521, %ne3A_516 : i1
        %add3A_523 = arith.addi %rem3A_514, %select_n3A_513 : i32
        %select_n3A_524 = arith.select %and3A_522, %add3A_523, %rem3A_514 : i32
        %jit3A_525 = arith.constant 400 : i32
        %div3A_526 = arith.divsi %add3A_165, %jit3A_525 : i32
        %sign3A_527 = arith.constant 0 : i32
        %sign3A_528 = arith.cmpi sgt, %add3A_165, %sign3A_527 : i32
        %sign3A_529 = arith.extui %sign3A_528 : i1 to i32
        %sign3A_530 = arith.constant 0 : i32
        %sign3A_531 = arith.cmpi slt, %add3A_165, %sign3A_530 : i32
        %sign3A_532 = arith.extui %sign3A_531 : i1 to i32
        %sign3A_533 = arith.subi %sign3A_529, %sign3A_532 : i32
        %sign3A_534 = arith.constant 0 : i32
        %sign3A_535 = arith.cmpi sgt, %jit3A_525, %sign3A_534 : i32
        %sign3A_536 = arith.extui %sign3A_535 : i1 to i32
        %sign3A_537 = arith.constant 0 : i32
        %sign3A_538 = arith.cmpi slt, %jit3A_525, %sign3A_537 : i32
        %sign3A_539 = arith.extui %sign3A_538 : i1 to i32
        %sign3A_540 = arith.subi %sign3A_536, %sign3A_539 : i32
        %ne3A_541 = arith.cmpi ne, %sign3A_533, %sign3A_540 : i32
        %rem3A_542 = arith.remsi %add3A_165, %jit3A_525 : i32
        %ne3A_543 = arith.constant 0 : i32
        %ne3A_544 = arith.cmpi ne, %rem3A_542, %ne3A_543 : i32
        %and3A_545 = arith.andi %ne3A_541, %ne3A_544 : i1
        %sub3A_546 = arith.constant 1 : i32
        %sub3A_547 = arith.subi %div3A_526, %sub3A_546 : i32
        %select_n3A_548 = arith.select %and3A_545, %sub3A_547, %div3A_526 : i32
        %jit3A_549 = arith.constant 400 : i32
        %eq3A_550 = arith.constant 0 : i32
        %eq3A_551 = arith.cmpi eq, %jit3A_549, %eq3A_550 : i32
        %jit3A_552 = arith.constant 1 : i32
        %select_n3A_553 = arith.select %eq3A_551, %jit3A_552, %jit3A_549 : i32
        %rem3A_554 = arith.remsi %add3A_174, %select_n3A_553 : i32
        %ne3A_555 = arith.constant 0 : i32
        %ne3A_556 = arith.cmpi ne, %rem3A_554, %ne3A_555 : i32
        %lt3A_557 = arith.constant 0 : i32
        %lt3A_558 = arith.cmpi slt, %rem3A_554, %lt3A_557 : i32
        %lt3A_559 = arith.constant 0 : i32
        %lt3A_560 = arith.cmpi slt, %select_n3A_553, %lt3A_559 : i32
        %ne3A_561 = arith.xori %lt3A_558, %lt3A_560 : i1
        %and3A_562 = arith.andi %ne3A_561, %ne3A_556 : i1
        %add3A_563 = arith.addi %rem3A_554, %select_n3A_553 : i32
        %select_n3A_564 = arith.select %and3A_562, %add3A_563, %rem3A_554 : i32
        %jit3A_565 = arith.constant 400 : i32
        %div3A_566 = arith.divsi %add3A_174, %jit3A_565 : i32
        %sign3A_567 = arith.constant 0 : i32
        %sign3A_568 = arith.cmpi sgt, %add3A_174, %sign3A_567 : i32
        %sign3A_569 = arith.extui %sign3A_568 : i1 to i32
        %sign3A_570 = arith.constant 0 : i32
        %sign3A_571 = arith.cmpi slt, %add3A_174, %sign3A_570 : i32
        %sign3A_572 = arith.extui %sign3A_571 : i1 to i32
        %sign3A_573 = arith.subi %sign3A_569, %sign3A_572 : i32
        %sign3A_574 = arith.constant 0 : i32
        %sign3A_575 = arith.cmpi sgt, %jit3A_565, %sign3A_574 : i32
        %sign3A_576 = arith.extui %sign3A_575 : i1 to i32
        %sign3A_577 = arith.constant 0 : i32
        %sign3A_578 = arith.cmpi slt, %jit3A_565, %sign3A_577 : i32
        %sign3A_579 = arith.extui %sign3A_578 : i1 to i32
        %sign3A_580 = arith.subi %sign3A_576, %sign3A_579 : i32
        %ne3A_581 = arith.cmpi ne, %sign3A_573, %sign3A_580 : i32
        %rem3A_582 = arith.remsi %add3A_174, %jit3A_565 : i32
        %ne3A_583 = arith.constant 0 : i32
        %ne3A_584 = arith.cmpi ne, %rem3A_582, %ne3A_583 : i32
        %and3A_585 = arith.andi %ne3A_581, %ne3A_584 : i1
        %sub3A_586 = arith.constant 1 : i32
        %sub3A_587 = arith.subi %div3A_566, %sub3A_586 : i32
        %select_n3A_588 = arith.select %and3A_585, %sub3A_587, %div3A_566 : i32
        %ne3A_589 = arith.cmpi ne, %select_n3A_524, %select_n3A_564 : i32
        %ne3A_590 = arith.cmpi ne, %select_n3A_548, %select_n3A_588 : i32
        %or3A_591 = arith.constant false
        %or3A_592 = arith.ori %or3A_591, %ne3A_589 : i1
        %or3A_593 = arith.ori %or3A_592, %ne3A_590 : i1
        %not3A_594 = arith.constant true
        %not3A_595 = arith.xori %eq3A_162, %not3A_594 : i1
        %and3A_596 = arith.andi %or3A_593, %not3A_595 : i1
        %convert_element_type3A_597 = arith.extui %and3A_596 : i1 to i32
        %cond3A_598 = arith.constant 0 : i32
        %cond3A_599 = arith.cmpi ne, %convert_element_type3A_597, %cond3A_598 : i32
        scf.if %cond3A_599 {
          "tpu.trace_start"() <{level = 10 : i32, message = "ep_wait_out"}> : () -> ()
          %rem3A_620 = arith.constant 2 : i32
          %rem3A_621 = arith.remui %scan3A_159, %rem3A_620 : i32
          %jit3A_622 = arith.constant 400 : i32
          %eq3A_623 = arith.constant 0 : i32
          %eq3A_624 = arith.cmpi eq, %jit3A_622, %eq3A_623 : i32
          %jit3A_625 = arith.constant 1 : i32
          %select_n3A_626 = arith.select %eq3A_624, %jit3A_625, %jit3A_622 : i32
          %rem3A_627 = arith.remsi %add3A_174, %select_n3A_626 : i32
          %ne3A_628 = arith.constant 0 : i32
          %ne3A_629 = arith.cmpi ne, %rem3A_627, %ne3A_628 : i32
          %lt3A_630 = arith.constant 0 : i32
          %lt3A_631 = arith.cmpi slt, %rem3A_627, %lt3A_630 : i32
          %lt3A_632 = arith.constant 0 : i32
          %lt3A_633 = arith.cmpi slt, %select_n3A_626, %lt3A_632 : i32
          %ne3A_634 = arith.xori %lt3A_631, %lt3A_633 : i1
          %and3A_635 = arith.andi %ne3A_634, %ne3A_629 : i1
          %add3A_636 = arith.addi %rem3A_627, %select_n3A_626 : i32
          %select_n3A_637 = arith.select %and3A_635, %add3A_636, %rem3A_627 : i32
          %jit3A_638 = arith.constant 400 : i32
          %div3A_639 = arith.divsi %add3A_174, %jit3A_638 : i32
          %sign3A_640 = arith.constant 0 : i32
          %sign3A_641 = arith.cmpi sgt, %add3A_174, %sign3A_640 : i32
          %sign3A_642 = arith.extui %sign3A_641 : i1 to i32
          %sign3A_643 = arith.constant 0 : i32
          %sign3A_644 = arith.cmpi slt, %add3A_174, %sign3A_643 : i32
          %sign3A_645 = arith.extui %sign3A_644 : i1 to i32
          %sign3A_646 = arith.subi %sign3A_642, %sign3A_645 : i32
          %sign3A_647 = arith.constant 0 : i32
          %sign3A_648 = arith.cmpi sgt, %jit3A_638, %sign3A_647 : i32
          %sign3A_649 = arith.extui %sign3A_648 : i1 to i32
          %sign3A_650 = arith.constant 0 : i32
          %sign3A_651 = arith.cmpi slt, %jit3A_638, %sign3A_650 : i32
          %sign3A_652 = arith.extui %sign3A_651 : i1 to i32
          %sign3A_653 = arith.subi %sign3A_649, %sign3A_652 : i32
          %ne3A_654 = arith.cmpi ne, %sign3A_646, %sign3A_653 : i32
          %rem3A_655 = arith.remsi %add3A_174, %jit3A_638 : i32
          %ne3A_656 = arith.constant 0 : i32
          %ne3A_657 = arith.cmpi ne, %rem3A_655, %ne3A_656 : i32
          %and3A_658 = arith.andi %ne3A_654, %ne3A_657 : i1
          %sub3A_659 = arith.constant 1 : i32
          %sub3A_660 = arith.subi %div3A_639, %sub3A_659 : i32
          %select_n3A_661 = arith.select %and3A_658, %sub3A_660, %div3A_639 : i32
          %mul3A_662 = arith.constant 256 : i32
          %mul3A_663 = arith.muli %mul3A_662, %select_n3A_637 : i32
          %mul3A_664 = arith.constant 128 : i32
          %mul3A_665 = arith.muli %mul3A_664, %select_n3A_661 : i32
          %dma_wait3A_666 = arith.constant 0 : i32
          %dma_wait3A_667 = arith.constant 0 : i32
          %dma_wait3A_668 = tpu.memref_slice %run_scoped3A_8[%rem3A_621, %dma_wait3A_666, %dma_wait3A_667] : memref<2x256x128xi32, #tpu.memory_space<vmem>> -> memref<1x256x128xi32, #tpu.memory_space<vmem>>
          %dma_wait3A_669 = tpu.memref_squeeze %dma_wait3A_668 : memref<1x256x128xi32, #tpu.memory_space<vmem>> -> memref<256x128xi32, #tpu.memory_space<vmem>>
          %dma_wait3A_670 = tpu.memref_slice %arg4[%mul3A_663, %mul3A_665] : memref<102400x256xi32, #tpu.memory_space<hbm>> -> memref<256x128xi32, #tpu.memory_space<hbm>>
          %dma_wait3A_671 = tpu.memref_slice %run_scoped3A_9[%rem3A_621] : memref<2x!tpu.dma_semaphore, #tpu.memory_space<semaphore_mem>> -> memref<1x!tpu.dma_semaphore, #tpu.memory_space<semaphore_mem>>
          %dma_wait3A_672 = tpu.memref_squeeze %dma_wait3A_671 : memref<1x!tpu.dma_semaphore, #tpu.memory_space<semaphore_mem>> -> memref<!tpu.dma_semaphore, #tpu.memory_space<semaphore_mem>>
          %dma_wait3A_673 = tpu.memref_slice %arg4[%mul3A_663, %mul3A_665] : memref<102400x256xi32, #tpu.memory_space<hbm>> -> memref<256x128xi32, #tpu.memory_space<hbm>>
          %dma_wait3A_674 = arith.constant 0 : i32
          %dma_wait3A_675 = arith.constant 0 : i32
          %dma_wait3A_676 = tpu.memref_slice %run_scoped3A_8[%rem3A_621, %dma_wait3A_674, %dma_wait3A_675] : memref<2x256x128xi32, #tpu.memory_space<vmem>> -> memref<1x256x128xi32, #tpu.memory_space<vmem>>
          %dma_wait3A_677 = tpu.memref_squeeze %dma_wait3A_676 : memref<1x256x128xi32, #tpu.memory_space<vmem>> -> memref<256x128xi32, #tpu.memory_space<vmem>>
          tpu.wait_dma2 semaphore(%dma_wait3A_672 : memref<!tpu.dma_semaphore, #tpu.memory_space<semaphore_mem>>) src(%dma_wait3A_677 : memref<256x128xi32, #tpu.memory_space<vmem>>) dst(%dma_wait3A_673 : memref<256x128xi32, #tpu.memory_space<hbm>>)
          "tpu.trace_stop"() : () -> ()
        } else {
        }
        %and3A_600 = arith.constant true
        %and3A_601 = arith.andi %and3A_596, %and3A_600 : i1
        %add3A_602 = arith.constant 1 : i32
        %add3A_603 = arith.addi %scan3A_159, %add3A_602 : i32
        %select_n3A_604 = arith.select %and3A_601, %add3A_603, %scan3A_159 : i32
        %ne3A_605 = arith.cmpi ne, %add3A_165, %add3A_183 : i32
        %or3A_606 = arith.constant false
        %or3A_607 = arith.ori %or3A_606, %ne3A_605 : i1
        %or3A_608 = arith.ori %or3A_607, %eq3A_164 : i1
        %add3A_609 = arith.constant 1 : i32
        %add3A_610 = arith.addi %scan3A_157, %add3A_609 : i32
        %select_n3A_611 = arith.select %or3A_608, %add3A_610, %scan3A_157 : i32
        %add3A_612 = arith.constant 1 : i32
        %add3A_613 = arith.addi %scan3A_160, %add3A_612 : i32
        %select_n3A_614 = arith.constant true
        %select_n3A_615 = arith.select %select_n3A_614, %add3A_613, %scan3A_160 : i32
        %eq3A_616 = arith.constant 25 : i32
        %eq3A_617 = arith.cmpi eq, %select_n3A_615, %eq3A_616 : i32
        %select_n3A_618 = arith.constant 0 : i32
        %select_n3A_619 = arith.select %eq3A_617, %select_n3A_618, %select_n3A_615 : i32
        scf.yield %select_n3A_203, %select_n3A_611, %select_n3A_497, %select_n3A_604, %select_n3A_619 : i32, i32, i32, i32, i32
      }
      %scan3A_68 = arith.constant 25 : i32
      %sub3A = arith.constant 1 : i32
      %sub3A_69 = arith.subi %scan3A_67#4, %sub3A : i32
      %select_n3A_70 = arith.constant true
      %select_n3A_71 = arith.select %select_n3A_70, %sub3A_69, %scan3A_67#4 : i32
      %eq3A_72 = arith.constant -1 : i32
      %eq3A_73 = arith.cmpi eq, %select_n3A_71, %eq3A_72 : i32
      %select_n3A_74 = arith.constant 24 : i32
      %select_n3A_75 = arith.select %eq3A_73, %select_n3A_74, %select_n3A_71 : i32
      %add3A_76 = arith.addi %select_n3A_75, %mul3A_6 : i32
      %sub3A_77 = arith.constant 1 : i32
      %sub3A_78 = arith.subi %select_n3A_75, %sub3A_77 : i32
      %select_n3A_79 = arith.constant true
      %select_n3A_80 = arith.select %select_n3A_79, %sub3A_78, %select_n3A_75 : i32
      %eq3A_81 = arith.constant -1 : i32
      %eq3A_82 = arith.cmpi eq, %select_n3A_80, %eq3A_81 : i32
      %select_n3A_83 = arith.constant 24 : i32
      %select_n3A_84 = arith.select %eq3A_82, %select_n3A_83, %select_n3A_80 : i32
      %add3A_85 = arith.addi %select_n3A_84, %mul3A_6 : i32
      %add3A_86 = arith.constant 1 : i32
      %add3A_87 = arith.addi %select_n3A_75, %add3A_86 : i32
      %select_n3A_88 = arith.constant true
      %select_n3A_89 = arith.select %select_n3A_88, %add3A_87, %select_n3A_75 : i32
      %eq3A_90 = arith.constant 25 : i32
      %eq3A_91 = arith.cmpi eq, %select_n3A_89, %eq3A_90 : i32
      %select_n3A_92 = arith.constant 0 : i32
      %select_n3A_93 = arith.select %eq3A_91, %select_n3A_92, %select_n3A_89 : i32
      %add3A_94 = arith.addi %select_n3A_93, %mul3A_6 : i32
      %add3A_95 = arith.constant 1 : i32
      %add3A_96 = arith.addi %select_n3A_93, %add3A_95 : i32
      %select_n3A_97 = arith.constant true
      %select_n3A_98 = arith.select %select_n3A_97, %add3A_96, %select_n3A_93 : i32
      %eq3A_99 = arith.constant 25 : i32
      %eq3A_100 = arith.cmpi eq, %select_n3A_98, %eq3A_99 : i32
      %select_n3A_101 = arith.constant 0 : i32
      %select_n3A_102 = arith.select %eq3A_100, %select_n3A_101, %select_n3A_98 : i32
      %add3A_103 = arith.addi %select_n3A_102, %mul3A_6 : i32
      "tpu.trace_start"() <{level = 10 : i32, message = "ep_finalize"}> : () -> ()
      %rem3A_104 = arith.constant 2 : i32
      %rem3A_105 = arith.remui %scan3A_67#3, %rem3A_104 : i32
      %jit3A = arith.constant 400 : i32
      %eq3A_106 = arith.constant 0 : i32
      %eq3A_107 = arith.cmpi eq, %jit3A, %eq3A_106 : i32
      %jit3A_108 = arith.constant 1 : i32
      %select_n3A_109 = arith.select %eq3A_107, %jit3A_108, %jit3A : i32
      %rem3A_110 = arith.remsi %add3A_76, %select_n3A_109 : i32
      %ne3A = arith.constant 0 : i32
      %ne3A_111 = arith.cmpi ne, %rem3A_110, %ne3A : i32
      %lt3A = arith.constant 0 : i32
      %lt3A_112 = arith.cmpi slt, %rem3A_110, %lt3A : i32
      %lt3A_113 = arith.constant 0 : i32
      %lt3A_114 = arith.cmpi slt, %select_n3A_109, %lt3A_113 : i32
      %ne3A_115 = arith.xori %lt3A_112, %lt3A_114 : i1
      %and3A = arith.andi %ne3A_115, %ne3A_111 : i1
      %add3A_116 = arith.addi %rem3A_110, %select_n3A_109 : i32
      %select_n3A_117 = arith.select %and3A, %add3A_116, %rem3A_110 : i32
      %jit3A_118 = arith.constant 400 : i32
      %div3A = arith.divsi %add3A_76, %jit3A_118 : i32
      %sign3A = arith.constant 0 : i32
      %sign3A_119 = arith.cmpi sgt, %add3A_76, %sign3A : i32
      %sign3A_120 = arith.extui %sign3A_119 : i1 to i32
      %sign3A_121 = arith.constant 0 : i32
      %sign3A_122 = arith.cmpi slt, %add3A_76, %sign3A_121 : i32
      %sign3A_123 = arith.extui %sign3A_122 : i1 to i32
      %sign3A_124 = arith.subi %sign3A_120, %sign3A_123 : i32
      %sign3A_125 = arith.constant 0 : i32
      %sign3A_126 = arith.cmpi sgt, %jit3A_118, %sign3A_125 : i32
      %sign3A_127 = arith.extui %sign3A_126 : i1 to i32
      %sign3A_128 = arith.constant 0 : i32
      %sign3A_129 = arith.cmpi slt, %jit3A_118, %sign3A_128 : i32
      %sign3A_130 = arith.extui %sign3A_129 : i1 to i32
      %sign3A_131 = arith.subi %sign3A_127, %sign3A_130 : i32
      %ne3A_132 = arith.cmpi ne, %sign3A_124, %sign3A_131 : i32
      %rem3A_133 = arith.remsi %add3A_76, %jit3A_118 : i32
      %ne3A_134 = arith.constant 0 : i32
      %ne3A_135 = arith.cmpi ne, %rem3A_133, %ne3A_134 : i32
      %and3A_136 = arith.andi %ne3A_132, %ne3A_135 : i1
      %sub3A_137 = arith.constant 1 : i32
      %sub3A_138 = arith.subi %div3A, %sub3A_137 : i32
      %select_n3A_139 = arith.select %and3A_136, %sub3A_138, %div3A : i32
      %mul3A_140 = arith.constant 256 : i32
      %mul3A_141 = arith.muli %mul3A_140, %select_n3A_117 : i32
      %mul3A_142 = arith.constant 128 : i32
      %mul3A_143 = arith.muli %mul3A_142, %select_n3A_139 : i32
      %dma_wait3A = arith.constant 0 : i32
      %dma_wait3A_144 = arith.constant 0 : i32
      %dma_wait3A_145 = tpu.memref_slice %run_scoped3A_8[%rem3A_105, %dma_wait3A, %dma_wait3A_144] : memref<2x256x128xi32, #tpu.memory_space<vmem>> -> memref<1x256x128xi32, #tpu.memory_space<vmem>>
      %dma_wait3A_146 = tpu.memref_squeeze %dma_wait3A_145 : memref<1x256x128xi32, #tpu.memory_space<vmem>> -> memref<256x128xi32, #tpu.memory_space<vmem>>
      %dma_wait3A_147 = tpu.memref_slice %arg4[%mul3A_141, %mul3A_143] : memref<102400x256xi32, #tpu.memory_space<hbm>> -> memref<256x128xi32, #tpu.memory_space<hbm>>
      %dma_wait3A_148 = tpu.memref_slice %run_scoped3A_9[%rem3A_105] : memref<2x!tpu.dma_semaphore, #tpu.memory_space<semaphore_mem>> -> memref<1x!tpu.dma_semaphore, #tpu.memory_space<semaphore_mem>>
      %dma_wait3A_149 = tpu.memref_squeeze %dma_wait3A_148 : memref<1x!tpu.dma_semaphore, #tpu.memory_space<semaphore_mem>> -> memref<!tpu.dma_semaphore, #tpu.memory_space<semaphore_mem>>
      %dma_wait3A_150 = tpu.memref_slice %arg4[%mul3A_141, %mul3A_143] : memref<102400x256xi32, #tpu.memory_space<hbm>> -> memref<256x128xi32, #tpu.memory_space<hbm>>
      %dma_wait3A_151 = arith.constant 0 : i32
      %dma_wait3A_152 = arith.constant 0 : i32
      %dma_wait3A_153 = tpu.memref_slice %run_scoped3A_8[%rem3A_105, %dma_wait3A_151, %dma_wait3A_152] : memref<2x256x128xi32, #tpu.memory_space<vmem>> -> memref<1x256x128xi32, #tpu.memory_space<vmem>>
      %dma_wait3A_154 = tpu.memref_squeeze %dma_wait3A_153 : memref<1x256x128xi32, #tpu.memory_space<vmem>> -> memref<256x128xi32, #tpu.memory_space<vmem>>
      tpu.wait_dma2 semaphore(%dma_wait3A_149 : memref<!tpu.dma_semaphore, #tpu.memory_space<semaphore_mem>>) src(%dma_wait3A_154 : memref<256x128xi32, #tpu.memory_space<vmem>>) dst(%dma_wait3A_150 : memref<256x128xi32, #tpu.memory_space<hbm>>)
      "tpu.trace_stop"() : () -> ()
      tpu.yield
    }) : () -> ()
    return
  }
}

#map = affine_map<(d0, d1) -> (0, 0)>
module attributes {stable_mosaic.version = 14 : i64} {
  func.func @gather_kernel(%arg0: i32, %arg1: i32, %arg2: memref<20000x128xi32, #tpu.memory_space<hbm>>, %arg3: memref<1x204800xi32, #tpu.memory_space<hbm>>, %arg4: memref<102400x256xi32, #tpu.memory_space<hbm>>) attributes {dimension_semantics = [#tpu.dimension_semantics<core_parallel>, #tpu.dimension_semantics<subcore_parallel>], iteration_bounds = array<i64: 2, 16>, scalar_prefetch = 0 : i64, scratch_operands = 0 : i64, tpu.core_type = #tpu.core_type<sc_vector_subcore>, window_params = [{transform_indices = #map}, {transform_indices = #map}, {transform_indices = #map}]} {
    %mul3A = arith.constant 1 : i32
    %mul3A_0 = arith.muli %arg1, %mul3A : i32
    %add3A = arith.constant 0 : i32
    %add3A_1 = arith.addi %add3A, %mul3A_0 : i32
    %mul3A_2 = arith.constant 16 : i32
    %mul3A_3 = arith.muli %arg0, %mul3A_2 : i32
    %add3A_4 = arith.addi %add3A_1, %mul3A_3 : i32
    %mul3A_5 = arith.constant 25 : i32
    %mul3A_6 = arith.muli %add3A_4, %mul3A_5 : i32
    "tpu.region"() ({
      %run_scoped3A = memref.alloca() : memref<2x1x256xi32, #tpu.memory_space<vmem>>
      %run_scoped3A_7 = tpu.sem_alloc : memref<2x!tpu.dma_semaphore, #tpu.memory_space<semaphore_mem>>
      %run_scoped3A_8 = memref.alloca() : memref<2x256x128xi32, #tpu.memory_space<vmem>>
      %run_scoped3A_9 = tpu.sem_alloc : memref<2x!tpu.dma_semaphore, #tpu.memory_space<semaphore_mem>>
      %add3A_10 = arith.constant 0 : i32
      %add3A_11 = arith.addi %add3A_10, %mul3A_6 : i32
      %select_n3A = arith.constant true
      %select_n3A_12 = arith.constant 0 : i32
      %select_n3A_13 = arith.constant -1 : i32
      %select_n3A_14 = arith.select %select_n3A, %select_n3A_13, %select_n3A_12 : i32
      %eq3A = arith.constant -1 : i32
      %eq3A_15 = arith.cmpi eq, %select_n3A_14, %eq3A : i32
      %select_n3A_16 = arith.constant 24 : i32
      %select_n3A_17 = arith.select %eq3A_15, %select_n3A_16, %select_n3A_14 : i32
      %add3A_18 = arith.addi %select_n3A_17, %mul3A_6 : i32
      %select_n3A_19 = arith.constant true
      %select_n3A_20 = arith.constant 0 : i32
      %select_n3A_21 = arith.constant 1 : i32
      %select_n3A_22 = arith.select %select_n3A_19, %select_n3A_21, %select_n3A_20 : i32
      %eq3A_23 = arith.constant 25 : i32
      %eq3A_24 = arith.cmpi eq, %select_n3A_22, %eq3A_23 : i32
      %select_n3A_25 = arith.constant 0 : i32
      %select_n3A_26 = arith.select %eq3A_24, %select_n3A_25, %select_n3A_22 : i32
      %add3A_27 = arith.addi %select_n3A_26, %mul3A_6 : i32
      %add3A_28 = arith.constant 1 : i32
      %add3A_29 = arith.addi %select_n3A_26, %add3A_28 : i32
      %select_n3A_30 = arith.constant true
      %select_n3A_31 = arith.select %select_n3A_30, %add3A_29, %select_n3A_26 : i32
      %eq3A_32 = arith.constant 25 : i32
      %eq3A_33 = arith.cmpi eq, %select_n3A_31, %eq3A_32 : i32
      %select_n3A_34 = arith.constant 0 : i32
      %select_n3A_35 = arith.select %eq3A_33, %select_n3A_34, %select_n3A_31 : i32
      %add3A_36 = arith.addi %select_n3A_35, %mul3A_6 : i32
      "tpu.trace_start"() <{level = 10 : i32, message = "ep_initialize_0"}> : () -> ()
      %rem3A = arith.constant 0 : i32
      %rem3A_37 = arith.constant 2 : i32
      %rem3A_38 = arith.remui %rem3A, %rem3A_37 : i32
      %mul3A_39 = arith.constant 256 : i32
      %mul3A_40 = arith.muli %mul3A_39, %add3A_11 : i32
      %dma_start3A = arith.constant 0 : i32
      %dma_start3A_41 = arith.constant 0 : i32
      %dma_start3A_42 = tpu.memref_slice %run_scoped3A[%rem3A_38, %dma_start3A, %dma_start3A_41] : memref<2x1x256xi32, #tpu.memory_space<vmem>> -> memref<1x1x256xi32, #tpu.memory_space<vmem>>
      %dma_start3A_43 = tpu.memref_squeeze %dma_start3A_42 : memref<1x1x256xi32, #tpu.memory_space<vmem>> -> memref<1x256xi32, #tpu.memory_space<vmem>>
      %dma_start3A_44 = arith.constant 0 : i32
      %dma_start3A_45 = tpu.memref_slice %arg3[%dma_start3A_44, %mul3A_40] : memref<1x204800xi32, #tpu.memory_space<hbm>> -> memref<1x256xi32, #tpu.memory_space<hbm>>
      %dma_start3A_46 = tpu.memref_slice %run_scoped3A_7[%rem3A_38] : memref<2x!tpu.dma_semaphore, #tpu.memory_space<semaphore_mem>> -> memref<1x!tpu.dma_semaphore, #tpu.memory_space<semaphore_mem>>
      %dma_start3A_47 = tpu.memref_squeeze %dma_start3A_46 : memref<1x!tpu.dma_semaphore, #tpu.memory_space<semaphore_mem>> -> memref<!tpu.dma_semaphore, #tpu.memory_space<semaphore_mem>>
      %dma_start3A_48 = arith.constant 0 : i32
      %dma_start3A_49 = arith.constant 0 : i32
      %dma_start3A_50 = tpu.memref_slice %run_scoped3A[%rem3A_38, %dma_start3A_48, %dma_start3A_49] : memref<2x1x256xi32, #tpu.memory_space<vmem>> -> memref<1x1x256xi32, #tpu.memory_space<vmem>>
      %dma_start3A_51 = tpu.memref_squeeze %dma_start3A_50 : memref<1x1x256xi32, #tpu.memory_space<vmem>> -> memref<1x256xi32, #tpu.memory_space<vmem>>
      %dma_start3A_52 = arith.constant 0 : i32
      %dma_start3A_53 = tpu.memref_slice %arg3[%dma_start3A_52, %mul3A_40] : memref<1x204800xi32, #tpu.memory_space<hbm>> -> memref<1x256xi32, #tpu.memory_space<hbm>>
      tpu.enqueue_dma source(%dma_start3A_53 : memref<1x256xi32, #tpu.memory_space<hbm>>) target(%dma_start3A_51 : memref<1x256xi32, #tpu.memory_space<vmem>>) target_semaphore(%dma_start3A_47 : memref<!tpu.dma_semaphore, #tpu.memory_space<semaphore_mem>>)
      %add3A_54 = arith.constant 0 : i32
      %add3A_55 = arith.constant 1 : i32
      %add3A_56 = arith.addi %add3A_54, %add3A_55 : i32
      %select_n3A_57 = arith.constant true
      %select_n3A_58 = arith.constant 0 : i32
      %select_n3A_59 = arith.select %select_n3A_57, %add3A_56, %select_n3A_58 : i32
      "tpu.trace_stop"() : () -> ()
      %scan3A = arith.constant 0 : i32
      %scan3A_60 = arith.constant 0 : i32
      %scan3A_61 = arith.constant 0 : i32
      %scan3A_62 = arith.constant 0 : i32
      %scan3A_63 = arith.constant 0 : i32
      %scan3A_64 = arith.constant 25 : i32
      %scan3A_65 = arith.addi %scan3A_63, %scan3A_64 : i32
      %scan3A_66 = arith.constant 1 : i32
      %scan3A_67:5 = scf.for %scan3A_155 = %scan3A_63 to %scan3A_65 step %scan3A_66 iter_args(%scan3A_156 = %select_n3A_59, %scan3A_157 = %scan3A, %scan3A_158 = %scan3A_60, %scan3A_159 = %scan3A_61, %scan3A_160 = %scan3A_62) -> (i32, i32, i32, i32, i32)  : i32 {
        %eq3A_161 = arith.constant 0 : i32
        %eq3A_162 = arith.cmpi eq, %scan3A_155, %eq3A_161 : i32
        %eq3A_163 = arith.constant 24 : i32
        %eq3A_164 = arith.cmpi eq, %scan3A_155, %eq3A_163 : i32
        %add3A_165 = arith.addi %scan3A_160, %mul3A_6 : i32
        %sub3A_166 = arith.constant 1 : i32
        %sub3A_167 = arith.subi %scan3A_160, %sub3A_166 : i32
        %select_n3A_168 = arith.constant true
        %select_n3A_169 = arith.select %select_n3A_168, %sub3A_167, %scan3A_160 : i32
        %eq3A_170 = arith.constant -1 : i32
        %eq3A_171 = arith.cmpi eq, %select_n3A_169, %eq3A_170 : i32
        %select_n3A_172 = arith.constant 24 : i32
        %select_n3A_173 = arith.select %eq3A_171, %select_n3A_172, %select_n3A_169 : i32
        %add3A_174 = arith.addi %select_n3A_173, %mul3A_6 : i32
        %add3A_175 = arith.constant 1 : i32
        %add3A_176 = arith.addi %scan3A_160, %add3A_175 : i32
        %select_n3A_177 = arith.constant true
        %select_n3A_178 = arith.select %select_n3A_177, %add3A_176, %scan3A_160 : i32
        %eq3A_179 = arith.constant 25 : i32
        %eq3A_180 = arith.cmpi eq, %select_n3A_178, %eq3A_179 : i32
        %select_n3A_181 = arith.constant 0 : i32
        %select_n3A_182 = arith.select %eq3A_180, %select_n3A_181, %select_n3A_178 : i32
        %add3A_183 = arith.addi %select_n3A_182, %mul3A_6 : i32
        %add3A_184 = arith.constant 1 : i32
        %add3A_185 = arith.addi %select_n3A_182, %add3A_184 : i32
        %select_n3A_186 = arith.constant true
        %select_n3A_187 = arith.select %select_n3A_186, %add3A_185, %select_n3A_182 : i32
        %eq3A_188 = arith.constant 25 : i32
        %eq3A_189 = arith.cmpi eq, %select_n3A_187, %eq3A_188 : i32
        %select_n3A_190 = arith.constant 0 : i32
        %select_n3A_191 = arith.select %eq3A_189, %select_n3A_190, %select_n3A_187 : i32
        %add3A_192 = arith.addi %select_n3A_191, %mul3A_6 : i32
        %ne3A_193 = arith.cmpi ne, %add3A_165, %add3A_183 : i32
        %or3A = arith.constant false
        %or3A_194 = arith.ori %or3A, %ne3A_193 : i1
        %ge3A = arith.constant 24 : i32
        %ge3A_195 = arith.cmpi sge, %scan3A_155, %ge3A : i32
        %not3A = arith.constant true
        %not3A_196 = arith.xori %ge3A_195, %not3A : i1
        %and3A_197 = arith.andi %or3A_194, %not3A_196 : i1
        %convert_element_type3A = arith.extui %and3A_197 : i1 to i32
        %cond3A = arith.constant 0 : i32
        %cond3A_198 = arith.cmpi ne, %convert_element_type3A, %cond3A : i32
        scf.if %cond3A_198 {
          "tpu.trace_start"() <{level = 10 : i32, message = "ep_copy_in"}> : () -> ()
          %rem3A_620 = arith.constant 2 : i32
          %rem3A_621 = arith.remui %scan3A_156, %rem3A_620 : i32
          %mul3A_622 = arith.constant 256 : i32
          %mul3A_623 = arith.muli %mul3A_622, %add3A_183 : i32
          %dma_start3A_624 = arith.constant 0 : i32
          %dma_start3A_625 = arith.constant 0 : i32
          %dma_start3A_626 = tpu.memref_slice %run_scoped3A[%rem3A_621, %dma_start3A_624, %dma_start3A_625] : memref<2x1x256xi32, #tpu.memory_space<vmem>> -> memref<1x1x256xi32, #tpu.memory_space<vmem>>
          %dma_start3A_627 = tpu.memref_squeeze %dma_start3A_626 : memref<1x1x256xi32, #tpu.memory_space<vmem>> -> memref<1x256xi32, #tpu.memory_space<vmem>>
          %dma_start3A_628 = arith.constant 0 : i32
          %dma_start3A_629 = tpu.memref_slice %arg3[%dma_start3A_628, %mul3A_623] : memref<1x204800xi32, #tpu.memory_space<hbm>> -> memref<1x256xi32, #tpu.memory_space<hbm>>
          %dma_start3A_630 = tpu.memref_slice %run_scoped3A_7[%rem3A_621] : memref<2x!tpu.dma_semaphore, #tpu.memory_space<semaphore_mem>> -> memref<1x!tpu.dma_semaphore, #tpu.memory_space<semaphore_mem>>
          %dma_start3A_631 = tpu.memref_squeeze %dma_start3A_630 : memref<1x!tpu.dma_semaphore, #tpu.memory_space<semaphore_mem>> -> memref<!tpu.dma_semaphore, #tpu.memory_space<semaphore_mem>>
          %dma_start3A_632 = arith.constant 0 : i32
          %dma_start3A_633 = arith.constant 0 : i32
          %dma_start3A_634 = tpu.memref_slice %run_scoped3A[%rem3A_621, %dma_start3A_632, %dma_start3A_633] : memref<2x1x256xi32, #tpu.memory_space<vmem>> -> memref<1x1x256xi32, #tpu.memory_space<vmem>>
          %dma_start3A_635 = tpu.memref_squeeze %dma_start3A_634 : memref<1x1x256xi32, #tpu.memory_space<vmem>> -> memref<1x256xi32, #tpu.memory_space<vmem>>
          %dma_start3A_636 = arith.constant 0 : i32
          %dma_start3A_637 = tpu.memref_slice %arg3[%dma_start3A_636, %mul3A_623] : memref<1x204800xi32, #tpu.memory_space<hbm>> -> memref<1x256xi32, #tpu.memory_space<hbm>>
          tpu.enqueue_dma source(%dma_start3A_637 : memref<1x256xi32, #tpu.memory_space<hbm>>) target(%dma_start3A_635 : memref<1x256xi32, #tpu.memory_space<vmem>>) target_semaphore(%dma_start3A_631 : memref<!tpu.dma_semaphore, #tpu.memory_space<semaphore_mem>>)
          "tpu.trace_stop"() : () -> ()
        } else {
        }
        %and3A_199 = arith.constant true
        %and3A_200 = arith.andi %and3A_197, %and3A_199 : i1
        %add3A_201 = arith.constant 1 : i32
        %add3A_202 = arith.addi %scan3A_156, %add3A_201 : i32
        %select_n3A_203 = arith.select %and3A_200, %add3A_202, %scan3A_156 : i32
        %jit3A_204 = arith.constant 400 : i32
        %eq3A_205 = arith.constant 0 : i32
        %eq3A_206 = arith.cmpi eq, %jit3A_204, %eq3A_205 : i32
        %jit3A_207 = arith.constant 1 : i32
        %select_n3A_208 = arith.select %eq3A_206, %jit3A_207, %jit3A_204 : i32
        %rem3A_209 = arith.remsi %add3A_165, %select_n3A_208 : i32
        %ne3A_210 = arith.constant 0 : i32
        %ne3A_211 = arith.cmpi ne, %rem3A_209, %ne3A_210 : i32
        %lt3A_212 = arith.constant 0 : i32
        %lt3A_213 = arith.cmpi slt, %rem3A_209, %lt3A_212 : i32
        %lt3A_214 = arith.constant 0 : i32
        %lt3A_215 = arith.cmpi slt, %select_n3A_208, %lt3A_214 : i32
        %ne3A_216 = arith.xori %lt3A_213, %lt3A_215 : i1
        %and3A_217 = arith.andi %ne3A_216, %ne3A_211 : i1
        %add3A_218 = arith.addi %rem3A_209, %select_n3A_208 : i32
        %select_n3A_219 = arith.select %and3A_217, %add3A_218, %rem3A_209 : i32
        %jit3A_220 = arith.constant 400 : i32
        %div3A_221 = arith.divsi %add3A_165, %jit3A_220 : i32
        %sign3A_222 = arith.constant 0 : i32
        %sign3A_223 = arith.cmpi sgt, %add3A_165, %sign3A_222 : i32
        %sign3A_224 = arith.extui %sign3A_223 : i1 to i32
        %sign3A_225 = arith.constant 0 : i32
        %sign3A_226 = arith.cmpi slt, %add3A_165, %sign3A_225 : i32
        %sign3A_227 = arith.extui %sign3A_226 : i1 to i32
        %sign3A_228 = arith.subi %sign3A_224, %sign3A_227 : i32
        %sign3A_229 = arith.constant 0 : i32
        %sign3A_230 = arith.cmpi sgt, %jit3A_220, %sign3A_229 : i32
        %sign3A_231 = arith.extui %sign3A_230 : i1 to i32
        %sign3A_232 = arith.constant 0 : i32
        %sign3A_233 = arith.cmpi slt, %jit3A_220, %sign3A_232 : i32
        %sign3A_234 = arith.extui %sign3A_233 : i1 to i32
        %sign3A_235 = arith.subi %sign3A_231, %sign3A_234 : i32
        %ne3A_236 = arith.cmpi ne, %sign3A_228, %sign3A_235 : i32
        %rem3A_237 = arith.remsi %add3A_165, %jit3A_220 : i32
        %ne3A_238 = arith.constant 0 : i32
        %ne3A_239 = arith.cmpi ne, %rem3A_237, %ne3A_238 : i32
        %and3A_240 = arith.andi %ne3A_236, %ne3A_239 : i1
        %sub3A_241 = arith.constant 1 : i32
        %sub3A_242 = arith.subi %div3A_221, %sub3A_241 : i32
        %select_n3A_243 = arith.select %and3A_240, %sub3A_242, %div3A_221 : i32
        %jit3A_244 = arith.constant 400 : i32
        %eq3A_245 = arith.constant 0 : i32
        %eq3A_246 = arith.cmpi eq, %jit3A_244, %eq3A_245 : i32
        %jit3A_247 = arith.constant 1 : i32
        %select_n3A_248 = arith.select %eq3A_246, %jit3A_247, %jit3A_244 : i32
        %rem3A_249 = arith.remsi %add3A_183, %select_n3A_248 : i32
        %ne3A_250 = arith.constant 0 : i32
        %ne3A_251 = arith.cmpi ne, %rem3A_249, %ne3A_250 : i32
        %lt3A_252 = arith.constant 0 : i32
        %lt3A_253 = arith.cmpi slt, %rem3A_249, %lt3A_252 : i32
        %lt3A_254 = arith.constant 0 : i32
        %lt3A_255 = arith.cmpi slt, %select_n3A_248, %lt3A_254 : i32
        %ne3A_256 = arith.xori %lt3A_253, %lt3A_255 : i1
        %and3A_257 = arith.andi %ne3A_256, %ne3A_251 : i1
        %add3A_258 = arith.addi %rem3A_249, %select_n3A_248 : i32
        %select_n3A_259 = arith.select %and3A_257, %add3A_258, %rem3A_249 : i32
        %jit3A_260 = arith.constant 400 : i32
        %div3A_261 = arith.divsi %add3A_183, %jit3A_260 : i32
        %sign3A_262 = arith.constant 0 : i32
        %sign3A_263 = arith.cmpi sgt, %add3A_183, %sign3A_262 : i32
        %sign3A_264 = arith.extui %sign3A_263 : i1 to i32
        %sign3A_265 = arith.constant 0 : i32
        %sign3A_266 = arith.cmpi slt, %add3A_183, %sign3A_265 : i32
        %sign3A_267 = arith.extui %sign3A_266 : i1 to i32
        %sign3A_268 = arith.subi %sign3A_264, %sign3A_267 : i32
        %sign3A_269 = arith.constant 0 : i32
        %sign3A_270 = arith.cmpi sgt, %jit3A_260, %sign3A_269 : i32
        %sign3A_271 = arith.extui %sign3A_270 : i1 to i32
        %sign3A_272 = arith.constant 0 : i32
        %sign3A_273 = arith.cmpi slt, %jit3A_260, %sign3A_272 : i32
        %sign3A_274 = arith.extui %sign3A_273 : i1 to i32
        %sign3A_275 = arith.subi %sign3A_271, %sign3A_274 : i32
        %ne3A_276 = arith.cmpi ne, %sign3A_268, %sign3A_275 : i32
        %rem3A_277 = arith.remsi %add3A_183, %jit3A_260 : i32
        %ne3A_278 = arith.constant 0 : i32
        %ne3A_279 = arith.cmpi ne, %rem3A_277, %ne3A_278 : i32
        %and3A_280 = arith.andi %ne3A_276, %ne3A_279 : i1
        %sub3A_281 = arith.constant 1 : i32
        %sub3A_282 = arith.subi %div3A_261, %sub3A_281 : i32
        %select_n3A_283 = arith.select %and3A_280, %sub3A_282, %div3A_261 : i32
        %ne3A_284 = arith.cmpi ne, %select_n3A_219, %select_n3A_259 : i32
        %ne3A_285 = arith.cmpi ne, %select_n3A_243, %select_n3A_283 : i32
        %or3A_286 = arith.constant false
        %or3A_287 = arith.ori %or3A_286, %ne3A_284 : i1
        %or3A_288 = arith.ori %or3A_287, %ne3A_285 : i1
        %ge3A_289 = arith.constant 24 : i32
        %ge3A_290 = arith.cmpi sge, %scan3A_155, %ge3A_289 : i32
        %not3A_291 = arith.constant true
        %not3A_292 = arith.xori %ge3A_290, %not3A_291 : i1
        %and3A_293 = arith.andi %or3A_288, %not3A_292 : i1
        %ne3A_294 = arith.cmpi ne, %add3A_165, %add3A_174 : i32
        %or3A_295 = arith.constant false
        %or3A_296 = arith.ori %or3A_295, %ne3A_294 : i1
        %or3A_297 = arith.ori %or3A_296, %eq3A_162 : i1
        %convert_element_type3A_298 = arith.extui %or3A_297 : i1 to i32
        %cond3A_299 = arith.constant 0 : i32
        %cond3A_300 = arith.cmpi ne, %convert_element_type3A_298, %cond3A_299 : i32
        scf.if %cond3A_300 {
          "tpu.trace_start"() <{level = 10 : i32, message = "ep_wait_in"}> : () -> ()
          %mul3A_620 = arith.constant 256 : i32
          %mul3A_621 = arith.muli %mul3A_620, %add3A_165 : i32
          %rem3A_622 = arith.constant 2 : i32
          %rem3A_623 = arith.remui %scan3A_157, %rem3A_622 : i32
          %dma_wait3A_624 = arith.constant 0 : i32
          %dma_wait3A_625 = arith.constant 0 : i32
          %dma_wait3A_626 = tpu.memref_slice %run_scoped3A[%rem3A_623, %dma_wait3A_624, %dma_wait3A_625] : memref<2x1x256xi32, #tpu.memory_space<vmem>> -> memref<1x1x256xi32, #tpu.memory_space<vmem>>
          %dma_wait3A_627 = tpu.memref_squeeze %dma_wait3A_626 : memref<1x1x256xi32, #tpu.memory_space<vmem>> -> memref<1x256xi32, #tpu.memory_space<vmem>>
          %dma_wait3A_628 = arith.constant 0 : i32
          %dma_wait3A_629 = tpu.memref_slice %arg3[%dma_wait3A_628, %mul3A_621] : memref<1x204800xi32, #tpu.memory_space<hbm>> -> memref<1x256xi32, #tpu.memory_space<hbm>>
          %dma_wait3A_630 = tpu.memref_slice %run_scoped3A_7[%rem3A_623] : memref<2x!tpu.dma_semaphore, #tpu.memory_space<semaphore_mem>> -> memref<1x!tpu.dma_semaphore, #tpu.memory_space<semaphore_mem>>
          %dma_wait3A_631 = tpu.memref_squeeze %dma_wait3A_630 : memref<1x!tpu.dma_semaphore, #tpu.memory_space<semaphore_mem>> -> memref<!tpu.dma_semaphore, #tpu.memory_space<semaphore_mem>>
          %dma_wait3A_632 = arith.constant 0 : i32
          %dma_wait3A_633 = arith.constant 0 : i32
          %dma_wait3A_634 = tpu.memref_slice %run_scoped3A[%rem3A_623, %dma_wait3A_632, %dma_wait3A_633] : memref<2x1x256xi32, #tpu.memory_space<vmem>> -> memref<1x1x256xi32, #tpu.memory_space<vmem>>
          %dma_wait3A_635 = tpu.memref_squeeze %dma_wait3A_634 : memref<1x1x256xi32, #tpu.memory_space<vmem>> -> memref<1x256xi32, #tpu.memory_space<vmem>>
          %dma_wait3A_636 = arith.constant 0 : i32
          %dma_wait3A_637 = tpu.memref_slice %arg3[%dma_wait3A_636, %mul3A_621] : memref<1x204800xi32, #tpu.memory_space<hbm>> -> memref<1x256xi32, #tpu.memory_space<hbm>>
          tpu.wait_dma2 semaphore(%dma_wait3A_631 : memref<!tpu.dma_semaphore, #tpu.memory_space<semaphore_mem>>) src(%dma_wait3A_637 : memref<1x256xi32, #tpu.memory_space<hbm>>) dst(%dma_wait3A_635 : memref<1x256xi32, #tpu.memory_space<vmem>>)
          "tpu.trace_stop"() : () -> ()
        } else {
        }
        %jit3A_301 = arith.constant 400 : i32
        %eq3A_302 = arith.constant 0 : i32
        %eq3A_303 = arith.cmpi eq, %jit3A_301, %eq3A_302 : i32
        %jit3A_304 = arith.constant 1 : i32
        %select_n3A_305 = arith.select %eq3A_303, %jit3A_304, %jit3A_301 : i32
        %rem3A_306 = arith.remsi %add3A_165, %select_n3A_305 : i32
        %ne3A_307 = arith.constant 0 : i32
        %ne3A_308 = arith.cmpi ne, %rem3A_306, %ne3A_307 : i32
        %lt3A_309 = arith.constant 0 : i32
        %lt3A_310 = arith.cmpi slt, %rem3A_306, %lt3A_309 : i32
        %lt3A_311 = arith.constant 0 : i32
        %lt3A_312 = arith.cmpi slt, %select_n3A_305, %lt3A_311 : i32
        %ne3A_313 = arith.xori %lt3A_310, %lt3A_312 : i1
        %and3A_314 = arith.andi %ne3A_313, %ne3A_308 : i1
        %add3A_315 = arith.addi %rem3A_306, %select_n3A_305 : i32
        %select_n3A_316 = arith.select %and3A_314, %add3A_315, %rem3A_306 : i32
        %jit3A_317 = arith.constant 400 : i32
        %div3A_318 = arith.divsi %add3A_165, %jit3A_317 : i32
        %sign3A_319 = arith.constant 0 : i32
        %sign3A_320 = arith.cmpi sgt, %add3A_165, %sign3A_319 : i32
        %sign3A_321 = arith.extui %sign3A_320 : i1 to i32
        %sign3A_322 = arith.constant 0 : i32
        %sign3A_323 = arith.cmpi slt, %add3A_165, %sign3A_322 : i32
        %sign3A_324 = arith.extui %sign3A_323 : i1 to i32
        %sign3A_325 = arith.subi %sign3A_321, %sign3A_324 : i32
        %sign3A_326 = arith.constant 0 : i32
        %sign3A_327 = arith.cmpi sgt, %jit3A_317, %sign3A_326 : i32
        %sign3A_328 = arith.extui %sign3A_327 : i1 to i32
        %sign3A_329 = arith.constant 0 : i32
        %sign3A_330 = arith.cmpi slt, %jit3A_317, %sign3A_329 : i32
        %sign3A_331 = arith.extui %sign3A_330 : i1 to i32
        %sign3A_332 = arith.subi %sign3A_328, %sign3A_331 : i32
        %ne3A_333 = arith.cmpi ne, %sign3A_325, %sign3A_332 : i32
        %rem3A_334 = arith.remsi %add3A_165, %jit3A_317 : i32
        %ne3A_335 = arith.constant 0 : i32
        %ne3A_336 = arith.cmpi ne, %rem3A_334, %ne3A_335 : i32
        %and3A_337 = arith.andi %ne3A_333, %ne3A_336 : i1
        %sub3A_338 = arith.constant 1 : i32
        %sub3A_339 = arith.subi %div3A_318, %sub3A_338 : i32
        %select_n3A_340 = arith.select %and3A_337, %sub3A_339, %div3A_318 : i32
        %jit3A_341 = arith.constant 400 : i32
        %eq3A_342 = arith.constant 0 : i32
        %eq3A_343 = arith.cmpi eq, %jit3A_341, %eq3A_342 : i32
        %jit3A_344 = arith.constant 1 : i32
        %select_n3A_345 = arith.select %eq3A_343, %jit3A_344, %jit3A_341 : i32
        %rem3A_346 = arith.remsi %add3A_174, %select_n3A_345 : i32
        %ne3A_347 = arith.constant 0 : i32
        %ne3A_348 = arith.cmpi ne, %rem3A_346, %ne3A_347 : i32
        %lt3A_349 = arith.constant 0 : i32
        %lt3A_350 = arith.cmpi slt, %rem3A_346, %lt3A_349 : i32
        %lt3A_351 = arith.constant 0 : i32
        %lt3A_352 = arith.cmpi slt, %select_n3A_345, %lt3A_351 : i32
        %ne3A_353 = arith.xori %lt3A_350, %lt3A_352 : i1
        %and3A_354 = arith.andi %ne3A_353, %ne3A_348 : i1
        %add3A_355 = arith.addi %rem3A_346, %select_n3A_345 : i32
        %select_n3A_356 = arith.select %and3A_354, %add3A_355, %rem3A_346 : i32
        %jit3A_357 = arith.constant 400 : i32
        %div3A_358 = arith.divsi %add3A_174, %jit3A_357 : i32
        %sign3A_359 = arith.constant 0 : i32
        %sign3A_360 = arith.cmpi sgt, %add3A_174, %sign3A_359 : i32
        %sign3A_361 = arith.extui %sign3A_360 : i1 to i32
        %sign3A_362 = arith.constant 0 : i32
        %sign3A_363 = arith.cmpi slt, %add3A_174, %sign3A_362 : i32
        %sign3A_364 = arith.extui %sign3A_363 : i1 to i32
        %sign3A_365 = arith.subi %sign3A_361, %sign3A_364 : i32
        %sign3A_366 = arith.constant 0 : i32
        %sign3A_367 = arith.cmpi sgt, %jit3A_357, %sign3A_366 : i32
        %sign3A_368 = arith.extui %sign3A_367 : i1 to i32
        %sign3A_369 = arith.constant 0 : i32
        %sign3A_370 = arith.cmpi slt, %jit3A_357, %sign3A_369 : i32
        %sign3A_371 = arith.extui %sign3A_370 : i1 to i32
        %sign3A_372 = arith.subi %sign3A_368, %sign3A_371 : i32
        %ne3A_373 = arith.cmpi ne, %sign3A_365, %sign3A_372 : i32
        %rem3A_374 = arith.remsi %add3A_174, %jit3A_357 : i32
        %ne3A_375 = arith.constant 0 : i32
        %ne3A_376 = arith.cmpi ne, %rem3A_374, %ne3A_375 : i32
        %and3A_377 = arith.andi %ne3A_373, %ne3A_376 : i1
        %sub3A_378 = arith.constant 1 : i32
        %sub3A_379 = arith.subi %div3A_358, %sub3A_378 : i32
        %select_n3A_380 = arith.select %and3A_377, %sub3A_379, %div3A_358 : i32
        %ne3A_381 = arith.cmpi ne, %select_n3A_316, %select_n3A_356 : i32
        %ne3A_382 = arith.cmpi ne, %select_n3A_340, %select_n3A_380 : i32
        %or3A_383 = arith.constant false
        %or3A_384 = arith.ori %or3A_383, %ne3A_381 : i1
        %or3A_385 = arith.ori %or3A_384, %ne3A_382 : i1
        %or3A_386 = arith.ori %or3A_385, %eq3A_162 : i1
        %convert_element_type3A_387 = arith.extui %or3A_386 : i1 to i32
        %cond3A_388 = arith.constant 0 : i32
        %cond3A_389 = arith.cmpi ne, %convert_element_type3A_387, %cond3A_388 : i32
        scf.if %cond3A_389 {
        } else {
        }
        %rem3A_390 = arith.constant 2 : i32
        %rem3A_391 = arith.remui %scan3A_157, %rem3A_390 : i32
        %rem3A_392 = arith.constant 2 : i32
        %rem3A_393 = arith.remui %scan3A_158, %rem3A_392 : i32
        %run_scoped3A_394 = arith.constant 0 : i32
        "tpu.trace_start"() <{level = 10 : i32, message = "ep_run_kernel"}> : () -> ()
        "tpu.region"() ({
          %run_scoped3A_620 = tpu.sem_alloc : memref<!tpu.dma_semaphore, #tpu.memory_space<semaphore_mem>>
          %dma_start3A_621 = arith.constant 0 : i32
          %dma_start3A_622 = arith.constant 0 : i32
          %dma_start3A_623 = tpu.memref_slice %run_scoped3A_8[%rem3A_393, %dma_start3A_621, %dma_start3A_622] : memref<2x256x128xi32, #tpu.memory_space<vmem>> -> memref<1x256x128xi32, #tpu.memory_space<vmem>>
          %dma_start3A_624 = tpu.memref_squeeze %dma_start3A_623 : memref<1x256x128xi32, #tpu.memory_space<vmem>> -> memref<256x128xi32, #tpu.memory_space<vmem>>
          %dma_start3A_625 = arith.constant 0 : i32
          %dma_start3A_626 = arith.constant 0 : i32
          %dma_start3A_627 = tpu.memref_slice %run_scoped3A[%rem3A_391, %dma_start3A_625, %dma_start3A_626] : memref<2x1x256xi32, #tpu.memory_space<vmem>> -> memref<1x1x256xi32, #tpu.memory_space<vmem>>
          %dma_start3A_628 = tpu.memref_squeeze %dma_start3A_627 : memref<1x1x256xi32, #tpu.memory_space<vmem>> -> memref<1x256xi32, #tpu.memory_space<vmem>>
          %dma_start3A_629 = arith.constant 0 : i32
          %dma_start3A_630 = tpu.memref_slice %dma_start3A_628[%run_scoped3A_394, %dma_start3A_629] : memref<1x256xi32, #tpu.memory_space<vmem>> -> memref<1x256xi32, #tpu.memory_space<vmem>>
          %dma_start3A_631 = tpu.memref_squeeze %dma_start3A_630 : memref<1x256xi32, #tpu.memory_space<vmem>> -> memref<256xi32, #tpu.memory_space<vmem>>
          %dma_start3A_632 = arith.constant 0 : i32
          %dma_start3A_633 = arith.constant 0 : i32
          %dma_start3A_634 = tpu.memref_slice %arg2[%dma_start3A_632, %dma_start3A_633] : memref<20000x128xi32, #tpu.memory_space<hbm>> -> memref<20000x128xi32, #tpu.memory_space<hbm>>
          tpu.enqueue_indirect_dma source(%dma_start3A_634 : memref<20000x128xi32, #tpu.memory_space<hbm>>) target(%dma_start3A_624 : memref<256x128xi32, #tpu.memory_space<vmem>>) offsets(%dma_start3A_631 : memref<256xi32, #tpu.memory_space<vmem>>) semaphore(%run_scoped3A_620 : memref<!tpu.dma_semaphore, #tpu.memory_space<semaphore_mem>>)
          %dma_wait3A_635 = arith.constant 0 : i32
          %dma_wait3A_636 = arith.constant 0 : i32
          %dma_wait3A_637 = tpu.memref_slice %run_scoped3A_8[%rem3A_393, %dma_wait3A_635, %dma_wait3A_636] : memref<2x256x128xi32, #tpu.memory_space<vmem>> -> memref<1x256x128xi32, #tpu.memory_space<vmem>>
          %dma_wait3A_638 = tpu.memref_squeeze %dma_wait3A_637 : memref<1x256x128xi32, #tpu.memory_space<vmem>> -> memref<256x128xi32, #tpu.memory_space<vmem>>
          %dma_wait3A_639 = arith.constant 0 : i32
          %dma_wait3A_640 = arith.constant 0 : i32
          %dma_wait3A_641 = tpu.memref_slice %run_scoped3A[%rem3A_391, %dma_wait3A_639, %dma_wait3A_640] : memref<2x1x256xi32, #tpu.memory_space<vmem>> -> memref<1x1x256xi32, #tpu.memory_space<vmem>>
          %dma_wait3A_642 = tpu.memref_squeeze %dma_wait3A_641 : memref<1x1x256xi32, #tpu.memory_space<vmem>> -> memref<1x256xi32, #tpu.memory_space<vmem>>
          %dma_wait3A_643 = arith.constant 0 : i32
          %dma_wait3A_644 = tpu.memref_slice %dma_wait3A_642[%run_scoped3A_394, %dma_wait3A_643] : memref<1x256xi32, #tpu.memory_space<vmem>> -> memref<1x256xi32, #tpu.memory_space<vmem>>
          %dma_wait3A_645 = tpu.memref_squeeze %dma_wait3A_644 : memref<1x256xi32, #tpu.memory_space<vmem>> -> memref<256xi32, #tpu.memory_space<vmem>>
          %dma_wait3A_646 = arith.constant 0 : i32
          %dma_wait3A_647 = arith.constant 0 : i32
          %dma_wait3A_648 = tpu.memref_slice %arg2[%dma_wait3A_646, %dma_wait3A_647] : memref<20000x128xi32, #tpu.memory_space<hbm>> -> memref<20000x128xi32, #tpu.memory_space<hbm>>
          tpu.wait_indirect_dma semaphore(%run_scoped3A_620 : memref<!tpu.dma_semaphore, #tpu.memory_space<semaphore_mem>>) src(%dma_wait3A_648 : memref<20000x128xi32, #tpu.memory_space<hbm>>) dst(%dma_wait3A_638 : memref<256x128xi32, #tpu.memory_space<vmem>>)
          tpu.yield
        }) : () -> ()
        "tpu.trace_stop"() : () -> ()
        %ne3A_395 = arith.cmpi ne, %add3A_165, %add3A_183 : i32
        %or3A_396 = arith.constant false
        %or3A_397 = arith.ori %or3A_396, %ne3A_395 : i1
        %or3A_398 = arith.ori %or3A_397, %eq3A_164 : i1
        %convert_element_type3A_399 = arith.extui %or3A_398 : i1 to i32
        %cond3A_400 = arith.constant 0 : i32
        %cond3A_401 = arith.cmpi ne, %convert_element_type3A_399, %cond3A_400 : i32
        scf.if %cond3A_401 {
        } else {
        }
        %and3A_402 = arith.constant false
        %and3A_403 = arith.andi %or3A_398, %and3A_402 : i1
        %jit3A_404 = arith.constant 400 : i32
        %eq3A_405 = arith.constant 0 : i32
        %eq3A_406 = arith.cmpi eq, %jit3A_404, %eq3A_405 : i32
        %jit3A_407 = arith.constant 1 : i32
        %select_n3A_408 = arith.select %eq3A_406, %jit3A_407, %jit3A_404 : i32
        %rem3A_409 = arith.remsi %add3A_165, %select_n3A_408 : i32
        %ne3A_410 = arith.constant 0 : i32
        %ne3A_411 = arith.cmpi ne, %rem3A_409, %ne3A_410 : i32
        %lt3A_412 = arith.constant 0 : i32
        %lt3A_413 = arith.cmpi slt, %rem3A_409, %lt3A_412 : i32
        %lt3A_414 = arith.constant 0 : i32
        %lt3A_415 = arith.cmpi slt, %select_n3A_408, %lt3A_414 : i32
        %ne3A_416 = arith.xori %lt3A_413, %lt3A_415 : i1
        %and3A_417 = arith.andi %ne3A_416, %ne3A_411 : i1
        %add3A_418 = arith.addi %rem3A_409, %select_n3A_408 : i32
        %select_n3A_419 = arith.select %and3A_417, %add3A_418, %rem3A_409 : i32
        %jit3A_420 = arith.constant 400 : i32
        %div3A_421 = arith.divsi %add3A_165, %jit3A_420 : i32
        %sign3A_422 = arith.constant 0 : i32
        %sign3A_423 = arith.cmpi sgt, %add3A_165, %sign3A_422 : i32
        %sign3A_424 = arith.extui %sign3A_423 : i1 to i32
        %sign3A_425 = arith.constant 0 : i32
        %sign3A_426 = arith.cmpi slt, %add3A_165, %sign3A_425 : i32
        %sign3A_427 = arith.extui %sign3A_426 : i1 to i32
        %sign3A_428 = arith.subi %sign3A_424, %sign3A_427 : i32
        %sign3A_429 = arith.constant 0 : i32
        %sign3A_430 = arith.cmpi sgt, %jit3A_420, %sign3A_429 : i32
        %sign3A_431 = arith.extui %sign3A_430 : i1 to i32
        %sign3A_432 = arith.constant 0 : i32
        %sign3A_433 = arith.cmpi slt, %jit3A_420, %sign3A_432 : i32
        %sign3A_434 = arith.extui %sign3A_433 : i1 to i32
        %sign3A_435 = arith.subi %sign3A_431, %sign3A_434 : i32
        %ne3A_436 = arith.cmpi ne, %sign3A_428, %sign3A_435 : i32
        %rem3A_437 = arith.remsi %add3A_165, %jit3A_420 : i32
        %ne3A_438 = arith.constant 0 : i32
        %ne3A_439 = arith.cmpi ne, %rem3A_437, %ne3A_438 : i32
        %and3A_440 = arith.andi %ne3A_436, %ne3A_439 : i1
        %sub3A_441 = arith.constant 1 : i32
        %sub3A_442 = arith.subi %div3A_421, %sub3A_441 : i32
        %select_n3A_443 = arith.select %and3A_440, %sub3A_442, %div3A_421 : i32
        %jit3A_444 = arith.constant 400 : i32
        %eq3A_445 = arith.constant 0 : i32
        %eq3A_446 = arith.cmpi eq, %jit3A_444, %eq3A_445 : i32
        %jit3A_447 = arith.constant 1 : i32
        %select_n3A_448 = arith.select %eq3A_446, %jit3A_447, %jit3A_444 : i32
        %rem3A_449 = arith.remsi %add3A_183, %select_n3A_448 : i32
        %ne3A_450 = arith.constant 0 : i32
        %ne3A_451 = arith.cmpi ne, %rem3A_449, %ne3A_450 : i32
        %lt3A_452 = arith.constant 0 : i32
        %lt3A_453 = arith.cmpi slt, %rem3A_449, %lt3A_452 : i32
        %lt3A_454 = arith.constant 0 : i32
        %lt3A_455 = arith.cmpi slt, %select_n3A_448, %lt3A_454 : i32
        %ne3A_456 = arith.xori %lt3A_453, %lt3A_455 : i1
        %and3A_457 = arith.andi %ne3A_456, %ne3A_451 : i1
        %add3A_458 = arith.addi %rem3A_449, %select_n3A_448 : i32
        %select_n3A_459 = arith.select %and3A_457, %add3A_458, %rem3A_449 : i32
        %jit3A_460 = arith.constant 400 : i32
        %div3A_461 = arith.divsi %add3A_183, %jit3A_460 : i32
        %sign3A_462 = arith.constant 0 : i32
        %sign3A_463 = arith.cmpi sgt, %add3A_183, %sign3A_462 : i32
        %sign3A_464 = arith.extui %sign3A_463 : i1 to i32
        %sign3A_465 = arith.constant 0 : i32
        %sign3A_466 = arith.cmpi slt, %add3A_183, %sign3A_465 : i32
        %sign3A_467 = arith.extui %sign3A_466 : i1 to i32
        %sign3A_468 = arith.subi %sign3A_464, %sign3A_467 : i32
        %sign3A_469 = arith.constant 0 : i32
        %sign3A_470 = arith.cmpi sgt, %jit3A_460, %sign3A_469 : i32
        %sign3A_471 = arith.extui %sign3A_470 : i1 to i32
        %sign3A_472 = arith.constant 0 : i32
        %sign3A_473 = arith.cmpi slt, %jit3A_460, %sign3A_472 : i32
        %sign3A_474 = arith.extui %sign3A_473 : i1 to i32
        %sign3A_475 = arith.subi %sign3A_471, %sign3A_474 : i32
        %ne3A_476 = arith.cmpi ne, %sign3A_468, %sign3A_475 : i32
        %rem3A_477 = arith.remsi %add3A_183, %jit3A_460 : i32
        %ne3A_478 = arith.constant 0 : i32
        %ne3A_479 = arith.cmpi ne, %rem3A_477, %ne3A_478 : i32
        %and3A_480 = arith.andi %ne3A_476, %ne3A_479 : i1
        %sub3A_481 = arith.constant 1 : i32
        %sub3A_482 = arith.subi %div3A_461, %sub3A_481 : i32
        %select_n3A_483 = arith.select %and3A_480, %sub3A_482, %div3A_461 : i32
        %ne3A_484 = arith.cmpi ne, %select_n3A_419, %select_n3A_459 : i32
        %ne3A_485 = arith.cmpi ne, %select_n3A_443, %select_n3A_483 : i32
        %or3A_486 = arith.constant false
        %or3A_487 = arith.ori %or3A_486, %ne3A_484 : i1
        %or3A_488 = arith.ori %or3A_487, %ne3A_485 : i1
        %or3A_489 = arith.ori %or3A_488, %eq3A_164 : i1
        %convert_element_type3A_490 = arith.extui %or3A_489 : i1 to i32
        %cond3A_491 = arith.constant 0 : i32
        %cond3A_492 = arith.cmpi ne, %convert_element_type3A_490, %cond3A_491 : i32
        scf.if %cond3A_492 {
          "tpu.trace_start"() <{level = 10 : i32, message = "ep_copy_out"}> : () -> ()
          %rem3A_620 = arith.constant 2 : i32
          %rem3A_621 = arith.remui %scan3A_158, %rem3A_620 : i32
          %jit3A_622 = arith.constant 400 : i32
          %eq3A_623 = arith.constant 0 : i32
          %eq3A_624 = arith.cmpi eq, %jit3A_622, %eq3A_623 : i32
          %jit3A_625 = arith.constant 1 : i32
          %select_n3A_626 = arith.select %eq3A_624, %jit3A_625, %jit3A_622 : i32
          %rem3A_627 = arith.remsi %add3A_165, %select_n3A_626 : i32
          %ne3A_628 = arith.constant 0 : i32
          %ne3A_629 = arith.cmpi ne, %rem3A_627, %ne3A_628 : i32
          %lt3A_630 = arith.constant 0 : i32
          %lt3A_631 = arith.cmpi slt, %rem3A_627, %lt3A_630 : i32
          %lt3A_632 = arith.constant 0 : i32
          %lt3A_633 = arith.cmpi slt, %select_n3A_626, %lt3A_632 : i32
          %ne3A_634 = arith.xori %lt3A_631, %lt3A_633 : i1
          %and3A_635 = arith.andi %ne3A_634, %ne3A_629 : i1
          %add3A_636 = arith.addi %rem3A_627, %select_n3A_626 : i32
          %select_n3A_637 = arith.select %and3A_635, %add3A_636, %rem3A_627 : i32
          %jit3A_638 = arith.constant 400 : i32
          %div3A_639 = arith.divsi %add3A_165, %jit3A_638 : i32
          %sign3A_640 = arith.constant 0 : i32
          %sign3A_641 = arith.cmpi sgt, %add3A_165, %sign3A_640 : i32
          %sign3A_642 = arith.extui %sign3A_641 : i1 to i32
          %sign3A_643 = arith.constant 0 : i32
          %sign3A_644 = arith.cmpi slt, %add3A_165, %sign3A_643 : i32
          %sign3A_645 = arith.extui %sign3A_644 : i1 to i32
          %sign3A_646 = arith.subi %sign3A_642, %sign3A_645 : i32
          %sign3A_647 = arith.constant 0 : i32
          %sign3A_648 = arith.cmpi sgt, %jit3A_638, %sign3A_647 : i32
          %sign3A_649 = arith.extui %sign3A_648 : i1 to i32
          %sign3A_650 = arith.constant 0 : i32
          %sign3A_651 = arith.cmpi slt, %jit3A_638, %sign3A_650 : i32
          %sign3A_652 = arith.extui %sign3A_651 : i1 to i32
          %sign3A_653 = arith.subi %sign3A_649, %sign3A_652 : i32
          %ne3A_654 = arith.cmpi ne, %sign3A_646, %sign3A_653 : i32
          %rem3A_655 = arith.remsi %add3A_165, %jit3A_638 : i32
          %ne3A_656 = arith.constant 0 : i32
          %ne3A_657 = arith.cmpi ne, %rem3A_655, %ne3A_656 : i32
          %and3A_658 = arith.andi %ne3A_654, %ne3A_657 : i1
          %sub3A_659 = arith.constant 1 : i32
          %sub3A_660 = arith.subi %div3A_639, %sub3A_659 : i32
          %select_n3A_661 = arith.select %and3A_658, %sub3A_660, %div3A_639 : i32
          %mul3A_662 = arith.constant 256 : i32
          %mul3A_663 = arith.muli %mul3A_662, %select_n3A_637 : i32
          %mul3A_664 = arith.constant 128 : i32
          %mul3A_665 = arith.muli %mul3A_664, %select_n3A_661 : i32
          %dma_start3A_666 = arith.constant 0 : i32
          %dma_start3A_667 = arith.constant 0 : i32
          %dma_start3A_668 = tpu.memref_slice %run_scoped3A_8[%rem3A_621, %dma_start3A_666, %dma_start3A_667] : memref<2x256x128xi32, #tpu.memory_space<vmem>> -> memref<1x256x128xi32, #tpu.memory_space<vmem>>
          %dma_start3A_669 = tpu.memref_squeeze %dma_start3A_668 : memref<1x256x128xi32, #tpu.memory_space<vmem>> -> memref<256x128xi32, #tpu.memory_space<vmem>>
          %dma_start3A_670 = tpu.memref_slice %arg4[%mul3A_663, %mul3A_665] : memref<102400x256xi32, #tpu.memory_space<hbm>> -> memref<256x128xi32, #tpu.memory_space<hbm>>
          %dma_start3A_671 = tpu.memref_slice %run_scoped3A_9[%rem3A_621] : memref<2x!tpu.dma_semaphore, #tpu.memory_space<semaphore_mem>> -> memref<1x!tpu.dma_semaphore, #tpu.memory_space<semaphore_mem>>
          %dma_start3A_672 = tpu.memref_squeeze %dma_start3A_671 : memref<1x!tpu.dma_semaphore, #tpu.memory_space<semaphore_mem>> -> memref<!tpu.dma_semaphore, #tpu.memory_space<semaphore_mem>>
          %dma_start3A_673 = tpu.memref_slice %arg4[%mul3A_663, %mul3A_665] : memref<102400x256xi32, #tpu.memory_space<hbm>> -> memref<256x128xi32, #tpu.memory_space<hbm>>
          %dma_start3A_674 = arith.constant 0 : i32
          %dma_start3A_675 = arith.constant 0 : i32
          %dma_start3A_676 = tpu.memref_slice %run_scoped3A_8[%rem3A_621, %dma_start3A_674, %dma_start3A_675] : memref<2x256x128xi32, #tpu.memory_space<vmem>> -> memref<1x256x128xi32, #tpu.memory_space<vmem>>
          %dma_start3A_677 = tpu.memref_squeeze %dma_start3A_676 : memref<1x256x128xi32, #tpu.memory_space<vmem>> -> memref<256x128xi32, #tpu.memory_space<vmem>>
          tpu.enqueue_dma source(%dma_start3A_677 : memref<256x128xi32, #tpu.memory_space<vmem>>) target(%dma_start3A_673 : memref<256x128xi32, #tpu.memory_space<hbm>>) target_semaphore(%dma_start3A_672 : memref<!tpu.dma_semaphore, #tpu.memory_space<semaphore_mem>>)
          "tpu.trace_stop"() : () -> ()
        } else {
        }
        %and3A_493 = arith.constant true
        %and3A_494 = arith.andi %or3A_489, %and3A_493 : i1
        %add3A_495 = arith.constant 1 : i32
        %add3A_496 = arith.addi %scan3A_158, %add3A_495 : i32
        %select_n3A_497 = arith.select %and3A_494, %add3A_496, %scan3A_158 : i32
        %ne3A_498 = arith.cmpi ne, %add3A_165, %add3A_174 : i32
        %or3A_499 = arith.constant false
        %or3A_500 = arith.ori %or3A_499, %ne3A_498 : i1
        %not3A_501 = arith.constant true
        %not3A_502 = arith.xori %eq3A_162, %not3A_501 : i1
        %and3A_503 = arith.andi %or3A_500, %not3A_502 : i1
        %convert_element_type3A_504 = arith.extui %and3A_503 : i1 to i32
        %cond3A_505 = arith.constant 0 : i32
        %cond3A_506 = arith.cmpi ne, %convert_element_type3A_504, %cond3A_505 : i32
        scf.if %cond3A_506 {
        } else {
        }
        %and3A_507 = arith.constant false
        %and3A_508 = arith.andi %and3A_503, %and3A_507 : i1
        %jit3A_509 = arith.constant 400 : i32
        %eq3A_510 = arith.constant 0 : i32
        %eq3A_511 = arith.cmpi eq, %jit3A_509, %eq3A_510 : i32
        %jit3A_512 = arith.constant 1 : i32
        %select_n3A_513 = arith.select %eq3A_511, %jit3A_512, %jit3A_509 : i32
        %rem3A_514 = arith.remsi %add3A_165, %select_n3A_513 : i32
        %ne3A_515 = arith.constant 0 : i32
        %ne3A_516 = arith.cmpi ne, %rem3A_514, %ne3A_515 : i32
        %lt3A_517 = arith.constant 0 : i32
        %lt3A_518 = arith.cmpi slt, %rem3A_514, %lt3A_517 : i32
        %lt3A_519 = arith.constant 0 : i32
        %lt3A_520 = arith.cmpi slt, %select_n3A_513, %lt3A_519 : i32
        %ne3A_521 = arith.xori %lt3A_518, %lt3A_520 : i1
        %and3A_522 = arith.andi %ne3A_521, %ne3A_516 : i1
        %add3A_523 = arith.addi %rem3A_514, %select_n3A_513 : i32
        %select_n3A_524 = arith.select %and3A_522, %add3A_523, %rem3A_514 : i32
        %jit3A_525 = arith.constant 400 : i32
        %div3A_526 = arith.divsi %add3A_165, %jit3A_525 : i32
        %sign3A_527 = arith.constant 0 : i32
        %sign3A_528 = arith.cmpi sgt, %add3A_165, %sign3A_527 : i32
        %sign3A_529 = arith.extui %sign3A_528 : i1 to i32
        %sign3A_530 = arith.constant 0 : i32
        %sign3A_531 = arith.cmpi slt, %add3A_165, %sign3A_530 : i32
        %sign3A_532 = arith.extui %sign3A_531 : i1 to i32
        %sign3A_533 = arith.subi %sign3A_529, %sign3A_532 : i32
        %sign3A_534 = arith.constant 0 : i32
        %sign3A_535 = arith.cmpi sgt, %jit3A_525, %sign3A_534 : i32
        %sign3A_536 = arith.extui %sign3A_535 : i1 to i32
        %sign3A_537 = arith.constant 0 : i32
        %sign3A_538 = arith.cmpi slt, %jit3A_525, %sign3A_537 : i32
        %sign3A_539 = arith.extui %sign3A_538 : i1 to i32
        %sign3A_540 = arith.subi %sign3A_536, %sign3A_539 : i32
        %ne3A_541 = arith.cmpi ne, %sign3A_533, %sign3A_540 : i32
        %rem3A_542 = arith.remsi %add3A_165, %jit3A_525 : i32
        %ne3A_543 = arith.constant 0 : i32
        %ne3A_544 = arith.cmpi ne, %rem3A_542, %ne3A_543 : i32
        %and3A_545 = arith.andi %ne3A_541, %ne3A_544 : i1
        %sub3A_546 = arith.constant 1 : i32
        %sub3A_547 = arith.subi %div3A_526, %sub3A_546 : i32
        %select_n3A_548 = arith.select %and3A_545, %sub3A_547, %div3A_526 : i32
        %jit3A_549 = arith.constant 400 : i32
        %eq3A_550 = arith.constant 0 : i32
        %eq3A_551 = arith.cmpi eq, %jit3A_549, %eq3A_550 : i32
        %jit3A_552 = arith.constant 1 : i32
        %select_n3A_553 = arith.select %eq3A_551, %jit3A_552, %jit3A_549 : i32
        %rem3A_554 = arith.remsi %add3A_174, %select_n3A_553 : i32
        %ne3A_555 = arith.constant 0 : i32
        %ne3A_556 = arith.cmpi ne, %rem3A_554, %ne3A_555 : i32
        %lt3A_557 = arith.constant 0 : i32
        %lt3A_558 = arith.cmpi slt, %rem3A_554, %lt3A_557 : i32
        %lt3A_559 = arith.constant 0 : i32
        %lt3A_560 = arith.cmpi slt, %select_n3A_553, %lt3A_559 : i32
        %ne3A_561 = arith.xori %lt3A_558, %lt3A_560 : i1
        %and3A_562 = arith.andi %ne3A_561, %ne3A_556 : i1
        %add3A_563 = arith.addi %rem3A_554, %select_n3A_553 : i32
        %select_n3A_564 = arith.select %and3A_562, %add3A_563, %rem3A_554 : i32
        %jit3A_565 = arith.constant 400 : i32
        %div3A_566 = arith.divsi %add3A_174, %jit3A_565 : i32
        %sign3A_567 = arith.constant 0 : i32
        %sign3A_568 = arith.cmpi sgt, %add3A_174, %sign3A_567 : i32
        %sign3A_569 = arith.extui %sign3A_568 : i1 to i32
        %sign3A_570 = arith.constant 0 : i32
        %sign3A_571 = arith.cmpi slt, %add3A_174, %sign3A_570 : i32
        %sign3A_572 = arith.extui %sign3A_571 : i1 to i32
        %sign3A_573 = arith.subi %sign3A_569, %sign3A_572 : i32
        %sign3A_574 = arith.constant 0 : i32
        %sign3A_575 = arith.cmpi sgt, %jit3A_565, %sign3A_574 : i32
        %sign3A_576 = arith.extui %sign3A_575 : i1 to i32
        %sign3A_577 = arith.constant 0 : i32
        %sign3A_578 = arith.cmpi slt, %jit3A_565, %sign3A_577 : i32
        %sign3A_579 = arith.extui %sign3A_578 : i1 to i32
        %sign3A_580 = arith.subi %sign3A_576, %sign3A_579 : i32
        %ne3A_581 = arith.cmpi ne, %sign3A_573, %sign3A_580 : i32
        %rem3A_582 = arith.remsi %add3A_174, %jit3A_565 : i32
        %ne3A_583 = arith.constant 0 : i32
        %ne3A_584 = arith.cmpi ne, %rem3A_582, %ne3A_583 : i32
        %and3A_585 = arith.andi %ne3A_581, %ne3A_584 : i1
        %sub3A_586 = arith.constant 1 : i32
        %sub3A_587 = arith.subi %div3A_566, %sub3A_586 : i32
        %select_n3A_588 = arith.select %and3A_585, %sub3A_587, %div3A_566 : i32
        %ne3A_589 = arith.cmpi ne, %select_n3A_524, %select_n3A_564 : i32
        %ne3A_590 = arith.cmpi ne, %select_n3A_548, %select_n3A_588 : i32
        %or3A_591 = arith.constant false
        %or3A_592 = arith.ori %or3A_591, %ne3A_589 : i1
        %or3A_593 = arith.ori %or3A_592, %ne3A_590 : i1
        %not3A_594 = arith.constant true
        %not3A_595 = arith.xori %eq3A_162, %not3A_594 : i1
        %and3A_596 = arith.andi %or3A_593, %not3A_595 : i1
        %convert_element_type3A_597 = arith.extui %and3A_596 : i1 to i32
        %cond3A_598 = arith.constant 0 : i32
        %cond3A_599 = arith.cmpi ne, %convert_element_type3A_597, %cond3A_598 : i32
        scf.if %cond3A_599 {
          "tpu.trace_start"() <{level = 10 : i32, message = "ep_wait_out"}> : () -> ()
          %rem3A_620 = arith.constant 2 : i32
          %rem3A_621 = arith.remui %scan3A_159, %rem3A_620 : i32
          %jit3A_622 = arith.constant 400 : i32
          %eq3A_623 = arith.constant 0 : i32
          %eq3A_624 = arith.cmpi eq, %jit3A_622, %eq3A_623 : i32
          %jit3A_625 = arith.constant 1 : i32
          %select_n3A_626 = arith.select %eq3A_624, %jit3A_625, %jit3A_622 : i32
          %rem3A_627 = arith.remsi %add3A_174, %select_n3A_626 : i32
          %ne3A_628 = arith.constant 0 : i32
          %ne3A_629 = arith.cmpi ne, %rem3A_627, %ne3A_628 : i32
          %lt3A_630 = arith.constant 0 : i32
          %lt3A_631 = arith.cmpi slt, %rem3A_627, %lt3A_630 : i32
          %lt3A_632 = arith.constant 0 : i32
          %lt3A_633 = arith.cmpi slt, %select_n3A_626, %lt3A_632 : i32
          %ne3A_634 = arith.xori %lt3A_631, %lt3A_633 : i1
          %and3A_635 = arith.andi %ne3A_634, %ne3A_629 : i1
          %add3A_636 = arith.addi %rem3A_627, %select_n3A_626 : i32
          %select_n3A_637 = arith.select %and3A_635, %add3A_636, %rem3A_627 : i32
          %jit3A_638 = arith.constant 400 : i32
          %div3A_639 = arith.divsi %add3A_174, %jit3A_638 : i32
          %sign3A_640 = arith.constant 0 : i32
          %sign3A_641 = arith.cmpi sgt, %add3A_174, %sign3A_640 : i32
          %sign3A_642 = arith.extui %sign3A_641 : i1 to i32
          %sign3A_643 = arith.constant 0 : i32
          %sign3A_644 = arith.cmpi slt, %add3A_174, %sign3A_643 : i32
          %sign3A_645 = arith.extui %sign3A_644 : i1 to i32
          %sign3A_646 = arith.subi %sign3A_642, %sign3A_645 : i32
          %sign3A_647 = arith.constant 0 : i32
          %sign3A_648 = arith.cmpi sgt, %jit3A_638, %sign3A_647 : i32
          %sign3A_649 = arith.extui %sign3A_648 : i1 to i32
          %sign3A_650 = arith.constant 0 : i32
          %sign3A_651 = arith.cmpi slt, %jit3A_638, %sign3A_650 : i32
          %sign3A_652 = arith.extui %sign3A_651 : i1 to i32
          %sign3A_653 = arith.subi %sign3A_649, %sign3A_652 : i32
          %ne3A_654 = arith.cmpi ne, %sign3A_646, %sign3A_653 : i32
          %rem3A_655 = arith.remsi %add3A_174, %jit3A_638 : i32
          %ne3A_656 = arith.constant 0 : i32
          %ne3A_657 = arith.cmpi ne, %rem3A_655, %ne3A_656 : i32
          %and3A_658 = arith.andi %ne3A_654, %ne3A_657 : i1
          %sub3A_659 = arith.constant 1 : i32
          %sub3A_660 = arith.subi %div3A_639, %sub3A_659 : i32
          %select_n3A_661 = arith.select %and3A_658, %sub3A_660, %div3A_639 : i32
          %mul3A_662 = arith.constant 256 : i32
          %mul3A_663 = arith.muli %mul3A_662, %select_n3A_637 : i32
          %mul3A_664 = arith.constant 128 : i32
          %mul3A_665 = arith.muli %mul3A_664, %select_n3A_661 : i32
          %dma_wait3A_666 = arith.constant 0 : i32
          %dma_wait3A_667 = arith.constant 0 : i32
          %dma_wait3A_668 = tpu.memref_slice %run_scoped3A_8[%rem3A_621, %dma_wait3A_666, %dma_wait3A_667] : memref<2x256x128xi32, #tpu.memory_space<vmem>> -> memref<1x256x128xi32, #tpu.memory_space<vmem>>
          %dma_wait3A_669 = tpu.memref_squeeze %dma_wait3A_668 : memref<1x256x128xi32, #tpu.memory_space<vmem>> -> memref<256x128xi32, #tpu.memory_space<vmem>>
          %dma_wait3A_670 = tpu.memref_slice %arg4[%mul3A_663, %mul3A_665] : memref<102400x256xi32, #tpu.memory_space<hbm>> -> memref<256x128xi32, #tpu.memory_space<hbm>>
          %dma_wait3A_671 = tpu.memref_slice %run_scoped3A_9[%rem3A_621] : memref<2x!tpu.dma_semaphore, #tpu.memory_space<semaphore_mem>> -> memref<1x!tpu.dma_semaphore, #tpu.memory_space<semaphore_mem>>
          %dma_wait3A_672 = tpu.memref_squeeze %dma_wait3A_671 : memref<1x!tpu.dma_semaphore, #tpu.memory_space<semaphore_mem>> -> memref<!tpu.dma_semaphore, #tpu.memory_space<semaphore_mem>>
          %dma_wait3A_673 = tpu.memref_slice %arg4[%mul3A_663, %mul3A_665] : memref<102400x256xi32, #tpu.memory_space<hbm>> -> memref<256x128xi32, #tpu.memory_space<hbm>>
          %dma_wait3A_674 = arith.constant 0 : i32
          %dma_wait3A_675 = arith.constant 0 : i32
          %dma_wait3A_676 = tpu.memref_slice %run_scoped3A_8[%rem3A_621, %dma_wait3A_674, %dma_wait3A_675] : memref<2x256x128xi32, #tpu.memory_space<vmem>> -> memref<1x256x128xi32, #tpu.memory_space<vmem>>
          %dma_wait3A_677 = tpu.memref_squeeze %dma_wait3A_676 : memref<1x256x128xi32, #tpu.memory_space<vmem>> -> memref<256x128xi32, #tpu.memory_space<vmem>>
          tpu.wait_dma2 semaphore(%dma_wait3A_672 : memref<!tpu.dma_semaphore, #tpu.memory_space<semaphore_mem>>) src(%dma_wait3A_677 : memref<256x128xi32, #tpu.memory_space<vmem>>) dst(%dma_wait3A_673 : memref<256x128xi32, #tpu.memory_space<hbm>>)
          "tpu.trace_stop"() : () -> ()
        } else {
        }
        %and3A_600 = arith.constant true
        %and3A_601 = arith.andi %and3A_596, %and3A_600 : i1
        %add3A_602 = arith.constant 1 : i32
        %add3A_603 = arith.addi %scan3A_159, %add3A_602 : i32
        %select_n3A_604 = arith.select %and3A_601, %add3A_603, %scan3A_159 : i32
        %ne3A_605 = arith.cmpi ne, %add3A_165, %add3A_183 : i32
        %or3A_606 = arith.constant false
        %or3A_607 = arith.ori %or3A_606, %ne3A_605 : i1
        %or3A_608 = arith.ori %or3A_607, %eq3A_164 : i1
        %add3A_609 = arith.constant 1 : i32
        %add3A_610 = arith.addi %scan3A_157, %add3A_609 : i32
        %select_n3A_611 = arith.select %or3A_608, %add3A_610, %scan3A_157 : i32
        %add3A_612 = arith.constant 1 : i32
        %add3A_613 = arith.addi %scan3A_160, %add3A_612 : i32
        %select_n3A_614 = arith.constant true
        %select_n3A_615 = arith.select %select_n3A_614, %add3A_613, %scan3A_160 : i32
        %eq3A_616 = arith.constant 25 : i32
        %eq3A_617 = arith.cmpi eq, %select_n3A_615, %eq3A_616 : i32
        %select_n3A_618 = arith.constant 0 : i32
        %select_n3A_619 = arith.select %eq3A_617, %select_n3A_618, %select_n3A_615 : i32
        scf.yield %select_n3A_203, %select_n3A_611, %select_n3A_497, %select_n3A_604, %select_n3A_619 : i32, i32, i32, i32, i32
      }
      %scan3A_68 = arith.constant 25 : i32
      %sub3A = arith.constant 1 : i32
      %sub3A_69 = arith.subi %scan3A_67#4, %sub3A : i32
      %select_n3A_70 = arith.constant true
      %select_n3A_71 = arith.select %select_n3A_70, %sub3A_69, %scan3A_67#4 : i32
      %eq3A_72 = arith.constant -1 : i32
      %eq3A_73 = arith.cmpi eq, %select_n3A_71, %eq3A_72 : i32
      %select_n3A_74 = arith.constant 24 : i32
      %select_n3A_75 = arith.select %eq3A_73, %select_n3A_74, %select_n3A_71 : i32
      %add3A_76 = arith.addi %select_n3A_75, %mul3A_6 : i32
      %sub3A_77 = arith.constant 1 : i32
      %sub3A_78 = arith.subi %select_n3A_75, %sub3A_77 : i32
      %select_n3A_79 = arith.constant true
      %select_n3A_80 = arith.select %select_n3A_79, %sub3A_78, %select_n3A_75 : i32
      %eq3A_81 = arith.constant -1 : i32
      %eq3A_82 = arith.cmpi eq, %select_n3A_80, %eq3A_81 : i32
      %select_n3A_83 = arith.constant 24 : i32
      %select_n3A_84 = arith.select %eq3A_82, %select_n3A_83, %select_n3A_80 : i32
      %add3A_85 = arith.addi %select_n3A_84, %mul3A_6 : i32
      %add3A_86 = arith.constant 1 : i32
      %add3A_87 = arith.addi %select_n3A_75, %add3A_86 : i32
      %select_n3A_88 = arith.constant true
      %select_n3A_89 = arith.select %select_n3A_88, %add3A_87, %select_n3A_75 : i32
      %eq3A_90 = arith.constant 25 : i32
      %eq3A_91 = arith.cmpi eq, %select_n3A_89, %eq3A_90 : i32
      %select_n3A_92 = arith.constant 0 : i32
      %select_n3A_93 = arith.select %eq3A_91, %select_n3A_92, %select_n3A_89 : i32
      %add3A_94 = arith.addi %select_n3A_93, %mul3A_6 : i32
      %add3A_95 = arith.constant 1 : i32
      %add3A_96 = arith.addi %select_n3A_93, %add3A_95 : i32
      %select_n3A_97 = arith.constant true
      %select_n3A_98 = arith.select %select_n3A_97, %add3A_96, %select_n3A_93 : i32
      %eq3A_99 = arith.constant 25 : i32
      %eq3A_100 = arith.cmpi eq, %select_n3A_98, %eq3A_99 : i32
      %select_n3A_101 = arith.constant 0 : i32
      %select_n3A_102 = arith.select %eq3A_100, %select_n3A_101, %select_n3A_98 : i32
      %add3A_103 = arith.addi %select_n3A_102, %mul3A_6 : i32
      "tpu.trace_start"() <{level = 10 : i32, message = "ep_finalize"}> : () -> ()
      %rem3A_104 = arith.constant 2 : i32
      %rem3A_105 = arith.remui %scan3A_67#3, %rem3A_104 : i32
      %jit3A = arith.constant 400 : i32
      %eq3A_106 = arith.constant 0 : i32
      %eq3A_107 = arith.cmpi eq, %jit3A, %eq3A_106 : i32
      %jit3A_108 = arith.constant 1 : i32
      %select_n3A_109 = arith.select %eq3A_107, %jit3A_108, %jit3A : i32
      %rem3A_110 = arith.remsi %add3A_76, %select_n3A_109 : i32
      %ne3A = arith.constant 0 : i32
      %ne3A_111 = arith.cmpi ne, %rem3A_110, %ne3A : i32
      %lt3A = arith.constant 0 : i32
      %lt3A_112 = arith.cmpi slt, %rem3A_110, %lt3A : i32
      %lt3A_113 = arith.constant 0 : i32
      %lt3A_114 = arith.cmpi slt, %select_n3A_109, %lt3A_113 : i32
      %ne3A_115 = arith.xori %lt3A_112, %lt3A_114 : i1
      %and3A = arith.andi %ne3A_115, %ne3A_111 : i1
      %add3A_116 = arith.addi %rem3A_110, %select_n3A_109 : i32
      %select_n3A_117 = arith.select %and3A, %add3A_116, %rem3A_110 : i32
      %jit3A_118 = arith.constant 400 : i32
      %div3A = arith.divsi %add3A_76, %jit3A_118 : i32
      %sign3A = arith.constant 0 : i32
      %sign3A_119 = arith.cmpi sgt, %add3A_76, %sign3A : i32
      %sign3A_120 = arith.extui %sign3A_119 : i1 to i32
      %sign3A_121 = arith.constant 0 : i32
      %sign3A_122 = arith.cmpi slt, %add3A_76, %sign3A_121 : i32
      %sign3A_123 = arith.extui %sign3A_122 : i1 to i32
      %sign3A_124 = arith.subi %sign3A_120, %sign3A_123 : i32
      %sign3A_125 = arith.constant 0 : i32
      %sign3A_126 = arith.cmpi sgt, %jit3A_118, %sign3A_125 : i32
      %sign3A_127 = arith.extui %sign3A_126 : i1 to i32
      %sign3A_128 = arith.constant 0 : i32
      %sign3A_129 = arith.cmpi slt, %jit3A_118, %sign3A_128 : i32
      %sign3A_130 = arith.extui %sign3A_129 : i1 to i32
      %sign3A_131 = arith.subi %sign3A_127, %sign3A_130 : i32
      %ne3A_132 = arith.cmpi ne, %sign3A_124, %sign3A_131 : i32
      %rem3A_133 = arith.remsi %add3A_76, %jit3A_118 : i32
      %ne3A_134 = arith.constant 0 : i32
      %ne3A_135 = arith.cmpi ne, %rem3A_133, %ne3A_134 : i32
      %and3A_136 = arith.andi %ne3A_132, %ne3A_135 : i1
      %sub3A_137 = arith.constant 1 : i32
      %sub3A_138 = arith.subi %div3A, %sub3A_137 : i32
      %select_n3A_139 = arith.select %and3A_136, %sub3A_138, %div3A : i32
      %mul3A_140 = arith.constant 256 : i32
      %mul3A_141 = arith.muli %mul3A_140, %select_n3A_117 : i32
      %mul3A_142 = arith.constant 128 : i32
      %mul3A_143 = arith.muli %mul3A_142, %select_n3A_139 : i32
      %dma_wait3A = arith.constant 0 : i32
      %dma_wait3A_144 = arith.constant 0 : i32
      %dma_wait3A_145 = tpu.memref_slice %run_scoped3A_8[%rem3A_105, %dma_wait3A, %dma_wait3A_144] : memref<2x256x128xi32, #tpu.memory_space<vmem>> -> memref<1x256x128xi32, #tpu.memory_space<vmem>>
      %dma_wait3A_146 = tpu.memref_squeeze %dma_wait3A_145 : memref<1x256x128xi32, #tpu.memory_space<vmem>> -> memref<256x128xi32, #tpu.memory_space<vmem>>
      %dma_wait3A_147 = tpu.memref_slice %arg4[%mul3A_141, %mul3A_143] : memref<102400x256xi32, #tpu.memory_space<hbm>> -> memref<256x128xi32, #tpu.memory_space<hbm>>
      %dma_wait3A_148 = tpu.memref_slice %run_scoped3A_9[%rem3A_105] : memref<2x!tpu.dma_semaphore, #tpu.memory_space<semaphore_mem>> -> memref<1x!tpu.dma_semaphore, #tpu.memory_space<semaphore_mem>>
      %dma_wait3A_149 = tpu.memref_squeeze %dma_wait3A_148 : memref<1x!tpu.dma_semaphore, #tpu.memory_space<semaphore_mem>> -> memref<!tpu.dma_semaphore, #tpu.memory_space<semaphore_mem>>
      %dma_wait3A_150 = tpu.memref_slice %arg4[%mul3A_141, %mul3A_143] : memref<102400x256xi32, #tpu.memory_space<hbm>> -> memref<256x128xi32, #tpu.memory_space<hbm>>
      %dma_wait3A_151 = arith.constant 0 : i32
      %dma_wait3A_152 = arith.constant 0 : i32
      %dma_wait3A_153 = tpu.memref_slice %run_scoped3A_8[%rem3A_105, %dma_wait3A_151, %dma_wait3A_152] : memref<2x256x128xi32, #tpu.memory_space<vmem>> -> memref<1x256x128xi32, #tpu.memory_space<vmem>>
      %dma_wait3A_154 = tpu.memref_squeeze %dma_wait3A_153 : memref<1x256x128xi32, #tpu.memory_space<vmem>> -> memref<256x128xi32, #tpu.memory_space<vmem>>
      tpu.wait_dma2 semaphore(%dma_wait3A_149 : memref<!tpu.dma_semaphore, #tpu.memory_space<semaphore_mem>>) src(%dma_wait3A_154 : memref<256x128xi32, #tpu.memory_space<vmem>>) dst(%dma_wait3A_150 : memref<256x128xi32, #tpu.memory_space<hbm>>)
      "tpu.trace_stop"() : () -> ()
      tpu.yield
    }) : () -> ()
    return
  }
}

#map = affine_map<(d0, d1) -> (0, 0)>
module attributes {stable_mosaic.version = 14 : i64} {
  func.func @gather_kernel(%arg0: i32, %arg1: i32, %arg2: memref<20000x128xi32, #tpu.memory_space<hbm>>, %arg3: memref<1x25600xi32, #tpu.memory_space<hbm>>, %arg4: memref<12800x256xi32, #tpu.memory_space<hbm>>) attributes {dimension_semantics = [#tpu.dimension_semantics<core_parallel>, #tpu.dimension_semantics<subcore_parallel>], iteration_bounds = array<i64: 2, 16>, scalar_prefetch = 0 : i64, scratch_operands = 0 : i64, tpu.core_type = #tpu.core_type<sc_vector_subcore>, window_params = [{transform_indices = #map}, {transform_indices = #map}, {transform_indices = #map}]} {
    %mul3A = arith.constant 1 : i32
    %mul3A_0 = arith.muli %arg1, %mul3A : i32
    %add3A = arith.constant 0 : i32
    %add3A_1 = arith.addi %add3A, %mul3A_0 : i32
    %mul3A_2 = arith.constant 16 : i32
    %mul3A_3 = arith.muli %arg0, %mul3A_2 : i32
    %add3A_4 = arith.addi %add3A_1, %mul3A_3 : i32
    %lt3A = arith.constant 4 : i32
    %lt3A_5 = arith.cmpi slt, %add3A_4, %lt3A : i32
    %jit3A = arith.constant 4 : i32
    %jit3A_6 = arith.constant 3 : i32
    %select_n3A = arith.select %lt3A_5, %jit3A, %jit3A_6 : i32
    %lt3A_7 = arith.constant 4 : i32
    %lt3A_8 = arith.cmpi slt, %add3A_4, %lt3A_7 : i32
    %mul3A_9 = arith.muli %add3A_4, %select_n3A : i32
    %mul3A_10 = arith.constant 3 : i32
    %mul3A_11 = arith.muli %add3A_4, %mul3A_10 : i32
    %add3A_12 = arith.constant 4 : i32
    %add3A_13 = arith.addi %mul3A_11, %add3A_12 : i32
    %select_n3A_14 = arith.select %lt3A_8, %mul3A_9, %add3A_13 : i32
    %mul3A_15 = arith.constant 1 : i32
    %mul3A_16 = arith.muli %mul3A_15, %select_n3A : i32
    "tpu.region"() ({
      %run_scoped3A = memref.alloca() : memref<2x1x256xi32, #tpu.memory_space<vmem>>
      %run_scoped3A_17 = tpu.sem_alloc : memref<2x!tpu.dma_semaphore, #tpu.memory_space<semaphore_mem>>
      %run_scoped3A_18 = memref.alloca() : memref<2x256x128xi32, #tpu.memory_space<vmem>>
      %run_scoped3A_19 = tpu.sem_alloc : memref<2x!tpu.dma_semaphore, #tpu.memory_space<semaphore_mem>>
      %gt3A = arith.constant 0 : i32
      %gt3A_20 = arith.cmpi sgt, %mul3A_16, %gt3A : i32
      %convert_element_type3A = arith.extui %gt3A_20 : i1 to i32
      %cond3A = arith.constant 0 : i32
      %cond3A_21 = arith.cmpi ne, %convert_element_type3A, %cond3A : i32
      scf.if %cond3A_21 {
        %mul3A_22 = arith.constant 1 : i32
        %mul3A_23 = arith.muli %mul3A_22, %select_n3A : i32
        %sub3A = arith.constant 1 : i32
        %sub3A_24 = arith.subi %mul3A_23, %sub3A : i32
        %eq3A = arith.constant 0 : i32
        %eq3A_25 = arith.cmpi eq, %sub3A_24, %eq3A : i32
        %add3A_26 = arith.constant 0 : i32
        %add3A_27 = arith.addi %add3A_26, %select_n3A_14 : i32
        %select_n3A_28 = arith.constant true
        %select_n3A_29 = arith.constant 0 : i32
        %select_n3A_30 = arith.constant -1 : i32
        %select_n3A_31 = arith.select %select_n3A_28, %select_n3A_30, %select_n3A_29 : i32
        %eq3A_32 = arith.constant -1 : i32
        %eq3A_33 = arith.cmpi eq, %select_n3A_31, %eq3A_32 : i32
        %sub3A_34 = arith.constant 1 : i32
        %sub3A_35 = arith.subi %select_n3A, %sub3A_34 : i32
        %select_n3A_36 = arith.select %eq3A_33, %sub3A_35, %select_n3A_31 : i32
        %add3A_37 = arith.addi %select_n3A_36, %select_n3A_14 : i32
        %select_n3A_38 = arith.constant true
        %select_n3A_39 = arith.constant 0 : i32
        %select_n3A_40 = arith.constant 1 : i32
        %select_n3A_41 = arith.select %select_n3A_38, %select_n3A_40, %select_n3A_39 : i32
        %eq3A_42 = arith.cmpi eq, %select_n3A_41, %select_n3A : i32
        %select_n3A_43 = arith.constant 0 : i32
        %select_n3A_44 = arith.select %eq3A_42, %select_n3A_43, %select_n3A_41 : i32
        %add3A_45 = arith.addi %select_n3A_44, %select_n3A_14 : i32
        %add3A_46 = arith.constant 1 : i32
        %add3A_47 = arith.addi %select_n3A_44, %add3A_46 : i32
        %select_n3A_48 = arith.constant true
        %select_n3A_49 = arith.select %select_n3A_48, %add3A_47, %select_n3A_44 : i32
        %eq3A_50 = arith.cmpi eq, %select_n3A_49, %select_n3A : i32
        %select_n3A_51 = arith.constant 0 : i32
        %select_n3A_52 = arith.select %eq3A_50, %select_n3A_51, %select_n3A_49 : i32
        %add3A_53 = arith.addi %select_n3A_52, %select_n3A_14 : i32
        "tpu.trace_start"() <{level = 10 : i32, message = "ep_initialize_0"}> : () -> ()
        %rem3A = arith.constant 0 : i32
        %rem3A_54 = arith.constant 2 : i32
        %rem3A_55 = arith.remui %rem3A, %rem3A_54 : i32
        %mul3A_56 = arith.constant 256 : i32
        %mul3A_57 = arith.muli %mul3A_56, %add3A_27 : i32
        %dma_start3A = arith.constant 0 : i32
        %dma_start3A_58 = arith.constant 0 : i32
        %dma_start3A_59 = tpu.memref_slice %run_scoped3A[%rem3A_55, %dma_start3A, %dma_start3A_58] : memref<2x1x256xi32, #tpu.memory_space<vmem>> -> memref<1x1x256xi32, #tpu.memory_space<vmem>>
        %dma_start3A_60 = tpu.memref_squeeze %dma_start3A_59 : memref<1x1x256xi32, #tpu.memory_space<vmem>> -> memref<1x256xi32, #tpu.memory_space<vmem>>
        %dma_start3A_61 = arith.constant 0 : i32
        %dma_start3A_62 = tpu.memref_slice %arg3[%dma_start3A_61, %mul3A_57] : memref<1x25600xi32, #tpu.memory_space<hbm>> -> memref<1x256xi32, #tpu.memory_space<hbm>>
        %dma_start3A_63 = tpu.memref_slice %run_scoped3A_17[%rem3A_55] : memref<2x!tpu.dma_semaphore, #tpu.memory_space<semaphore_mem>> -> memref<1x!tpu.dma_semaphore, #tpu.memory_space<semaphore_mem>>
        %dma_start3A_64 = tpu.memref_squeeze %dma_start3A_63 : memref<1x!tpu.dma_semaphore, #tpu.memory_space<semaphore_mem>> -> memref<!tpu.dma_semaphore, #tpu.memory_space<semaphore_mem>>
        %dma_start3A_65 = arith.constant 0 : i32
        %dma_start3A_66 = arith.constant 0 : i32
        %dma_start3A_67 = tpu.memref_slice %run_scoped3A[%rem3A_55, %dma_start3A_65, %dma_start3A_66] : memref<2x1x256xi32, #tpu.memory_space<vmem>> -> memref<1x1x256xi32, #tpu.memory_space<vmem>>
        %dma_start3A_68 = tpu.memref_squeeze %dma_start3A_67 : memref<1x1x256xi32, #tpu.memory_space<vmem>> -> memref<1x256xi32, #tpu.memory_space<vmem>>
        %dma_start3A_69 = arith.constant 0 : i32
        %dma_start3A_70 = tpu.memref_slice %arg3[%dma_start3A_69, %mul3A_57] : memref<1x25600xi32, #tpu.memory_space<hbm>> -> memref<1x256xi32, #tpu.memory_space<hbm>>
        tpu.enqueue_dma source(%dma_start3A_70 : memref<1x256xi32, #tpu.memory_space<hbm>>) target(%dma_start3A_68 : memref<1x256xi32, #tpu.memory_space<vmem>>) target_semaphore(%dma_start3A_64 : memref<!tpu.dma_semaphore, #tpu.memory_space<semaphore_mem>>)
        %add3A_71 = arith.constant 0 : i32
        %add3A_72 = arith.constant 1 : i32
        %add3A_73 = arith.addi %add3A_71, %add3A_72 : i32
        %select_n3A_74 = arith.constant true
        %select_n3A_75 = arith.constant 0 : i32
        %select_n3A_76 = arith.select %select_n3A_74, %add3A_73, %select_n3A_75 : i32
        %while3A = arith.constant 0 : i32
        %while3A_77 = arith.constant 0 : i32
        %while3A_78 = arith.constant 0 : i32
        %while3A_79 = arith.constant 0 : i32
        %while3A_80 = arith.constant 0 : i32
        "tpu.trace_stop"() : () -> ()
        %while3A_81 = arith.subi %mul3A_16, %while3A : i32
        %while3A_82 = arith.addi %while3A, %while3A_81 : i32
        %while3A_83 = arith.constant 1 : i32
        %while3A_84 = arith.divsi %while3A_81, %while3A_83 : i32
        %while3A_85 = arith.muli %while3A_84, %while3A_83 : i32
        %while3A_86 = arith.addi %while3A, %while3A_85 : i32
        %while3A_87 = arith.constant 1 : i32
        %while3A_88:5 = scf.for %while3A_142 = %while3A to %while3A_86 step %while3A_87 iter_args(%while3A_143 = %select_n3A_76, %while3A_144 = %while3A_77, %while3A_145 = %while3A_78, %while3A_146 = %while3A_79, %while3A_147 = %while3A_80) -> (i32, i32, i32, i32, i32)  : i32 {
          %mul3A_148 = arith.constant 1 : i32
          %mul3A_149 = arith.muli %mul3A_148, %select_n3A : i32
          %eq3A_150 = arith.constant 0 : i32
          %eq3A_151 = arith.cmpi eq, %while3A_142, %eq3A_150 : i32
          %sub3A_152 = arith.constant 1 : i32
          %sub3A_153 = arith.subi %mul3A_149, %sub3A_152 : i32
          %eq3A_154 = arith.cmpi eq, %while3A_142, %sub3A_153 : i32
          %add3A_155 = arith.addi %while3A_147, %select_n3A_14 : i32
          %sub3A_156 = arith.constant 1 : i32
          %sub3A_157 = arith.subi %while3A_147, %sub3A_156 : i32
          %select_n3A_158 = arith.constant true
          %select_n3A_159 = arith.select %select_n3A_158, %sub3A_157, %while3A_147 : i32
          %eq3A_160 = arith.constant -1 : i32
          %eq3A_161 = arith.cmpi eq, %select_n3A_159, %eq3A_160 : i32
          %sub3A_162 = arith.constant 1 : i32
          %sub3A_163 = arith.subi %select_n3A, %sub3A_162 : i32
          %select_n3A_164 = arith.select %eq3A_161, %sub3A_163, %select_n3A_159 : i32
          %add3A_165 = arith.addi %select_n3A_164, %select_n3A_14 : i32
          %add3A_166 = arith.constant 1 : i32
          %add3A_167 = arith.addi %while3A_147, %add3A_166 : i32
          %select_n3A_168 = arith.constant true
          %select_n3A_169 = arith.select %select_n3A_168, %add3A_167, %while3A_147 : i32
          %eq3A_170 = arith.cmpi eq, %select_n3A_169, %select_n3A : i32
          %select_n3A_171 = arith.constant 0 : i32
          %select_n3A_172 = arith.select %eq3A_170, %select_n3A_171, %select_n3A_169 : i32
          %add3A_173 = arith.addi %select_n3A_172, %select_n3A_14 : i32
          %add3A_174 = arith.constant 1 : i32
          %add3A_175 = arith.addi %select_n3A_172, %add3A_174 : i32
          %select_n3A_176 = arith.constant true
          %select_n3A_177 = arith.select %select_n3A_176, %add3A_175, %select_n3A_172 : i32
          %eq3A_178 = arith.cmpi eq, %select_n3A_177, %select_n3A : i32
          %select_n3A_179 = arith.constant 0 : i32
          %select_n3A_180 = arith.select %eq3A_178, %select_n3A_179, %select_n3A_177 : i32
          %add3A_181 = arith.addi %select_n3A_180, %select_n3A_14 : i32
          %ne3A = arith.cmpi ne, %add3A_155, %add3A_173 : i32
          %or3A = arith.constant false
          %or3A_182 = arith.ori %or3A, %ne3A : i1
          %sub3A_183 = arith.constant 2 : i32
          %sub3A_184 = arith.subi %mul3A_149, %sub3A_183 : i32
          %add3A_185 = arith.constant 1 : i32
          %add3A_186 = arith.addi %sub3A_184, %add3A_185 : i32
          %ge3A = arith.cmpi sge, %while3A_142, %add3A_186 : i32
          %not3A = arith.constant true
          %not3A_187 = arith.xori %ge3A, %not3A : i1
          %and3A = arith.andi %or3A_182, %not3A_187 : i1
          %convert_element_type3A_188 = arith.extui %and3A : i1 to i32
          %cond3A_189 = arith.constant 0 : i32
          %cond3A_190 = arith.cmpi ne, %convert_element_type3A_188, %cond3A_189 : i32
          scf.if %cond3A_190 {
            "tpu.trace_start"() <{level = 10 : i32, message = "ep_copy_in"}> : () -> ()
            %rem3A_612 = arith.constant 2 : i32
            %rem3A_613 = arith.remui %while3A_143, %rem3A_612 : i32
            %mul3A_614 = arith.constant 256 : i32
            %mul3A_615 = arith.muli %mul3A_614, %add3A_173 : i32
            %dma_start3A_616 = arith.constant 0 : i32
            %dma_start3A_617 = arith.constant 0 : i32
            %dma_start3A_618 = tpu.memref_slice %run_scoped3A[%rem3A_613, %dma_start3A_616, %dma_start3A_617] : memref<2x1x256xi32, #tpu.memory_space<vmem>> -> memref<1x1x256xi32, #tpu.memory_space<vmem>>
            %dma_start3A_619 = tpu.memref_squeeze %dma_start3A_618 : memref<1x1x256xi32, #tpu.memory_space<vmem>> -> memref<1x256xi32, #tpu.memory_space<vmem>>
            %dma_start3A_620 = arith.constant 0 : i32
            %dma_start3A_621 = tpu.memref_slice %arg3[%dma_start3A_620, %mul3A_615] : memref<1x25600xi32, #tpu.memory_space<hbm>> -> memref<1x256xi32, #tpu.memory_space<hbm>>
            %dma_start3A_622 = tpu.memref_slice %run_scoped3A_17[%rem3A_613] : memref<2x!tpu.dma_semaphore, #tpu.memory_space<semaphore_mem>> -> memref<1x!tpu.dma_semaphore, #tpu.memory_space<semaphore_mem>>
            %dma_start3A_623 = tpu.memref_squeeze %dma_start3A_622 : memref<1x!tpu.dma_semaphore, #tpu.memory_space<semaphore_mem>> -> memref<!tpu.dma_semaphore, #tpu.memory_space<semaphore_mem>>
            %dma_start3A_624 = arith.constant 0 : i32
            %dma_start3A_625 = arith.constant 0 : i32
            %dma_start3A_626 = tpu.memref_slice %run_scoped3A[%rem3A_613, %dma_start3A_624, %dma_start3A_625] : memref<2x1x256xi32, #tpu.memory_space<vmem>> -> memref<1x1x256xi32, #tpu.memory_space<vmem>>
            %dma_start3A_627 = tpu.memref_squeeze %dma_start3A_626 : memref<1x1x256xi32, #tpu.memory_space<vmem>> -> memref<1x256xi32, #tpu.memory_space<vmem>>
            %dma_start3A_628 = arith.constant 0 : i32
            %dma_start3A_629 = tpu.memref_slice %arg3[%dma_start3A_628, %mul3A_615] : memref<1x25600xi32, #tpu.memory_space<hbm>> -> memref<1x256xi32, #tpu.memory_space<hbm>>
            tpu.enqueue_dma source(%dma_start3A_629 : memref<1x256xi32, #tpu.memory_space<hbm>>) target(%dma_start3A_627 : memref<1x256xi32, #tpu.memory_space<vmem>>) target_semaphore(%dma_start3A_623 : memref<!tpu.dma_semaphore, #tpu.memory_space<semaphore_mem>>)
            "tpu.trace_stop"() : () -> ()
          } else {
          }
          %and3A_191 = arith.constant true
          %and3A_192 = arith.andi %and3A, %and3A_191 : i1
          %add3A_193 = arith.constant 1 : i32
          %add3A_194 = arith.addi %while3A_143, %add3A_193 : i32
          %select_n3A_195 = arith.select %and3A_192, %add3A_194, %while3A_143 : i32
          %jit3A_196 = arith.constant 50 : i32
          %eq3A_197 = arith.constant 0 : i32
          %eq3A_198 = arith.cmpi eq, %jit3A_196, %eq3A_197 : i32
          %jit3A_199 = arith.constant 1 : i32
          %select_n3A_200 = arith.select %eq3A_198, %jit3A_199, %jit3A_196 : i32
          %rem3A_201 = arith.remsi %add3A_155, %select_n3A_200 : i32
          %ne3A_202 = arith.constant 0 : i32
          %ne3A_203 = arith.cmpi ne, %rem3A_201, %ne3A_202 : i32
          %lt3A_204 = arith.constant 0 : i32
          %lt3A_205 = arith.cmpi slt, %rem3A_201, %lt3A_204 : i32
          %lt3A_206 = arith.constant 0 : i32
          %lt3A_207 = arith.cmpi slt, %select_n3A_200, %lt3A_206 : i32
          %ne3A_208 = arith.xori %lt3A_205, %lt3A_207 : i1
          %and3A_209 = arith.andi %ne3A_208, %ne3A_203 : i1
          %add3A_210 = arith.addi %rem3A_201, %select_n3A_200 : i32
          %select_n3A_211 = arith.select %and3A_209, %add3A_210, %rem3A_201 : i32
          %jit3A_212 = arith.constant 50 : i32
          %div3A = arith.divsi %add3A_155, %jit3A_212 : i32
          %sign3A = arith.constant 0 : i32
          %sign3A_213 = arith.cmpi sgt, %add3A_155, %sign3A : i32
          %sign3A_214 = arith.extui %sign3A_213 : i1 to i32
          %sign3A_215 = arith.constant 0 : i32
          %sign3A_216 = arith.cmpi slt, %add3A_155, %sign3A_215 : i32
          %sign3A_217 = arith.extui %sign3A_216 : i1 to i32
          %sign3A_218 = arith.subi %sign3A_214, %sign3A_217 : i32
          %sign3A_219 = arith.constant 0 : i32
          %sign3A_220 = arith.cmpi sgt, %jit3A_212, %sign3A_219 : i32
          %sign3A_221 = arith.extui %sign3A_220 : i1 to i32
          %sign3A_222 = arith.constant 0 : i32
          %sign3A_223 = arith.cmpi slt, %jit3A_212, %sign3A_222 : i32
          %sign3A_224 = arith.extui %sign3A_223 : i1 to i32
          %sign3A_225 = arith.subi %sign3A_221, %sign3A_224 : i32
          %ne3A_226 = arith.cmpi ne, %sign3A_218, %sign3A_225 : i32
          %rem3A_227 = arith.remsi %add3A_155, %jit3A_212 : i32
          %ne3A_228 = arith.constant 0 : i32
          %ne3A_229 = arith.cmpi ne, %rem3A_227, %ne3A_228 : i32
          %and3A_230 = arith.andi %ne3A_226, %ne3A_229 : i1
          %sub3A_231 = arith.constant 1 : i32
          %sub3A_232 = arith.subi %div3A, %sub3A_231 : i32
          %select_n3A_233 = arith.select %and3A_230, %sub3A_232, %div3A : i32
          %jit3A_234 = arith.constant 50 : i32
          %eq3A_235 = arith.constant 0 : i32
          %eq3A_236 = arith.cmpi eq, %jit3A_234, %eq3A_235 : i32
          %jit3A_237 = arith.constant 1 : i32
          %select_n3A_238 = arith.select %eq3A_236, %jit3A_237, %jit3A_234 : i32
          %rem3A_239 = arith.remsi %add3A_173, %select_n3A_238 : i32
          %ne3A_240 = arith.constant 0 : i32
          %ne3A_241 = arith.cmpi ne, %rem3A_239, %ne3A_240 : i32
          %lt3A_242 = arith.constant 0 : i32
          %lt3A_243 = arith.cmpi slt, %rem3A_239, %lt3A_242 : i32
          %lt3A_244 = arith.constant 0 : i32
          %lt3A_245 = arith.cmpi slt, %select_n3A_238, %lt3A_244 : i32
          %ne3A_246 = arith.xori %lt3A_243, %lt3A_245 : i1
          %and3A_247 = arith.andi %ne3A_246, %ne3A_241 : i1
          %add3A_248 = arith.addi %rem3A_239, %select_n3A_238 : i32
          %select_n3A_249 = arith.select %and3A_247, %add3A_248, %rem3A_239 : i32
          %jit3A_250 = arith.constant 50 : i32
          %div3A_251 = arith.divsi %add3A_173, %jit3A_250 : i32
          %sign3A_252 = arith.constant 0 : i32
          %sign3A_253 = arith.cmpi sgt, %add3A_173, %sign3A_252 : i32
          %sign3A_254 = arith.extui %sign3A_253 : i1 to i32
          %sign3A_255 = arith.constant 0 : i32
          %sign3A_256 = arith.cmpi slt, %add3A_173, %sign3A_255 : i32
          %sign3A_257 = arith.extui %sign3A_256 : i1 to i32
          %sign3A_258 = arith.subi %sign3A_254, %sign3A_257 : i32
          %sign3A_259 = arith.constant 0 : i32
          %sign3A_260 = arith.cmpi sgt, %jit3A_250, %sign3A_259 : i32
          %sign3A_261 = arith.extui %sign3A_260 : i1 to i32
          %sign3A_262 = arith.constant 0 : i32
          %sign3A_263 = arith.cmpi slt, %jit3A_250, %sign3A_262 : i32
          %sign3A_264 = arith.extui %sign3A_263 : i1 to i32
          %sign3A_265 = arith.subi %sign3A_261, %sign3A_264 : i32
          %ne3A_266 = arith.cmpi ne, %sign3A_258, %sign3A_265 : i32
          %rem3A_267 = arith.remsi %add3A_173, %jit3A_250 : i32
          %ne3A_268 = arith.constant 0 : i32
          %ne3A_269 = arith.cmpi ne, %rem3A_267, %ne3A_268 : i32
          %and3A_270 = arith.andi %ne3A_266, %ne3A_269 : i1
          %sub3A_271 = arith.constant 1 : i32
          %sub3A_272 = arith.subi %div3A_251, %sub3A_271 : i32
          %select_n3A_273 = arith.select %and3A_270, %sub3A_272, %div3A_251 : i32
          %ne3A_274 = arith.cmpi ne, %select_n3A_211, %select_n3A_249 : i32
          %ne3A_275 = arith.cmpi ne, %select_n3A_233, %select_n3A_273 : i32
          %or3A_276 = arith.constant false
          %or3A_277 = arith.ori %or3A_276, %ne3A_274 : i1
          %or3A_278 = arith.ori %or3A_277, %ne3A_275 : i1
          %sub3A_279 = arith.constant 2 : i32
          %sub3A_280 = arith.subi %mul3A_149, %sub3A_279 : i32
          %add3A_281 = arith.constant 1 : i32
          %add3A_282 = arith.addi %sub3A_280, %add3A_281 : i32
          %ge3A_283 = arith.cmpi sge, %while3A_142, %add3A_282 : i32
          %not3A_284 = arith.constant true
          %not3A_285 = arith.xori %ge3A_283, %not3A_284 : i1
          %and3A_286 = arith.andi %or3A_278, %not3A_285 : i1
          %ne3A_287 = arith.cmpi ne, %add3A_155, %add3A_165 : i32
          %or3A_288 = arith.constant false
          %or3A_289 = arith.ori %or3A_288, %ne3A_287 : i1
          %or3A_290 = arith.ori %or3A_289, %eq3A_151 : i1
          %convert_element_type3A_291 = arith.extui %or3A_290 : i1 to i32
          %cond3A_292 = arith.constant 0 : i32
          %cond3A_293 = arith.cmpi ne, %convert_element_type3A_291, %cond3A_292 : i32
          scf.if %cond3A_293 {
            "tpu.trace_start"() <{level = 10 : i32, message = "ep_wait_in"}> : () -> ()
            %mul3A_612 = arith.constant 256 : i32
            %mul3A_613 = arith.muli %mul3A_612, %add3A_155 : i32
            %rem3A_614 = arith.constant 2 : i32
            %rem3A_615 = arith.remui %while3A_144, %rem3A_614 : i32
            %dma_wait3A = arith.constant 0 : i32
            %dma_wait3A_616 = arith.constant 0 : i32
            %dma_wait3A_617 = tpu.memref_slice %run_scoped3A[%rem3A_615, %dma_wait3A, %dma_wait3A_616] : memref<2x1x256xi32, #tpu.memory_space<vmem>> -> memref<1x1x256xi32, #tpu.memory_space<vmem>>
            %dma_wait3A_618 = tpu.memref_squeeze %dma_wait3A_617 : memref<1x1x256xi32, #tpu.memory_space<vmem>> -> memref<1x256xi32, #tpu.memory_space<vmem>>
            %dma_wait3A_619 = arith.constant 0 : i32
            %dma_wait3A_620 = tpu.memref_slice %arg3[%dma_wait3A_619, %mul3A_613] : memref<1x25600xi32, #tpu.memory_space<hbm>> -> memref<1x256xi32, #tpu.memory_space<hbm>>
            %dma_wait3A_621 = tpu.memref_slice %run_scoped3A_17[%rem3A_615] : memref<2x!tpu.dma_semaphore, #tpu.memory_space<semaphore_mem>> -> memref<1x!tpu.dma_semaphore, #tpu.memory_space<semaphore_mem>>
            %dma_wait3A_622 = tpu.memref_squeeze %dma_wait3A_621 : memref<1x!tpu.dma_semaphore, #tpu.memory_space<semaphore_mem>> -> memref<!tpu.dma_semaphore, #tpu.memory_space<semaphore_mem>>
            %dma_wait3A_623 = arith.constant 0 : i32
            %dma_wait3A_624 = arith.constant 0 : i32
            %dma_wait3A_625 = tpu.memref_slice %run_scoped3A[%rem3A_615, %dma_wait3A_623, %dma_wait3A_624] : memref<2x1x256xi32, #tpu.memory_space<vmem>> -> memref<1x1x256xi32, #tpu.memory_space<vmem>>
            %dma_wait3A_626 = tpu.memref_squeeze %dma_wait3A_625 : memref<1x1x256xi32, #tpu.memory_space<vmem>> -> memref<1x256xi32, #tpu.memory_space<vmem>>
            %dma_wait3A_627 = arith.constant 0 : i32
            %dma_wait3A_628 = tpu.memref_slice %arg3[%dma_wait3A_627, %mul3A_613] : memref<1x25600xi32, #tpu.memory_space<hbm>> -> memref<1x256xi32, #tpu.memory_space<hbm>>
            tpu.wait_dma2 semaphore(%dma_wait3A_622 : memref<!tpu.dma_semaphore, #tpu.memory_space<semaphore_mem>>) src(%dma_wait3A_628 : memref<1x256xi32, #tpu.memory_space<hbm>>) dst(%dma_wait3A_626 : memref<1x256xi32, #tpu.memory_space<vmem>>)
            "tpu.trace_stop"() : () -> ()
          } else {
          }
          %jit3A_294 = arith.constant 50 : i32
          %eq3A_295 = arith.constant 0 : i32
          %eq3A_296 = arith.cmpi eq, %jit3A_294, %eq3A_295 : i32
          %jit3A_297 = arith.constant 1 : i32
          %select_n3A_298 = arith.select %eq3A_296, %jit3A_297, %jit3A_294 : i32
          %rem3A_299 = arith.remsi %add3A_155, %select_n3A_298 : i32
          %ne3A_300 = arith.constant 0 : i32
          %ne3A_301 = arith.cmpi ne, %rem3A_299, %ne3A_300 : i32
          %lt3A_302 = arith.constant 0 : i32
          %lt3A_303 = arith.cmpi slt, %rem3A_299, %lt3A_302 : i32
          %lt3A_304 = arith.constant 0 : i32
          %lt3A_305 = arith.cmpi slt, %select_n3A_298, %lt3A_304 : i32
          %ne3A_306 = arith.xori %lt3A_303, %lt3A_305 : i1
          %and3A_307 = arith.andi %ne3A_306, %ne3A_301 : i1
          %add3A_308 = arith.addi %rem3A_299, %select_n3A_298 : i32
          %select_n3A_309 = arith.select %and3A_307, %add3A_308, %rem3A_299 : i32
          %jit3A_310 = arith.constant 50 : i32
          %div3A_311 = arith.divsi %add3A_155, %jit3A_310 : i32
          %sign3A_312 = arith.constant 0 : i32
          %sign3A_313 = arith.cmpi sgt, %add3A_155, %sign3A_312 : i32
          %sign3A_314 = arith.extui %sign3A_313 : i1 to i32
          %sign3A_315 = arith.constant 0 : i32
          %sign3A_316 = arith.cmpi slt, %add3A_155, %sign3A_315 : i32
          %sign3A_317 = arith.extui %sign3A_316 : i1 to i32
          %sign3A_318 = arith.subi %sign3A_314, %sign3A_317 : i32
          %sign3A_319 = arith.constant 0 : i32
          %sign3A_320 = arith.cmpi sgt, %jit3A_310, %sign3A_319 : i32
          %sign3A_321 = arith.extui %sign3A_320 : i1 to i32
          %sign3A_322 = arith.constant 0 : i32
          %sign3A_323 = arith.cmpi slt, %jit3A_310, %sign3A_322 : i32
          %sign3A_324 = arith.extui %sign3A_323 : i1 to i32
          %sign3A_325 = arith.subi %sign3A_321, %sign3A_324 : i32
          %ne3A_326 = arith.cmpi ne, %sign3A_318, %sign3A_325 : i32
          %rem3A_327 = arith.remsi %add3A_155, %jit3A_310 : i32
          %ne3A_328 = arith.constant 0 : i32
          %ne3A_329 = arith.cmpi ne, %rem3A_327, %ne3A_328 : i32
          %and3A_330 = arith.andi %ne3A_326, %ne3A_329 : i1
          %sub3A_331 = arith.constant 1 : i32
          %sub3A_332 = arith.subi %div3A_311, %sub3A_331 : i32
          %select_n3A_333 = arith.select %and3A_330, %sub3A_332, %div3A_311 : i32
          %jit3A_334 = arith.constant 50 : i32
          %eq3A_335 = arith.constant 0 : i32
          %eq3A_336 = arith.cmpi eq, %jit3A_334, %eq3A_335 : i32
          %jit3A_337 = arith.constant 1 : i32
          %select_n3A_338 = arith.select %eq3A_336, %jit3A_337, %jit3A_334 : i32
          %rem3A_339 = arith.remsi %add3A_165, %select_n3A_338 : i32
          %ne3A_340 = arith.constant 0 : i32
          %ne3A_341 = arith.cmpi ne, %rem3A_339, %ne3A_340 : i32
          %lt3A_342 = arith.constant 0 : i32
          %lt3A_343 = arith.cmpi slt, %rem3A_339, %lt3A_342 : i32
          %lt3A_344 = arith.constant 0 : i32
          %lt3A_345 = arith.cmpi slt, %select_n3A_338, %lt3A_344 : i32
          %ne3A_346 = arith.xori %lt3A_343, %lt3A_345 : i1
          %and3A_347 = arith.andi %ne3A_346, %ne3A_341 : i1
          %add3A_348 = arith.addi %rem3A_339, %select_n3A_338 : i32
          %select_n3A_349 = arith.select %and3A_347, %add3A_348, %rem3A_339 : i32
          %jit3A_350 = arith.constant 50 : i32
          %div3A_351 = arith.divsi %add3A_165, %jit3A_350 : i32
          %sign3A_352 = arith.constant 0 : i32
          %sign3A_353 = arith.cmpi sgt, %add3A_165, %sign3A_352 : i32
          %sign3A_354 = arith.extui %sign3A_353 : i1 to i32
          %sign3A_355 = arith.constant 0 : i32
          %sign3A_356 = arith.cmpi slt, %add3A_165, %sign3A_355 : i32
          %sign3A_357 = arith.extui %sign3A_356 : i1 to i32
          %sign3A_358 = arith.subi %sign3A_354, %sign3A_357 : i32
          %sign3A_359 = arith.constant 0 : i32
          %sign3A_360 = arith.cmpi sgt, %jit3A_350, %sign3A_359 : i32
          %sign3A_361 = arith.extui %sign3A_360 : i1 to i32
          %sign3A_362 = arith.constant 0 : i32
          %sign3A_363 = arith.cmpi slt, %jit3A_350, %sign3A_362 : i32
          %sign3A_364 = arith.extui %sign3A_363 : i1 to i32
          %sign3A_365 = arith.subi %sign3A_361, %sign3A_364 : i32
          %ne3A_366 = arith.cmpi ne, %sign3A_358, %sign3A_365 : i32
          %rem3A_367 = arith.remsi %add3A_165, %jit3A_350 : i32
          %ne3A_368 = arith.constant 0 : i32
          %ne3A_369 = arith.cmpi ne, %rem3A_367, %ne3A_368 : i32
          %and3A_370 = arith.andi %ne3A_366, %ne3A_369 : i1
          %sub3A_371 = arith.constant 1 : i32
          %sub3A_372 = arith.subi %div3A_351, %sub3A_371 : i32
          %select_n3A_373 = arith.select %and3A_370, %sub3A_372, %div3A_351 : i32
          %ne3A_374 = arith.cmpi ne, %select_n3A_309, %select_n3A_349 : i32
          %ne3A_375 = arith.cmpi ne, %select_n3A_333, %select_n3A_373 : i32
          %or3A_376 = arith.constant false
          %or3A_377 = arith.ori %or3A_376, %ne3A_374 : i1
          %or3A_378 = arith.ori %or3A_377, %ne3A_375 : i1
          %or3A_379 = arith.ori %or3A_378, %eq3A_151 : i1
          %convert_element_type3A_380 = arith.extui %or3A_379 : i1 to i32
          %cond3A_381 = arith.constant 0 : i32
          %cond3A_382 = arith.cmpi ne, %convert_element_type3A_380, %cond3A_381 : i32
          scf.if %cond3A_382 {
          } else {
          }
          %rem3A_383 = arith.constant 2 : i32
          %rem3A_384 = arith.remui %while3A_144, %rem3A_383 : i32
          %rem3A_385 = arith.constant 2 : i32
          %rem3A_386 = arith.remui %while3A_145, %rem3A_385 : i32
          %run_scoped3A_387 = arith.constant 0 : i32
          "tpu.trace_start"() <{level = 10 : i32, message = "ep_run_kernel"}> : () -> ()
          "tpu.region"() ({
            %run_scoped3A_612 = tpu.sem_alloc : memref<!tpu.dma_semaphore, #tpu.memory_space<semaphore_mem>>
            %dma_start3A_613 = arith.constant 0 : i32
            %dma_start3A_614 = arith.constant 0 : i32
            %dma_start3A_615 = tpu.memref_slice %run_scoped3A_18[%rem3A_386, %dma_start3A_613, %dma_start3A_614] : memref<2x256x128xi32, #tpu.memory_space<vmem>> -> memref<1x256x128xi32, #tpu.memory_space<vmem>>
            %dma_start3A_616 = tpu.memref_squeeze %dma_start3A_615 : memref<1x256x128xi32, #tpu.memory_space<vmem>> -> memref<256x128xi32, #tpu.memory_space<vmem>>
            %dma_start3A_617 = arith.constant 0 : i32
            %dma_start3A_618 = arith.constant 0 : i32
            %dma_start3A_619 = tpu.memref_slice %run_scoped3A[%rem3A_384, %dma_start3A_617, %dma_start3A_618] : memref<2x1x256xi32, #tpu.memory_space<vmem>> -> memref<1x1x256xi32, #tpu.memory_space<vmem>>
            %dma_start3A_620 = tpu.memref_squeeze %dma_start3A_619 : memref<1x1x256xi32, #tpu.memory_space<vmem>> -> memref<1x256xi32, #tpu.memory_space<vmem>>
            %dma_start3A_621 = arith.constant 0 : i32
            %dma_start3A_622 = tpu.memref_slice %dma_start3A_620[%run_scoped3A_387, %dma_start3A_621] : memref<1x256xi32, #tpu.memory_space<vmem>> -> memref<1x256xi32, #tpu.memory_space<vmem>>
            %dma_start3A_623 = tpu.memref_squeeze %dma_start3A_622 : memref<1x256xi32, #tpu.memory_space<vmem>> -> memref<256xi32, #tpu.memory_space<vmem>>
            %dma_start3A_624 = arith.constant 0 : i32
            %dma_start3A_625 = arith.constant 0 : i32
            %dma_start3A_626 = tpu.memref_slice %arg2[%dma_start3A_624, %dma_start3A_625] : memref<20000x128xi32, #tpu.memory_space<hbm>> -> memref<20000x128xi32, #tpu.memory_space<hbm>>
            tpu.enqueue_indirect_dma source(%dma_start3A_626 : memref<20000x128xi32, #tpu.memory_space<hbm>>) target(%dma_start3A_616 : memref<256x128xi32, #tpu.memory_space<vmem>>) offsets(%dma_start3A_623 : memref<256xi32, #tpu.memory_space<vmem>>) semaphore(%run_scoped3A_612 : memref<!tpu.dma_semaphore, #tpu.memory_space<semaphore_mem>>)
            %dma_wait3A = arith.constant 0 : i32
            %dma_wait3A_627 = arith.constant 0 : i32
            %dma_wait3A_628 = tpu.memref_slice %run_scoped3A_18[%rem3A_386, %dma_wait3A, %dma_wait3A_627] : memref<2x256x128xi32, #tpu.memory_space<vmem>> -> memref<1x256x128xi32, #tpu.memory_space<vmem>>
            %dma_wait3A_629 = tpu.memref_squeeze %dma_wait3A_628 : memref<1x256x128xi32, #tpu.memory_space<vmem>> -> memref<256x128xi32, #tpu.memory_space<vmem>>
            %dma_wait3A_630 = arith.constant 0 : i32
            %dma_wait3A_631 = arith.constant 0 : i32
            %dma_wait3A_632 = tpu.memref_slice %run_scoped3A[%rem3A_384, %dma_wait3A_630, %dma_wait3A_631] : memref<2x1x256xi32, #tpu.memory_space<vmem>> -> memref<1x1x256xi32, #tpu.memory_space<vmem>>
            %dma_wait3A_633 = tpu.memref_squeeze %dma_wait3A_632 : memref<1x1x256xi32, #tpu.memory_space<vmem>> -> memref<1x256xi32, #tpu.memory_space<vmem>>
            %dma_wait3A_634 = arith.constant 0 : i32
            %dma_wait3A_635 = tpu.memref_slice %dma_wait3A_633[%run_scoped3A_387, %dma_wait3A_634] : memref<1x256xi32, #tpu.memory_space<vmem>> -> memref<1x256xi32, #tpu.memory_space<vmem>>
            %dma_wait3A_636 = tpu.memref_squeeze %dma_wait3A_635 : memref<1x256xi32, #tpu.memory_space<vmem>> -> memref<256xi32, #tpu.memory_space<vmem>>
            %dma_wait3A_637 = arith.constant 0 : i32
            %dma_wait3A_638 = arith.constant 0 : i32
            %dma_wait3A_639 = tpu.memref_slice %arg2[%dma_wait3A_637, %dma_wait3A_638] : memref<20000x128xi32, #tpu.memory_space<hbm>> -> memref<20000x128xi32, #tpu.memory_space<hbm>>
            tpu.wait_indirect_dma semaphore(%run_scoped3A_612 : memref<!tpu.dma_semaphore, #tpu.memory_space<semaphore_mem>>) src(%dma_wait3A_639 : memref<20000x128xi32, #tpu.memory_space<hbm>>) dst(%dma_wait3A_629 : memref<256x128xi32, #tpu.memory_space<vmem>>)
            tpu.yield
          }) : () -> ()
          "tpu.trace_stop"() : () -> ()
          %ne3A_388 = arith.cmpi ne, %add3A_155, %add3A_173 : i32
          %or3A_389 = arith.constant false
          %or3A_390 = arith.ori %or3A_389, %ne3A_388 : i1
          %or3A_391 = arith.ori %or3A_390, %eq3A_154 : i1
          %convert_element_type3A_392 = arith.extui %or3A_391 : i1 to i32
          %cond3A_393 = arith.constant 0 : i32
          %cond3A_394 = arith.cmpi ne, %convert_element_type3A_392, %cond3A_393 : i32
          scf.if %cond3A_394 {
          } else {
          }
          %and3A_395 = arith.constant false
          %and3A_396 = arith.andi %or3A_391, %and3A_395 : i1
          %jit3A_397 = arith.constant 50 : i32
          %eq3A_398 = arith.constant 0 : i32
          %eq3A_399 = arith.cmpi eq, %jit3A_397, %eq3A_398 : i32
          %jit3A_400 = arith.constant 1 : i32
          %select_n3A_401 = arith.select %eq3A_399, %jit3A_400, %jit3A_397 : i32
          %rem3A_402 = arith.remsi %add3A_155, %select_n3A_401 : i32
          %ne3A_403 = arith.constant 0 : i32
          %ne3A_404 = arith.cmpi ne, %rem3A_402, %ne3A_403 : i32
          %lt3A_405 = arith.constant 0 : i32
          %lt3A_406 = arith.cmpi slt, %rem3A_402, %lt3A_405 : i32
          %lt3A_407 = arith.constant 0 : i32
          %lt3A_408 = arith.cmpi slt, %select_n3A_401, %lt3A_407 : i32
          %ne3A_409 = arith.xori %lt3A_406, %lt3A_408 : i1
          %and3A_410 = arith.andi %ne3A_409, %ne3A_404 : i1
          %add3A_411 = arith.addi %rem3A_402, %select_n3A_401 : i32
          %select_n3A_412 = arith.select %and3A_410, %add3A_411, %rem3A_402 : i32
          %jit3A_413 = arith.constant 50 : i32
          %div3A_414 = arith.divsi %add3A_155, %jit3A_413 : i32
          %sign3A_415 = arith.constant 0 : i32
          %sign3A_416 = arith.cmpi sgt, %add3A_155, %sign3A_415 : i32
          %sign3A_417 = arith.extui %sign3A_416 : i1 to i32
          %sign3A_418 = arith.constant 0 : i32
          %sign3A_419 = arith.cmpi slt, %add3A_155, %sign3A_418 : i32
          %sign3A_420 = arith.extui %sign3A_419 : i1 to i32
          %sign3A_421 = arith.subi %sign3A_417, %sign3A_420 : i32
          %sign3A_422 = arith.constant 0 : i32
          %sign3A_423 = arith.cmpi sgt, %jit3A_413, %sign3A_422 : i32
          %sign3A_424 = arith.extui %sign3A_423 : i1 to i32
          %sign3A_425 = arith.constant 0 : i32
          %sign3A_426 = arith.cmpi slt, %jit3A_413, %sign3A_425 : i32
          %sign3A_427 = arith.extui %sign3A_426 : i1 to i32
          %sign3A_428 = arith.subi %sign3A_424, %sign3A_427 : i32
          %ne3A_429 = arith.cmpi ne, %sign3A_421, %sign3A_428 : i32
          %rem3A_430 = arith.remsi %add3A_155, %jit3A_413 : i32
          %ne3A_431 = arith.constant 0 : i32
          %ne3A_432 = arith.cmpi ne, %rem3A_430, %ne3A_431 : i32
          %and3A_433 = arith.andi %ne3A_429, %ne3A_432 : i1
          %sub3A_434 = arith.constant 1 : i32
          %sub3A_435 = arith.subi %div3A_414, %sub3A_434 : i32
          %select_n3A_436 = arith.select %and3A_433, %sub3A_435, %div3A_414 : i32
          %jit3A_437 = arith.constant 50 : i32
          %eq3A_438 = arith.constant 0 : i32
          %eq3A_439 = arith.cmpi eq, %jit3A_437, %eq3A_438 : i32
          %jit3A_440 = arith.constant 1 : i32
          %select_n3A_441 = arith.select %eq3A_439, %jit3A_440, %jit3A_437 : i32
          %rem3A_442 = arith.remsi %add3A_173, %select_n3A_441 : i32
          %ne3A_443 = arith.constant 0 : i32
          %ne3A_444 = arith.cmpi ne, %rem3A_442, %ne3A_443 : i32
          %lt3A_445 = arith.constant 0 : i32
          %lt3A_446 = arith.cmpi slt, %rem3A_442, %lt3A_445 : i32
          %lt3A_447 = arith.constant 0 : i32
          %lt3A_448 = arith.cmpi slt, %select_n3A_441, %lt3A_447 : i32
          %ne3A_449 = arith.xori %lt3A_446, %lt3A_448 : i1
          %and3A_450 = arith.andi %ne3A_449, %ne3A_444 : i1
          %add3A_451 = arith.addi %rem3A_442, %select_n3A_441 : i32
          %select_n3A_452 = arith.select %and3A_450, %add3A_451, %rem3A_442 : i32
          %jit3A_453 = arith.constant 50 : i32
          %div3A_454 = arith.divsi %add3A_173, %jit3A_453 : i32
          %sign3A_455 = arith.constant 0 : i32
          %sign3A_456 = arith.cmpi sgt, %add3A_173, %sign3A_455 : i32
          %sign3A_457 = arith.extui %sign3A_456 : i1 to i32
          %sign3A_458 = arith.constant 0 : i32
          %sign3A_459 = arith.cmpi slt, %add3A_173, %sign3A_458 : i32
          %sign3A_460 = arith.extui %sign3A_459 : i1 to i32
          %sign3A_461 = arith.subi %sign3A_457, %sign3A_460 : i32
          %sign3A_462 = arith.constant 0 : i32
          %sign3A_463 = arith.cmpi sgt, %jit3A_453, %sign3A_462 : i32
          %sign3A_464 = arith.extui %sign3A_463 : i1 to i32
          %sign3A_465 = arith.constant 0 : i32
          %sign3A_466 = arith.cmpi slt, %jit3A_453, %sign3A_465 : i32
          %sign3A_467 = arith.extui %sign3A_466 : i1 to i32
          %sign3A_468 = arith.subi %sign3A_464, %sign3A_467 : i32
          %ne3A_469 = arith.cmpi ne, %sign3A_461, %sign3A_468 : i32
          %rem3A_470 = arith.remsi %add3A_173, %jit3A_453 : i32
          %ne3A_471 = arith.constant 0 : i32
          %ne3A_472 = arith.cmpi ne, %rem3A_470, %ne3A_471 : i32
          %and3A_473 = arith.andi %ne3A_469, %ne3A_472 : i1
          %sub3A_474 = arith.constant 1 : i32
          %sub3A_475 = arith.subi %div3A_454, %sub3A_474 : i32
          %select_n3A_476 = arith.select %and3A_473, %sub3A_475, %div3A_454 : i32
          %ne3A_477 = arith.cmpi ne, %select_n3A_412, %select_n3A_452 : i32
          %ne3A_478 = arith.cmpi ne, %select_n3A_436, %select_n3A_476 : i32
          %or3A_479 = arith.constant false
          %or3A_480 = arith.ori %or3A_479, %ne3A_477 : i1
          %or3A_481 = arith.ori %or3A_480, %ne3A_478 : i1
          %or3A_482 = arith.ori %or3A_481, %eq3A_154 : i1
          %convert_element_type3A_483 = arith.extui %or3A_482 : i1 to i32
          %cond3A_484 = arith.constant 0 : i32
          %cond3A_485 = arith.cmpi ne, %convert_element_type3A_483, %cond3A_484 : i32
          scf.if %cond3A_485 {
            "tpu.trace_start"() <{level = 10 : i32, message = "ep_copy_out"}> : () -> ()
            %rem3A_612 = arith.constant 2 : i32
            %rem3A_613 = arith.remui %while3A_145, %rem3A_612 : i32
            %jit3A_614 = arith.constant 50 : i32
            %eq3A_615 = arith.constant 0 : i32
            %eq3A_616 = arith.cmpi eq, %jit3A_614, %eq3A_615 : i32
            %jit3A_617 = arith.constant 1 : i32
            %select_n3A_618 = arith.select %eq3A_616, %jit3A_617, %jit3A_614 : i32
            %rem3A_619 = arith.remsi %add3A_155, %select_n3A_618 : i32
            %ne3A_620 = arith.constant 0 : i32
            %ne3A_621 = arith.cmpi ne, %rem3A_619, %ne3A_620 : i32
            %lt3A_622 = arith.constant 0 : i32
            %lt3A_623 = arith.cmpi slt, %rem3A_619, %lt3A_622 : i32
            %lt3A_624 = arith.constant 0 : i32
            %lt3A_625 = arith.cmpi slt, %select_n3A_618, %lt3A_624 : i32
            %ne3A_626 = arith.xori %lt3A_623, %lt3A_625 : i1
            %and3A_627 = arith.andi %ne3A_626, %ne3A_621 : i1
            %add3A_628 = arith.addi %rem3A_619, %select_n3A_618 : i32
            %select_n3A_629 = arith.select %and3A_627, %add3A_628, %rem3A_619 : i32
            %jit3A_630 = arith.constant 50 : i32
            %div3A_631 = arith.divsi %add3A_155, %jit3A_630 : i32
            %sign3A_632 = arith.constant 0 : i32
            %sign3A_633 = arith.cmpi sgt, %add3A_155, %sign3A_632 : i32
            %sign3A_634 = arith.extui %sign3A_633 : i1 to i32
            %sign3A_635 = arith.constant 0 : i32
            %sign3A_636 = arith.cmpi slt, %add3A_155, %sign3A_635 : i32
            %sign3A_637 = arith.extui %sign3A_636 : i1 to i32
            %sign3A_638 = arith.subi %sign3A_634, %sign3A_637 : i32
            %sign3A_639 = arith.constant 0 : i32
            %sign3A_640 = arith.cmpi sgt, %jit3A_630, %sign3A_639 : i32
            %sign3A_641 = arith.extui %sign3A_640 : i1 to i32
            %sign3A_642 = arith.constant 0 : i32
            %sign3A_643 = arith.cmpi slt, %jit3A_630, %sign3A_642 : i32
            %sign3A_644 = arith.extui %sign3A_643 : i1 to i32
            %sign3A_645 = arith.subi %sign3A_641, %sign3A_644 : i32
            %ne3A_646 = arith.cmpi ne, %sign3A_638, %sign3A_645 : i32
            %rem3A_647 = arith.remsi %add3A_155, %jit3A_630 : i32
            %ne3A_648 = arith.constant 0 : i32
            %ne3A_649 = arith.cmpi ne, %rem3A_647, %ne3A_648 : i32
            %and3A_650 = arith.andi %ne3A_646, %ne3A_649 : i1
            %sub3A_651 = arith.constant 1 : i32
            %sub3A_652 = arith.subi %div3A_631, %sub3A_651 : i32
            %select_n3A_653 = arith.select %and3A_650, %sub3A_652, %div3A_631 : i32
            %mul3A_654 = arith.constant 256 : i32
            %mul3A_655 = arith.muli %mul3A_654, %select_n3A_629 : i32
            %mul3A_656 = arith.constant 128 : i32
            %mul3A_657 = arith.muli %mul3A_656, %select_n3A_653 : i32
            %dma_start3A_658 = arith.constant 0 : i32
            %dma_start3A_659 = arith.constant 0 : i32
            %dma_start3A_660 = tpu.memref_slice %run_scoped3A_18[%rem3A_613, %dma_start3A_658, %dma_start3A_659] : memref<2x256x128xi32, #tpu.memory_space<vmem>> -> memref<1x256x128xi32, #tpu.memory_space<vmem>>
            %dma_start3A_661 = tpu.memref_squeeze %dma_start3A_660 : memref<1x256x128xi32, #tpu.memory_space<vmem>> -> memref<256x128xi32, #tpu.memory_space<vmem>>
            %dma_start3A_662 = tpu.memref_slice %arg4[%mul3A_655, %mul3A_657] : memref<12800x256xi32, #tpu.memory_space<hbm>> -> memref<256x128xi32, #tpu.memory_space<hbm>>
            %dma_start3A_663 = tpu.memref_slice %run_scoped3A_19[%rem3A_613] : memref<2x!tpu.dma_semaphore, #tpu.memory_space<semaphore_mem>> -> memref<1x!tpu.dma_semaphore, #tpu.memory_space<semaphore_mem>>
            %dma_start3A_664 = tpu.memref_squeeze %dma_start3A_663 : memref<1x!tpu.dma_semaphore, #tpu.memory_space<semaphore_mem>> -> memref<!tpu.dma_semaphore, #tpu.memory_space<semaphore_mem>>
            %dma_start3A_665 = tpu.memref_slice %arg4[%mul3A_655, %mul3A_657] : memref<12800x256xi32, #tpu.memory_space<hbm>> -> memref<256x128xi32, #tpu.memory_space<hbm>>
            %dma_start3A_666 = arith.constant 0 : i32
            %dma_start3A_667 = arith.constant 0 : i32
            %dma_start3A_668 = tpu.memref_slice %run_scoped3A_18[%rem3A_613, %dma_start3A_666, %dma_start3A_667] : memref<2x256x128xi32, #tpu.memory_space<vmem>> -> memref<1x256x128xi32, #tpu.memory_space<vmem>>
            %dma_start3A_669 = tpu.memref_squeeze %dma_start3A_668 : memref<1x256x128xi32, #tpu.memory_space<vmem>> -> memref<256x128xi32, #tpu.memory_space<vmem>>
            tpu.enqueue_dma source(%dma_start3A_669 : memref<256x128xi32, #tpu.memory_space<vmem>>) target(%dma_start3A_665 : memref<256x128xi32, #tpu.memory_space<hbm>>) target_semaphore(%dma_start3A_664 : memref<!tpu.dma_semaphore, #tpu.memory_space<semaphore_mem>>)
            "tpu.trace_stop"() : () -> ()
          } else {
          }
          %and3A_486 = arith.constant true
          %and3A_487 = arith.andi %or3A_482, %and3A_486 : i1
          %add3A_488 = arith.constant 1 : i32
          %add3A_489 = arith.addi %while3A_145, %add3A_488 : i32
          %select_n3A_490 = arith.select %and3A_487, %add3A_489, %while3A_145 : i32
          %ne3A_491 = arith.cmpi ne, %add3A_155, %add3A_165 : i32
          %or3A_492 = arith.constant false
          %or3A_493 = arith.ori %or3A_492, %ne3A_491 : i1
          %not3A_494 = arith.constant true
          %not3A_495 = arith.xori %eq3A_151, %not3A_494 : i1
          %and3A_496 = arith.andi %or3A_493, %not3A_495 : i1
          %convert_element_type3A_497 = arith.extui %and3A_496 : i1 to i32
          %cond3A_498 = arith.constant 0 : i32
          %cond3A_499 = arith.cmpi ne, %convert_element_type3A_497, %cond3A_498 : i32
          scf.if %cond3A_499 {
          } else {
          }
          %and3A_500 = arith.constant false
          %and3A_501 = arith.andi %and3A_496, %and3A_500 : i1
          %jit3A_502 = arith.constant 50 : i32
          %eq3A_503 = arith.constant 0 : i32
          %eq3A_504 = arith.cmpi eq, %jit3A_502, %eq3A_503 : i32
          %jit3A_505 = arith.constant 1 : i32
          %select_n3A_506 = arith.select %eq3A_504, %jit3A_505, %jit3A_502 : i32
          %rem3A_507 = arith.remsi %add3A_155, %select_n3A_506 : i32
          %ne3A_508 = arith.constant 0 : i32
          %ne3A_509 = arith.cmpi ne, %rem3A_507, %ne3A_508 : i32
          %lt3A_510 = arith.constant 0 : i32
          %lt3A_511 = arith.cmpi slt, %rem3A_507, %lt3A_510 : i32
          %lt3A_512 = arith.constant 0 : i32
          %lt3A_513 = arith.cmpi slt, %select_n3A_506, %lt3A_512 : i32
          %ne3A_514 = arith.xori %lt3A_511, %lt3A_513 : i1
          %and3A_515 = arith.andi %ne3A_514, %ne3A_509 : i1
          %add3A_516 = arith.addi %rem3A_507, %select_n3A_506 : i32
          %select_n3A_517 = arith.select %and3A_515, %add3A_516, %rem3A_507 : i32
          %jit3A_518 = arith.constant 50 : i32
          %div3A_519 = arith.divsi %add3A_155, %jit3A_518 : i32
          %sign3A_520 = arith.constant 0 : i32
          %sign3A_521 = arith.cmpi sgt, %add3A_155, %sign3A_520 : i32
          %sign3A_522 = arith.extui %sign3A_521 : i1 to i32
          %sign3A_523 = arith.constant 0 : i32
          %sign3A_524 = arith.cmpi slt, %add3A_155, %sign3A_523 : i32
          %sign3A_525 = arith.extui %sign3A_524 : i1 to i32
          %sign3A_526 = arith.subi %sign3A_522, %sign3A_525 : i32
          %sign3A_527 = arith.constant 0 : i32
          %sign3A_528 = arith.cmpi sgt, %jit3A_518, %sign3A_527 : i32
          %sign3A_529 = arith.extui %sign3A_528 : i1 to i32
          %sign3A_530 = arith.constant 0 : i32
          %sign3A_531 = arith.cmpi slt, %jit3A_518, %sign3A_530 : i32
          %sign3A_532 = arith.extui %sign3A_531 : i1 to i32
          %sign3A_533 = arith.subi %sign3A_529, %sign3A_532 : i32
          %ne3A_534 = arith.cmpi ne, %sign3A_526, %sign3A_533 : i32
          %rem3A_535 = arith.remsi %add3A_155, %jit3A_518 : i32
          %ne3A_536 = arith.constant 0 : i32
          %ne3A_537 = arith.cmpi ne, %rem3A_535, %ne3A_536 : i32
          %and3A_538 = arith.andi %ne3A_534, %ne3A_537 : i1
          %sub3A_539 = arith.constant 1 : i32
          %sub3A_540 = arith.subi %div3A_519, %sub3A_539 : i32
          %select_n3A_541 = arith.select %and3A_538, %sub3A_540, %div3A_519 : i32
          %jit3A_542 = arith.constant 50 : i32
          %eq3A_543 = arith.constant 0 : i32
          %eq3A_544 = arith.cmpi eq, %jit3A_542, %eq3A_543 : i32
          %jit3A_545 = arith.constant 1 : i32
          %select_n3A_546 = arith.select %eq3A_544, %jit3A_545, %jit3A_542 : i32
          %rem3A_547 = arith.remsi %add3A_165, %select_n3A_546 : i32
          %ne3A_548 = arith.constant 0 : i32
          %ne3A_549 = arith.cmpi ne, %rem3A_547, %ne3A_548 : i32
          %lt3A_550 = arith.constant 0 : i32
          %lt3A_551 = arith.cmpi slt, %rem3A_547, %lt3A_550 : i32
          %lt3A_552 = arith.constant 0 : i32
          %lt3A_553 = arith.cmpi slt, %select_n3A_546, %lt3A_552 : i32
          %ne3A_554 = arith.xori %lt3A_551, %lt3A_553 : i1
          %and3A_555 = arith.andi %ne3A_554, %ne3A_549 : i1
          %add3A_556 = arith.addi %rem3A_547, %select_n3A_546 : i32
          %select_n3A_557 = arith.select %and3A_555, %add3A_556, %rem3A_547 : i32
          %jit3A_558 = arith.constant 50 : i32
          %div3A_559 = arith.divsi %add3A_165, %jit3A_558 : i32
          %sign3A_560 = arith.constant 0 : i32
          %sign3A_561 = arith.cmpi sgt, %add3A_165, %sign3A_560 : i32
          %sign3A_562 = arith.extui %sign3A_561 : i1 to i32
          %sign3A_563 = arith.constant 0 : i32
          %sign3A_564 = arith.cmpi slt, %add3A_165, %sign3A_563 : i32
          %sign3A_565 = arith.extui %sign3A_564 : i1 to i32
          %sign3A_566 = arith.subi %sign3A_562, %sign3A_565 : i32
          %sign3A_567 = arith.constant 0 : i32
          %sign3A_568 = arith.cmpi sgt, %jit3A_558, %sign3A_567 : i32
          %sign3A_569 = arith.extui %sign3A_568 : i1 to i32
          %sign3A_570 = arith.constant 0 : i32
          %sign3A_571 = arith.cmpi slt, %jit3A_558, %sign3A_570 : i32
          %sign3A_572 = arith.extui %sign3A_571 : i1 to i32
          %sign3A_573 = arith.subi %sign3A_569, %sign3A_572 : i32
          %ne3A_574 = arith.cmpi ne, %sign3A_566, %sign3A_573 : i32
          %rem3A_575 = arith.remsi %add3A_165, %jit3A_558 : i32
          %ne3A_576 = arith.constant 0 : i32
          %ne3A_577 = arith.cmpi ne, %rem3A_575, %ne3A_576 : i32
          %and3A_578 = arith.andi %ne3A_574, %ne3A_577 : i1
          %sub3A_579 = arith.constant 1 : i32
          %sub3A_580 = arith.subi %div3A_559, %sub3A_579 : i32
          %select_n3A_581 = arith.select %and3A_578, %sub3A_580, %div3A_559 : i32
          %ne3A_582 = arith.cmpi ne, %select_n3A_517, %select_n3A_557 : i32
          %ne3A_583 = arith.cmpi ne, %select_n3A_541, %select_n3A_581 : i32
          %or3A_584 = arith.constant false
          %or3A_585 = arith.ori %or3A_584, %ne3A_582 : i1
          %or3A_586 = arith.ori %or3A_585, %ne3A_583 : i1
          %not3A_587 = arith.constant true
          %not3A_588 = arith.xori %eq3A_151, %not3A_587 : i1
          %and3A_589 = arith.andi %or3A_586, %not3A_588 : i1
          %convert_element_type3A_590 = arith.extui %and3A_589 : i1 to i32
          %cond3A_591 = arith.constant 0 : i32
          %cond3A_592 = arith.cmpi ne, %convert_element_type3A_590, %cond3A_591 : i32
          scf.if %cond3A_592 {
            "tpu.trace_start"() <{level = 10 : i32, message = "ep_wait_out"}> : () -> ()
            %rem3A_612 = arith.constant 2 : i32
            %rem3A_613 = arith.remui %while3A_146, %rem3A_612 : i32
            %jit3A_614 = arith.constant 50 : i32
            %eq3A_615 = arith.constant 0 : i32
            %eq3A_616 = arith.cmpi eq, %jit3A_614, %eq3A_615 : i32
            %jit3A_617 = arith.constant 1 : i32
            %select_n3A_618 = arith.select %eq3A_616, %jit3A_617, %jit3A_614 : i32
            %rem3A_619 = arith.remsi %add3A_165, %select_n3A_618 : i32
            %ne3A_620 = arith.constant 0 : i32
            %ne3A_621 = arith.cmpi ne, %rem3A_619, %ne3A_620 : i32
            %lt3A_622 = arith.constant 0 : i32
            %lt3A_623 = arith.cmpi slt, %rem3A_619, %lt3A_622 : i32
            %lt3A_624 = arith.constant 0 : i32
            %lt3A_625 = arith.cmpi slt, %select_n3A_618, %lt3A_624 : i32
            %ne3A_626 = arith.xori %lt3A_623, %lt3A_625 : i1
            %and3A_627 = arith.andi %ne3A_626, %ne3A_621 : i1
            %add3A_628 = arith.addi %rem3A_619, %select_n3A_618 : i32
            %select_n3A_629 = arith.select %and3A_627, %add3A_628, %rem3A_619 : i32
            %jit3A_630 = arith.constant 50 : i32
            %div3A_631 = arith.divsi %add3A_165, %jit3A_630 : i32
            %sign3A_632 = arith.constant 0 : i32
            %sign3A_633 = arith.cmpi sgt, %add3A_165, %sign3A_632 : i32
            %sign3A_634 = arith.extui %sign3A_633 : i1 to i32
            %sign3A_635 = arith.constant 0 : i32
            %sign3A_636 = arith.cmpi slt, %add3A_165, %sign3A_635 : i32
            %sign3A_637 = arith.extui %sign3A_636 : i1 to i32
            %sign3A_638 = arith.subi %sign3A_634, %sign3A_637 : i32
            %sign3A_639 = arith.constant 0 : i32
            %sign3A_640 = arith.cmpi sgt, %jit3A_630, %sign3A_639 : i32
            %sign3A_641 = arith.extui %sign3A_640 : i1 to i32
            %sign3A_642 = arith.constant 0 : i32
            %sign3A_643 = arith.cmpi slt, %jit3A_630, %sign3A_642 : i32
            %sign3A_644 = arith.extui %sign3A_643 : i1 to i32
            %sign3A_645 = arith.subi %sign3A_641, %sign3A_644 : i32
            %ne3A_646 = arith.cmpi ne, %sign3A_638, %sign3A_645 : i32
            %rem3A_647 = arith.remsi %add3A_165, %jit3A_630 : i32
            %ne3A_648 = arith.constant 0 : i32
            %ne3A_649 = arith.cmpi ne, %rem3A_647, %ne3A_648 : i32
            %and3A_650 = arith.andi %ne3A_646, %ne3A_649 : i1
            %sub3A_651 = arith.constant 1 : i32
            %sub3A_652 = arith.subi %div3A_631, %sub3A_651 : i32
            %select_n3A_653 = arith.select %and3A_650, %sub3A_652, %div3A_631 : i32
            %mul3A_654 = arith.constant 256 : i32
            %mul3A_655 = arith.muli %mul3A_654, %select_n3A_629 : i32
            %mul3A_656 = arith.constant 128 : i32
            %mul3A_657 = arith.muli %mul3A_656, %select_n3A_653 : i32
            %dma_wait3A = arith.constant 0 : i32
            %dma_wait3A_658 = arith.constant 0 : i32
            %dma_wait3A_659 = tpu.memref_slice %run_scoped3A_18[%rem3A_613, %dma_wait3A, %dma_wait3A_658] : memref<2x256x128xi32, #tpu.memory_space<vmem>> -> memref<1x256x128xi32, #tpu.memory_space<vmem>>
            %dma_wait3A_660 = tpu.memref_squeeze %dma_wait3A_659 : memref<1x256x128xi32, #tpu.memory_space<vmem>> -> memref<256x128xi32, #tpu.memory_space<vmem>>
            %dma_wait3A_661 = tpu.memref_slice %arg4[%mul3A_655, %mul3A_657] : memref<12800x256xi32, #tpu.memory_space<hbm>> -> memref<256x128xi32, #tpu.memory_space<hbm>>
            %dma_wait3A_662 = tpu.memref_slice %run_scoped3A_19[%rem3A_613] : memref<2x!tpu.dma_semaphore, #tpu.memory_space<semaphore_mem>> -> memref<1x!tpu.dma_semaphore, #tpu.memory_space<semaphore_mem>>
            %dma_wait3A_663 = tpu.memref_squeeze %dma_wait3A_662 : memref<1x!tpu.dma_semaphore, #tpu.memory_space<semaphore_mem>> -> memref<!tpu.dma_semaphore, #tpu.memory_space<semaphore_mem>>
            %dma_wait3A_664 = tpu.memref_slice %arg4[%mul3A_655, %mul3A_657] : memref<12800x256xi32, #tpu.memory_space<hbm>> -> memref<256x128xi32, #tpu.memory_space<hbm>>
            %dma_wait3A_665 = arith.constant 0 : i32
            %dma_wait3A_666 = arith.constant 0 : i32
            %dma_wait3A_667 = tpu.memref_slice %run_scoped3A_18[%rem3A_613, %dma_wait3A_665, %dma_wait3A_666] : memref<2x256x128xi32, #tpu.memory_space<vmem>> -> memref<1x256x128xi32, #tpu.memory_space<vmem>>
            %dma_wait3A_668 = tpu.memref_squeeze %dma_wait3A_667 : memref<1x256x128xi32, #tpu.memory_space<vmem>> -> memref<256x128xi32, #tpu.memory_space<vmem>>
            tpu.wait_dma2 semaphore(%dma_wait3A_663 : memref<!tpu.dma_semaphore, #tpu.memory_space<semaphore_mem>>) src(%dma_wait3A_668 : memref<256x128xi32, #tpu.memory_space<vmem>>) dst(%dma_wait3A_664 : memref<256x128xi32, #tpu.memory_space<hbm>>)
            "tpu.trace_stop"() : () -> ()
          } else {
          }
          %and3A_593 = arith.constant true
          %and3A_594 = arith.andi %and3A_589, %and3A_593 : i1
          %add3A_595 = arith.constant 1 : i32
          %add3A_596 = arith.addi %while3A_146, %add3A_595 : i32
          %select_n3A_597 = arith.select %and3A_594, %add3A_596, %while3A_146 : i32
          %ne3A_598 = arith.cmpi ne, %add3A_155, %add3A_173 : i32
          %or3A_599 = arith.constant false
          %or3A_600 = arith.ori %or3A_599, %ne3A_598 : i1
          %or3A_601 = arith.ori %or3A_600, %eq3A_154 : i1
          %add3A_602 = arith.constant 1 : i32
          %add3A_603 = arith.addi %while3A_144, %add3A_602 : i32
          %select_n3A_604 = arith.select %or3A_601, %add3A_603, %while3A_144 : i32
          %add3A_605 = arith.constant 1 : i32
          %add3A_606 = arith.addi %while3A_147, %add3A_605 : i32
          %select_n3A_607 = arith.constant true
          %select_n3A_608 = arith.select %select_n3A_607, %add3A_606, %while3A_147 : i32
          %eq3A_609 = arith.cmpi eq, %select_n3A_608, %select_n3A : i32
          %select_n3A_610 = arith.constant 0 : i32
          %select_n3A_611 = arith.select %eq3A_609, %select_n3A_610, %select_n3A_608 : i32
          scf.yield %select_n3A_195, %select_n3A_604, %select_n3A_490, %select_n3A_597, %select_n3A_611 : i32, i32, i32, i32, i32
        }
        %while3A_89 = arith.constant 1 : i32
        %while3A_90:5 = scf.for %while3A_142 = %while3A_86 to %while3A_82 step %while3A_89 iter_args(%while3A_143 = %while3A_88#0, %while3A_144 = %while3A_88#1, %while3A_145 = %while3A_88#2, %while3A_146 = %while3A_88#3, %while3A_147 = %while3A_88#4) -> (i32, i32, i32, i32, i32)  : i32 {
          %mul3A_148 = arith.constant 1 : i32
          %mul3A_149 = arith.muli %mul3A_148, %select_n3A : i32
          %eq3A_150 = arith.constant 0 : i32
          %eq3A_151 = arith.cmpi eq, %while3A_142, %eq3A_150 : i32
          %sub3A_152 = arith.constant 1 : i32
          %sub3A_153 = arith.subi %mul3A_149, %sub3A_152 : i32
          %eq3A_154 = arith.cmpi eq, %while3A_142, %sub3A_153 : i32
          %add3A_155 = arith.addi %while3A_147, %select_n3A_14 : i32
          %sub3A_156 = arith.constant 1 : i32
          %sub3A_157 = arith.subi %while3A_147, %sub3A_156 : i32
          %select_n3A_158 = arith.constant true
          %select_n3A_159 = arith.select %select_n3A_158, %sub3A_157, %while3A_147 : i32
          %eq3A_160 = arith.constant -1 : i32
          %eq3A_161 = arith.cmpi eq, %select_n3A_159, %eq3A_160 : i32
          %sub3A_162 = arith.constant 1 : i32
          %sub3A_163 = arith.subi %select_n3A, %sub3A_162 : i32
          %select_n3A_164 = arith.select %eq3A_161, %sub3A_163, %select_n3A_159 : i32
          %add3A_165 = arith.addi %select_n3A_164, %select_n3A_14 : i32
          %add3A_166 = arith.constant 1 : i32
          %add3A_167 = arith.addi %while3A_147, %add3A_166 : i32
          %select_n3A_168 = arith.constant true
          %select_n3A_169 = arith.select %select_n3A_168, %add3A_167, %while3A_147 : i32
          %eq3A_170 = arith.cmpi eq, %select_n3A_169, %select_n3A : i32
          %select_n3A_171 = arith.constant 0 : i32
          %select_n3A_172 = arith.select %eq3A_170, %select_n3A_171, %select_n3A_169 : i32
          %add3A_173 = arith.addi %select_n3A_172, %select_n3A_14 : i32
          %add3A_174 = arith.constant 1 : i32
          %add3A_175 = arith.addi %select_n3A_172, %add3A_174 : i32
          %select_n3A_176 = arith.constant true
          %select_n3A_177 = arith.select %select_n3A_176, %add3A_175, %select_n3A_172 : i32
          %eq3A_178 = arith.cmpi eq, %select_n3A_177, %select_n3A : i32
          %select_n3A_179 = arith.constant 0 : i32
          %select_n3A_180 = arith.select %eq3A_178, %select_n3A_179, %select_n3A_177 : i32
          %add3A_181 = arith.addi %select_n3A_180, %select_n3A_14 : i32
          %ne3A = arith.cmpi ne, %add3A_155, %add3A_173 : i32
          %or3A = arith.constant false
          %or3A_182 = arith.ori %or3A, %ne3A : i1
          %sub3A_183 = arith.constant 2 : i32
          %sub3A_184 = arith.subi %mul3A_149, %sub3A_183 : i32
          %add3A_185 = arith.constant 1 : i32
          %add3A_186 = arith.addi %sub3A_184, %add3A_185 : i32
          %ge3A = arith.cmpi sge, %while3A_142, %add3A_186 : i32
          %not3A = arith.constant true
          %not3A_187 = arith.xori %ge3A, %not3A : i1
          %and3A = arith.andi %or3A_182, %not3A_187 : i1
          %convert_element_type3A_188 = arith.extui %and3A : i1 to i32
          %cond3A_189 = arith.constant 0 : i32
          %cond3A_190 = arith.cmpi ne, %convert_element_type3A_188, %cond3A_189 : i32
          scf.if %cond3A_190 {
            "tpu.trace_start"() <{level = 10 : i32, message = "ep_copy_in"}> : () -> ()
            %rem3A_612 = arith.constant 2 : i32
            %rem3A_613 = arith.remui %while3A_143, %rem3A_612 : i32
            %mul3A_614 = arith.constant 256 : i32
            %mul3A_615 = arith.muli %mul3A_614, %add3A_173 : i32
            %dma_start3A_616 = arith.constant 0 : i32
            %dma_start3A_617 = arith.constant 0 : i32
            %dma_start3A_618 = tpu.memref_slice %run_scoped3A[%rem3A_613, %dma_start3A_616, %dma_start3A_617] : memref<2x1x256xi32, #tpu.memory_space<vmem>> -> memref<1x1x256xi32, #tpu.memory_space<vmem>>
            %dma_start3A_619 = tpu.memref_squeeze %dma_start3A_618 : memref<1x1x256xi32, #tpu.memory_space<vmem>> -> memref<1x256xi32, #tpu.memory_space<vmem>>
            %dma_start3A_620 = arith.constant 0 : i32
            %dma_start3A_621 = tpu.memref_slice %arg3[%dma_start3A_620, %mul3A_615] : memref<1x25600xi32, #tpu.memory_space<hbm>> -> memref<1x256xi32, #tpu.memory_space<hbm>>
            %dma_start3A_622 = tpu.memref_slice %run_scoped3A_17[%rem3A_613] : memref<2x!tpu.dma_semaphore, #tpu.memory_space<semaphore_mem>> -> memref<1x!tpu.dma_semaphore, #tpu.memory_space<semaphore_mem>>
            %dma_start3A_623 = tpu.memref_squeeze %dma_start3A_622 : memref<1x!tpu.dma_semaphore, #tpu.memory_space<semaphore_mem>> -> memref<!tpu.dma_semaphore, #tpu.memory_space<semaphore_mem>>
            %dma_start3A_624 = arith.constant 0 : i32
            %dma_start3A_625 = arith.constant 0 : i32
            %dma_start3A_626 = tpu.memref_slice %run_scoped3A[%rem3A_613, %dma_start3A_624, %dma_start3A_625] : memref<2x1x256xi32, #tpu.memory_space<vmem>> -> memref<1x1x256xi32, #tpu.memory_space<vmem>>
            %dma_start3A_627 = tpu.memref_squeeze %dma_start3A_626 : memref<1x1x256xi32, #tpu.memory_space<vmem>> -> memref<1x256xi32, #tpu.memory_space<vmem>>
            %dma_start3A_628 = arith.constant 0 : i32
            %dma_start3A_629 = tpu.memref_slice %arg3[%dma_start3A_628, %mul3A_615] : memref<1x25600xi32, #tpu.memory_space<hbm>> -> memref<1x256xi32, #tpu.memory_space<hbm>>
            tpu.enqueue_dma source(%dma_start3A_629 : memref<1x256xi32, #tpu.memory_space<hbm>>) target(%dma_start3A_627 : memref<1x256xi32, #tpu.memory_space<vmem>>) target_semaphore(%dma_start3A_623 : memref<!tpu.dma_semaphore, #tpu.memory_space<semaphore_mem>>)
            "tpu.trace_stop"() : () -> ()
          } else {
          }
          %and3A_191 = arith.constant true
          %and3A_192 = arith.andi %and3A, %and3A_191 : i1
          %add3A_193 = arith.constant 1 : i32
          %add3A_194 = arith.addi %while3A_143, %add3A_193 : i32
          %select_n3A_195 = arith.select %and3A_192, %add3A_194, %while3A_143 : i32
          %jit3A_196 = arith.constant 50 : i32
          %eq3A_197 = arith.constant 0 : i32
          %eq3A_198 = arith.cmpi eq, %jit3A_196, %eq3A_197 : i32
          %jit3A_199 = arith.constant 1 : i32
          %select_n3A_200 = arith.select %eq3A_198, %jit3A_199, %jit3A_196 : i32
          %rem3A_201 = arith.remsi %add3A_155, %select_n3A_200 : i32
          %ne3A_202 = arith.constant 0 : i32
          %ne3A_203 = arith.cmpi ne, %rem3A_201, %ne3A_202 : i32
          %lt3A_204 = arith.constant 0 : i32
          %lt3A_205 = arith.cmpi slt, %rem3A_201, %lt3A_204 : i32
          %lt3A_206 = arith.constant 0 : i32
          %lt3A_207 = arith.cmpi slt, %select_n3A_200, %lt3A_206 : i32
          %ne3A_208 = arith.xori %lt3A_205, %lt3A_207 : i1
          %and3A_209 = arith.andi %ne3A_208, %ne3A_203 : i1
          %add3A_210 = arith.addi %rem3A_201, %select_n3A_200 : i32
          %select_n3A_211 = arith.select %and3A_209, %add3A_210, %rem3A_201 : i32
          %jit3A_212 = arith.constant 50 : i32
          %div3A = arith.divsi %add3A_155, %jit3A_212 : i32
          %sign3A = arith.constant 0 : i32
          %sign3A_213 = arith.cmpi sgt, %add3A_155, %sign3A : i32
          %sign3A_214 = arith.extui %sign3A_213 : i1 to i32
          %sign3A_215 = arith.constant 0 : i32
          %sign3A_216 = arith.cmpi slt, %add3A_155, %sign3A_215 : i32
          %sign3A_217 = arith.extui %sign3A_216 : i1 to i32
          %sign3A_218 = arith.subi %sign3A_214, %sign3A_217 : i32
          %sign3A_219 = arith.constant 0 : i32
          %sign3A_220 = arith.cmpi sgt, %jit3A_212, %sign3A_219 : i32
          %sign3A_221 = arith.extui %sign3A_220 : i1 to i32
          %sign3A_222 = arith.constant 0 : i32
          %sign3A_223 = arith.cmpi slt, %jit3A_212, %sign3A_222 : i32
          %sign3A_224 = arith.extui %sign3A_223 : i1 to i32
          %sign3A_225 = arith.subi %sign3A_221, %sign3A_224 : i32
          %ne3A_226 = arith.cmpi ne, %sign3A_218, %sign3A_225 : i32
          %rem3A_227 = arith.remsi %add3A_155, %jit3A_212 : i32
          %ne3A_228 = arith.constant 0 : i32
          %ne3A_229 = arith.cmpi ne, %rem3A_227, %ne3A_228 : i32
          %and3A_230 = arith.andi %ne3A_226, %ne3A_229 : i1
          %sub3A_231 = arith.constant 1 : i32
          %sub3A_232 = arith.subi %div3A, %sub3A_231 : i32
          %select_n3A_233 = arith.select %and3A_230, %sub3A_232, %div3A : i32
          %jit3A_234 = arith.constant 50 : i32
          %eq3A_235 = arith.constant 0 : i32
          %eq3A_236 = arith.cmpi eq, %jit3A_234, %eq3A_235 : i32
          %jit3A_237 = arith.constant 1 : i32
          %select_n3A_238 = arith.select %eq3A_236, %jit3A_237, %jit3A_234 : i32
          %rem3A_239 = arith.remsi %add3A_173, %select_n3A_238 : i32
          %ne3A_240 = arith.constant 0 : i32
          %ne3A_241 = arith.cmpi ne, %rem3A_239, %ne3A_240 : i32
          %lt3A_242 = arith.constant 0 : i32
          %lt3A_243 = arith.cmpi slt, %rem3A_239, %lt3A_242 : i32
          %lt3A_244 = arith.constant 0 : i32
          %lt3A_245 = arith.cmpi slt, %select_n3A_238, %lt3A_244 : i32
          %ne3A_246 = arith.xori %lt3A_243, %lt3A_245 : i1
          %and3A_247 = arith.andi %ne3A_246, %ne3A_241 : i1
          %add3A_248 = arith.addi %rem3A_239, %select_n3A_238 : i32
          %select_n3A_249 = arith.select %and3A_247, %add3A_248, %rem3A_239 : i32
          %jit3A_250 = arith.constant 50 : i32
          %div3A_251 = arith.divsi %add3A_173, %jit3A_250 : i32
          %sign3A_252 = arith.constant 0 : i32
          %sign3A_253 = arith.cmpi sgt, %add3A_173, %sign3A_252 : i32
          %sign3A_254 = arith.extui %sign3A_253 : i1 to i32
          %sign3A_255 = arith.constant 0 : i32
          %sign3A_256 = arith.cmpi slt, %add3A_173, %sign3A_255 : i32
          %sign3A_257 = arith.extui %sign3A_256 : i1 to i32
          %sign3A_258 = arith.subi %sign3A_254, %sign3A_257 : i32
          %sign3A_259 = arith.constant 0 : i32
          %sign3A_260 = arith.cmpi sgt, %jit3A_250, %sign3A_259 : i32
          %sign3A_261 = arith.extui %sign3A_260 : i1 to i32
          %sign3A_262 = arith.constant 0 : i32
          %sign3A_263 = arith.cmpi slt, %jit3A_250, %sign3A_262 : i32
          %sign3A_264 = arith.extui %sign3A_263 : i1 to i32
          %sign3A_265 = arith.subi %sign3A_261, %sign3A_264 : i32
          %ne3A_266 = arith.cmpi ne, %sign3A_258, %sign3A_265 : i32
          %rem3A_267 = arith.remsi %add3A_173, %jit3A_250 : i32
          %ne3A_268 = arith.constant 0 : i32
          %ne3A_269 = arith.cmpi ne, %rem3A_267, %ne3A_268 : i32
          %and3A_270 = arith.andi %ne3A_266, %ne3A_269 : i1
          %sub3A_271 = arith.constant 1 : i32
          %sub3A_272 = arith.subi %div3A_251, %sub3A_271 : i32
          %select_n3A_273 = arith.select %and3A_270, %sub3A_272, %div3A_251 : i32
          %ne3A_274 = arith.cmpi ne, %select_n3A_211, %select_n3A_249 : i32
          %ne3A_275 = arith.cmpi ne, %select_n3A_233, %select_n3A_273 : i32
          %or3A_276 = arith.constant false
          %or3A_277 = arith.ori %or3A_276, %ne3A_274 : i1
          %or3A_278 = arith.ori %or3A_277, %ne3A_275 : i1
          %sub3A_279 = arith.constant 2 : i32
          %sub3A_280 = arith.subi %mul3A_149, %sub3A_279 : i32
          %add3A_281 = arith.constant 1 : i32
          %add3A_282 = arith.addi %sub3A_280, %add3A_281 : i32
          %ge3A_283 = arith.cmpi sge, %while3A_142, %add3A_282 : i32
          %not3A_284 = arith.constant true
          %not3A_285 = arith.xori %ge3A_283, %not3A_284 : i1
          %and3A_286 = arith.andi %or3A_278, %not3A_285 : i1
          %ne3A_287 = arith.cmpi ne, %add3A_155, %add3A_165 : i32
          %or3A_288 = arith.constant false
          %or3A_289 = arith.ori %or3A_288, %ne3A_287 : i1
          %or3A_290 = arith.ori %or3A_289, %eq3A_151 : i1
          %convert_element_type3A_291 = arith.extui %or3A_290 : i1 to i32
          %cond3A_292 = arith.constant 0 : i32
          %cond3A_293 = arith.cmpi ne, %convert_element_type3A_291, %cond3A_292 : i32
          scf.if %cond3A_293 {
            "tpu.trace_start"() <{level = 10 : i32, message = "ep_wait_in"}> : () -> ()
            %mul3A_612 = arith.constant 256 : i32
            %mul3A_613 = arith.muli %mul3A_612, %add3A_155 : i32
            %rem3A_614 = arith.constant 2 : i32
            %rem3A_615 = arith.remui %while3A_144, %rem3A_614 : i32
            %dma_wait3A = arith.constant 0 : i32
            %dma_wait3A_616 = arith.constant 0 : i32
            %dma_wait3A_617 = tpu.memref_slice %run_scoped3A[%rem3A_615, %dma_wait3A, %dma_wait3A_616] : memref<2x1x256xi32, #tpu.memory_space<vmem>> -> memref<1x1x256xi32, #tpu.memory_space<vmem>>
            %dma_wait3A_618 = tpu.memref_squeeze %dma_wait3A_617 : memref<1x1x256xi32, #tpu.memory_space<vmem>> -> memref<1x256xi32, #tpu.memory_space<vmem>>
            %dma_wait3A_619 = arith.constant 0 : i32
            %dma_wait3A_620 = tpu.memref_slice %arg3[%dma_wait3A_619, %mul3A_613] : memref<1x25600xi32, #tpu.memory_space<hbm>> -> memref<1x256xi32, #tpu.memory_space<hbm>>
            %dma_wait3A_621 = tpu.memref_slice %run_scoped3A_17[%rem3A_615] : memref<2x!tpu.dma_semaphore, #tpu.memory_space<semaphore_mem>> -> memref<1x!tpu.dma_semaphore, #tpu.memory_space<semaphore_mem>>
            %dma_wait3A_622 = tpu.memref_squeeze %dma_wait3A_621 : memref<1x!tpu.dma_semaphore, #tpu.memory_space<semaphore_mem>> -> memref<!tpu.dma_semaphore, #tpu.memory_space<semaphore_mem>>
            %dma_wait3A_623 = arith.constant 0 : i32
            %dma_wait3A_624 = arith.constant 0 : i32
            %dma_wait3A_625 = tpu.memref_slice %run_scoped3A[%rem3A_615, %dma_wait3A_623, %dma_wait3A_624] : memref<2x1x256xi32, #tpu.memory_space<vmem>> -> memref<1x1x256xi32, #tpu.memory_space<vmem>>
            %dma_wait3A_626 = tpu.memref_squeeze %dma_wait3A_625 : memref<1x1x256xi32, #tpu.memory_space<vmem>> -> memref<1x256xi32, #tpu.memory_space<vmem>>
            %dma_wait3A_627 = arith.constant 0 : i32
            %dma_wait3A_628 = tpu.memref_slice %arg3[%dma_wait3A_627, %mul3A_613] : memref<1x25600xi32, #tpu.memory_space<hbm>> -> memref<1x256xi32, #tpu.memory_space<hbm>>
            tpu.wait_dma2 semaphore(%dma_wait3A_622 : memref<!tpu.dma_semaphore, #tpu.memory_space<semaphore_mem>>) src(%dma_wait3A_628 : memref<1x256xi32, #tpu.memory_space<hbm>>) dst(%dma_wait3A_626 : memref<1x256xi32, #tpu.memory_space<vmem>>)
            "tpu.trace_stop"() : () -> ()
          } else {
          }
          %jit3A_294 = arith.constant 50 : i32
          %eq3A_295 = arith.constant 0 : i32
          %eq3A_296 = arith.cmpi eq, %jit3A_294, %eq3A_295 : i32
          %jit3A_297 = arith.constant 1 : i32
          %select_n3A_298 = arith.select %eq3A_296, %jit3A_297, %jit3A_294 : i32
          %rem3A_299 = arith.remsi %add3A_155, %select_n3A_298 : i32
          %ne3A_300 = arith.constant 0 : i32
          %ne3A_301 = arith.cmpi ne, %rem3A_299, %ne3A_300 : i32
          %lt3A_302 = arith.constant 0 : i32
          %lt3A_303 = arith.cmpi slt, %rem3A_299, %lt3A_302 : i32
          %lt3A_304 = arith.constant 0 : i32
          %lt3A_305 = arith.cmpi slt, %select_n3A_298, %lt3A_304 : i32
          %ne3A_306 = arith.xori %lt3A_303, %lt3A_305 : i1
          %and3A_307 = arith.andi %ne3A_306, %ne3A_301 : i1
          %add3A_308 = arith.addi %rem3A_299, %select_n3A_298 : i32
          %select_n3A_309 = arith.select %and3A_307, %add3A_308, %rem3A_299 : i32
          %jit3A_310 = arith.constant 50 : i32
          %div3A_311 = arith.divsi %add3A_155, %jit3A_310 : i32
          %sign3A_312 = arith.constant 0 : i32
          %sign3A_313 = arith.cmpi sgt, %add3A_155, %sign3A_312 : i32
          %sign3A_314 = arith.extui %sign3A_313 : i1 to i32
          %sign3A_315 = arith.constant 0 : i32
          %sign3A_316 = arith.cmpi slt, %add3A_155, %sign3A_315 : i32
          %sign3A_317 = arith.extui %sign3A_316 : i1 to i32
          %sign3A_318 = arith.subi %sign3A_314, %sign3A_317 : i32
          %sign3A_319 = arith.constant 0 : i32
          %sign3A_320 = arith.cmpi sgt, %jit3A_310, %sign3A_319 : i32
          %sign3A_321 = arith.extui %sign3A_320 : i1 to i32
          %sign3A_322 = arith.constant 0 : i32
          %sign3A_323 = arith.cmpi slt, %jit3A_310, %sign3A_322 : i32
          %sign3A_324 = arith.extui %sign3A_323 : i1 to i32
          %sign3A_325 = arith.subi %sign3A_321, %sign3A_324 : i32
          %ne3A_326 = arith.cmpi ne, %sign3A_318, %sign3A_325 : i32
          %rem3A_327 = arith.remsi %add3A_155, %jit3A_310 : i32
          %ne3A_328 = arith.constant 0 : i32
          %ne3A_329 = arith.cmpi ne, %rem3A_327, %ne3A_328 : i32
          %and3A_330 = arith.andi %ne3A_326, %ne3A_329 : i1
          %sub3A_331 = arith.constant 1 : i32
          %sub3A_332 = arith.subi %div3A_311, %sub3A_331 : i32
          %select_n3A_333 = arith.select %and3A_330, %sub3A_332, %div3A_311 : i32
          %jit3A_334 = arith.constant 50 : i32
          %eq3A_335 = arith.constant 0 : i32
          %eq3A_336 = arith.cmpi eq, %jit3A_334, %eq3A_335 : i32
          %jit3A_337 = arith.constant 1 : i32
          %select_n3A_338 = arith.select %eq3A_336, %jit3A_337, %jit3A_334 : i32
          %rem3A_339 = arith.remsi %add3A_165, %select_n3A_338 : i32
          %ne3A_340 = arith.constant 0 : i32
          %ne3A_341 = arith.cmpi ne, %rem3A_339, %ne3A_340 : i32
          %lt3A_342 = arith.constant 0 : i32
          %lt3A_343 = arith.cmpi slt, %rem3A_339, %lt3A_342 : i32
          %lt3A_344 = arith.constant 0 : i32
          %lt3A_345 = arith.cmpi slt, %select_n3A_338, %lt3A_344 : i32
          %ne3A_346 = arith.xori %lt3A_343, %lt3A_345 : i1
          %and3A_347 = arith.andi %ne3A_346, %ne3A_341 : i1
          %add3A_348 = arith.addi %rem3A_339, %select_n3A_338 : i32
          %select_n3A_349 = arith.select %and3A_347, %add3A_348, %rem3A_339 : i32
          %jit3A_350 = arith.constant 50 : i32
          %div3A_351 = arith.divsi %add3A_165, %jit3A_350 : i32
          %sign3A_352 = arith.constant 0 : i32
          %sign3A_353 = arith.cmpi sgt, %add3A_165, %sign3A_352 : i32
          %sign3A_354 = arith.extui %sign3A_353 : i1 to i32
          %sign3A_355 = arith.constant 0 : i32
          %sign3A_356 = arith.cmpi slt, %add3A_165, %sign3A_355 : i32
          %sign3A_357 = arith.extui %sign3A_356 : i1 to i32
          %sign3A_358 = arith.subi %sign3A_354, %sign3A_357 : i32
          %sign3A_359 = arith.constant 0 : i32
          %sign3A_360 = arith.cmpi sgt, %jit3A_350, %sign3A_359 : i32
          %sign3A_361 = arith.extui %sign3A_360 : i1 to i32
          %sign3A_362 = arith.constant 0 : i32
          %sign3A_363 = arith.cmpi slt, %jit3A_350, %sign3A_362 : i32
          %sign3A_364 = arith.extui %sign3A_363 : i1 to i32
          %sign3A_365 = arith.subi %sign3A_361, %sign3A_364 : i32
          %ne3A_366 = arith.cmpi ne, %sign3A_358, %sign3A_365 : i32
          %rem3A_367 = arith.remsi %add3A_165, %jit3A_350 : i32
          %ne3A_368 = arith.constant 0 : i32
          %ne3A_369 = arith.cmpi ne, %rem3A_367, %ne3A_368 : i32
          %and3A_370 = arith.andi %ne3A_366, %ne3A_369 : i1
          %sub3A_371 = arith.constant 1 : i32
          %sub3A_372 = arith.subi %div3A_351, %sub3A_371 : i32
          %select_n3A_373 = arith.select %and3A_370, %sub3A_372, %div3A_351 : i32
          %ne3A_374 = arith.cmpi ne, %select_n3A_309, %select_n3A_349 : i32
          %ne3A_375 = arith.cmpi ne, %select_n3A_333, %select_n3A_373 : i32
          %or3A_376 = arith.constant false
          %or3A_377 = arith.ori %or3A_376, %ne3A_374 : i1
          %or3A_378 = arith.ori %or3A_377, %ne3A_375 : i1
          %or3A_379 = arith.ori %or3A_378, %eq3A_151 : i1
          %convert_element_type3A_380 = arith.extui %or3A_379 : i1 to i32
          %cond3A_381 = arith.constant 0 : i32
          %cond3A_382 = arith.cmpi ne, %convert_element_type3A_380, %cond3A_381 : i32
          scf.if %cond3A_382 {
          } else {
          }
          %rem3A_383 = arith.constant 2 : i32
          %rem3A_384 = arith.remui %while3A_144, %rem3A_383 : i32
          %rem3A_385 = arith.constant 2 : i32
          %rem3A_386 = arith.remui %while3A_145, %rem3A_385 : i32
          %run_scoped3A_387 = arith.constant 0 : i32
          "tpu.trace_start"() <{level = 10 : i32, message = "ep_run_kernel"}> : () -> ()
          "tpu.region"() ({
            %run_scoped3A_612 = tpu.sem_alloc : memref<!tpu.dma_semaphore, #tpu.memory_space<semaphore_mem>>
            %dma_start3A_613 = arith.constant 0 : i32
            %dma_start3A_614 = arith.constant 0 : i32
            %dma_start3A_615 = tpu.memref_slice %run_scoped3A_18[%rem3A_386, %dma_start3A_613, %dma_start3A_614] : memref<2x256x128xi32, #tpu.memory_space<vmem>> -> memref<1x256x128xi32, #tpu.memory_space<vmem>>
            %dma_start3A_616 = tpu.memref_squeeze %dma_start3A_615 : memref<1x256x128xi32, #tpu.memory_space<vmem>> -> memref<256x128xi32, #tpu.memory_space<vmem>>
            %dma_start3A_617 = arith.constant 0 : i32
            %dma_start3A_618 = arith.constant 0 : i32
            %dma_start3A_619 = tpu.memref_slice %run_scoped3A[%rem3A_384, %dma_start3A_617, %dma_start3A_618] : memref<2x1x256xi32, #tpu.memory_space<vmem>> -> memref<1x1x256xi32, #tpu.memory_space<vmem>>
            %dma_start3A_620 = tpu.memref_squeeze %dma_start3A_619 : memref<1x1x256xi32, #tpu.memory_space<vmem>> -> memref<1x256xi32, #tpu.memory_space<vmem>>
            %dma_start3A_621 = arith.constant 0 : i32
            %dma_start3A_622 = tpu.memref_slice %dma_start3A_620[%run_scoped3A_387, %dma_start3A_621] : memref<1x256xi32, #tpu.memory_space<vmem>> -> memref<1x256xi32, #tpu.memory_space<vmem>>
            %dma_start3A_623 = tpu.memref_squeeze %dma_start3A_622 : memref<1x256xi32, #tpu.memory_space<vmem>> -> memref<256xi32, #tpu.memory_space<vmem>>
            %dma_start3A_624 = arith.constant 0 : i32
            %dma_start3A_625 = arith.constant 0 : i32
            %dma_start3A_626 = tpu.memref_slice %arg2[%dma_start3A_624, %dma_start3A_625] : memref<20000x128xi32, #tpu.memory_space<hbm>> -> memref<20000x128xi32, #tpu.memory_space<hbm>>
            tpu.enqueue_indirect_dma source(%dma_start3A_626 : memref<20000x128xi32, #tpu.memory_space<hbm>>) target(%dma_start3A_616 : memref<256x128xi32, #tpu.memory_space<vmem>>) offsets(%dma_start3A_623 : memref<256xi32, #tpu.memory_space<vmem>>) semaphore(%run_scoped3A_612 : memref<!tpu.dma_semaphore, #tpu.memory_space<semaphore_mem>>)
            %dma_wait3A = arith.constant 0 : i32
            %dma_wait3A_627 = arith.constant 0 : i32
            %dma_wait3A_628 = tpu.memref_slice %run_scoped3A_18[%rem3A_386, %dma_wait3A, %dma_wait3A_627] : memref<2x256x128xi32, #tpu.memory_space<vmem>> -> memref<1x256x128xi32, #tpu.memory_space<vmem>>
            %dma_wait3A_629 = tpu.memref_squeeze %dma_wait3A_628 : memref<1x256x128xi32, #tpu.memory_space<vmem>> -> memref<256x128xi32, #tpu.memory_space<vmem>>
            %dma_wait3A_630 = arith.constant 0 : i32
            %dma_wait3A_631 = arith.constant 0 : i32
            %dma_wait3A_632 = tpu.memref_slice %run_scoped3A[%rem3A_384, %dma_wait3A_630, %dma_wait3A_631] : memref<2x1x256xi32, #tpu.memory_space<vmem>> -> memref<1x1x256xi32, #tpu.memory_space<vmem>>
            %dma_wait3A_633 = tpu.memref_squeeze %dma_wait3A_632 : memref<1x1x256xi32, #tpu.memory_space<vmem>> -> memref<1x256xi32, #tpu.memory_space<vmem>>
            %dma_wait3A_634 = arith.constant 0 : i32
            %dma_wait3A_635 = tpu.memref_slice %dma_wait3A_633[%run_scoped3A_387, %dma_wait3A_634] : memref<1x256xi32, #tpu.memory_space<vmem>> -> memref<1x256xi32, #tpu.memory_space<vmem>>
            %dma_wait3A_636 = tpu.memref_squeeze %dma_wait3A_635 : memref<1x256xi32, #tpu.memory_space<vmem>> -> memref<256xi32, #tpu.memory_space<vmem>>
            %dma_wait3A_637 = arith.constant 0 : i32
            %dma_wait3A_638 = arith.constant 0 : i32
            %dma_wait3A_639 = tpu.memref_slice %arg2[%dma_wait3A_637, %dma_wait3A_638] : memref<20000x128xi32, #tpu.memory_space<hbm>> -> memref<20000x128xi32, #tpu.memory_space<hbm>>
            tpu.wait_indirect_dma semaphore(%run_scoped3A_612 : memref<!tpu.dma_semaphore, #tpu.memory_space<semaphore_mem>>) src(%dma_wait3A_639 : memref<20000x128xi32, #tpu.memory_space<hbm>>) dst(%dma_wait3A_629 : memref<256x128xi32, #tpu.memory_space<vmem>>)
            tpu.yield
          }) : () -> ()
          "tpu.trace_stop"() : () -> ()
          %ne3A_388 = arith.cmpi ne, %add3A_155, %add3A_173 : i32
          %or3A_389 = arith.constant false
          %or3A_390 = arith.ori %or3A_389, %ne3A_388 : i1
          %or3A_391 = arith.ori %or3A_390, %eq3A_154 : i1
          %convert_element_type3A_392 = arith.extui %or3A_391 : i1 to i32
          %cond3A_393 = arith.constant 0 : i32
          %cond3A_394 = arith.cmpi ne, %convert_element_type3A_392, %cond3A_393 : i32
          scf.if %cond3A_394 {
          } else {
          }
          %and3A_395 = arith.constant false
          %and3A_396 = arith.andi %or3A_391, %and3A_395 : i1
          %jit3A_397 = arith.constant 50 : i32
          %eq3A_398 = arith.constant 0 : i32
          %eq3A_399 = arith.cmpi eq, %jit3A_397, %eq3A_398 : i32
          %jit3A_400 = arith.constant 1 : i32
          %select_n3A_401 = arith.select %eq3A_399, %jit3A_400, %jit3A_397 : i32
          %rem3A_402 = arith.remsi %add3A_155, %select_n3A_401 : i32
          %ne3A_403 = arith.constant 0 : i32
          %ne3A_404 = arith.cmpi ne, %rem3A_402, %ne3A_403 : i32
          %lt3A_405 = arith.constant 0 : i32
          %lt3A_406 = arith.cmpi slt, %rem3A_402, %lt3A_405 : i32
          %lt3A_407 = arith.constant 0 : i32
          %lt3A_408 = arith.cmpi slt, %select_n3A_401, %lt3A_407 : i32
          %ne3A_409 = arith.xori %lt3A_406, %lt3A_408 : i1
          %and3A_410 = arith.andi %ne3A_409, %ne3A_404 : i1
          %add3A_411 = arith.addi %rem3A_402, %select_n3A_401 : i32
          %select_n3A_412 = arith.select %and3A_410, %add3A_411, %rem3A_402 : i32
          %jit3A_413 = arith.constant 50 : i32
          %div3A_414 = arith.divsi %add3A_155, %jit3A_413 : i32
          %sign3A_415 = arith.constant 0 : i32
          %sign3A_416 = arith.cmpi sgt, %add3A_155, %sign3A_415 : i32
          %sign3A_417 = arith.extui %sign3A_416 : i1 to i32
          %sign3A_418 = arith.constant 0 : i32
          %sign3A_419 = arith.cmpi slt, %add3A_155, %sign3A_418 : i32
          %sign3A_420 = arith.extui %sign3A_419 : i1 to i32
          %sign3A_421 = arith.subi %sign3A_417, %sign3A_420 : i32
          %sign3A_422 = arith.constant 0 : i32
          %sign3A_423 = arith.cmpi sgt, %jit3A_413, %sign3A_422 : i32
          %sign3A_424 = arith.extui %sign3A_423 : i1 to i32
          %sign3A_425 = arith.constant 0 : i32
          %sign3A_426 = arith.cmpi slt, %jit3A_413, %sign3A_425 : i32
          %sign3A_427 = arith.extui %sign3A_426 : i1 to i32
          %sign3A_428 = arith.subi %sign3A_424, %sign3A_427 : i32
          %ne3A_429 = arith.cmpi ne, %sign3A_421, %sign3A_428 : i32
          %rem3A_430 = arith.remsi %add3A_155, %jit3A_413 : i32
          %ne3A_431 = arith.constant 0 : i32
          %ne3A_432 = arith.cmpi ne, %rem3A_430, %ne3A_431 : i32
          %and3A_433 = arith.andi %ne3A_429, %ne3A_432 : i1
          %sub3A_434 = arith.constant 1 : i32
          %sub3A_435 = arith.subi %div3A_414, %sub3A_434 : i32
          %select_n3A_436 = arith.select %and3A_433, %sub3A_435, %div3A_414 : i32
          %jit3A_437 = arith.constant 50 : i32
          %eq3A_438 = arith.constant 0 : i32
          %eq3A_439 = arith.cmpi eq, %jit3A_437, %eq3A_438 : i32
          %jit3A_440 = arith.constant 1 : i32
          %select_n3A_441 = arith.select %eq3A_439, %jit3A_440, %jit3A_437 : i32
          %rem3A_442 = arith.remsi %add3A_173, %select_n3A_441 : i32
          %ne3A_443 = arith.constant 0 : i32
          %ne3A_444 = arith.cmpi ne, %rem3A_442, %ne3A_443 : i32
          %lt3A_445 = arith.constant 0 : i32
          %lt3A_446 = arith.cmpi slt, %rem3A_442, %lt3A_445 : i32
          %lt3A_447 = arith.constant 0 : i32
          %lt3A_448 = arith.cmpi slt, %select_n3A_441, %lt3A_447 : i32
          %ne3A_449 = arith.xori %lt3A_446, %lt3A_448 : i1
          %and3A_450 = arith.andi %ne3A_449, %ne3A_444 : i1
          %add3A_451 = arith.addi %rem3A_442, %select_n3A_441 : i32
          %select_n3A_452 = arith.select %and3A_450, %add3A_451, %rem3A_442 : i32
          %jit3A_453 = arith.constant 50 : i32
          %div3A_454 = arith.divsi %add3A_173, %jit3A_453 : i32
          %sign3A_455 = arith.constant 0 : i32
          %sign3A_456 = arith.cmpi sgt, %add3A_173, %sign3A_455 : i32
          %sign3A_457 = arith.extui %sign3A_456 : i1 to i32
          %sign3A_458 = arith.constant 0 : i32
          %sign3A_459 = arith.cmpi slt, %add3A_173, %sign3A_458 : i32
          %sign3A_460 = arith.extui %sign3A_459 : i1 to i32
          %sign3A_461 = arith.subi %sign3A_457, %sign3A_460 : i32
          %sign3A_462 = arith.constant 0 : i32
          %sign3A_463 = arith.cmpi sgt, %jit3A_453, %sign3A_462 : i32
          %sign3A_464 = arith.extui %sign3A_463 : i1 to i32
          %sign3A_465 = arith.constant 0 : i32
          %sign3A_466 = arith.cmpi slt, %jit3A_453, %sign3A_465 : i32
          %sign3A_467 = arith.extui %sign3A_466 : i1 to i32
          %sign3A_468 = arith.subi %sign3A_464, %sign3A_467 : i32
          %ne3A_469 = arith.cmpi ne, %sign3A_461, %sign3A_468 : i32
          %rem3A_470 = arith.remsi %add3A_173, %jit3A_453 : i32
          %ne3A_471 = arith.constant 0 : i32
          %ne3A_472 = arith.cmpi ne, %rem3A_470, %ne3A_471 : i32
          %and3A_473 = arith.andi %ne3A_469, %ne3A_472 : i1
          %sub3A_474 = arith.constant 1 : i32
          %sub3A_475 = arith.subi %div3A_454, %sub3A_474 : i32
          %select_n3A_476 = arith.select %and3A_473, %sub3A_475, %div3A_454 : i32
          %ne3A_477 = arith.cmpi ne, %select_n3A_412, %select_n3A_452 : i32
          %ne3A_478 = arith.cmpi ne, %select_n3A_436, %select_n3A_476 : i32
          %or3A_479 = arith.constant false
          %or3A_480 = arith.ori %or3A_479, %ne3A_477 : i1
          %or3A_481 = arith.ori %or3A_480, %ne3A_478 : i1
          %or3A_482 = arith.ori %or3A_481, %eq3A_154 : i1
          %convert_element_type3A_483 = arith.extui %or3A_482 : i1 to i32
          %cond3A_484 = arith.constant 0 : i32
          %cond3A_485 = arith.cmpi ne, %convert_element_type3A_483, %cond3A_484 : i32
          scf.if %cond3A_485 {
            "tpu.trace_start"() <{level = 10 : i32, message = "ep_copy_out"}> : () -> ()
            %rem3A_612 = arith.constant 2 : i32
            %rem3A_613 = arith.remui %while3A_145, %rem3A_612 : i32
            %jit3A_614 = arith.constant 50 : i32
            %eq3A_615 = arith.constant 0 : i32
            %eq3A_616 = arith.cmpi eq, %jit3A_614, %eq3A_615 : i32
            %jit3A_617 = arith.constant 1 : i32
            %select_n3A_618 = arith.select %eq3A_616, %jit3A_617, %jit3A_614 : i32
            %rem3A_619 = arith.remsi %add3A_155, %select_n3A_618 : i32
            %ne3A_620 = arith.constant 0 : i32
            %ne3A_621 = arith.cmpi ne, %rem3A_619, %ne3A_620 : i32
            %lt3A_622 = arith.constant 0 : i32
            %lt3A_623 = arith.cmpi slt, %rem3A_619, %lt3A_622 : i32
            %lt3A_624 = arith.constant 0 : i32
            %lt3A_625 = arith.cmpi slt, %select_n3A_618, %lt3A_624 : i32
            %ne3A_626 = arith.xori %lt3A_623, %lt3A_625 : i1
            %and3A_627 = arith.andi %ne3A_626, %ne3A_621 : i1
            %add3A_628 = arith.addi %rem3A_619, %select_n3A_618 : i32
            %select_n3A_629 = arith.select %and3A_627, %add3A_628, %rem3A_619 : i32
            %jit3A_630 = arith.constant 50 : i32
            %div3A_631 = arith.divsi %add3A_155, %jit3A_630 : i32
            %sign3A_632 = arith.constant 0 : i32
            %sign3A_633 = arith.cmpi sgt, %add3A_155, %sign3A_632 : i32
            %sign3A_634 = arith.extui %sign3A_633 : i1 to i32
            %sign3A_635 = arith.constant 0 : i32
            %sign3A_636 = arith.cmpi slt, %add3A_155, %sign3A_635 : i32
            %sign3A_637 = arith.extui %sign3A_636 : i1 to i32
            %sign3A_638 = arith.subi %sign3A_634, %sign3A_637 : i32
            %sign3A_639 = arith.constant 0 : i32
            %sign3A_640 = arith.cmpi sgt, %jit3A_630, %sign3A_639 : i32
            %sign3A_641 = arith.extui %sign3A_640 : i1 to i32
            %sign3A_642 = arith.constant 0 : i32
            %sign3A_643 = arith.cmpi slt, %jit3A_630, %sign3A_642 : i32
            %sign3A_644 = arith.extui %sign3A_643 : i1 to i32
            %sign3A_645 = arith.subi %sign3A_641, %sign3A_644 : i32
            %ne3A_646 = arith.cmpi ne, %sign3A_638, %sign3A_645 : i32
            %rem3A_647 = arith.remsi %add3A_155, %jit3A_630 : i32
            %ne3A_648 = arith.constant 0 : i32
            %ne3A_649 = arith.cmpi ne, %rem3A_647, %ne3A_648 : i32
            %and3A_650 = arith.andi %ne3A_646, %ne3A_649 : i1
            %sub3A_651 = arith.constant 1 : i32
            %sub3A_652 = arith.subi %div3A_631, %sub3A_651 : i32
            %select_n3A_653 = arith.select %and3A_650, %sub3A_652, %div3A_631 : i32
            %mul3A_654 = arith.constant 256 : i32
            %mul3A_655 = arith.muli %mul3A_654, %select_n3A_629 : i32
            %mul3A_656 = arith.constant 128 : i32
            %mul3A_657 = arith.muli %mul3A_656, %select_n3A_653 : i32
            %dma_start3A_658 = arith.constant 0 : i32
            %dma_start3A_659 = arith.constant 0 : i32
            %dma_start3A_660 = tpu.memref_slice %run_scoped3A_18[%rem3A_613, %dma_start3A_658, %dma_start3A_659] : memref<2x256x128xi32, #tpu.memory_space<vmem>> -> memref<1x256x128xi32, #tpu.memory_space<vmem>>
            %dma_start3A_661 = tpu.memref_squeeze %dma_start3A_660 : memref<1x256x128xi32, #tpu.memory_space<vmem>> -> memref<256x128xi32, #tpu.memory_space<vmem>>
            %dma_start3A_662 = tpu.memref_slice %arg4[%mul3A_655, %mul3A_657] : memref<12800x256xi32, #tpu.memory_space<hbm>> -> memref<256x128xi32, #tpu.memory_space<hbm>>
            %dma_start3A_663 = tpu.memref_slice %run_scoped3A_19[%rem3A_613] : memref<2x!tpu.dma_semaphore, #tpu.memory_space<semaphore_mem>> -> memref<1x!tpu.dma_semaphore, #tpu.memory_space<semaphore_mem>>
            %dma_start3A_664 = tpu.memref_squeeze %dma_start3A_663 : memref<1x!tpu.dma_semaphore, #tpu.memory_space<semaphore_mem>> -> memref<!tpu.dma_semaphore, #tpu.memory_space<semaphore_mem>>
            %dma_start3A_665 = tpu.memref_slice %arg4[%mul3A_655, %mul3A_657] : memref<12800x256xi32, #tpu.memory_space<hbm>> -> memref<256x128xi32, #tpu.memory_space<hbm>>
            %dma_start3A_666 = arith.constant 0 : i32
            %dma_start3A_667 = arith.constant 0 : i32
            %dma_start3A_668 = tpu.memref_slice %run_scoped3A_18[%rem3A_613, %dma_start3A_666, %dma_start3A_667] : memref<2x256x128xi32, #tpu.memory_space<vmem>> -> memref<1x256x128xi32, #tpu.memory_space<vmem>>
            %dma_start3A_669 = tpu.memref_squeeze %dma_start3A_668 : memref<1x256x128xi32, #tpu.memory_space<vmem>> -> memref<256x128xi32, #tpu.memory_space<vmem>>
            tpu.enqueue_dma source(%dma_start3A_669 : memref<256x128xi32, #tpu.memory_space<vmem>>) target(%dma_start3A_665 : memref<256x128xi32, #tpu.memory_space<hbm>>) target_semaphore(%dma_start3A_664 : memref<!tpu.dma_semaphore, #tpu.memory_space<semaphore_mem>>)
            "tpu.trace_stop"() : () -> ()
          } else {
          }
          %and3A_486 = arith.constant true
          %and3A_487 = arith.andi %or3A_482, %and3A_486 : i1
          %add3A_488 = arith.constant 1 : i32
          %add3A_489 = arith.addi %while3A_145, %add3A_488 : i32
          %select_n3A_490 = arith.select %and3A_487, %add3A_489, %while3A_145 : i32
          %ne3A_491 = arith.cmpi ne, %add3A_155, %add3A_165 : i32
          %or3A_492 = arith.constant false
          %or3A_493 = arith.ori %or3A_492, %ne3A_491 : i1
          %not3A_494 = arith.constant true
          %not3A_495 = arith.xori %eq3A_151, %not3A_494 : i1
          %and3A_496 = arith.andi %or3A_493, %not3A_495 : i1
          %convert_element_type3A_497 = arith.extui %and3A_496 : i1 to i32
          %cond3A_498 = arith.constant 0 : i32
          %cond3A_499 = arith.cmpi ne, %convert_element_type3A_497, %cond3A_498 : i32
          scf.if %cond3A_499 {
          } else {
          }
          %and3A_500 = arith.constant false
          %and3A_501 = arith.andi %and3A_496, %and3A_500 : i1
          %jit3A_502 = arith.constant 50 : i32
          %eq3A_503 = arith.constant 0 : i32
          %eq3A_504 = arith.cmpi eq, %jit3A_502, %eq3A_503 : i32
          %jit3A_505 = arith.constant 1 : i32
          %select_n3A_506 = arith.select %eq3A_504, %jit3A_505, %jit3A_502 : i32
          %rem3A_507 = arith.remsi %add3A_155, %select_n3A_506 : i32
          %ne3A_508 = arith.constant 0 : i32
          %ne3A_509 = arith.cmpi ne, %rem3A_507, %ne3A_508 : i32
          %lt3A_510 = arith.constant 0 : i32
          %lt3A_511 = arith.cmpi slt, %rem3A_507, %lt3A_510 : i32
          %lt3A_512 = arith.constant 0 : i32
          %lt3A_513 = arith.cmpi slt, %select_n3A_506, %lt3A_512 : i32
          %ne3A_514 = arith.xori %lt3A_511, %lt3A_513 : i1
          %and3A_515 = arith.andi %ne3A_514, %ne3A_509 : i1
          %add3A_516 = arith.addi %rem3A_507, %select_n3A_506 : i32
          %select_n3A_517 = arith.select %and3A_515, %add3A_516, %rem3A_507 : i32
          %jit3A_518 = arith.constant 50 : i32
          %div3A_519 = arith.divsi %add3A_155, %jit3A_518 : i32
          %sign3A_520 = arith.constant 0 : i32
          %sign3A_521 = arith.cmpi sgt, %add3A_155, %sign3A_520 : i32
          %sign3A_522 = arith.extui %sign3A_521 : i1 to i32
          %sign3A_523 = arith.constant 0 : i32
          %sign3A_524 = arith.cmpi slt, %add3A_155, %sign3A_523 : i32
          %sign3A_525 = arith.extui %sign3A_524 : i1 to i32
          %sign3A_526 = arith.subi %sign3A_522, %sign3A_525 : i32
          %sign3A_527 = arith.constant 0 : i32
          %sign3A_528 = arith.cmpi sgt, %jit3A_518, %sign3A_527 : i32
          %sign3A_529 = arith.extui %sign3A_528 : i1 to i32
          %sign3A_530 = arith.constant 0 : i32
          %sign3A_531 = arith.cmpi slt, %jit3A_518, %sign3A_530 : i32
          %sign3A_532 = arith.extui %sign3A_531 : i1 to i32
          %sign3A_533 = arith.subi %sign3A_529, %sign3A_532 : i32
          %ne3A_534 = arith.cmpi ne, %sign3A_526, %sign3A_533 : i32
          %rem3A_535 = arith.remsi %add3A_155, %jit3A_518 : i32
          %ne3A_536 = arith.constant 0 : i32
          %ne3A_537 = arith.cmpi ne, %rem3A_535, %ne3A_536 : i32
          %and3A_538 = arith.andi %ne3A_534, %ne3A_537 : i1
          %sub3A_539 = arith.constant 1 : i32
          %sub3A_540 = arith.subi %div3A_519, %sub3A_539 : i32
          %select_n3A_541 = arith.select %and3A_538, %sub3A_540, %div3A_519 : i32
          %jit3A_542 = arith.constant 50 : i32
          %eq3A_543 = arith.constant 0 : i32
          %eq3A_544 = arith.cmpi eq, %jit3A_542, %eq3A_543 : i32
          %jit3A_545 = arith.constant 1 : i32
          %select_n3A_546 = arith.select %eq3A_544, %jit3A_545, %jit3A_542 : i32
          %rem3A_547 = arith.remsi %add3A_165, %select_n3A_546 : i32
          %ne3A_548 = arith.constant 0 : i32
          %ne3A_549 = arith.cmpi ne, %rem3A_547, %ne3A_548 : i32
          %lt3A_550 = arith.constant 0 : i32
          %lt3A_551 = arith.cmpi slt, %rem3A_547, %lt3A_550 : i32
          %lt3A_552 = arith.constant 0 : i32
          %lt3A_553 = arith.cmpi slt, %select_n3A_546, %lt3A_552 : i32
          %ne3A_554 = arith.xori %lt3A_551, %lt3A_553 : i1
          %and3A_555 = arith.andi %ne3A_554, %ne3A_549 : i1
          %add3A_556 = arith.addi %rem3A_547, %select_n3A_546 : i32
          %select_n3A_557 = arith.select %and3A_555, %add3A_556, %rem3A_547 : i32
          %jit3A_558 = arith.constant 50 : i32
          %div3A_559 = arith.divsi %add3A_165, %jit3A_558 : i32
          %sign3A_560 = arith.constant 0 : i32
          %sign3A_561 = arith.cmpi sgt, %add3A_165, %sign3A_560 : i32
          %sign3A_562 = arith.extui %sign3A_561 : i1 to i32
          %sign3A_563 = arith.constant 0 : i32
          %sign3A_564 = arith.cmpi slt, %add3A_165, %sign3A_563 : i32
          %sign3A_565 = arith.extui %sign3A_564 : i1 to i32
          %sign3A_566 = arith.subi %sign3A_562, %sign3A_565 : i32
          %sign3A_567 = arith.constant 0 : i32
          %sign3A_568 = arith.cmpi sgt, %jit3A_558, %sign3A_567 : i32
          %sign3A_569 = arith.extui %sign3A_568 : i1 to i32
          %sign3A_570 = arith.constant 0 : i32
          %sign3A_571 = arith.cmpi slt, %jit3A_558, %sign3A_570 : i32
          %sign3A_572 = arith.extui %sign3A_571 : i1 to i32
          %sign3A_573 = arith.subi %sign3A_569, %sign3A_572 : i32
          %ne3A_574 = arith.cmpi ne, %sign3A_566, %sign3A_573 : i32
          %rem3A_575 = arith.remsi %add3A_165, %jit3A_558 : i32
          %ne3A_576 = arith.constant 0 : i32
          %ne3A_577 = arith.cmpi ne, %rem3A_575, %ne3A_576 : i32
          %and3A_578 = arith.andi %ne3A_574, %ne3A_577 : i1
          %sub3A_579 = arith.constant 1 : i32
          %sub3A_580 = arith.subi %div3A_559, %sub3A_579 : i32
          %select_n3A_581 = arith.select %and3A_578, %sub3A_580, %div3A_559 : i32
          %ne3A_582 = arith.cmpi ne, %select_n3A_517, %select_n3A_557 : i32
          %ne3A_583 = arith.cmpi ne, %select_n3A_541, %select_n3A_581 : i32
          %or3A_584 = arith.constant false
          %or3A_585 = arith.ori %or3A_584, %ne3A_582 : i1
          %or3A_586 = arith.ori %or3A_585, %ne3A_583 : i1
          %not3A_587 = arith.constant true
          %not3A_588 = arith.xori %eq3A_151, %not3A_587 : i1
          %and3A_589 = arith.andi %or3A_586, %not3A_588 : i1
          %convert_element_type3A_590 = arith.extui %and3A_589 : i1 to i32
          %cond3A_591 = arith.constant 0 : i32
          %cond3A_592 = arith.cmpi ne, %convert_element_type3A_590, %cond3A_591 : i32
          scf.if %cond3A_592 {
            "tpu.trace_start"() <{level = 10 : i32, message = "ep_wait_out"}> : () -> ()
            %rem3A_612 = arith.constant 2 : i32
            %rem3A_613 = arith.remui %while3A_146, %rem3A_612 : i32
            %jit3A_614 = arith.constant 50 : i32
            %eq3A_615 = arith.constant 0 : i32
            %eq3A_616 = arith.cmpi eq, %jit3A_614, %eq3A_615 : i32
            %jit3A_617 = arith.constant 1 : i32
            %select_n3A_618 = arith.select %eq3A_616, %jit3A_617, %jit3A_614 : i32
            %rem3A_619 = arith.remsi %add3A_165, %select_n3A_618 : i32
            %ne3A_620 = arith.constant 0 : i32
            %ne3A_621 = arith.cmpi ne, %rem3A_619, %ne3A_620 : i32
            %lt3A_622 = arith.constant 0 : i32
            %lt3A_623 = arith.cmpi slt, %rem3A_619, %lt3A_622 : i32
            %lt3A_624 = arith.constant 0 : i32
            %lt3A_625 = arith.cmpi slt, %select_n3A_618, %lt3A_624 : i32
            %ne3A_626 = arith.xori %lt3A_623, %lt3A_625 : i1
            %and3A_627 = arith.andi %ne3A_626, %ne3A_621 : i1
            %add3A_628 = arith.addi %rem3A_619, %select_n3A_618 : i32
            %select_n3A_629 = arith.select %and3A_627, %add3A_628, %rem3A_619 : i32
            %jit3A_630 = arith.constant 50 : i32
            %div3A_631 = arith.divsi %add3A_165, %jit3A_630 : i32
            %sign3A_632 = arith.constant 0 : i32
            %sign3A_633 = arith.cmpi sgt, %add3A_165, %sign3A_632 : i32
            %sign3A_634 = arith.extui %sign3A_633 : i1 to i32
            %sign3A_635 = arith.constant 0 : i32
            %sign3A_636 = arith.cmpi slt, %add3A_165, %sign3A_635 : i32
            %sign3A_637 = arith.extui %sign3A_636 : i1 to i32
            %sign3A_638 = arith.subi %sign3A_634, %sign3A_637 : i32
            %sign3A_639 = arith.constant 0 : i32
            %sign3A_640 = arith.cmpi sgt, %jit3A_630, %sign3A_639 : i32
            %sign3A_641 = arith.extui %sign3A_640 : i1 to i32
            %sign3A_642 = arith.constant 0 : i32
            %sign3A_643 = arith.cmpi slt, %jit3A_630, %sign3A_642 : i32
            %sign3A_644 = arith.extui %sign3A_643 : i1 to i32
            %sign3A_645 = arith.subi %sign3A_641, %sign3A_644 : i32
            %ne3A_646 = arith.cmpi ne, %sign3A_638, %sign3A_645 : i32
            %rem3A_647 = arith.remsi %add3A_165, %jit3A_630 : i32
            %ne3A_648 = arith.constant 0 : i32
            %ne3A_649 = arith.cmpi ne, %rem3A_647, %ne3A_648 : i32
            %and3A_650 = arith.andi %ne3A_646, %ne3A_649 : i1
            %sub3A_651 = arith.constant 1 : i32
            %sub3A_652 = arith.subi %div3A_631, %sub3A_651 : i32
            %select_n3A_653 = arith.select %and3A_650, %sub3A_652, %div3A_631 : i32
            %mul3A_654 = arith.constant 256 : i32
            %mul3A_655 = arith.muli %mul3A_654, %select_n3A_629 : i32
            %mul3A_656 = arith.constant 128 : i32
            %mul3A_657 = arith.muli %mul3A_656, %select_n3A_653 : i32
            %dma_wait3A = arith.constant 0 : i32
            %dma_wait3A_658 = arith.constant 0 : i32
            %dma_wait3A_659 = tpu.memref_slice %run_scoped3A_18[%rem3A_613, %dma_wait3A, %dma_wait3A_658] : memref<2x256x128xi32, #tpu.memory_space<vmem>> -> memref<1x256x128xi32, #tpu.memory_space<vmem>>
            %dma_wait3A_660 = tpu.memref_squeeze %dma_wait3A_659 : memref<1x256x128xi32, #tpu.memory_space<vmem>> -> memref<256x128xi32, #tpu.memory_space<vmem>>
            %dma_wait3A_661 = tpu.memref_slice %arg4[%mul3A_655, %mul3A_657] : memref<12800x256xi32, #tpu.memory_space<hbm>> -> memref<256x128xi32, #tpu.memory_space<hbm>>
            %dma_wait3A_662 = tpu.memref_slice %run_scoped3A_19[%rem3A_613] : memref<2x!tpu.dma_semaphore, #tpu.memory_space<semaphore_mem>> -> memref<1x!tpu.dma_semaphore, #tpu.memory_space<semaphore_mem>>
            %dma_wait3A_663 = tpu.memref_squeeze %dma_wait3A_662 : memref<1x!tpu.dma_semaphore, #tpu.memory_space<semaphore_mem>> -> memref<!tpu.dma_semaphore, #tpu.memory_space<semaphore_mem>>
            %dma_wait3A_664 = tpu.memref_slice %arg4[%mul3A_655, %mul3A_657] : memref<12800x256xi32, #tpu.memory_space<hbm>> -> memref<256x128xi32, #tpu.memory_space<hbm>>
            %dma_wait3A_665 = arith.constant 0 : i32
            %dma_wait3A_666 = arith.constant 0 : i32
            %dma_wait3A_667 = tpu.memref_slice %run_scoped3A_18[%rem3A_613, %dma_wait3A_665, %dma_wait3A_666] : memref<2x256x128xi32, #tpu.memory_space<vmem>> -> memref<1x256x128xi32, #tpu.memory_space<vmem>>
            %dma_wait3A_668 = tpu.memref_squeeze %dma_wait3A_667 : memref<1x256x128xi32, #tpu.memory_space<vmem>> -> memref<256x128xi32, #tpu.memory_space<vmem>>
            tpu.wait_dma2 semaphore(%dma_wait3A_663 : memref<!tpu.dma_semaphore, #tpu.memory_space<semaphore_mem>>) src(%dma_wait3A_668 : memref<256x128xi32, #tpu.memory_space<vmem>>) dst(%dma_wait3A_664 : memref<256x128xi32, #tpu.memory_space<hbm>>)
            "tpu.trace_stop"() : () -> ()
          } else {
          }
          %and3A_593 = arith.constant true
          %and3A_594 = arith.andi %and3A_589, %and3A_593 : i1
          %add3A_595 = arith.constant 1 : i32
          %add3A_596 = arith.addi %while3A_146, %add3A_595 : i32
          %select_n3A_597 = arith.select %and3A_594, %add3A_596, %while3A_146 : i32
          %ne3A_598 = arith.cmpi ne, %add3A_155, %add3A_173 : i32
          %or3A_599 = arith.constant false
          %or3A_600 = arith.ori %or3A_599, %ne3A_598 : i1
          %or3A_601 = arith.ori %or3A_600, %eq3A_154 : i1
          %add3A_602 = arith.constant 1 : i32
          %add3A_603 = arith.addi %while3A_144, %add3A_602 : i32
          %select_n3A_604 = arith.select %or3A_601, %add3A_603, %while3A_144 : i32
          %add3A_605 = arith.constant 1 : i32
          %add3A_606 = arith.addi %while3A_147, %add3A_605 : i32
          %select_n3A_607 = arith.constant true
          %select_n3A_608 = arith.select %select_n3A_607, %add3A_606, %while3A_147 : i32
          %eq3A_609 = arith.cmpi eq, %select_n3A_608, %select_n3A : i32
          %select_n3A_610 = arith.constant 0 : i32
          %select_n3A_611 = arith.select %eq3A_609, %select_n3A_610, %select_n3A_608 : i32
          scf.yield %select_n3A_195, %select_n3A_604, %select_n3A_490, %select_n3A_597, %select_n3A_611 : i32, i32, i32, i32, i32
        }
        %sub3A_91 = arith.constant 1 : i32
        %sub3A_92 = arith.subi %while3A_90#4, %sub3A_91 : i32
        %select_n3A_93 = arith.constant true
        %select_n3A_94 = arith.select %select_n3A_93, %sub3A_92, %while3A_90#4 : i32
        %eq3A_95 = arith.constant -1 : i32
        %eq3A_96 = arith.cmpi eq, %select_n3A_94, %eq3A_95 : i32
        %sub3A_97 = arith.constant 1 : i32
        %sub3A_98 = arith.subi %select_n3A, %sub3A_97 : i32
        %select_n3A_99 = arith.select %eq3A_96, %sub3A_98, %select_n3A_94 : i32
        %sub3A_100 = arith.constant 1 : i32
        %sub3A_101 = arith.subi %mul3A_16, %sub3A_100 : i32
        %mul3A_102 = arith.constant 1 : i32
        %mul3A_103 = arith.muli %mul3A_102, %select_n3A : i32
        %eq3A_104 = arith.constant 0 : i32
        %eq3A_105 = arith.cmpi eq, %sub3A_101, %eq3A_104 : i32
        %sub3A_106 = arith.constant 1 : i32
        %sub3A_107 = arith.subi %mul3A_103, %sub3A_106 : i32
        %eq3A_108 = arith.cmpi eq, %sub3A_101, %sub3A_107 : i32
        %add3A_109 = arith.addi %select_n3A_99, %select_n3A_14 : i32
        %sub3A_110 = arith.constant 1 : i32
        %sub3A_111 = arith.subi %select_n3A_99, %sub3A_110 : i32
        %select_n3A_112 = arith.constant true
        %select_n3A_113 = arith.select %select_n3A_112, %sub3A_111, %select_n3A_99 : i32
        %eq3A_114 = arith.constant -1 : i32
        %eq3A_115 = arith.cmpi eq, %select_n3A_113, %eq3A_114 : i32
        %sub3A_116 = arith.constant 1 : i32
        %sub3A_117 = arith.subi %select_n3A, %sub3A_116 : i32
        %select_n3A_118 = arith.select %eq3A_115, %sub3A_117, %select_n3A_113 : i32
        %add3A_119 = arith.addi %select_n3A_118, %select_n3A_14 : i32
        %add3A_120 = arith.constant 1 : i32
        %add3A_121 = arith.addi %select_n3A_99, %add3A_120 : i32
        %select_n3A_122 = arith.constant true
        %select_n3A_123 = arith.select %select_n3A_122, %add3A_121, %select_n3A_99 : i32
        %eq3A_124 = arith.cmpi eq, %select_n3A_123, %select_n3A : i32
        %select_n3A_125 = arith.constant 0 : i32
        %select_n3A_126 = arith.select %eq3A_124, %select_n3A_125, %select_n3A_123 : i32
        %add3A_127 = arith.addi %select_n3A_126, %select_n3A_14 : i32
        %add3A_128 = arith.constant 1 : i32
        %add3A_129 = arith.addi %select_n3A_126, %add3A_128 : i32
        %select_n3A_130 = arith.constant true
        %select_n3A_131 = arith.select %select_n3A_130, %add3A_129, %select_n3A_126 : i32
        %eq3A_132 = arith.cmpi eq, %select_n3A_131, %select_n3A : i32
        %select_n3A_133 = arith.constant 0 : i32
        %select_n3A_134 = arith.select %eq3A_132, %select_n3A_133, %select_n3A_131 : i32
        %add3A_135 = arith.addi %select_n3A_134, %select_n3A_14 : i32
        %convert_element_type3A_136 = arith.extui %eq3A_108 : i1 to i32
        %cond3A_137 = arith.constant 0 : i32
        %cond3A_138 = arith.cmpi ne, %convert_element_type3A_136, %cond3A_137 : i32
        scf.if %cond3A_138 {
        } else {
        }
        %convert_element_type3A_139 = arith.extui %eq3A_108 : i1 to i32
        %cond3A_140 = arith.constant 0 : i32
        %cond3A_141 = arith.cmpi ne, %convert_element_type3A_139, %cond3A_140 : i32
        scf.if %cond3A_141 {
          "tpu.trace_start"() <{level = 10 : i32, message = "ep_finalize"}> : () -> ()
          %rem3A_142 = arith.constant 2 : i32
          %rem3A_143 = arith.remui %while3A_90#3, %rem3A_142 : i32
          %jit3A_144 = arith.constant 50 : i32
          %eq3A_145 = arith.constant 0 : i32
          %eq3A_146 = arith.cmpi eq, %jit3A_144, %eq3A_145 : i32
          %jit3A_147 = arith.constant 1 : i32
          %select_n3A_148 = arith.select %eq3A_146, %jit3A_147, %jit3A_144 : i32
          %rem3A_149 = arith.remsi %add3A_109, %select_n3A_148 : i32
          %ne3A = arith.constant 0 : i32
          %ne3A_150 = arith.cmpi ne, %rem3A_149, %ne3A : i32
          %lt3A_151 = arith.constant 0 : i32
          %lt3A_152 = arith.cmpi slt, %rem3A_149, %lt3A_151 : i32
          %lt3A_153 = arith.constant 0 : i32
          %lt3A_154 = arith.cmpi slt, %select_n3A_148, %lt3A_153 : i32
          %ne3A_155 = arith.xori %lt3A_152, %lt3A_154 : i1
          %and3A = arith.andi %ne3A_155, %ne3A_150 : i1
          %add3A_156 = arith.addi %rem3A_149, %select_n3A_148 : i32
          %select_n3A_157 = arith.select %and3A, %add3A_156, %rem3A_149 : i32
          %jit3A_158 = arith.constant 50 : i32
          %div3A = arith.divsi %add3A_109, %jit3A_158 : i32
          %sign3A = arith.constant 0 : i32
          %sign3A_159 = arith.cmpi sgt, %add3A_109, %sign3A : i32
          %sign3A_160 = arith.extui %sign3A_159 : i1 to i32
          %sign3A_161 = arith.constant 0 : i32
          %sign3A_162 = arith.cmpi slt, %add3A_109, %sign3A_161 : i32
          %sign3A_163 = arith.extui %sign3A_162 : i1 to i32
          %sign3A_164 = arith.subi %sign3A_160, %sign3A_163 : i32
          %sign3A_165 = arith.constant 0 : i32
          %sign3A_166 = arith.cmpi sgt, %jit3A_158, %sign3A_165 : i32
          %sign3A_167 = arith.extui %sign3A_166 : i1 to i32
          %sign3A_168 = arith.constant 0 : i32
          %sign3A_169 = arith.cmpi slt, %jit3A_158, %sign3A_168 : i32
          %sign3A_170 = arith.extui %sign3A_169 : i1 to i32
          %sign3A_171 = arith.subi %sign3A_167, %sign3A_170 : i32
          %ne3A_172 = arith.cmpi ne, %sign3A_164, %sign3A_171 : i32
          %rem3A_173 = arith.remsi %add3A_109, %jit3A_158 : i32
          %ne3A_174 = arith.constant 0 : i32
          %ne3A_175 = arith.cmpi ne, %rem3A_173, %ne3A_174 : i32
          %and3A_176 = arith.andi %ne3A_172, %ne3A_175 : i1
          %sub3A_177 = arith.constant 1 : i32
          %sub3A_178 = arith.subi %div3A, %sub3A_177 : i32
          %select_n3A_179 = arith.select %and3A_176, %sub3A_178, %div3A : i32
          %mul3A_180 = arith.constant 256 : i32
          %mul3A_181 = arith.muli %mul3A_180, %select_n3A_157 : i32
          %mul3A_182 = arith.constant 128 : i32
          %mul3A_183 = arith.muli %mul3A_182, %select_n3A_179 : i32
          %dma_wait3A = arith.constant 0 : i32
          %dma_wait3A_184 = arith.constant 0 : i32
          %dma_wait3A_185 = tpu.memref_slice %run_scoped3A_18[%rem3A_143, %dma_wait3A, %dma_wait3A_184] : memref<2x256x128xi32, #tpu.memory_space<vmem>> -> memref<1x256x128xi32, #tpu.memory_space<vmem>>
          %dma_wait3A_186 = tpu.memref_squeeze %dma_wait3A_185 : memref<1x256x128xi32, #tpu.memory_space<vmem>> -> memref<256x128xi32, #tpu.memory_space<vmem>>
          %dma_wait3A_187 = tpu.memref_slice %arg4[%mul3A_181, %mul3A_183] : memref<12800x256xi32, #tpu.memory_space<hbm>> -> memref<256x128xi32, #tpu.memory_space<hbm>>
          %dma_wait3A_188 = tpu.memref_slice %run_scoped3A_19[%rem3A_143] : memref<2x!tpu.dma_semaphore, #tpu.memory_space<semaphore_mem>> -> memref<1x!tpu.dma_semaphore, #tpu.memory_space<semaphore_mem>>
          %dma_wait3A_189 = tpu.memref_squeeze %dma_wait3A_188 : memref<1x!tpu.dma_semaphore, #tpu.memory_space<semaphore_mem>> -> memref<!tpu.dma_semaphore, #tpu.memory_space<semaphore_mem>>
          %dma_wait3A_190 = tpu.memref_slice %arg4[%mul3A_181, %mul3A_183] : memref<12800x256xi32, #tpu.memory_space<hbm>> -> memref<256x128xi32, #tpu.memory_space<hbm>>
          %dma_wait3A_191 = arith.constant 0 : i32
          %dma_wait3A_192 = arith.constant 0 : i32
          %dma_wait3A_193 = tpu.memref_slice %run_scoped3A_18[%rem3A_143, %dma_wait3A_191, %dma_wait3A_192] : memref<2x256x128xi32, #tpu.memory_space<vmem>> -> memref<1x256x128xi32, #tpu.memory_space<vmem>>
          %dma_wait3A_194 = tpu.memref_squeeze %dma_wait3A_193 : memref<1x256x128xi32, #tpu.memory_space<vmem>> -> memref<256x128xi32, #tpu.memory_space<vmem>>
          tpu.wait_dma2 semaphore(%dma_wait3A_189 : memref<!tpu.dma_semaphore, #tpu.memory_space<semaphore_mem>>) src(%dma_wait3A_194 : memref<256x128xi32, #tpu.memory_space<vmem>>) dst(%dma_wait3A_190 : memref<256x128xi32, #tpu.memory_space<hbm>>)
          "tpu.trace_stop"() : () -> ()
        } else {
        }
      } else {
      }
      tpu.yield
    }) : () -> ()
    return
  }
}

#map = affine_map<(d0, d1) -> (0, 0)>
module attributes {stable_mosaic.version = 14 : i64} {
  func.func @gather_kernel(%arg0: i32, %arg1: i32, %arg2: memref<20000x128xi32, #tpu.memory_space<hbm>>, %arg3: memref<1x204800xi32, #tpu.memory_space<hbm>>, %arg4: memref<102400x256xi32, #tpu.memory_space<hbm>>) attributes {dimension_semantics = [#tpu.dimension_semantics<core_parallel>, #tpu.dimension_semantics<subcore_parallel>], iteration_bounds = array<i64: 2, 16>, scalar_prefetch = 0 : i64, scratch_operands = 0 : i64, tpu.core_type = #tpu.core_type<sc_vector_subcore>, window_params = [{transform_indices = #map}, {transform_indices = #map}, {transform_indices = #map}]} {
    %mul3A = arith.constant 1 : i32
    %mul3A_0 = arith.muli %arg1, %mul3A : i32
    %add3A = arith.constant 0 : i32
    %add3A_1 = arith.addi %add3A, %mul3A_0 : i32
    %mul3A_2 = arith.constant 16 : i32
    %mul3A_3 = arith.muli %arg0, %mul3A_2 : i32
    %add3A_4 = arith.addi %add3A_1, %mul3A_3 : i32
    %mul3A_5 = arith.constant 25 : i32
    %mul3A_6 = arith.muli %add3A_4, %mul3A_5 : i32
    "tpu.region"() ({
      %run_scoped3A = memref.alloca() : memref<2x1x256xi32, #tpu.memory_space<vmem>>
      %run_scoped3A_7 = tpu.sem_alloc : memref<2x!tpu.dma_semaphore, #tpu.memory_space<semaphore_mem>>
      %run_scoped3A_8 = memref.alloca() : memref<2x256x128xi32, #tpu.memory_space<vmem>>
      %run_scoped3A_9 = tpu.sem_alloc : memref<2x!tpu.dma_semaphore, #tpu.memory_space<semaphore_mem>>
      %add3A_10 = arith.constant 0 : i32
      %add3A_11 = arith.addi %add3A_10, %mul3A_6 : i32
      %select_n3A = arith.constant true
      %select_n3A_12 = arith.constant 0 : i32
      %select_n3A_13 = arith.constant -1 : i32
      %select_n3A_14 = arith.select %select_n3A, %select_n3A_13, %select_n3A_12 : i32
      %eq3A = arith.constant -1 : i32
      %eq3A_15 = arith.cmpi eq, %select_n3A_14, %eq3A : i32
      %select_n3A_16 = arith.constant 24 : i32
      %select_n3A_17 = arith.select %eq3A_15, %select_n3A_16, %select_n3A_14 : i32
      %add3A_18 = arith.addi %select_n3A_17, %mul3A_6 : i32
      %select_n3A_19 = arith.constant true
      %select_n3A_20 = arith.constant 0 : i32
      %select_n3A_21 = arith.constant 1 : i32
      %select_n3A_22 = arith.select %select_n3A_19, %select_n3A_21, %select_n3A_20 : i32
      %eq3A_23 = arith.constant 25 : i32
      %eq3A_24 = arith.cmpi eq, %select_n3A_22, %eq3A_23 : i32
      %select_n3A_25 = arith.constant 0 : i32
      %select_n3A_26 = arith.select %eq3A_24, %select_n3A_25, %select_n3A_22 : i32
      %add3A_27 = arith.addi %select_n3A_26, %mul3A_6 : i32
      %add3A_28 = arith.constant 1 : i32
      %add3A_29 = arith.addi %select_n3A_26, %add3A_28 : i32
      %select_n3A_30 = arith.constant true
      %select_n3A_31 = arith.select %select_n3A_30, %add3A_29, %select_n3A_26 : i32
      %eq3A_32 = arith.constant 25 : i32
      %eq3A_33 = arith.cmpi eq, %select_n3A_31, %eq3A_32 : i32
      %select_n3A_34 = arith.constant 0 : i32
      %select_n3A_35 = arith.select %eq3A_33, %select_n3A_34, %select_n3A_31 : i32
      %add3A_36 = arith.addi %select_n3A_35, %mul3A_6 : i32
      "tpu.trace_start"() <{level = 10 : i32, message = "ep_initialize_0"}> : () -> ()
      %rem3A = arith.constant 0 : i32
      %rem3A_37 = arith.constant 2 : i32
      %rem3A_38 = arith.remui %rem3A, %rem3A_37 : i32
      %mul3A_39 = arith.constant 256 : i32
      %mul3A_40 = arith.muli %mul3A_39, %add3A_11 : i32
      %dma_start3A = arith.constant 0 : i32
      %dma_start3A_41 = arith.constant 0 : i32
      %dma_start3A_42 = tpu.memref_slice %run_scoped3A[%rem3A_38, %dma_start3A, %dma_start3A_41] : memref<2x1x256xi32, #tpu.memory_space<vmem>> -> memref<1x1x256xi32, #tpu.memory_space<vmem>>
      %dma_start3A_43 = tpu.memref_squeeze %dma_start3A_42 : memref<1x1x256xi32, #tpu.memory_space<vmem>> -> memref<1x256xi32, #tpu.memory_space<vmem>>
      %dma_start3A_44 = arith.constant 0 : i32
      %dma_start3A_45 = tpu.memref_slice %arg3[%dma_start3A_44, %mul3A_40] : memref<1x204800xi32, #tpu.memory_space<hbm>> -> memref<1x256xi32, #tpu.memory_space<hbm>>
      %dma_start3A_46 = tpu.memref_slice %run_scoped3A_7[%rem3A_38] : memref<2x!tpu.dma_semaphore, #tpu.memory_space<semaphore_mem>> -> memref<1x!tpu.dma_semaphore, #tpu.memory_space<semaphore_mem>>
      %dma_start3A_47 = tpu.memref_squeeze %dma_start3A_46 : memref<1x!tpu.dma_semaphore, #tpu.memory_space<semaphore_mem>> -> memref<!tpu.dma_semaphore, #tpu.memory_space<semaphore_mem>>
      %dma_start3A_48 = arith.constant 0 : i32
      %dma_start3A_49 = arith.constant 0 : i32
      %dma_start3A_50 = tpu.memref_slice %run_scoped3A[%rem3A_38, %dma_start3A_48, %dma_start3A_49] : memref<2x1x256xi32, #tpu.memory_space<vmem>> -> memref<1x1x256xi32, #tpu.memory_space<vmem>>
      %dma_start3A_51 = tpu.memref_squeeze %dma_start3A_50 : memref<1x1x256xi32, #tpu.memory_space<vmem>> -> memref<1x256xi32, #tpu.memory_space<vmem>>
      %dma_start3A_52 = arith.constant 0 : i32
      %dma_start3A_53 = tpu.memref_slice %arg3[%dma_start3A_52, %mul3A_40] : memref<1x204800xi32, #tpu.memory_space<hbm>> -> memref<1x256xi32, #tpu.memory_space<hbm>>
      tpu.enqueue_dma source(%dma_start3A_53 : memref<1x256xi32, #tpu.memory_space<hbm>>) target(%dma_start3A_51 : memref<1x256xi32, #tpu.memory_space<vmem>>) target_semaphore(%dma_start3A_47 : memref<!tpu.dma_semaphore, #tpu.memory_space<semaphore_mem>>)
      %add3A_54 = arith.constant 0 : i32
      %add3A_55 = arith.constant 1 : i32
      %add3A_56 = arith.addi %add3A_54, %add3A_55 : i32
      %select_n3A_57 = arith.constant true
      %select_n3A_58 = arith.constant 0 : i32
      %select_n3A_59 = arith.select %select_n3A_57, %add3A_56, %select_n3A_58 : i32
      "tpu.trace_stop"() : () -> ()
      %scan3A = arith.constant 0 : i32
      %scan3A_60 = arith.constant 0 : i32
      %scan3A_61 = arith.constant 0 : i32
      %scan3A_62 = arith.constant 0 : i32
      %scan3A_63 = arith.constant 0 : i32
      %scan3A_64 = arith.constant 25 : i32
      %scan3A_65 = arith.addi %scan3A_63, %scan3A_64 : i32
      %scan3A_66 = arith.constant 1 : i32
      %scan3A_67:5 = scf.for %scan3A_155 = %scan3A_63 to %scan3A_65 step %scan3A_66 iter_args(%scan3A_156 = %select_n3A_59, %scan3A_157 = %scan3A, %scan3A_158 = %scan3A_60, %scan3A_159 = %scan3A_61, %scan3A_160 = %scan3A_62) -> (i32, i32, i32, i32, i32)  : i32 {
        %eq3A_161 = arith.constant 0 : i32
        %eq3A_162 = arith.cmpi eq, %scan3A_155, %eq3A_161 : i32
        %eq3A_163 = arith.constant 24 : i32
        %eq3A_164 = arith.cmpi eq, %scan3A_155, %eq3A_163 : i32
        %add3A_165 = arith.addi %scan3A_160, %mul3A_6 : i32
        %sub3A_166 = arith.constant 1 : i32
        %sub3A_167 = arith.subi %scan3A_160, %sub3A_166 : i32
        %select_n3A_168 = arith.constant true
        %select_n3A_169 = arith.select %select_n3A_168, %sub3A_167, %scan3A_160 : i32
        %eq3A_170 = arith.constant -1 : i32
        %eq3A_171 = arith.cmpi eq, %select_n3A_169, %eq3A_170 : i32
        %select_n3A_172 = arith.constant 24 : i32
        %select_n3A_173 = arith.select %eq3A_171, %select_n3A_172, %select_n3A_169 : i32
        %add3A_174 = arith.addi %select_n3A_173, %mul3A_6 : i32
        %add3A_175 = arith.constant 1 : i32
        %add3A_176 = arith.addi %scan3A_160, %add3A_175 : i32
        %select_n3A_177 = arith.constant true
        %select_n3A_178 = arith.select %select_n3A_177, %add3A_176, %scan3A_160 : i32
        %eq3A_179 = arith.constant 25 : i32
        %eq3A_180 = arith.cmpi eq, %select_n3A_178, %eq3A_179 : i32
        %select_n3A_181 = arith.constant 0 : i32
        %select_n3A_182 = arith.select %eq3A_180, %select_n3A_181, %select_n3A_178 : i32
        %add3A_183 = arith.addi %select_n3A_182, %mul3A_6 : i32
        %add3A_184 = arith.constant 1 : i32
        %add3A_185 = arith.addi %select_n3A_182, %add3A_184 : i32
        %select_n3A_186 = arith.constant true
        %select_n3A_187 = arith.select %select_n3A_186, %add3A_185, %select_n3A_182 : i32
        %eq3A_188 = arith.constant 25 : i32
        %eq3A_189 = arith.cmpi eq, %select_n3A_187, %eq3A_188 : i32
        %select_n3A_190 = arith.constant 0 : i32
        %select_n3A_191 = arith.select %eq3A_189, %select_n3A_190, %select_n3A_187 : i32
        %add3A_192 = arith.addi %select_n3A_191, %mul3A_6 : i32
        %ne3A_193 = arith.cmpi ne, %add3A_165, %add3A_183 : i32
        %or3A = arith.constant false
        %or3A_194 = arith.ori %or3A, %ne3A_193 : i1
        %ge3A = arith.constant 24 : i32
        %ge3A_195 = arith.cmpi sge, %scan3A_155, %ge3A : i32
        %not3A = arith.constant true
        %not3A_196 = arith.xori %ge3A_195, %not3A : i1
        %and3A_197 = arith.andi %or3A_194, %not3A_196 : i1
        %convert_element_type3A = arith.extui %and3A_197 : i1 to i32
        %cond3A = arith.constant 0 : i32
        %cond3A_198 = arith.cmpi ne, %convert_element_type3A, %cond3A : i32
        scf.if %cond3A_198 {
          "tpu.trace_start"() <{level = 10 : i32, message = "ep_copy_in"}> : () -> ()
          %rem3A_620 = arith.constant 2 : i32
          %rem3A_621 = arith.remui %scan3A_156, %rem3A_620 : i32
          %mul3A_622 = arith.constant 256 : i32
          %mul3A_623 = arith.muli %mul3A_622, %add3A_183 : i32
          %dma_start3A_624 = arith.constant 0 : i32
          %dma_start3A_625 = arith.constant 0 : i32
          %dma_start3A_626 = tpu.memref_slice %run_scoped3A[%rem3A_621, %dma_start3A_624, %dma_start3A_625] : memref<2x1x256xi32, #tpu.memory_space<vmem>> -> memref<1x1x256xi32, #tpu.memory_space<vmem>>
          %dma_start3A_627 = tpu.memref_squeeze %dma_start3A_626 : memref<1x1x256xi32, #tpu.memory_space<vmem>> -> memref<1x256xi32, #tpu.memory_space<vmem>>
          %dma_start3A_628 = arith.constant 0 : i32
          %dma_start3A_629 = tpu.memref_slice %arg3[%dma_start3A_628, %mul3A_623] : memref<1x204800xi32, #tpu.memory_space<hbm>> -> memref<1x256xi32, #tpu.memory_space<hbm>>
          %dma_start3A_630 = tpu.memref_slice %run_scoped3A_7[%rem3A_621] : memref<2x!tpu.dma_semaphore, #tpu.memory_space<semaphore_mem>> -> memref<1x!tpu.dma_semaphore, #tpu.memory_space<semaphore_mem>>
          %dma_start3A_631 = tpu.memref_squeeze %dma_start3A_630 : memref<1x!tpu.dma_semaphore, #tpu.memory_space<semaphore_mem>> -> memref<!tpu.dma_semaphore, #tpu.memory_space<semaphore_mem>>
          %dma_start3A_632 = arith.constant 0 : i32
          %dma_start3A_633 = arith.constant 0 : i32
          %dma_start3A_634 = tpu.memref_slice %run_scoped3A[%rem3A_621, %dma_start3A_632, %dma_start3A_633] : memref<2x1x256xi32, #tpu.memory_space<vmem>> -> memref<1x1x256xi32, #tpu.memory_space<vmem>>
          %dma_start3A_635 = tpu.memref_squeeze %dma_start3A_634 : memref<1x1x256xi32, #tpu.memory_space<vmem>> -> memref<1x256xi32, #tpu.memory_space<vmem>>
          %dma_start3A_636 = arith.constant 0 : i32
          %dma_start3A_637 = tpu.memref_slice %arg3[%dma_start3A_636, %mul3A_623] : memref<1x204800xi32, #tpu.memory_space<hbm>> -> memref<1x256xi32, #tpu.memory_space<hbm>>
          tpu.enqueue_dma source(%dma_start3A_637 : memref<1x256xi32, #tpu.memory_space<hbm>>) target(%dma_start3A_635 : memref<1x256xi32, #tpu.memory_space<vmem>>) target_semaphore(%dma_start3A_631 : memref<!tpu.dma_semaphore, #tpu.memory_space<semaphore_mem>>)
          "tpu.trace_stop"() : () -> ()
        } else {
        }
        %and3A_199 = arith.constant true
        %and3A_200 = arith.andi %and3A_197, %and3A_199 : i1
        %add3A_201 = arith.constant 1 : i32
        %add3A_202 = arith.addi %scan3A_156, %add3A_201 : i32
        %select_n3A_203 = arith.select %and3A_200, %add3A_202, %scan3A_156 : i32
        %jit3A_204 = arith.constant 400 : i32
        %eq3A_205 = arith.constant 0 : i32
        %eq3A_206 = arith.cmpi eq, %jit3A_204, %eq3A_205 : i32
        %jit3A_207 = arith.constant 1 : i32
        %select_n3A_208 = arith.select %eq3A_206, %jit3A_207, %jit3A_204 : i32
        %rem3A_209 = arith.remsi %add3A_165, %select_n3A_208 : i32
        %ne3A_210 = arith.constant 0 : i32
        %ne3A_211 = arith.cmpi ne, %rem3A_209, %ne3A_210 : i32
        %lt3A_212 = arith.constant 0 : i32
        %lt3A_213 = arith.cmpi slt, %rem3A_209, %lt3A_212 : i32
        %lt3A_214 = arith.constant 0 : i32
        %lt3A_215 = arith.cmpi slt, %select_n3A_208, %lt3A_214 : i32
        %ne3A_216 = arith.xori %lt3A_213, %lt3A_215 : i1
        %and3A_217 = arith.andi %ne3A_216, %ne3A_211 : i1
        %add3A_218 = arith.addi %rem3A_209, %select_n3A_208 : i32
        %select_n3A_219 = arith.select %and3A_217, %add3A_218, %rem3A_209 : i32
        %jit3A_220 = arith.constant 400 : i32
        %div3A_221 = arith.divsi %add3A_165, %jit3A_220 : i32
        %sign3A_222 = arith.constant 0 : i32
        %sign3A_223 = arith.cmpi sgt, %add3A_165, %sign3A_222 : i32
        %sign3A_224 = arith.extui %sign3A_223 : i1 to i32
        %sign3A_225 = arith.constant 0 : i32
        %sign3A_226 = arith.cmpi slt, %add3A_165, %sign3A_225 : i32
        %sign3A_227 = arith.extui %sign3A_226 : i1 to i32
        %sign3A_228 = arith.subi %sign3A_224, %sign3A_227 : i32
        %sign3A_229 = arith.constant 0 : i32
        %sign3A_230 = arith.cmpi sgt, %jit3A_220, %sign3A_229 : i32
        %sign3A_231 = arith.extui %sign3A_230 : i1 to i32
        %sign3A_232 = arith.constant 0 : i32
        %sign3A_233 = arith.cmpi slt, %jit3A_220, %sign3A_232 : i32
        %sign3A_234 = arith.extui %sign3A_233 : i1 to i32
        %sign3A_235 = arith.subi %sign3A_231, %sign3A_234 : i32
        %ne3A_236 = arith.cmpi ne, %sign3A_228, %sign3A_235 : i32
        %rem3A_237 = arith.remsi %add3A_165, %jit3A_220 : i32
        %ne3A_238 = arith.constant 0 : i32
        %ne3A_239 = arith.cmpi ne, %rem3A_237, %ne3A_238 : i32
        %and3A_240 = arith.andi %ne3A_236, %ne3A_239 : i1
        %sub3A_241 = arith.constant 1 : i32
        %sub3A_242 = arith.subi %div3A_221, %sub3A_241 : i32
        %select_n3A_243 = arith.select %and3A_240, %sub3A_242, %div3A_221 : i32
        %jit3A_244 = arith.constant 400 : i32
        %eq3A_245 = arith.constant 0 : i32
        %eq3A_246 = arith.cmpi eq, %jit3A_244, %eq3A_245 : i32
        %jit3A_247 = arith.constant 1 : i32
        %select_n3A_248 = arith.select %eq3A_246, %jit3A_247, %jit3A_244 : i32
        %rem3A_249 = arith.remsi %add3A_183, %select_n3A_248 : i32
        %ne3A_250 = arith.constant 0 : i32
        %ne3A_251 = arith.cmpi ne, %rem3A_249, %ne3A_250 : i32
        %lt3A_252 = arith.constant 0 : i32
        %lt3A_253 = arith.cmpi slt, %rem3A_249, %lt3A_252 : i32
        %lt3A_254 = arith.constant 0 : i32
        %lt3A_255 = arith.cmpi slt, %select_n3A_248, %lt3A_254 : i32
        %ne3A_256 = arith.xori %lt3A_253, %lt3A_255 : i1
        %and3A_257 = arith.andi %ne3A_256, %ne3A_251 : i1
        %add3A_258 = arith.addi %rem3A_249, %select_n3A_248 : i32
        %select_n3A_259 = arith.select %and3A_257, %add3A_258, %rem3A_249 : i32
        %jit3A_260 = arith.constant 400 : i32
        %div3A_261 = arith.divsi %add3A_183, %jit3A_260 : i32
        %sign3A_262 = arith.constant 0 : i32
        %sign3A_263 = arith.cmpi sgt, %add3A_183, %sign3A_262 : i32
        %sign3A_264 = arith.extui %sign3A_263 : i1 to i32
        %sign3A_265 = arith.constant 0 : i32
        %sign3A_266 = arith.cmpi slt, %add3A_183, %sign3A_265 : i32
        %sign3A_267 = arith.extui %sign3A_266 : i1 to i32
        %sign3A_268 = arith.subi %sign3A_264, %sign3A_267 : i32
        %sign3A_269 = arith.constant 0 : i32
        %sign3A_270 = arith.cmpi sgt, %jit3A_260, %sign3A_269 : i32
        %sign3A_271 = arith.extui %sign3A_270 : i1 to i32
        %sign3A_272 = arith.constant 0 : i32
        %sign3A_273 = arith.cmpi slt, %jit3A_260, %sign3A_272 : i32
        %sign3A_274 = arith.extui %sign3A_273 : i1 to i32
        %sign3A_275 = arith.subi %sign3A_271, %sign3A_274 : i32
        %ne3A_276 = arith.cmpi ne, %sign3A_268, %sign3A_275 : i32
        %rem3A_277 = arith.remsi %add3A_183, %jit3A_260 : i32
        %ne3A_278 = arith.constant 0 : i32
        %ne3A_279 = arith.cmpi ne, %rem3A_277, %ne3A_278 : i32
        %and3A_280 = arith.andi %ne3A_276, %ne3A_279 : i1
        %sub3A_281 = arith.constant 1 : i32
        %sub3A_282 = arith.subi %div3A_261, %sub3A_281 : i32
        %select_n3A_283 = arith.select %and3A_280, %sub3A_282, %div3A_261 : i32
        %ne3A_284 = arith.cmpi ne, %select_n3A_219, %select_n3A_259 : i32
        %ne3A_285 = arith.cmpi ne, %select_n3A_243, %select_n3A_283 : i32
        %or3A_286 = arith.constant false
        %or3A_287 = arith.ori %or3A_286, %ne3A_284 : i1
        %or3A_288 = arith.ori %or3A_287, %ne3A_285 : i1
        %ge3A_289 = arith.constant 24 : i32
        %ge3A_290 = arith.cmpi sge, %scan3A_155, %ge3A_289 : i32
        %not3A_291 = arith.constant true
        %not3A_292 = arith.xori %ge3A_290, %not3A_291 : i1
        %and3A_293 = arith.andi %or3A_288, %not3A_292 : i1
        %ne3A_294 = arith.cmpi ne, %add3A_165, %add3A_174 : i32
        %or3A_295 = arith.constant false
        %or3A_296 = arith.ori %or3A_295, %ne3A_294 : i1
        %or3A_297 = arith.ori %or3A_296, %eq3A_162 : i1
        %convert_element_type3A_298 = arith.extui %or3A_297 : i1 to i32
        %cond3A_299 = arith.constant 0 : i32
        %cond3A_300 = arith.cmpi ne, %convert_element_type3A_298, %cond3A_299 : i32
        scf.if %cond3A_300 {
          "tpu.trace_start"() <{level = 10 : i32, message = "ep_wait_in"}> : () -> ()
          %mul3A_620 = arith.constant 256 : i32
          %mul3A_621 = arith.muli %mul3A_620, %add3A_165 : i32
          %rem3A_622 = arith.constant 2 : i32
          %rem3A_623 = arith.remui %scan3A_157, %rem3A_622 : i32
          %dma_wait3A_624 = arith.constant 0 : i32
          %dma_wait3A_625 = arith.constant 0 : i32
          %dma_wait3A_626 = tpu.memref_slice %run_scoped3A[%rem3A_623, %dma_wait3A_624, %dma_wait3A_625] : memref<2x1x256xi32, #tpu.memory_space<vmem>> -> memref<1x1x256xi32, #tpu.memory_space<vmem>>
          %dma_wait3A_627 = tpu.memref_squeeze %dma_wait3A_626 : memref<1x1x256xi32, #tpu.memory_space<vmem>> -> memref<1x256xi32, #tpu.memory_space<vmem>>
          %dma_wait3A_628 = arith.constant 0 : i32
          %dma_wait3A_629 = tpu.memref_slice %arg3[%dma_wait3A_628, %mul3A_621] : memref<1x204800xi32, #tpu.memory_space<hbm>> -> memref<1x256xi32, #tpu.memory_space<hbm>>
          %dma_wait3A_630 = tpu.memref_slice %run_scoped3A_7[%rem3A_623] : memref<2x!tpu.dma_semaphore, #tpu.memory_space<semaphore_mem>> -> memref<1x!tpu.dma_semaphore, #tpu.memory_space<semaphore_mem>>
          %dma_wait3A_631 = tpu.memref_squeeze %dma_wait3A_630 : memref<1x!tpu.dma_semaphore, #tpu.memory_space<semaphore_mem>> -> memref<!tpu.dma_semaphore, #tpu.memory_space<semaphore_mem>>
          %dma_wait3A_632 = arith.constant 0 : i32
          %dma_wait3A_633 = arith.constant 0 : i32
          %dma_wait3A_634 = tpu.memref_slice %run_scoped3A[%rem3A_623, %dma_wait3A_632, %dma_wait3A_633] : memref<2x1x256xi32, #tpu.memory_space<vmem>> -> memref<1x1x256xi32, #tpu.memory_space<vmem>>
          %dma_wait3A_635 = tpu.memref_squeeze %dma_wait3A_634 : memref<1x1x256xi32, #tpu.memory_space<vmem>> -> memref<1x256xi32, #tpu.memory_space<vmem>>
          %dma_wait3A_636 = arith.constant 0 : i32
          %dma_wait3A_637 = tpu.memref_slice %arg3[%dma_wait3A_636, %mul3A_621] : memref<1x204800xi32, #tpu.memory_space<hbm>> -> memref<1x256xi32, #tpu.memory_space<hbm>>
          tpu.wait_dma2 semaphore(%dma_wait3A_631 : memref<!tpu.dma_semaphore, #tpu.memory_space<semaphore_mem>>) src(%dma_wait3A_637 : memref<1x256xi32, #tpu.memory_space<hbm>>) dst(%dma_wait3A_635 : memref<1x256xi32, #tpu.memory_space<vmem>>)
          "tpu.trace_stop"() : () -> ()
        } else {
        }
        %jit3A_301 = arith.constant 400 : i32
        %eq3A_302 = arith.constant 0 : i32
        %eq3A_303 = arith.cmpi eq, %jit3A_301, %eq3A_302 : i32
        %jit3A_304 = arith.constant 1 : i32
        %select_n3A_305 = arith.select %eq3A_303, %jit3A_304, %jit3A_301 : i32
        %rem3A_306 = arith.remsi %add3A_165, %select_n3A_305 : i32
        %ne3A_307 = arith.constant 0 : i32
        %ne3A_308 = arith.cmpi ne, %rem3A_306, %ne3A_307 : i32
        %lt3A_309 = arith.constant 0 : i32
        %lt3A_310 = arith.cmpi slt, %rem3A_306, %lt3A_309 : i32
        %lt3A_311 = arith.constant 0 : i32
        %lt3A_312 = arith.cmpi slt, %select_n3A_305, %lt3A_311 : i32
        %ne3A_313 = arith.xori %lt3A_310, %lt3A_312 : i1
        %and3A_314 = arith.andi %ne3A_313, %ne3A_308 : i1
        %add3A_315 = arith.addi %rem3A_306, %select_n3A_305 : i32
        %select_n3A_316 = arith.select %and3A_314, %add3A_315, %rem3A_306 : i32
        %jit3A_317 = arith.constant 400 : i32
        %div3A_318 = arith.divsi %add3A_165, %jit3A_317 : i32
        %sign3A_319 = arith.constant 0 : i32
        %sign3A_320 = arith.cmpi sgt, %add3A_165, %sign3A_319 : i32
        %sign3A_321 = arith.extui %sign3A_320 : i1 to i32
        %sign3A_322 = arith.constant 0 : i32
        %sign3A_323 = arith.cmpi slt, %add3A_165, %sign3A_322 : i32
        %sign3A_324 = arith.extui %sign3A_323 : i1 to i32
        %sign3A_325 = arith.subi %sign3A_321, %sign3A_324 : i32
        %sign3A_326 = arith.constant 0 : i32
        %sign3A_327 = arith.cmpi sgt, %jit3A_317, %sign3A_326 : i32
        %sign3A_328 = arith.extui %sign3A_327 : i1 to i32
        %sign3A_329 = arith.constant 0 : i32
        %sign3A_330 = arith.cmpi slt, %jit3A_317, %sign3A_329 : i32
        %sign3A_331 = arith.extui %sign3A_330 : i1 to i32
        %sign3A_332 = arith.subi %sign3A_328, %sign3A_331 : i32
        %ne3A_333 = arith.cmpi ne, %sign3A_325, %sign3A_332 : i32
        %rem3A_334 = arith.remsi %add3A_165, %jit3A_317 : i32
        %ne3A_335 = arith.constant 0 : i32
        %ne3A_336 = arith.cmpi ne, %rem3A_334, %ne3A_335 : i32
        %and3A_337 = arith.andi %ne3A_333, %ne3A_336 : i1
        %sub3A_338 = arith.constant 1 : i32
        %sub3A_339 = arith.subi %div3A_318, %sub3A_338 : i32
        %select_n3A_340 = arith.select %and3A_337, %sub3A_339, %div3A_318 : i32
        %jit3A_341 = arith.constant 400 : i32
        %eq3A_342 = arith.constant 0 : i32
        %eq3A_343 = arith.cmpi eq, %jit3A_341, %eq3A_342 : i32
        %jit3A_344 = arith.constant 1 : i32
        %select_n3A_345 = arith.select %eq3A_343, %jit3A_344, %jit3A_341 : i32
        %rem3A_346 = arith.remsi %add3A_174, %select_n3A_345 : i32
        %ne3A_347 = arith.constant 0 : i32
        %ne3A_348 = arith.cmpi ne, %rem3A_346, %ne3A_347 : i32
        %lt3A_349 = arith.constant 0 : i32
        %lt3A_350 = arith.cmpi slt, %rem3A_346, %lt3A_349 : i32
        %lt3A_351 = arith.constant 0 : i32
        %lt3A_352 = arith.cmpi slt, %select_n3A_345, %lt3A_351 : i32
        %ne3A_353 = arith.xori %lt3A_350, %lt3A_352 : i1
        %and3A_354 = arith.andi %ne3A_353, %ne3A_348 : i1
        %add3A_355 = arith.addi %rem3A_346, %select_n3A_345 : i32
        %select_n3A_356 = arith.select %and3A_354, %add3A_355, %rem3A_346 : i32
        %jit3A_357 = arith.constant 400 : i32
        %div3A_358 = arith.divsi %add3A_174, %jit3A_357 : i32
        %sign3A_359 = arith.constant 0 : i32
        %sign3A_360 = arith.cmpi sgt, %add3A_174, %sign3A_359 : i32
        %sign3A_361 = arith.extui %sign3A_360 : i1 to i32
        %sign3A_362 = arith.constant 0 : i32
        %sign3A_363 = arith.cmpi slt, %add3A_174, %sign3A_362 : i32
        %sign3A_364 = arith.extui %sign3A_363 : i1 to i32
        %sign3A_365 = arith.subi %sign3A_361, %sign3A_364 : i32
        %sign3A_366 = arith.constant 0 : i32
        %sign3A_367 = arith.cmpi sgt, %jit3A_357, %sign3A_366 : i32
        %sign3A_368 = arith.extui %sign3A_367 : i1 to i32
        %sign3A_369 = arith.constant 0 : i32
        %sign3A_370 = arith.cmpi slt, %jit3A_357, %sign3A_369 : i32
        %sign3A_371 = arith.extui %sign3A_370 : i1 to i32
        %sign3A_372 = arith.subi %sign3A_368, %sign3A_371 : i32
        %ne3A_373 = arith.cmpi ne, %sign3A_365, %sign3A_372 : i32
        %rem3A_374 = arith.remsi %add3A_174, %jit3A_357 : i32
        %ne3A_375 = arith.constant 0 : i32
        %ne3A_376 = arith.cmpi ne, %rem3A_374, %ne3A_375 : i32
        %and3A_377 = arith.andi %ne3A_373, %ne3A_376 : i1
        %sub3A_378 = arith.constant 1 : i32
        %sub3A_379 = arith.subi %div3A_358, %sub3A_378 : i32
        %select_n3A_380 = arith.select %and3A_377, %sub3A_379, %div3A_358 : i32
        %ne3A_381 = arith.cmpi ne, %select_n3A_316, %select_n3A_356 : i32
        %ne3A_382 = arith.cmpi ne, %select_n3A_340, %select_n3A_380 : i32
        %or3A_383 = arith.constant false
        %or3A_384 = arith.ori %or3A_383, %ne3A_381 : i1
        %or3A_385 = arith.ori %or3A_384, %ne3A_382 : i1
        %or3A_386 = arith.ori %or3A_385, %eq3A_162 : i1
        %convert_element_type3A_387 = arith.extui %or3A_386 : i1 to i32
        %cond3A_388 = arith.constant 0 : i32
        %cond3A_389 = arith.cmpi ne, %convert_element_type3A_387, %cond3A_388 : i32
        scf.if %cond3A_389 {
        } else {
        }
        %rem3A_390 = arith.constant 2 : i32
        %rem3A_391 = arith.remui %scan3A_157, %rem3A_390 : i32
        %rem3A_392 = arith.constant 2 : i32
        %rem3A_393 = arith.remui %scan3A_158, %rem3A_392 : i32
        %run_scoped3A_394 = arith.constant 0 : i32
        "tpu.trace_start"() <{level = 10 : i32, message = "ep_run_kernel"}> : () -> ()
        "tpu.region"() ({
          %run_scoped3A_620 = tpu.sem_alloc : memref<!tpu.dma_semaphore, #tpu.memory_space<semaphore_mem>>
          %dma_start3A_621 = arith.constant 0 : i32
          %dma_start3A_622 = arith.constant 0 : i32
          %dma_start3A_623 = tpu.memref_slice %run_scoped3A_8[%rem3A_393, %dma_start3A_621, %dma_start3A_622] : memref<2x256x128xi32, #tpu.memory_space<vmem>> -> memref<1x256x128xi32, #tpu.memory_space<vmem>>
          %dma_start3A_624 = tpu.memref_squeeze %dma_start3A_623 : memref<1x256x128xi32, #tpu.memory_space<vmem>> -> memref<256x128xi32, #tpu.memory_space<vmem>>
          %dma_start3A_625 = arith.constant 0 : i32
          %dma_start3A_626 = arith.constant 0 : i32
          %dma_start3A_627 = tpu.memref_slice %run_scoped3A[%rem3A_391, %dma_start3A_625, %dma_start3A_626] : memref<2x1x256xi32, #tpu.memory_space<vmem>> -> memref<1x1x256xi32, #tpu.memory_space<vmem>>
          %dma_start3A_628 = tpu.memref_squeeze %dma_start3A_627 : memref<1x1x256xi32, #tpu.memory_space<vmem>> -> memref<1x256xi32, #tpu.memory_space<vmem>>
          %dma_start3A_629 = arith.constant 0 : i32
          %dma_start3A_630 = tpu.memref_slice %dma_start3A_628[%run_scoped3A_394, %dma_start3A_629] : memref<1x256xi32, #tpu.memory_space<vmem>> -> memref<1x256xi32, #tpu.memory_space<vmem>>
          %dma_start3A_631 = tpu.memref_squeeze %dma_start3A_630 : memref<1x256xi32, #tpu.memory_space<vmem>> -> memref<256xi32, #tpu.memory_space<vmem>>
          %dma_start3A_632 = arith.constant 0 : i32
          %dma_start3A_633 = arith.constant 0 : i32
          %dma_start3A_634 = tpu.memref_slice %arg2[%dma_start3A_632, %dma_start3A_633] : memref<20000x128xi32, #tpu.memory_space<hbm>> -> memref<20000x128xi32, #tpu.memory_space<hbm>>
          tpu.enqueue_indirect_dma source(%dma_start3A_634 : memref<20000x128xi32, #tpu.memory_space<hbm>>) target(%dma_start3A_624 : memref<256x128xi32, #tpu.memory_space<vmem>>) offsets(%dma_start3A_631 : memref<256xi32, #tpu.memory_space<vmem>>) semaphore(%run_scoped3A_620 : memref<!tpu.dma_semaphore, #tpu.memory_space<semaphore_mem>>)
          %dma_wait3A_635 = arith.constant 0 : i32
          %dma_wait3A_636 = arith.constant 0 : i32
          %dma_wait3A_637 = tpu.memref_slice %run_scoped3A_8[%rem3A_393, %dma_wait3A_635, %dma_wait3A_636] : memref<2x256x128xi32, #tpu.memory_space<vmem>> -> memref<1x256x128xi32, #tpu.memory_space<vmem>>
          %dma_wait3A_638 = tpu.memref_squeeze %dma_wait3A_637 : memref<1x256x128xi32, #tpu.memory_space<vmem>> -> memref<256x128xi32, #tpu.memory_space<vmem>>
          %dma_wait3A_639 = arith.constant 0 : i32
          %dma_wait3A_640 = arith.constant 0 : i32
          %dma_wait3A_641 = tpu.memref_slice %run_scoped3A[%rem3A_391, %dma_wait3A_639, %dma_wait3A_640] : memref<2x1x256xi32, #tpu.memory_space<vmem>> -> memref<1x1x256xi32, #tpu.memory_space<vmem>>
          %dma_wait3A_642 = tpu.memref_squeeze %dma_wait3A_641 : memref<1x1x256xi32, #tpu.memory_space<vmem>> -> memref<1x256xi32, #tpu.memory_space<vmem>>
          %dma_wait3A_643 = arith.constant 0 : i32
          %dma_wait3A_644 = tpu.memref_slice %dma_wait3A_642[%run_scoped3A_394, %dma_wait3A_643] : memref<1x256xi32, #tpu.memory_space<vmem>> -> memref<1x256xi32, #tpu.memory_space<vmem>>
          %dma_wait3A_645 = tpu.memref_squeeze %dma_wait3A_644 : memref<1x256xi32, #tpu.memory_space<vmem>> -> memref<256xi32, #tpu.memory_space<vmem>>
          %dma_wait3A_646 = arith.constant 0 : i32
          %dma_wait3A_647 = arith.constant 0 : i32
          %dma_wait3A_648 = tpu.memref_slice %arg2[%dma_wait3A_646, %dma_wait3A_647] : memref<20000x128xi32, #tpu.memory_space<hbm>> -> memref<20000x128xi32, #tpu.memory_space<hbm>>
          tpu.wait_indirect_dma semaphore(%run_scoped3A_620 : memref<!tpu.dma_semaphore, #tpu.memory_space<semaphore_mem>>) src(%dma_wait3A_648 : memref<20000x128xi32, #tpu.memory_space<hbm>>) dst(%dma_wait3A_638 : memref<256x128xi32, #tpu.memory_space<vmem>>)
          tpu.yield
        }) : () -> ()
        "tpu.trace_stop"() : () -> ()
        %ne3A_395 = arith.cmpi ne, %add3A_165, %add3A_183 : i32
        %or3A_396 = arith.constant false
        %or3A_397 = arith.ori %or3A_396, %ne3A_395 : i1
        %or3A_398 = arith.ori %or3A_397, %eq3A_164 : i1
        %convert_element_type3A_399 = arith.extui %or3A_398 : i1 to i32
        %cond3A_400 = arith.constant 0 : i32
        %cond3A_401 = arith.cmpi ne, %convert_element_type3A_399, %cond3A_400 : i32
        scf.if %cond3A_401 {
        } else {
        }
        %and3A_402 = arith.constant false
        %and3A_403 = arith.andi %or3A_398, %and3A_402 : i1
        %jit3A_404 = arith.constant 400 : i32
        %eq3A_405 = arith.constant 0 : i32
        %eq3A_406 = arith.cmpi eq, %jit3A_404, %eq3A_405 : i32
        %jit3A_407 = arith.constant 1 : i32
        %select_n3A_408 = arith.select %eq3A_406, %jit3A_407, %jit3A_404 : i32
        %rem3A_409 = arith.remsi %add3A_165, %select_n3A_408 : i32
        %ne3A_410 = arith.constant 0 : i32
        %ne3A_411 = arith.cmpi ne, %rem3A_409, %ne3A_410 : i32
        %lt3A_412 = arith.constant 0 : i32
        %lt3A_413 = arith.cmpi slt, %rem3A_409, %lt3A_412 : i32
        %lt3A_414 = arith.constant 0 : i32
        %lt3A_415 = arith.cmpi slt, %select_n3A_408, %lt3A_414 : i32
        %ne3A_416 = arith.xori %lt3A_413, %lt3A_415 : i1
        %and3A_417 = arith.andi %ne3A_416, %ne3A_411 : i1
        %add3A_418 = arith.addi %rem3A_409, %select_n3A_408 : i32
        %select_n3A_419 = arith.select %and3A_417, %add3A_418, %rem3A_409 : i32
        %jit3A_420 = arith.constant 400 : i32
        %div3A_421 = arith.divsi %add3A_165, %jit3A_420 : i32
        %sign3A_422 = arith.constant 0 : i32
        %sign3A_423 = arith.cmpi sgt, %add3A_165, %sign3A_422 : i32
        %sign3A_424 = arith.extui %sign3A_423 : i1 to i32
        %sign3A_425 = arith.constant 0 : i32
        %sign3A_426 = arith.cmpi slt, %add3A_165, %sign3A_425 : i32
        %sign3A_427 = arith.extui %sign3A_426 : i1 to i32
        %sign3A_428 = arith.subi %sign3A_424, %sign3A_427 : i32
        %sign3A_429 = arith.constant 0 : i32
        %sign3A_430 = arith.cmpi sgt, %jit3A_420, %sign3A_429 : i32
        %sign3A_431 = arith.extui %sign3A_430 : i1 to i32
        %sign3A_432 = arith.constant 0 : i32
        %sign3A_433 = arith.cmpi slt, %jit3A_420, %sign3A_432 : i32
        %sign3A_434 = arith.extui %sign3A_433 : i1 to i32
        %sign3A_435 = arith.subi %sign3A_431, %sign3A_434 : i32
        %ne3A_436 = arith.cmpi ne, %sign3A_428, %sign3A_435 : i32
        %rem3A_437 = arith.remsi %add3A_165, %jit3A_420 : i32
        %ne3A_438 = arith.constant 0 : i32
        %ne3A_439 = arith.cmpi ne, %rem3A_437, %ne3A_438 : i32
        %and3A_440 = arith.andi %ne3A_436, %ne3A_439 : i1
        %sub3A_441 = arith.constant 1 : i32
        %sub3A_442 = arith.subi %div3A_421, %sub3A_441 : i32
        %select_n3A_443 = arith.select %and3A_440, %sub3A_442, %div3A_421 : i32
        %jit3A_444 = arith.constant 400 : i32
        %eq3A_445 = arith.constant 0 : i32
        %eq3A_446 = arith.cmpi eq, %jit3A_444, %eq3A_445 : i32
        %jit3A_447 = arith.constant 1 : i32
        %select_n3A_448 = arith.select %eq3A_446, %jit3A_447, %jit3A_444 : i32
        %rem3A_449 = arith.remsi %add3A_183, %select_n3A_448 : i32
        %ne3A_450 = arith.constant 0 : i32
        %ne3A_451 = arith.cmpi ne, %rem3A_449, %ne3A_450 : i32
        %lt3A_452 = arith.constant 0 : i32
        %lt3A_453 = arith.cmpi slt, %rem3A_449, %lt3A_452 : i32
        %lt3A_454 = arith.constant 0 : i32
        %lt3A_455 = arith.cmpi slt, %select_n3A_448, %lt3A_454 : i32
        %ne3A_456 = arith.xori %lt3A_453, %lt3A_455 : i1
        %and3A_457 = arith.andi %ne3A_456, %ne3A_451 : i1
        %add3A_458 = arith.addi %rem3A_449, %select_n3A_448 : i32
        %select_n3A_459 = arith.select %and3A_457, %add3A_458, %rem3A_449 : i32
        %jit3A_460 = arith.constant 400 : i32
        %div3A_461 = arith.divsi %add3A_183, %jit3A_460 : i32
        %sign3A_462 = arith.constant 0 : i32
        %sign3A_463 = arith.cmpi sgt, %add3A_183, %sign3A_462 : i32
        %sign3A_464 = arith.extui %sign3A_463 : i1 to i32
        %sign3A_465 = arith.constant 0 : i32
        %sign3A_466 = arith.cmpi slt, %add3A_183, %sign3A_465 : i32
        %sign3A_467 = arith.extui %sign3A_466 : i1 to i32
        %sign3A_468 = arith.subi %sign3A_464, %sign3A_467 : i32
        %sign3A_469 = arith.constant 0 : i32
        %sign3A_470 = arith.cmpi sgt, %jit3A_460, %sign3A_469 : i32
        %sign3A_471 = arith.extui %sign3A_470 : i1 to i32
        %sign3A_472 = arith.constant 0 : i32
        %sign3A_473 = arith.cmpi slt, %jit3A_460, %sign3A_472 : i32
        %sign3A_474 = arith.extui %sign3A_473 : i1 to i32
        %sign3A_475 = arith.subi %sign3A_471, %sign3A_474 : i32
        %ne3A_476 = arith.cmpi ne, %sign3A_468, %sign3A_475 : i32
        %rem3A_477 = arith.remsi %add3A_183, %jit3A_460 : i32
        %ne3A_478 = arith.constant 0 : i32
        %ne3A_479 = arith.cmpi ne, %rem3A_477, %ne3A_478 : i32
        %and3A_480 = arith.andi %ne3A_476, %ne3A_479 : i1
        %sub3A_481 = arith.constant 1 : i32
        %sub3A_482 = arith.subi %div3A_461, %sub3A_481 : i32
        %select_n3A_483 = arith.select %and3A_480, %sub3A_482, %div3A_461 : i32
        %ne3A_484 = arith.cmpi ne, %select_n3A_419, %select_n3A_459 : i32
        %ne3A_485 = arith.cmpi ne, %select_n3A_443, %select_n3A_483 : i32
        %or3A_486 = arith.constant false
        %or3A_487 = arith.ori %or3A_486, %ne3A_484 : i1
        %or3A_488 = arith.ori %or3A_487, %ne3A_485 : i1
        %or3A_489 = arith.ori %or3A_488, %eq3A_164 : i1
        %convert_element_type3A_490 = arith.extui %or3A_489 : i1 to i32
        %cond3A_491 = arith.constant 0 : i32
        %cond3A_492 = arith.cmpi ne, %convert_element_type3A_490, %cond3A_491 : i32
        scf.if %cond3A_492 {
          "tpu.trace_start"() <{level = 10 : i32, message = "ep_copy_out"}> : () -> ()
          %rem3A_620 = arith.constant 2 : i32
          %rem3A_621 = arith.remui %scan3A_158, %rem3A_620 : i32
          %jit3A_622 = arith.constant 400 : i32
          %eq3A_623 = arith.constant 0 : i32
          %eq3A_624 = arith.cmpi eq, %jit3A_622, %eq3A_623 : i32
          %jit3A_625 = arith.constant 1 : i32
          %select_n3A_626 = arith.select %eq3A_624, %jit3A_625, %jit3A_622 : i32
          %rem3A_627 = arith.remsi %add3A_165, %select_n3A_626 : i32
          %ne3A_628 = arith.constant 0 : i32
          %ne3A_629 = arith.cmpi ne, %rem3A_627, %ne3A_628 : i32
          %lt3A_630 = arith.constant 0 : i32
          %lt3A_631 = arith.cmpi slt, %rem3A_627, %lt3A_630 : i32
          %lt3A_632 = arith.constant 0 : i32
          %lt3A_633 = arith.cmpi slt, %select_n3A_626, %lt3A_632 : i32
          %ne3A_634 = arith.xori %lt3A_631, %lt3A_633 : i1
          %and3A_635 = arith.andi %ne3A_634, %ne3A_629 : i1
          %add3A_636 = arith.addi %rem3A_627, %select_n3A_626 : i32
          %select_n3A_637 = arith.select %and3A_635, %add3A_636, %rem3A_627 : i32
          %jit3A_638 = arith.constant 400 : i32
          %div3A_639 = arith.divsi %add3A_165, %jit3A_638 : i32
          %sign3A_640 = arith.constant 0 : i32
          %sign3A_641 = arith.cmpi sgt, %add3A_165, %sign3A_640 : i32
          %sign3A_642 = arith.extui %sign3A_641 : i1 to i32
          %sign3A_643 = arith.constant 0 : i32
          %sign3A_644 = arith.cmpi slt, %add3A_165, %sign3A_643 : i32
          %sign3A_645 = arith.extui %sign3A_644 : i1 to i32
          %sign3A_646 = arith.subi %sign3A_642, %sign3A_645 : i32
          %sign3A_647 = arith.constant 0 : i32
          %sign3A_648 = arith.cmpi sgt, %jit3A_638, %sign3A_647 : i32
          %sign3A_649 = arith.extui %sign3A_648 : i1 to i32
          %sign3A_650 = arith.constant 0 : i32
          %sign3A_651 = arith.cmpi slt, %jit3A_638, %sign3A_650 : i32
          %sign3A_652 = arith.extui %sign3A_651 : i1 to i32
          %sign3A_653 = arith.subi %sign3A_649, %sign3A_652 : i32
          %ne3A_654 = arith.cmpi ne, %sign3A_646, %sign3A_653 : i32
          %rem3A_655 = arith.remsi %add3A_165, %jit3A_638 : i32
          %ne3A_656 = arith.constant 0 : i32
          %ne3A_657 = arith.cmpi ne, %rem3A_655, %ne3A_656 : i32
          %and3A_658 = arith.andi %ne3A_654, %ne3A_657 : i1
          %sub3A_659 = arith.constant 1 : i32
          %sub3A_660 = arith.subi %div3A_639, %sub3A_659 : i32
          %select_n3A_661 = arith.select %and3A_658, %sub3A_660, %div3A_639 : i32
          %mul3A_662 = arith.constant 256 : i32
          %mul3A_663 = arith.muli %mul3A_662, %select_n3A_637 : i32
          %mul3A_664 = arith.constant 128 : i32
          %mul3A_665 = arith.muli %mul3A_664, %select_n3A_661 : i32
          %dma_start3A_666 = arith.constant 0 : i32
          %dma_start3A_667 = arith.constant 0 : i32
          %dma_start3A_668 = tpu.memref_slice %run_scoped3A_8[%rem3A_621, %dma_start3A_666, %dma_start3A_667] : memref<2x256x128xi32, #tpu.memory_space<vmem>> -> memref<1x256x128xi32, #tpu.memory_space<vmem>>
          %dma_start3A_669 = tpu.memref_squeeze %dma_start3A_668 : memref<1x256x128xi32, #tpu.memory_space<vmem>> -> memref<256x128xi32, #tpu.memory_space<vmem>>
          %dma_start3A_670 = tpu.memref_slice %arg4[%mul3A_663, %mul3A_665] : memref<102400x256xi32, #tpu.memory_space<hbm>> -> memref<256x128xi32, #tpu.memory_space<hbm>>
          %dma_start3A_671 = tpu.memref_slice %run_scoped3A_9[%rem3A_621] : memref<2x!tpu.dma_semaphore, #tpu.memory_space<semaphore_mem>> -> memref<1x!tpu.dma_semaphore, #tpu.memory_space<semaphore_mem>>
          %dma_start3A_672 = tpu.memref_squeeze %dma_start3A_671 : memref<1x!tpu.dma_semaphore, #tpu.memory_space<semaphore_mem>> -> memref<!tpu.dma_semaphore, #tpu.memory_space<semaphore_mem>>
          %dma_start3A_673 = tpu.memref_slice %arg4[%mul3A_663, %mul3A_665] : memref<102400x256xi32, #tpu.memory_space<hbm>> -> memref<256x128xi32, #tpu.memory_space<hbm>>
          %dma_start3A_674 = arith.constant 0 : i32
          %dma_start3A_675 = arith.constant 0 : i32
          %dma_start3A_676 = tpu.memref_slice %run_scoped3A_8[%rem3A_621, %dma_start3A_674, %dma_start3A_675] : memref<2x256x128xi32, #tpu.memory_space<vmem>> -> memref<1x256x128xi32, #tpu.memory_space<vmem>>
          %dma_start3A_677 = tpu.memref_squeeze %dma_start3A_676 : memref<1x256x128xi32, #tpu.memory_space<vmem>> -> memref<256x128xi32, #tpu.memory_space<vmem>>
          tpu.enqueue_dma source(%dma_start3A_677 : memref<256x128xi32, #tpu.memory_space<vmem>>) target(%dma_start3A_673 : memref<256x128xi32, #tpu.memory_space<hbm>>) target_semaphore(%dma_start3A_672 : memref<!tpu.dma_semaphore, #tpu.memory_space<semaphore_mem>>)
          "tpu.trace_stop"() : () -> ()
        } else {
        }
        %and3A_493 = arith.constant true
        %and3A_494 = arith.andi %or3A_489, %and3A_493 : i1
        %add3A_495 = arith.constant 1 : i32
        %add3A_496 = arith.addi %scan3A_158, %add3A_495 : i32
        %select_n3A_497 = arith.select %and3A_494, %add3A_496, %scan3A_158 : i32
        %ne3A_498 = arith.cmpi ne, %add3A_165, %add3A_174 : i32
        %or3A_499 = arith.constant false
        %or3A_500 = arith.ori %or3A_499, %ne3A_498 : i1
        %not3A_501 = arith.constant true
        %not3A_502 = arith.xori %eq3A_162, %not3A_501 : i1
        %and3A_503 = arith.andi %or3A_500, %not3A_502 : i1
        %convert_element_type3A_504 = arith.extui %and3A_503 : i1 to i32
        %cond3A_505 = arith.constant 0 : i32
        %cond3A_506 = arith.cmpi ne, %convert_element_type3A_504, %cond3A_505 : i32
        scf.if %cond3A_506 {
        } else {
        }
        %and3A_507 = arith.constant false
        %and3A_508 = arith.andi %and3A_503, %and3A_507 : i1
        %jit3A_509 = arith.constant 400 : i32
        %eq3A_510 = arith.constant 0 : i32
        %eq3A_511 = arith.cmpi eq, %jit3A_509, %eq3A_510 : i32
        %jit3A_512 = arith.constant 1 : i32
        %select_n3A_513 = arith.select %eq3A_511, %jit3A_512, %jit3A_509 : i32
        %rem3A_514 = arith.remsi %add3A_165, %select_n3A_513 : i32
        %ne3A_515 = arith.constant 0 : i32
        %ne3A_516 = arith.cmpi ne, %rem3A_514, %ne3A_515 : i32
        %lt3A_517 = arith.constant 0 : i32
        %lt3A_518 = arith.cmpi slt, %rem3A_514, %lt3A_517 : i32
        %lt3A_519 = arith.constant 0 : i32
        %lt3A_520 = arith.cmpi slt, %select_n3A_513, %lt3A_519 : i32
        %ne3A_521 = arith.xori %lt3A_518, %lt3A_520 : i1
        %and3A_522 = arith.andi %ne3A_521, %ne3A_516 : i1
        %add3A_523 = arith.addi %rem3A_514, %select_n3A_513 : i32
        %select_n3A_524 = arith.select %and3A_522, %add3A_523, %rem3A_514 : i32
        %jit3A_525 = arith.constant 400 : i32
        %div3A_526 = arith.divsi %add3A_165, %jit3A_525 : i32
        %sign3A_527 = arith.constant 0 : i32
        %sign3A_528 = arith.cmpi sgt, %add3A_165, %sign3A_527 : i32
        %sign3A_529 = arith.extui %sign3A_528 : i1 to i32
        %sign3A_530 = arith.constant 0 : i32
        %sign3A_531 = arith.cmpi slt, %add3A_165, %sign3A_530 : i32
        %sign3A_532 = arith.extui %sign3A_531 : i1 to i32
        %sign3A_533 = arith.subi %sign3A_529, %sign3A_532 : i32
        %sign3A_534 = arith.constant 0 : i32
        %sign3A_535 = arith.cmpi sgt, %jit3A_525, %sign3A_534 : i32
        %sign3A_536 = arith.extui %sign3A_535 : i1 to i32
        %sign3A_537 = arith.constant 0 : i32
        %sign3A_538 = arith.cmpi slt, %jit3A_525, %sign3A_537 : i32
        %sign3A_539 = arith.extui %sign3A_538 : i1 to i32
        %sign3A_540 = arith.subi %sign3A_536, %sign3A_539 : i32
        %ne3A_541 = arith.cmpi ne, %sign3A_533, %sign3A_540 : i32
        %rem3A_542 = arith.remsi %add3A_165, %jit3A_525 : i32
        %ne3A_543 = arith.constant 0 : i32
        %ne3A_544 = arith.cmpi ne, %rem3A_542, %ne3A_543 : i32
        %and3A_545 = arith.andi %ne3A_541, %ne3A_544 : i1
        %sub3A_546 = arith.constant 1 : i32
        %sub3A_547 = arith.subi %div3A_526, %sub3A_546 : i32
        %select_n3A_548 = arith.select %and3A_545, %sub3A_547, %div3A_526 : i32
        %jit3A_549 = arith.constant 400 : i32
        %eq3A_550 = arith.constant 0 : i32
        %eq3A_551 = arith.cmpi eq, %jit3A_549, %eq3A_550 : i32
        %jit3A_552 = arith.constant 1 : i32
        %select_n3A_553 = arith.select %eq3A_551, %jit3A_552, %jit3A_549 : i32
        %rem3A_554 = arith.remsi %add3A_174, %select_n3A_553 : i32
        %ne3A_555 = arith.constant 0 : i32
        %ne3A_556 = arith.cmpi ne, %rem3A_554, %ne3A_555 : i32
        %lt3A_557 = arith.constant 0 : i32
        %lt3A_558 = arith.cmpi slt, %rem3A_554, %lt3A_557 : i32
        %lt3A_559 = arith.constant 0 : i32
        %lt3A_560 = arith.cmpi slt, %select_n3A_553, %lt3A_559 : i32
        %ne3A_561 = arith.xori %lt3A_558, %lt3A_560 : i1
        %and3A_562 = arith.andi %ne3A_561, %ne3A_556 : i1
        %add3A_563 = arith.addi %rem3A_554, %select_n3A_553 : i32
        %select_n3A_564 = arith.select %and3A_562, %add3A_563, %rem3A_554 : i32
        %jit3A_565 = arith.constant 400 : i32
        %div3A_566 = arith.divsi %add3A_174, %jit3A_565 : i32
        %sign3A_567 = arith.constant 0 : i32
        %sign3A_568 = arith.cmpi sgt, %add3A_174, %sign3A_567 : i32
        %sign3A_569 = arith.extui %sign3A_568 : i1 to i32
        %sign3A_570 = arith.constant 0 : i32
        %sign3A_571 = arith.cmpi slt, %add3A_174, %sign3A_570 : i32
        %sign3A_572 = arith.extui %sign3A_571 : i1 to i32
        %sign3A_573 = arith.subi %sign3A_569, %sign3A_572 : i32
        %sign3A_574 = arith.constant 0 : i32
        %sign3A_575 = arith.cmpi sgt, %jit3A_565, %sign3A_574 : i32
        %sign3A_576 = arith.extui %sign3A_575 : i1 to i32
        %sign3A_577 = arith.constant 0 : i32
        %sign3A_578 = arith.cmpi slt, %jit3A_565, %sign3A_577 : i32
        %sign3A_579 = arith.extui %sign3A_578 : i1 to i32
        %sign3A_580 = arith.subi %sign3A_576, %sign3A_579 : i32
        %ne3A_581 = arith.cmpi ne, %sign3A_573, %sign3A_580 : i32
        %rem3A_582 = arith.remsi %add3A_174, %jit3A_565 : i32
        %ne3A_583 = arith.constant 0 : i32
        %ne3A_584 = arith.cmpi ne, %rem3A_582, %ne3A_583 : i32
        %and3A_585 = arith.andi %ne3A_581, %ne3A_584 : i1
        %sub3A_586 = arith.constant 1 : i32
        %sub3A_587 = arith.subi %div3A_566, %sub3A_586 : i32
        %select_n3A_588 = arith.select %and3A_585, %sub3A_587, %div3A_566 : i32
        %ne3A_589 = arith.cmpi ne, %select_n3A_524, %select_n3A_564 : i32
        %ne3A_590 = arith.cmpi ne, %select_n3A_548, %select_n3A_588 : i32
        %or3A_591 = arith.constant false
        %or3A_592 = arith.ori %or3A_591, %ne3A_589 : i1
        %or3A_593 = arith.ori %or3A_592, %ne3A_590 : i1
        %not3A_594 = arith.constant true
        %not3A_595 = arith.xori %eq3A_162, %not3A_594 : i1
        %and3A_596 = arith.andi %or3A_593, %not3A_595 : i1
        %convert_element_type3A_597 = arith.extui %and3A_596 : i1 to i32
        %cond3A_598 = arith.constant 0 : i32
        %cond3A_599 = arith.cmpi ne, %convert_element_type3A_597, %cond3A_598 : i32
        scf.if %cond3A_599 {
          "tpu.trace_start"() <{level = 10 : i32, message = "ep_wait_out"}> : () -> ()
          %rem3A_620 = arith.constant 2 : i32
          %rem3A_621 = arith.remui %scan3A_159, %rem3A_620 : i32
          %jit3A_622 = arith.constant 400 : i32
          %eq3A_623 = arith.constant 0 : i32
          %eq3A_624 = arith.cmpi eq, %jit3A_622, %eq3A_623 : i32
          %jit3A_625 = arith.constant 1 : i32
          %select_n3A_626 = arith.select %eq3A_624, %jit3A_625, %jit3A_622 : i32
          %rem3A_627 = arith.remsi %add3A_174, %select_n3A_626 : i32
          %ne3A_628 = arith.constant 0 : i32
          %ne3A_629 = arith.cmpi ne, %rem3A_627, %ne3A_628 : i32
          %lt3A_630 = arith.constant 0 : i32
          %lt3A_631 = arith.cmpi slt, %rem3A_627, %lt3A_630 : i32
          %lt3A_632 = arith.constant 0 : i32
          %lt3A_633 = arith.cmpi slt, %select_n3A_626, %lt3A_632 : i32
          %ne3A_634 = arith.xori %lt3A_631, %lt3A_633 : i1
          %and3A_635 = arith.andi %ne3A_634, %ne3A_629 : i1
          %add3A_636 = arith.addi %rem3A_627, %select_n3A_626 : i32
          %select_n3A_637 = arith.select %and3A_635, %add3A_636, %rem3A_627 : i32
          %jit3A_638 = arith.constant 400 : i32
          %div3A_639 = arith.divsi %add3A_174, %jit3A_638 : i32
          %sign3A_640 = arith.constant 0 : i32
          %sign3A_641 = arith.cmpi sgt, %add3A_174, %sign3A_640 : i32
          %sign3A_642 = arith.extui %sign3A_641 : i1 to i32
          %sign3A_643 = arith.constant 0 : i32
          %sign3A_644 = arith.cmpi slt, %add3A_174, %sign3A_643 : i32
          %sign3A_645 = arith.extui %sign3A_644 : i1 to i32
          %sign3A_646 = arith.subi %sign3A_642, %sign3A_645 : i32
          %sign3A_647 = arith.constant 0 : i32
          %sign3A_648 = arith.cmpi sgt, %jit3A_638, %sign3A_647 : i32
          %sign3A_649 = arith.extui %sign3A_648 : i1 to i32
          %sign3A_650 = arith.constant 0 : i32
          %sign3A_651 = arith.cmpi slt, %jit3A_638, %sign3A_650 : i32
          %sign3A_652 = arith.extui %sign3A_651 : i1 to i32
          %sign3A_653 = arith.subi %sign3A_649, %sign3A_652 : i32
          %ne3A_654 = arith.cmpi ne, %sign3A_646, %sign3A_653 : i32
          %rem3A_655 = arith.remsi %add3A_174, %jit3A_638 : i32
          %ne3A_656 = arith.constant 0 : i32
          %ne3A_657 = arith.cmpi ne, %rem3A_655, %ne3A_656 : i32
          %and3A_658 = arith.andi %ne3A_654, %ne3A_657 : i1
          %sub3A_659 = arith.constant 1 : i32
          %sub3A_660 = arith.subi %div3A_639, %sub3A_659 : i32
          %select_n3A_661 = arith.select %and3A_658, %sub3A_660, %div3A_639 : i32
          %mul3A_662 = arith.constant 256 : i32
          %mul3A_663 = arith.muli %mul3A_662, %select_n3A_637 : i32
          %mul3A_664 = arith.constant 128 : i32
          %mul3A_665 = arith.muli %mul3A_664, %select_n3A_661 : i32
          %dma_wait3A_666 = arith.constant 0 : i32
          %dma_wait3A_667 = arith.constant 0 : i32
          %dma_wait3A_668 = tpu.memref_slice %run_scoped3A_8[%rem3A_621, %dma_wait3A_666, %dma_wait3A_667] : memref<2x256x128xi32, #tpu.memory_space<vmem>> -> memref<1x256x128xi32, #tpu.memory_space<vmem>>
          %dma_wait3A_669 = tpu.memref_squeeze %dma_wait3A_668 : memref<1x256x128xi32, #tpu.memory_space<vmem>> -> memref<256x128xi32, #tpu.memory_space<vmem>>
          %dma_wait3A_670 = tpu.memref_slice %arg4[%mul3A_663, %mul3A_665] : memref<102400x256xi32, #tpu.memory_space<hbm>> -> memref<256x128xi32, #tpu.memory_space<hbm>>
          %dma_wait3A_671 = tpu.memref_slice %run_scoped3A_9[%rem3A_621] : memref<2x!tpu.dma_semaphore, #tpu.memory_space<semaphore_mem>> -> memref<1x!tpu.dma_semaphore, #tpu.memory_space<semaphore_mem>>
          %dma_wait3A_672 = tpu.memref_squeeze %dma_wait3A_671 : memref<1x!tpu.dma_semaphore, #tpu.memory_space<semaphore_mem>> -> memref<!tpu.dma_semaphore, #tpu.memory_space<semaphore_mem>>
          %dma_wait3A_673 = tpu.memref_slice %arg4[%mul3A_663, %mul3A_665] : memref<102400x256xi32, #tpu.memory_space<hbm>> -> memref<256x128xi32, #tpu.memory_space<hbm>>
          %dma_wait3A_674 = arith.constant 0 : i32
          %dma_wait3A_675 = arith.constant 0 : i32
          %dma_wait3A_676 = tpu.memref_slice %run_scoped3A_8[%rem3A_621, %dma_wait3A_674, %dma_wait3A_675] : memref<2x256x128xi32, #tpu.memory_space<vmem>> -> memref<1x256x128xi32, #tpu.memory_space<vmem>>
          %dma_wait3A_677 = tpu.memref_squeeze %dma_wait3A_676 : memref<1x256x128xi32, #tpu.memory_space<vmem>> -> memref<256x128xi32, #tpu.memory_space<vmem>>
          tpu.wait_dma2 semaphore(%dma_wait3A_672 : memref<!tpu.dma_semaphore, #tpu.memory_space<semaphore_mem>>) src(%dma_wait3A_677 : memref<256x128xi32, #tpu.memory_space<vmem>>) dst(%dma_wait3A_673 : memref<256x128xi32, #tpu.memory_space<hbm>>)
          "tpu.trace_stop"() : () -> ()
        } else {
        }
        %and3A_600 = arith.constant true
        %and3A_601 = arith.andi %and3A_596, %and3A_600 : i1
        %add3A_602 = arith.constant 1 : i32
        %add3A_603 = arith.addi %scan3A_159, %add3A_602 : i32
        %select_n3A_604 = arith.select %and3A_601, %add3A_603, %scan3A_159 : i32
        %ne3A_605 = arith.cmpi ne, %add3A_165, %add3A_183 : i32
        %or3A_606 = arith.constant false
        %or3A_607 = arith.ori %or3A_606, %ne3A_605 : i1
        %or3A_608 = arith.ori %or3A_607, %eq3A_164 : i1
        %add3A_609 = arith.constant 1 : i32
        %add3A_610 = arith.addi %scan3A_157, %add3A_609 : i32
        %select_n3A_611 = arith.select %or3A_608, %add3A_610, %scan3A_157 : i32
        %add3A_612 = arith.constant 1 : i32
        %add3A_613 = arith.addi %scan3A_160, %add3A_612 : i32
        %select_n3A_614 = arith.constant true
        %select_n3A_615 = arith.select %select_n3A_614, %add3A_613, %scan3A_160 : i32
        %eq3A_616 = arith.constant 25 : i32
        %eq3A_617 = arith.cmpi eq, %select_n3A_615, %eq3A_616 : i32
        %select_n3A_618 = arith.constant 0 : i32
        %select_n3A_619 = arith.select %eq3A_617, %select_n3A_618, %select_n3A_615 : i32
        scf.yield %select_n3A_203, %select_n3A_611, %select_n3A_497, %select_n3A_604, %select_n3A_619 : i32, i32, i32, i32, i32
      }
      %scan3A_68 = arith.constant 25 : i32
      %sub3A = arith.constant 1 : i32
      %sub3A_69 = arith.subi %scan3A_67#4, %sub3A : i32
      %select_n3A_70 = arith.constant true
      %select_n3A_71 = arith.select %select_n3A_70, %sub3A_69, %scan3A_67#4 : i32
      %eq3A_72 = arith.constant -1 : i32
      %eq3A_73 = arith.cmpi eq, %select_n3A_71, %eq3A_72 : i32
      %select_n3A_74 = arith.constant 24 : i32
      %select_n3A_75 = arith.select %eq3A_73, %select_n3A_74, %select_n3A_71 : i32
      %add3A_76 = arith.addi %select_n3A_75, %mul3A_6 : i32
      %sub3A_77 = arith.constant 1 : i32
      %sub3A_78 = arith.subi %select_n3A_75, %sub3A_77 : i32
      %select_n3A_79 = arith.constant true
      %select_n3A_80 = arith.select %select_n3A_79, %sub3A_78, %select_n3A_75 : i32
      %eq3A_81 = arith.constant -1 : i32
      %eq3A_82 = arith.cmpi eq, %select_n3A_80, %eq3A_81 : i32
      %select_n3A_83 = arith.constant 24 : i32
      %select_n3A_84 = arith.select %eq3A_82, %select_n3A_83, %select_n3A_80 : i32
      %add3A_85 = arith.addi %select_n3A_84, %mul3A_6 : i32
      %add3A_86 = arith.constant 1 : i32
      %add3A_87 = arith.addi %select_n3A_75, %add3A_86 : i32
      %select_n3A_88 = arith.constant true
      %select_n3A_89 = arith.select %select_n3A_88, %add3A_87, %select_n3A_75 : i32
      %eq3A_90 = arith.constant 25 : i32
      %eq3A_91 = arith.cmpi eq, %select_n3A_89, %eq3A_90 : i32
      %select_n3A_92 = arith.constant 0 : i32
      %select_n3A_93 = arith.select %eq3A_91, %select_n3A_92, %select_n3A_89 : i32
      %add3A_94 = arith.addi %select_n3A_93, %mul3A_6 : i32
      %add3A_95 = arith.constant 1 : i32
      %add3A_96 = arith.addi %select_n3A_93, %add3A_95 : i32
      %select_n3A_97 = arith.constant true
      %select_n3A_98 = arith.select %select_n3A_97, %add3A_96, %select_n3A_93 : i32
      %eq3A_99 = arith.constant 25 : i32
      %eq3A_100 = arith.cmpi eq, %select_n3A_98, %eq3A_99 : i32
      %select_n3A_101 = arith.constant 0 : i32
      %select_n3A_102 = arith.select %eq3A_100, %select_n3A_101, %select_n3A_98 : i32
      %add3A_103 = arith.addi %select_n3A_102, %mul3A_6 : i32
      "tpu.trace_start"() <{level = 10 : i32, message = "ep_finalize"}> : () -> ()
      %rem3A_104 = arith.constant 2 : i32
      %rem3A_105 = arith.remui %scan3A_67#3, %rem3A_104 : i32
      %jit3A = arith.constant 400 : i32
      %eq3A_106 = arith.constant 0 : i32
      %eq3A_107 = arith.cmpi eq, %jit3A, %eq3A_106 : i32
      %jit3A_108 = arith.constant 1 : i32
      %select_n3A_109 = arith.select %eq3A_107, %jit3A_108, %jit3A : i32
      %rem3A_110 = arith.remsi %add3A_76, %select_n3A_109 : i32
      %ne3A = arith.constant 0 : i32
      %ne3A_111 = arith.cmpi ne, %rem3A_110, %ne3A : i32
      %lt3A = arith.constant 0 : i32
      %lt3A_112 = arith.cmpi slt, %rem3A_110, %lt3A : i32
      %lt3A_113 = arith.constant 0 : i32
      %lt3A_114 = arith.cmpi slt, %select_n3A_109, %lt3A_113 : i32
      %ne3A_115 = arith.xori %lt3A_112, %lt3A_114 : i1
      %and3A = arith.andi %ne3A_115, %ne3A_111 : i1
      %add3A_116 = arith.addi %rem3A_110, %select_n3A_109 : i32
      %select_n3A_117 = arith.select %and3A, %add3A_116, %rem3A_110 : i32
      %jit3A_118 = arith.constant 400 : i32
      %div3A = arith.divsi %add3A_76, %jit3A_118 : i32
      %sign3A = arith.constant 0 : i32
      %sign3A_119 = arith.cmpi sgt, %add3A_76, %sign3A : i32
      %sign3A_120 = arith.extui %sign3A_119 : i1 to i32
      %sign3A_121 = arith.constant 0 : i32
      %sign3A_122 = arith.cmpi slt, %add3A_76, %sign3A_121 : i32
      %sign3A_123 = arith.extui %sign3A_122 : i1 to i32
      %sign3A_124 = arith.subi %sign3A_120, %sign3A_123 : i32
      %sign3A_125 = arith.constant 0 : i32
      %sign3A_126 = arith.cmpi sgt, %jit3A_118, %sign3A_125 : i32
      %sign3A_127 = arith.extui %sign3A_126 : i1 to i32
      %sign3A_128 = arith.constant 0 : i32
      %sign3A_129 = arith.cmpi slt, %jit3A_118, %sign3A_128 : i32
      %sign3A_130 = arith.extui %sign3A_129 : i1 to i32
      %sign3A_131 = arith.subi %sign3A_127, %sign3A_130 : i32
      %ne3A_132 = arith.cmpi ne, %sign3A_124, %sign3A_131 : i32
      %rem3A_133 = arith.remsi %add3A_76, %jit3A_118 : i32
      %ne3A_134 = arith.constant 0 : i32
      %ne3A_135 = arith.cmpi ne, %rem3A_133, %ne3A_134 : i32
      %and3A_136 = arith.andi %ne3A_132, %ne3A_135 : i1
      %sub3A_137 = arith.constant 1 : i32
      %sub3A_138 = arith.subi %div3A, %sub3A_137 : i32
      %select_n3A_139 = arith.select %and3A_136, %sub3A_138, %div3A : i32
      %mul3A_140 = arith.constant 256 : i32
      %mul3A_141 = arith.muli %mul3A_140, %select_n3A_117 : i32
      %mul3A_142 = arith.constant 128 : i32
      %mul3A_143 = arith.muli %mul3A_142, %select_n3A_139 : i32
      %dma_wait3A = arith.constant 0 : i32
      %dma_wait3A_144 = arith.constant 0 : i32
      %dma_wait3A_145 = tpu.memref_slice %run_scoped3A_8[%rem3A_105, %dma_wait3A, %dma_wait3A_144] : memref<2x256x128xi32, #tpu.memory_space<vmem>> -> memref<1x256x128xi32, #tpu.memory_space<vmem>>
      %dma_wait3A_146 = tpu.memref_squeeze %dma_wait3A_145 : memref<1x256x128xi32, #tpu.memory_space<vmem>> -> memref<256x128xi32, #tpu.memory_space<vmem>>
      %dma_wait3A_147 = tpu.memref_slice %arg4[%mul3A_141, %mul3A_143] : memref<102400x256xi32, #tpu.memory_space<hbm>> -> memref<256x128xi32, #tpu.memory_space<hbm>>
      %dma_wait3A_148 = tpu.memref_slice %run_scoped3A_9[%rem3A_105] : memref<2x!tpu.dma_semaphore, #tpu.memory_space<semaphore_mem>> -> memref<1x!tpu.dma_semaphore, #tpu.memory_space<semaphore_mem>>
      %dma_wait3A_149 = tpu.memref_squeeze %dma_wait3A_148 : memref<1x!tpu.dma_semaphore, #tpu.memory_space<semaphore_mem>> -> memref<!tpu.dma_semaphore, #tpu.memory_space<semaphore_mem>>
      %dma_wait3A_150 = tpu.memref_slice %arg4[%mul3A_141, %mul3A_143] : memref<102400x256xi32, #tpu.memory_space<hbm>> -> memref<256x128xi32, #tpu.memory_space<hbm>>
      %dma_wait3A_151 = arith.constant 0 : i32
      %dma_wait3A_152 = arith.constant 0 : i32
      %dma_wait3A_153 = tpu.memref_slice %run_scoped3A_8[%rem3A_105, %dma_wait3A_151, %dma_wait3A_152] : memref<2x256x128xi32, #tpu.memory_space<vmem>> -> memref<1x256x128xi32, #tpu.memory_space<vmem>>
      %dma_wait3A_154 = tpu.memref_squeeze %dma_wait3A_153 : memref<1x256x128xi32, #tpu.memory_space<vmem>> -> memref<256x128xi32, #tpu.memory_space<vmem>>
      tpu.wait_dma2 semaphore(%dma_wait3A_149 : memref<!tpu.dma_semaphore, #tpu.memory_space<semaphore_mem>>) src(%dma_wait3A_154 : memref<256x128xi32, #tpu.memory_space<vmem>>) dst(%dma_wait3A_150 : memref<256x128xi32, #tpu.memory_space<hbm>>)
      "tpu.trace_stop"() : () -> ()
      tpu.yield
    }) : () -> ()
    return
  }
}

module attributes {stable_mosaic.version = 14 : i64} {
  func.func @body(%arg0: i32, %arg1: memref<5000x128xf32, #tpu.memory_space<vmem>>, %arg2: memref<128x256xbf16, #tpu.memory_space<vmem>>, %arg3: memref<128x256xbf16, #tpu.memory_space<vmem>>, %arg4: memref<1x256xf32, #tpu.memory_space<vmem>>, %arg5: memref<5000x128xi32, #tpu.memory_space<vmem>>) attributes {dimension_semantics = [#tpu.dimension_semantics<arbitrary>], iteration_bounds = array<i64: 4>, scalar_prefetch = 0 : i64, scratch_operands = 0 : i64, tpu.core_type = #tpu.core_type<tc>, window_params = [{transform_indices = @transform_0, window_bounds = array<i64: 5000, 128>}, {pipeline_mode = #tpu.pipeline_mode<synchronous>, transform_indices = @transform_1, window_bounds = array<i64: 128, 256>}, {pipeline_mode = #tpu.pipeline_mode<synchronous>, transform_indices = @transform_2, window_bounds = array<i64: 128, 256>}, {pipeline_mode = #tpu.pipeline_mode<synchronous>, transform_indices = @transform_3, window_bounds = array<i64: 1, 256>}, {transform_indices = @transform_4, window_bounds = array<i64: 5000, 128>}]} {
    %get3A = arith.constant 0 : index
    %get3A_0 = arith.constant 0 : index
    %get3A_1 = vector.load %arg1[%get3A, %get3A_0] : memref<5000x128xf32, #tpu.memory_space<vmem>>, vector<5000x128xf32>
    %convert_element_type3A = arith.truncf %get3A_1 : vector<5000x128xf32> to vector<5000x128xbf16>
    %lt3A = arith.constant 2 : i32
    %lt3A_2 = arith.cmpi slt, %arg0, %lt3A : i32
    %convert_element_type3A_3 = arith.extui %lt3A_2 : i1 to i32
    %cond3A = arith.constant 0 : i32
    %cond3A_4 = arith.cmpi ne, %convert_element_type3A_3, %cond3A : i32
    scf.if %cond3A_4 {
      %get3A_9 = arith.constant 0 : index
      %get3A_10 = arith.constant 0 : index
      %get3A_11 = vector.load %arg2[%get3A_9, %get3A_10] : memref<128x256xbf16, #tpu.memory_space<vmem>>, vector<128x256xbf16>
      %dot_general3A = arith.constant dense<0.000000e+00> : vector<5000x256xf32>
      %dot_general3A_12 = tpu.matmul %convert_element_type3A, %get3A_11, %dot_general3A {dimension_numbers = #tpu.dot_dimension_numbers<[1], [0], [0], [1], [0, 0, 1, 1], [], []>, transpose_lhs_hint = false} : vector<5000x128xbf16>, vector<128x256xbf16>, vector<5000x256xf32> -> vector<5000x256xf32>
      %slice3A = vector.extract_strided_slice %dot_general3A_12 {offsets = [0, 0], sizes = [5000, 128], strides = [1, 1]} : vector<5000x256xf32> to vector<5000x128xf32>
      %slice3A_13 = vector.extract_strided_slice %dot_general3A_12 {offsets = [0, 128], sizes = [5000, 128], strides = [1, 1]} : vector<5000x256xf32> to vector<5000x128xf32>
      %bitcast_convert_type3A = tpu.bitcast %slice3A : vector<5000x128xf32> -> vector<5000x128xi32>
      %add3A = arith.constant 32767 : i32
      %add3A_14 = vector.broadcast %add3A : i32 to vector<5000x128xi32>
      %add3A_15 = arith.addi %bitcast_convert_type3A, %add3A_14 : vector<5000x128xi32>
      %shift_right_logical3A = arith.constant 16 : i32
      %shift_right_logical3A_16 = vector.broadcast %shift_right_logical3A : i32 to vector<5000x128xi32>
      %shift_right_logical3A_17 = arith.shrui %bitcast_convert_type3A, %shift_right_logical3A_16 : vector<5000x128xi32>
      %and3A = arith.constant 1 : i32
      %and3A_18 = vector.broadcast %and3A : i32 to vector<5000x128xi32>
      %and3A_19 = arith.andi %shift_right_logical3A_17, %and3A_18 : vector<5000x128xi32>
      %add3A_20 = arith.addi %add3A_15, %and3A_19 : vector<5000x128xi32>
      %shift_right_logical3A_21 = arith.constant 16 : i32
      %shift_right_logical3A_22 = vector.broadcast %shift_right_logical3A_21 : i32 to vector<5000x128xi32>
      %shift_right_logical3A_23 = arith.shrui %add3A_20, %shift_right_logical3A_22 : vector<5000x128xi32>
      %bitcast_convert_type3A_24 = tpu.bitcast %slice3A_13 : vector<5000x128xf32> -> vector<5000x128xi32>
      %add3A_25 = arith.constant 32767 : i32
      %add3A_26 = vector.broadcast %add3A_25 : i32 to vector<5000x128xi32>
      %add3A_27 = arith.addi %bitcast_convert_type3A_24, %add3A_26 : vector<5000x128xi32>
      %shift_right_logical3A_28 = arith.constant 16 : i32
      %shift_right_logical3A_29 = vector.broadcast %shift_right_logical3A_28 : i32 to vector<5000x128xi32>
      %shift_right_logical3A_30 = arith.shrui %bitcast_convert_type3A_24, %shift_right_logical3A_29 : vector<5000x128xi32>
      %and3A_31 = arith.constant 1 : i32
      %and3A_32 = vector.broadcast %and3A_31 : i32 to vector<5000x128xi32>
      %and3A_33 = arith.andi %shift_right_logical3A_30, %and3A_32 : vector<5000x128xi32>
      %add3A_34 = arith.addi %add3A_27, %and3A_33 : vector<5000x128xi32>
      %shift_right_logical3A_35 = arith.constant 16 : i32
      %shift_right_logical3A_36 = vector.broadcast %shift_right_logical3A_35 : i32 to vector<5000x128xi32>
      %shift_right_logical3A_37 = arith.shrui %add3A_34, %shift_right_logical3A_36 : vector<5000x128xi32>
      %shift_left3A = arith.constant 16 : i32
      %shift_left3A_38 = vector.broadcast %shift_left3A : i32 to vector<5000x128xi32>
      %shift_left3A_39 = arith.shli %shift_right_logical3A_37, %shift_left3A_38 : vector<5000x128xi32>
      %or3A = arith.ori %shift_right_logical3A_23, %shift_left3A_39 : vector<5000x128xi32>
      %swap3A = arith.constant 0 : index
      %swap3A_40 = arith.constant 0 : index
      %swap3A_41 = vector.load %arg5[%swap3A, %swap3A_40] : memref<5000x128xi32, #tpu.memory_space<vmem>>, vector<5000x128xi32>
      tpu.vector_store %arg5[%swap3A, %swap3A_40], %or3A {strides = array<i32>} : memref<5000x128xi32, #tpu.memory_space<vmem>>, vector<5000x128xi32>,
    } else {
    }
    %ge3A = arith.constant 2 : i32
    %ge3A_5 = arith.cmpi sge, %arg0, %ge3A : i32
    %convert_element_type3A_6 = arith.extui %ge3A_5 : i1 to i32
    %cond3A_7 = arith.constant 0 : i32
    %cond3A_8 = arith.cmpi ne, %convert_element_type3A_6, %cond3A_7 : i32
    scf.if %cond3A_8 {
      %get3A_9 = arith.constant 0 : index
      %get3A_10 = arith.constant 0 : index
      %get3A_11 = vector.load %arg3[%get3A_9, %get3A_10] : memref<128x256xbf16, #tpu.memory_space<vmem>>, vector<128x256xbf16>
      %dot_general3A = arith.constant dense<0.000000e+00> : vector<5000x256xf32>
      %dot_general3A_12 = tpu.matmul %convert_element_type3A, %get3A_11, %dot_general3A {dimension_numbers = #tpu.dot_dimension_numbers<[1], [0], [0], [1], [0, 0, 1, 1], [], []>, transpose_lhs_hint = false} : vector<5000x128xbf16>, vector<128x256xbf16>, vector<5000x256xf32> -> vector<5000x256xf32>
      %get3A_13 = arith.constant 0 : index
      %get3A_14 = arith.constant 0 : index
      %get3A_15 = vector.load %arg4[%get3A_13, %get3A_14] : memref<1x256xf32, #tpu.memory_space<vmem>>, vector<1x256xf32>
      %add3A = vector.broadcast %get3A_15 : vector<1x256xf32> to vector<5000x256xf32>
      %add3A_16 = arith.addf %dot_general3A_12, %add3A : vector<5000x256xf32>
      %slice3A = vector.extract_strided_slice %add3A_16 {offsets = [0, 0], sizes = [5000, 128], strides = [1, 1]} : vector<5000x256xf32> to vector<5000x128xf32>
      %slice3A_17 = vector.extract_strided_slice %add3A_16 {offsets = [0, 128], sizes = [5000, 128], strides = [1, 1]} : vector<5000x256xf32> to vector<5000x128xf32>
      %bitcast_convert_type3A = tpu.bitcast %slice3A : vector<5000x128xf32> -> vector<5000x128xi32>
      %add3A_18 = arith.constant 32767 : i32
      %add3A_19 = vector.broadcast %add3A_18 : i32 to vector<5000x128xi32>
      %add3A_20 = arith.addi %bitcast_convert_type3A, %add3A_19 : vector<5000x128xi32>
      %shift_right_logical3A = arith.constant 16 : i32
      %shift_right_logical3A_21 = vector.broadcast %shift_right_logical3A : i32 to vector<5000x128xi32>
      %shift_right_logical3A_22 = arith.shrui %bitcast_convert_type3A, %shift_right_logical3A_21 : vector<5000x128xi32>
      %and3A = arith.constant 1 : i32
      %and3A_23 = vector.broadcast %and3A : i32 to vector<5000x128xi32>
      %and3A_24 = arith.andi %shift_right_logical3A_22, %and3A_23 : vector<5000x128xi32>
      %add3A_25 = arith.addi %add3A_20, %and3A_24 : vector<5000x128xi32>
      %shift_right_logical3A_26 = arith.constant 16 : i32
      %shift_right_logical3A_27 = vector.broadcast %shift_right_logical3A_26 : i32 to vector<5000x128xi32>
      %shift_right_logical3A_28 = arith.shrui %add3A_25, %shift_right_logical3A_27 : vector<5000x128xi32>
      %bitcast_convert_type3A_29 = tpu.bitcast %slice3A_17 : vector<5000x128xf32> -> vector<5000x128xi32>
      %add3A_30 = arith.constant 32767 : i32
      %add3A_31 = vector.broadcast %add3A_30 : i32 to vector<5000x128xi32>
      %add3A_32 = arith.addi %bitcast_convert_type3A_29, %add3A_31 : vector<5000x128xi32>
      %shift_right_logical3A_33 = arith.constant 16 : i32
      %shift_right_logical3A_34 = vector.broadcast %shift_right_logical3A_33 : i32 to vector<5000x128xi32>
      %shift_right_logical3A_35 = arith.shrui %bitcast_convert_type3A_29, %shift_right_logical3A_34 : vector<5000x128xi32>
      %and3A_36 = arith.constant 1 : i32
      %and3A_37 = vector.broadcast %and3A_36 : i32 to vector<5000x128xi32>
      %and3A_38 = arith.andi %shift_right_logical3A_35, %and3A_37 : vector<5000x128xi32>
      %add3A_39 = arith.addi %add3A_32, %and3A_38 : vector<5000x128xi32>
      %shift_right_logical3A_40 = arith.constant 16 : i32
      %shift_right_logical3A_41 = vector.broadcast %shift_right_logical3A_40 : i32 to vector<5000x128xi32>
      %shift_right_logical3A_42 = arith.shrui %add3A_39, %shift_right_logical3A_41 : vector<5000x128xi32>
      %shift_left3A = arith.constant 16 : i32
      %shift_left3A_43 = vector.broadcast %shift_left3A : i32 to vector<5000x128xi32>
      %shift_left3A_44 = arith.shli %shift_right_logical3A_42, %shift_left3A_43 : vector<5000x128xi32>
      %or3A = arith.ori %shift_right_logical3A_28, %shift_left3A_44 : vector<5000x128xi32>
      %swap3A = arith.constant 0 : index
      %swap3A_45 = arith.constant 0 : index
      %swap3A_46 = vector.load %arg5[%swap3A, %swap3A_45] : memref<5000x128xi32, #tpu.memory_space<vmem>>, vector<5000x128xi32>
      tpu.vector_store %arg5[%swap3A, %swap3A_45], %or3A {strides = array<i32>} : memref<5000x128xi32, #tpu.memory_space<vmem>>, vector<5000x128xi32>,
    } else {
    }
    return
  }
  func.func @transform_0(%arg0: i32) -> (i32, i32) {
    %jit3A = arith.constant 2 : i32
    %eq3A = arith.constant 0 : i32
    %eq3A_0 = arith.cmpi eq, %jit3A, %eq3A : i32
    %jit3A_1 = arith.constant 1 : i32
    %select_n3A = arith.select %eq3A_0, %jit3A_1, %jit3A : i32
    %rem3A = arith.remsi %arg0, %select_n3A : i32
    %ne3A = arith.constant 0 : i32
    %ne3A_2 = arith.cmpi ne, %rem3A, %ne3A : i32
    %lt3A = arith.constant 0 : i32
    %lt3A_3 = arith.cmpi slt, %rem3A, %lt3A : i32
    %lt3A_4 = arith.constant 0 : i32
    %lt3A_5 = arith.cmpi slt, %select_n3A, %lt3A_4 : i32
    %ne3A_6 = arith.xori %lt3A_3, %lt3A_5 : i1
    %and3A = arith.andi %ne3A_6, %ne3A_2 : i1
    %add3A = arith.addi %rem3A, %select_n3A : i32
    %select_n3A_7 = arith.select %and3A, %add3A, %rem3A : i32
    %c0_i32 = arith.constant 0 : i32
    %c0_i32_8 = arith.constant 0 : i32
    return %select_n3A_7, %c0_i32 : i32, i32
  }
  func.func @transform_1(%arg0: i32) -> (i32, i32) {
    %c0_i32 = arith.constant 0 : i32
    %c0_i32_0 = arith.constant 0 : i32
    %c0_i32_1 = arith.constant 0 : i32
    return %c0_i32, %c0_i32_0 : i32, i32
  }
  func.func @transform_2(%arg0: i32) -> (i32, i32) {
    %c0_i32 = arith.constant 0 : i32
    %c0_i32_0 = arith.constant 0 : i32
    %c0_i32_1 = arith.constant 0 : i32
    return %c0_i32, %c0_i32_0 : i32, i32
  }
  func.func @transform_3(%arg0: i32) -> (i32, i32) {
    %c0_i32 = arith.constant 0 : i32
    %c0_i32_0 = arith.constant 0 : i32
    %c0_i32_1 = arith.constant 0 : i32
    return %c0_i32, %c0_i32_0 : i32, i32
  }
  func.func @transform_4(%arg0: i32) -> (i32, i32) {
    %c0_i32 = arith.constant 0 : i32
    %c0_i32_0 = arith.constant 0 : i32
    return %arg0, %c0_i32 : i32, i32
  }
}

module attributes {stable_mosaic.version = 14 : i64} {
  func.func @body(%arg0: i32, %arg1: memref<12800x256xi32, #tpu.memory_space<vmem>>, %arg2: memref<256x1xbf16, #tpu.memory_space<vmem>>, %arg3: memref<1x1xf32, #tpu.memory_space<vmem>>, %arg4: memref<1x100x128xf32, #tpu.memory_space<vmem>>) attributes {dimension_semantics = [#tpu.dimension_semantics<arbitrary>], iteration_bounds = array<i64: 1>, scalar_prefetch = 0 : i64, scratch_operands = 0 : i64, tpu.core_type = #tpu.core_type<tc>, window_params = [{transform_indices = @transform_0, window_bounds = array<i64: 12800, 256>}, {pipeline_mode = #tpu.pipeline_mode<synchronous>, transform_indices = @transform_1, window_bounds = array<i64: 256, 1>}, {pipeline_mode = #tpu.pipeline_mode<synchronous>, transform_indices = @transform_2, window_bounds = array<i64: 1, 1>}, {transform_indices = @transform_3, window_bounds = array<i64: 1, 100, 128>}]} {
    %get3A = arith.constant 0 : index
    %get3A_0 = arith.constant 0 : index
    %get3A_1 = vector.load %arg1[%get3A, %get3A_0] : memref<12800x256xi32, #tpu.memory_space<vmem>>, vector<12800x256xi32>
    %slice3A = vector.extract_strided_slice %get3A_1 {offsets = [0, 0], sizes = [12800, 128], strides = [1, 1]} : vector<12800x256xi32> to vector<12800x128xi32>
    %slice3A_2 = vector.extract_strided_slice %get3A_1 {offsets = [0, 128], sizes = [12800, 128], strides = [1, 1]} : vector<12800x256xi32> to vector<12800x128xi32>
    %shift_left3A = arith.constant 16 : i32
    %shift_left3A_3 = vector.broadcast %shift_left3A : i32 to vector<12800x128xi32>
    %shift_left3A_4 = arith.shli %slice3A, %shift_left3A_3 : vector<12800x128xi32>
    %bitcast_convert_type3A = tpu.bitcast %shift_left3A_4 : vector<12800x128xi32> -> vector<12800x128xf32>
    %shift_left3A_5 = arith.constant 16 : i32
    %shift_left3A_6 = vector.broadcast %shift_left3A_5 : i32 to vector<12800x128xi32>
    %shift_left3A_7 = arith.shli %slice3A_2, %shift_left3A_6 : vector<12800x128xi32>
    %bitcast_convert_type3A_8 = tpu.bitcast %shift_left3A_7 : vector<12800x128xi32> -> vector<12800x128xf32>
    %add3A = arith.addf %bitcast_convert_type3A, %bitcast_convert_type3A_8 : vector<12800x128xf32>
    %max3A = arith.constant 0.000000e+00 : f32
    %max3A_9 = vector.broadcast %max3A : f32 to vector<12800x128xf32>
    %max3A_10 = arith.maximumf %add3A, %max3A_9 : vector<12800x128xf32>
    %and3A = arith.constant -65536 : i32
    %and3A_11 = vector.broadcast %and3A : i32 to vector<12800x128xi32>
    %and3A_12 = arith.andi %slice3A, %and3A_11 : vector<12800x128xi32>
    %bitcast_convert_type3A_13 = tpu.bitcast %and3A_12 : vector<12800x128xi32> -> vector<12800x128xf32>
    %and3A_14 = arith.constant -65536 : i32
    %and3A_15 = vector.broadcast %and3A_14 : i32 to vector<12800x128xi32>
    %and3A_16 = arith.andi %slice3A_2, %and3A_15 : vector<12800x128xi32>
    %bitcast_convert_type3A_17 = tpu.bitcast %and3A_16 : vector<12800x128xi32> -> vector<12800x128xf32>
    %add3A_18 = arith.addf %bitcast_convert_type3A_13, %bitcast_convert_type3A_17 : vector<12800x128xf32>
    %max3A_19 = arith.constant 0.000000e+00 : f32
    %max3A_20 = vector.broadcast %max3A_19 : f32 to vector<12800x128xf32>
    %max3A_21 = arith.maximumf %add3A_18, %max3A_20 : vector<12800x128xf32>
    %convert_element_type3A = arith.truncf %max3A_10 : vector<12800x128xf32> to vector<12800x128xbf16>
    %get3A_22 = arith.constant 0 : index
    %get3A_23 = arith.constant 0 : index
    %get3A_24 = vector.load %arg2[%get3A_22, %get3A_23] : memref<256x1xbf16, #tpu.memory_space<vmem>>, vector<128x1xbf16>
    %dot_general3A = arith.constant dense<0.000000e+00> : vector<12800x1xf32>
    %dot_general3A_25 = tpu.matmul %convert_element_type3A, %get3A_24, %dot_general3A {dimension_numbers = #tpu.dot_dimension_numbers<[1], [0], [0], [1], [0, 0, 1, 1], [], []>, transpose_lhs_hint = false} : vector<12800x128xbf16>, vector<128x1xbf16>, vector<12800x1xf32> -> vector<12800x1xf32>
    %convert_element_type3A_26 = arith.truncf %max3A_21 : vector<12800x128xf32> to vector<12800x128xbf16>
    %get3A_27 = arith.constant 128 : index
    %get3A_28 = arith.constant 0 : index
    %get3A_29 = vector.load %arg2[%get3A_27, %get3A_28] : memref<256x1xbf16, #tpu.memory_space<vmem>>, vector<128x1xbf16>
    %dot_general3A_30 = arith.constant dense<0.000000e+00> : vector<12800x1xf32>
    %dot_general3A_31 = tpu.matmul %convert_element_type3A_26, %get3A_29, %dot_general3A_30 {dimension_numbers = #tpu.dot_dimension_numbers<[1], [0], [0], [1], [0, 0, 1, 1], [], []>, transpose_lhs_hint = false} : vector<12800x128xbf16>, vector<128x1xbf16>, vector<12800x1xf32> -> vector<12800x1xf32>
    %add3A_32 = arith.addf %dot_general3A_25, %dot_general3A_31 : vector<12800x1xf32>
    %get3A_33 = arith.constant 0 : index
    %get3A_34 = arith.constant 0 : index
    %get3A_35 = vector.load %arg3[%get3A_33, %get3A_34] : memref<1x1xf32, #tpu.memory_space<vmem>>, vector<1x1xf32>
    %add3A_36 = vector.broadcast %get3A_35 : vector<1x1xf32> to vector<12800x1xf32>
    %add3A_37 = arith.addf %add3A_32, %add3A_36 : vector<12800x1xf32>
    %reshape3A = vector.shape_cast %add3A_37 : vector<12800x1xf32> to vector<1x100x128xf32>
    %swap3A = arith.constant 0 : index
    %swap3A_38 = arith.constant 0 : index
    %swap3A_39 = arith.constant 0 : index
    %swap3A_40 = vector.load %arg4[%swap3A, %swap3A_38, %swap3A_39] : memref<1x100x128xf32, #tpu.memory_space<vmem>>, vector<1x100x128xf32>
    tpu.vector_store %arg4[%swap3A, %swap3A_38, %swap3A_39], %reshape3A {strides = array<i32>} : memref<1x100x128xf32, #tpu.memory_space<vmem>>, vector<1x100x128xf32>,
    return
  }
  func.func @transform_0(%arg0: i32) -> (i32, i32) {
    %c0_i32 = arith.constant 0 : i32
    %c0_i32_0 = arith.constant 0 : i32
    return %arg0, %c0_i32 : i32, i32
  }
  func.func @transform_1(%arg0: i32) -> (i32, i32) {
    %c0_i32 = arith.constant 0 : i32
    %c0_i32_0 = arith.constant 0 : i32
    %c0_i32_1 = arith.constant 0 : i32
    return %c0_i32, %c0_i32_0 : i32, i32
  }
  func.func @transform_2(%arg0: i32) -> (i32, i32) {
    %c0_i32 = arith.constant 0 : i32
    %c0_i32_0 = arith.constant 0 : i32
    %c0_i32_1 = arith.constant 0 : i32
    return %c0_i32, %c0_i32_0 : i32, i32
  }
  func.func @transform_3(%arg0: i32) -> (i32, i32, i32) {
    %c0_i32 = arith.constant 0 : i32
    %c0_i32_0 = arith.constant 0 : i32
    %c0_i32_1 = arith.constant 0 : i32
    return %arg0, %c0_i32, %c0_i32_0 : i32, i32, i32
  }
}

module attributes {stable_mosaic.version = 14 : i64} {
  func.func @body(%arg0: i32, %arg1: memref<12800x256xi32, #tpu.memory_space<vmem>>, %arg2: memref<256x1xbf16, #tpu.memory_space<vmem>>, %arg3: memref<1x1xf32, #tpu.memory_space<vmem>>, %arg4: memref<1x100x128xf32, #tpu.memory_space<vmem>>) attributes {dimension_semantics = [#tpu.dimension_semantics<arbitrary>], iteration_bounds = array<i64: 8>, scalar_prefetch = 0 : i64, scratch_operands = 0 : i64, tpu.core_type = #tpu.core_type<tc>, window_params = [{transform_indices = @transform_0, window_bounds = array<i64: 12800, 256>}, {pipeline_mode = #tpu.pipeline_mode<synchronous>, transform_indices = @transform_1, window_bounds = array<i64: 256, 1>}, {pipeline_mode = #tpu.pipeline_mode<synchronous>, transform_indices = @transform_2, window_bounds = array<i64: 1, 1>}, {transform_indices = @transform_3, window_bounds = array<i64: 1, 100, 128>}]} {
    %get3A = arith.constant 0 : index
    %get3A_0 = arith.constant 0 : index
    %get3A_1 = vector.load %arg1[%get3A, %get3A_0] : memref<12800x256xi32, #tpu.memory_space<vmem>>, vector<12800x256xi32>
    %slice3A = vector.extract_strided_slice %get3A_1 {offsets = [0, 0], sizes = [12800, 128], strides = [1, 1]} : vector<12800x256xi32> to vector<12800x128xi32>
    %slice3A_2 = vector.extract_strided_slice %get3A_1 {offsets = [0, 128], sizes = [12800, 128], strides = [1, 1]} : vector<12800x256xi32> to vector<12800x128xi32>
    %shift_left3A = arith.constant 16 : i32
    %shift_left3A_3 = vector.broadcast %shift_left3A : i32 to vector<12800x128xi32>
    %shift_left3A_4 = arith.shli %slice3A, %shift_left3A_3 : vector<12800x128xi32>
    %bitcast_convert_type3A = tpu.bitcast %shift_left3A_4 : vector<12800x128xi32> -> vector<12800x128xf32>
    %shift_left3A_5 = arith.constant 16 : i32
    %shift_left3A_6 = vector.broadcast %shift_left3A_5 : i32 to vector<12800x128xi32>
    %shift_left3A_7 = arith.shli %slice3A_2, %shift_left3A_6 : vector<12800x128xi32>
    %bitcast_convert_type3A_8 = tpu.bitcast %shift_left3A_7 : vector<12800x128xi32> -> vector<12800x128xf32>
    %add3A = arith.addf %bitcast_convert_type3A, %bitcast_convert_type3A_8 : vector<12800x128xf32>
    %max3A = arith.constant 0.000000e+00 : f32
    %max3A_9 = vector.broadcast %max3A : f32 to vector<12800x128xf32>
    %max3A_10 = arith.maximumf %add3A, %max3A_9 : vector<12800x128xf32>
    %and3A = arith.constant -65536 : i32
    %and3A_11 = vector.broadcast %and3A : i32 to vector<12800x128xi32>
    %and3A_12 = arith.andi %slice3A, %and3A_11 : vector<12800x128xi32>
    %bitcast_convert_type3A_13 = tpu.bitcast %and3A_12 : vector<12800x128xi32> -> vector<12800x128xf32>
    %and3A_14 = arith.constant -65536 : i32
    %and3A_15 = vector.broadcast %and3A_14 : i32 to vector<12800x128xi32>
    %and3A_16 = arith.andi %slice3A_2, %and3A_15 : vector<12800x128xi32>
    %bitcast_convert_type3A_17 = tpu.bitcast %and3A_16 : vector<12800x128xi32> -> vector<12800x128xf32>
    %add3A_18 = arith.addf %bitcast_convert_type3A_13, %bitcast_convert_type3A_17 : vector<12800x128xf32>
    %max3A_19 = arith.constant 0.000000e+00 : f32
    %max3A_20 = vector.broadcast %max3A_19 : f32 to vector<12800x128xf32>
    %max3A_21 = arith.maximumf %add3A_18, %max3A_20 : vector<12800x128xf32>
    %convert_element_type3A = arith.truncf %max3A_10 : vector<12800x128xf32> to vector<12800x128xbf16>
    %get3A_22 = arith.constant 0 : index
    %get3A_23 = arith.constant 0 : index
    %get3A_24 = vector.load %arg2[%get3A_22, %get3A_23] : memref<256x1xbf16, #tpu.memory_space<vmem>>, vector<128x1xbf16>
    %dot_general3A = arith.constant dense<0.000000e+00> : vector<12800x1xf32>
    %dot_general3A_25 = tpu.matmul %convert_element_type3A, %get3A_24, %dot_general3A {dimension_numbers = #tpu.dot_dimension_numbers<[1], [0], [0], [1], [0, 0, 1, 1], [], []>, transpose_lhs_hint = false} : vector<12800x128xbf16>, vector<128x1xbf16>, vector<12800x1xf32> -> vector<12800x1xf32>
    %convert_element_type3A_26 = arith.truncf %max3A_21 : vector<12800x128xf32> to vector<12800x128xbf16>
    %get3A_27 = arith.constant 128 : index
    %get3A_28 = arith.constant 0 : index
    %get3A_29 = vector.load %arg2[%get3A_27, %get3A_28] : memref<256x1xbf16, #tpu.memory_space<vmem>>, vector<128x1xbf16>
    %dot_general3A_30 = arith.constant dense<0.000000e+00> : vector<12800x1xf32>
    %dot_general3A_31 = tpu.matmul %convert_element_type3A_26, %get3A_29, %dot_general3A_30 {dimension_numbers = #tpu.dot_dimension_numbers<[1], [0], [0], [1], [0, 0, 1, 1], [], []>, transpose_lhs_hint = false} : vector<12800x128xbf16>, vector<128x1xbf16>, vector<12800x1xf32> -> vector<12800x1xf32>
    %add3A_32 = arith.addf %dot_general3A_25, %dot_general3A_31 : vector<12800x1xf32>
    %get3A_33 = arith.constant 0 : index
    %get3A_34 = arith.constant 0 : index
    %get3A_35 = vector.load %arg3[%get3A_33, %get3A_34] : memref<1x1xf32, #tpu.memory_space<vmem>>, vector<1x1xf32>
    %add3A_36 = vector.broadcast %get3A_35 : vector<1x1xf32> to vector<12800x1xf32>
    %add3A_37 = arith.addf %add3A_32, %add3A_36 : vector<12800x1xf32>
    %reshape3A = vector.shape_cast %add3A_37 : vector<12800x1xf32> to vector<1x100x128xf32>
    %swap3A = arith.constant 0 : index
    %swap3A_38 = arith.constant 0 : index
    %swap3A_39 = arith.constant 0 : index
    %swap3A_40 = vector.load %arg4[%swap3A, %swap3A_38, %swap3A_39] : memref<1x100x128xf32, #tpu.memory_space<vmem>>, vector<1x100x128xf32>
    tpu.vector_store %arg4[%swap3A, %swap3A_38, %swap3A_39], %reshape3A {strides = array<i32>} : memref<1x100x128xf32, #tpu.memory_space<vmem>>, vector<1x100x128xf32>,
    return
  }
  func.func @transform_0(%arg0: i32) -> (i32, i32) {
    %c0_i32 = arith.constant 0 : i32
    %c0_i32_0 = arith.constant 0 : i32
    return %arg0, %c0_i32 : i32, i32
  }
  func.func @transform_1(%arg0: i32) -> (i32, i32) {
    %c0_i32 = arith.constant 0 : i32
    %c0_i32_0 = arith.constant 0 : i32
    %c0_i32_1 = arith.constant 0 : i32
    return %c0_i32, %c0_i32_0 : i32, i32
  }
  func.func @transform_2(%arg0: i32) -> (i32, i32) {
    %c0_i32 = arith.constant 0 : i32
    %c0_i32_0 = arith.constant 0 : i32
    %c0_i32_1 = arith.constant 0 : i32
    return %c0_i32, %c0_i32_0 : i32, i32
  }
  func.func @transform_3(%arg0: i32) -> (i32, i32, i32) {
    %c0_i32 = arith.constant 0 : i32
    %c0_i32_0 = arith.constant 0 : i32
    %c0_i32_1 = arith.constant 0 : i32
    return %arg0, %c0_i32, %c0_i32_0 : i32, i32, i32
  }
}

</mosaic_0001>

<sc_bundles>
// kernel: kernel.11.cloned.1.call-start
scs
__scs_entry_jumppad:
0x0: {  	(pc) =	sbr.rel $0x88, $3  }
0x1: {  	(tag) =	ssettag $0x0;
	lr =	simm.s32 $0x1  }
0x2: {  	[smem:$0x3F9A] =	sst lr;
	_ =	strace $0xD0000000  }
0x3: {  	_ = 	snop  }
0x4: {  	_ = 	snop  }
0x5: {  	_ = 	snop  }
0x6: {  	_ = 	snop  }
0x7: {  	_ = 	snop  }
__scs_overlays_trampoline_lowered:
0x8: {  	[smem:$0x3FA9] =	sst s0  }
0x9: {  	[smem:$0x3FAA] =	sst s1  }
0xa: {  	[smem:$0x3FAB] =	sst s2  }
0xb: {  	[smem:$0x3FAC] =	sst s3  }
0xc: {  	[smem:$0x3FAD] =	sst s4  }
0xd: {  	[smem:$0x3FAE] =	sst s5  }
0xe: {  	[smem:$0x3FAF] =	sst s6  }
0xf: {  	[smem:$0x3FB0] =	sst s7  }
0x10: {  	[smem:$0x3FB1] =	sst s8  }
0x11: {  	[smem:$0x3FB2] =	sst s9;
	s0 =	simm.s32 @!p0 $0x0  }
0x12: {  	s1 =	sld [smem:$0x3F98];
	s0 =	simm.s32 @p0 $0x1  }
0x13: {  	[smem:$0x3FB3] =	sst s0;
	s0 =	simm.s32 @!p1 $0x0  }
0x14: {  	s2 =	sld [smem:$0x3F97];
	s0 =	simm.s32 @p1 $0x1  }
0x15: {  	[smem:$0x3FB4] =	sst s0;
	s0 =	simm.s32 @!p2 $0x0  }
0x16: {  	s3 =	sld [smem:$0x3FDB];
	s0 =	simm.s32 @p2 $0x1  }
0x17: {  	s4 =	simm.s32 $0x1BF5;
	[smem:$0x3FB6] =	sst s0  }
0x18: {  	s0 =	sld [smem:$0x3F99];
	_ =	swait.ge [sflag:s4], $0x0  }
0x19: {  	s7 =	sld [smem:$0x3F9A]  }
0x1a: {  	s8 =	sadd.s32 $0xFFFFE003, lr  }
0x1b: {  	s9 =	sadd.s32 $0xFFFFFEF7, lr;
	s5 =	simm.s32 $0xFFFFFFFF;
	p2 =	slt.u32 s8, $0xFFFFF086  }
0x1c: {  	p1 =	slt.u32 s9, $0xF7A;
	s5 =	simm.s32 @!p2 $0x0  }
0x1d: {  	s5 =	simm.s32 @p1 $0x1;
	p0 =	seq.s32 s7, s2  }
0x1e: {  	s7 =	smul.u32 @!p0 $0xF7A, s2;
	p2 =	seq.s32 @!p0 s5, $0x0  }
0x1f: {  	s9 =	smul.u32 $0xF7A, s1;
	s8 =	simm.s32 @!p0 $0x1BF5;
	p2 =	por !p2, p0  }
0x20: {  	[sflag:s8] =	ssyncset.s32 @!p0 $0xFFFFF086;
	s6 =	sadd.s32 @!p0 s3, s7;
	s7 =	simm.s32 @!p0 $0x108  }
0x21: {  	s3 =	sadd.s32 s3, s9;
	s6 =	sadd.s32 @!p0 $0x88, s6;
	s7 =	simm.s32 @p2 $0x1082  }
0x22: {  	[simem:s7], [sflag:s8] =	dma.local @!p0 [hbm:s6], $0xF7A  }
0x23: {  	s9 =	sor.u32 $0xD0000000, s2;
	s6 =	simm.s32 $0x108;
	_ =	swait.ge @!p0 [sflag:s8], $0x0  }
0x24: {  	s3 =	sadd.s32 $0x88, s3;
	s6 =	simm.s32 @!p1 $0x1082;
	[sflag:s4] =	ssyncset.s32 $0xFFFFF086  }
0x25: {  	[simem:s6], [sflag:s4] =	dma.local [hbm:s3], $0xF7A  }
0x26: {  	[smem:$0x3F9A] =	sst s1;
	(tag) =	ssettag s2;
	_ =	strace s9  }
0x27: {  	s1 =	sld [smem:$0x3FAA]  }
0x28: {  	s2 =	sld [smem:$0x3FAB]  }
0x29: {  	s4 =	sld [smem:$0x3FAD]  }
0x2a: {  	p0 =	seq.s32 s5, $0x0;
	s5 =	sld [smem:$0x3FAE]  }
0x2b: {  	s6 =	sld [smem:$0x3FAF]  }
0x2c: {  	s7 =	sld [smem:$0x3FB0]  }
0x2d: {  	s3 =	simm.s32 $0x108;
	s8 =	sld [smem:$0x3FB1]  }
0x2e: {  	s3 =	simm.s32 @!p0 $0x1082;
	s9 =	sld [smem:$0x3FB2]  }
0x2f: {  	lr =	sadd.s32 s0, s3;
	s0 =	sld [smem:$0x3FA9]  }
0x30: {  	s3 =	sld [smem:$0x3FAC]  }
0x31: {  	[smem:$0x3FB5] =	sst s10  }
0x32: {  	s10 =	sld [smem:$0x3FB3];
	_ =	sdelay $0x3  }
0x33: {  	p0 =	seq.s32 s10, $0x1;
	s10 =	sld [smem:$0x3FB5];
	_ =	sdelay $0x3  }
0x34: {  	[smem:$0x3FB5] =	sst s10  }
0x35: {  	s10 =	sld [smem:$0x3FB4];
	_ =	sdelay $0x3  }
0x36: {  	p1 =	seq.s32 s10, $0x1;
	s10 =	sld [smem:$0x3FB5];
	_ =	sdelay $0x3  }
0x37: {  	[smem:$0x3FB5] =	sst s10  }
0x38: {  	s10 =	sld [smem:$0x3FB6]  }
0x39: {  	_ = 	snop;
	(pc) =	sbr.ind lr, $3  }
0x3a: {  	_ = 	snop  }
0x3b: {  	_ = 	snop  }
0x3c: {  	p2 =	seq.s32 s10, $0x1;
	s10 =	sld [smem:$0x3FB5]  }
0x3d: {  	_ =	shalt  }
0x3e: {  	_ =	shalt  }
0x3f: {  	_ =	shalt  }
0x40: {  	_ =	shalt  }
0x41: {  	_ =	shalt  }
0x42: {  	_ =	shalt  }
0x43: {  	_ =	shalt  }
0x44: {  	_ =	shalt  }
0x45: {  	_ =	shalt  }
0x46: {  	_ =	shalt  }
0x47: {  	_ =	shalt  }
0x48: {  	_ =	shalt  }
0x49: {  	_ =	shalt  }
0x4a: {  	_ =	shalt  }
0x4b: {  	_ =	shalt  }
0x4c: {  	_ =	shalt  }
0x4d: {  	_ =	shalt  }
0x4e: {  	_ =	shalt  }
0x4f: {  	_ =	shalt  }
0x50: {  	_ =	shalt  }
0x51: {  	_ =	shalt  }
0x52: {  	_ =	shalt  }
0x53: {  	_ =	shalt  }
0x54: {  	_ =	shalt  }
0x55: {  	_ =	shalt  }
0x56: {  	_ =	shalt  }
0x57: {  	_ =	shalt  }
0x58: {  	_ =	shalt  }
0x59: {  	_ =	shalt  }
0x5a: {  	_ =	shalt  }
0x5b: {  	_ =	shalt  }
0x5c: {  	_ =	shalt  }
0x5d: {  	_ =	shalt  }
0x5e: {  	_ =	shalt  }
0x5f: {  	_ =	shalt  }
0x60: {  	_ =	shalt  }
0x61: {  	_ =	shalt  }
0x62: {  	_ =	shalt  }
0x63: {  	_ =	shalt  }
0x64: {  	_ =	shalt  }
0x65: {  	_ =	shalt  }
0x66: {  	_ =	shalt  }
0x67: {  	_ =	shalt  }
0x68: {  	_ =	shalt  }
0x69: {  	_ =	shalt  }
0x6a: {  	_ =	shalt  }
0x6b: {  	_ =	shalt  }
0x6c: {  	_ =	shalt  }
0x6d: {  	_ =	shalt  }
0x6e: {  	_ =	shalt  }
0x6f: {  	_ =	shalt  }
0x70: {  	_ =	shalt  }
0x71: {  	_ =	shalt  }
0x72: {  	_ =	shalt  }
0x73: {  	_ =	shalt  }
0x74: {  	_ =	shalt  }
0x75: {  	_ =	shalt  }
0x76: {  	_ =	shalt  }
0x77: {  	_ =	shalt  }
0x78: {  	_ =	shalt  }
0x79: {  	_ =	shalt  }
0x7a: {  	_ =	shalt  }
0x7b: {  	_ =	shalt  }
0x7c: {  	_ =	shalt  }
0x7d: {  	_ =	shalt  }
0x7e: {  	_ =	shalt  }
0x7f: {  	_ =	shalt  }
0x80: {  	_ =	shalt  }
0x81: {  	_ =	shalt  }
0x82: {  	_ =	shalt  }
0x83: {  	_ =	shalt  }
0x84: {  	_ =	shalt  }
0x85: {  	_ =	shalt  }
0x86: {  	_ =	shalt  }
0x87: {  	_ =	shalt  }
.Lfunc_end0:
.L_simem_size_0:
called_computation_lowered:
.L_overlay_start_0:
0x88: {  	s2 =	sld [smem:$0x3FD9]  }
0x89: {  	s3 =	sld [smem:$0x3FFE];
	_ =	sdelay $0x1  }
0x8a: {  	s1 =	srdreg.scid  }
0x8b: {  	s0 =	sand.u32 $0x1, s1  }
0x8c: {  	s17 =	sshll.u32 s0, $0xA;
	s2 =	sadd.s32 s3, s2  }
0x8d: {  	s2 =	sadd.s32 s2, s17  }
0x8e: {  	[smem:$0x3FC1] =	sst s2  }
0x8f: {  	_ = 	snop  }
0x90: {  	(tm) =	ssettm $0x1  }
0x91: {  	s18 =	sld [smem:$0x3FFB];
	_ =	sdelay $0x3  }
0x92: {  	_ =	strace s18  }
0x93: {  	s2 =	sld [smem:$0x3FFC];
	_ =	sdelay $0x3  }
0x94: {  	_ =	strace s2  }
0x95: {  	s2 =	sld [smem:$0x3FFD];
	_ =	sdelay $0x3  }
0x96: {  	_ =	strace s2  }
0x97: {  	_ =	strace $0x8FFFFFFF  }
0x98: {  	s19 =	sld [smem:$0x3FDB];
	_ =	sdelay $0x1  }
0x99: {  	s20 =	simm.s32 $_scs_section_size  }
0x9a: {  	s4 =	simm.s32 $_size__tile_overlayer_lowered;
	s5 =	simm.s32 $_tile_overlayer_lowered  }
0x9b: {  	s6 =	simm.s32 $0x1BFF;
	s21 =	sshll.u32 s5, $0x1;
	s3 =	sadd.s32 s20, s19  }
0x9c: {  	s22 =	simm.s32 $0x0;
	s4 =	sshll.u32 s4, $0x1;
	s5 =	sadd.s32 s21, s3  }
0x9d: {  	[timem:s22], [sflag:s6] =	dma.local [hbm:s5], s4  }
0x9e: {  	_ =	swait.ge [sflag:s6], s4  }
0x9f: {  	s4 =	ssub.s32 $0x0, s4;
	[sflag:s6] =	ssyncset.done $0x0  }
0xa0: {  	[sflag:s6] =	ssyncadd.s32 s4;
	_ =	sdelay $0x1  }
0xa1: {  	s23 =	simm.s32 $0x1B8B  }
0xa2: {  	_ =	swait.ge [sflag:s23], $0x1  }
0xa3: {  	[sflag:s23] =	ssyncset.done $0x0  }
0xa4: {  	[sflag:s23] =	ssyncadd.s32 $0xFFFFFFFF  }
0xa5: {  	s4 =	sld [smem:$0x0]  }
0xa6: {  	s5 =	sand.u32 $0xFFFFFFFE, s1  }
0xa7: {  	p0 =	sne.s32 s1, s5  }
0xa8: {  	s5 =	sshll.u32 @p0 s5, $0xE  }
0xa9: {  	s5 =	sadd.s32 @p0 $0x11B8D, s5;
	s6 =	sshll.u32 @p0 s4, $0x11  }
0xaa: {  	s5 =	sor.u32 @p0 s6, s5  }
0xab: {  	[sflag:s5] =	ssyncadd.remote.s32 @p0 $0x1;
	_ =	sdelay $0x1  }
0xac: {  	s5 =	simm.s32 @p0 $0x1B8D  }
0xad: {  	_ =	swait.eq @p0 [sflag:s5], $0x1  }
0xae: {  	[sflag:s5] =	ssyncadd.s32 @p0 $0xFFFFFFFF  }
0xaf: {  	s6 =	sshll.u32 @!p0 s1, $0xE  }
0xb0: {  	s6 =	sor.u32 @!p0 $0x4000, s6;
	s5 =	simm.s32 @!p0 $0x1B8D  }
0xb1: {  	s4 =	sshll.u32 @!p0 s4, $0x11;
	s6 =	sadd.s32 @!p0 $0x11B8D, s6;
	_ =	swait.eq @!p0 [sflag:s5], $0x1  }
0xb2: {  	s4 =	sor.u32 @!p0 s4, s6;
	[sflag:s5] =	ssyncadd.s32 @!p0 $0xFFFFFFFF  }
0xb3: {  	s25 =	simm.s32 $0x1B8E;
	s24 =	sld [smem:$0x3FFE];
	[sflag:s4] =	ssyncadd.remote.s32 @!p0 $0x1  }
0xb4: {  	s26 =	simm.s32 $execute0_lowered;
	[smem:$0x3FD2] =	sst s25  }
0xb5: {  	s5 =	sshll.u32 s26, $0x1;
	_ =	strace $0x80000064;
	[dreg:$0x1] =	wrdreg $0xFFFFFFFF  }
0xb6: {  	s28 =	simm.s32 $_size_execute0_lowered;
	s3 =	sadd.s32 s3, s5;
	[dreg:$0x0] =	wrdreg $0x0  }
0xb7: {  	s5 =	sshll.u32 s28, $0x1;
	[dreg:$0x2] =	wrdreg s3  }
0xb8: {  	[dreg:$0x3] =	wrdreg s5  }
0xb9: {  	[dreg:$0x4] =	wrdreg $0xC0  }
0xba: {  	_ =	task [dreg:s22], $0x5FFFF  }
0xbb: {  	[dreg:$0x1] =	wrdreg $0xFFFFFFFF  }
0xbc: {  	[dreg:$0x0] =	wrdreg $0x60  }
0xbd: {  	[dreg:$0x2] =	wrdreg s24  }
0xbe: {  	[dreg:$0x3] =	wrdreg $0x9  }
0xbf: {  	_ =	task.clear_ibuf [dreg:s22], $0x4FFFF;
	_ =	strace $0x90000064  }
0xc0: {  	s29 =	simm.s32 $0x9;
	_ =	strace $0x8000006D  }
0xc1: {  	_ =	swait.ge [sflag:s29], $0x1  }
0xc2: {  	[sflag:s29] =	ssyncadd.s32 $0xFFFFFFFF  }
0xc3: {  	_ =	strace $0x9000006D  }
0xc4: {  	_ =	sfence  }
0xc5: {  	s30 =	sld [smem:$0x0];
	_ =	sdelay $0x2  }
0xc6: {  	s31 =	sshll.u32 s1, $0xD;
	s1 =	sshrl.u32 s1, $0x2  }
0xc7: {  	s4 =	sand.u32 $0x4000, s31;
	s1 =	sadd.s32 s1, s30  }
0xc8: {  	s0 =	sor.u32 s4, s0;
	s1 =	sshll.u32 s1, $0x11  }
0xc9: {  	s0 =	sor.u32 s1, s0  }
0xca: {  	s0 =	sadd.s32 $0x8F2B, s0  }
0xcb: {  	[sflag:s0] =	ssyncadd.remote.s32 $0x1  }
0xcc: {  	_ =	sfence.sel $0xFFFF  }
0xcd: {  	[dreg:$0x0] =	wrdreg $0xFFFFFFFF;
	(pc) =	sbr.abs _section_cstart, $3  }
0xce: {  	[dreg:$0x1] =	wrdreg $0xFFFFFFFF  }
0xcf: {  	_ =	task.clear_ibuf [dreg:s22], $0x2FFFF;
	_ =	strace $0x9FFFFFFF  }
0xd0: {  	(tm) =	ssettm $0x7FFFFFFF  }
0xd1: {  	_ =	shalt  }
tec
execute0_lowered:
.L_overlay_start_1:
0x0: {  	(tag) =	ssettag $0x1  }
0x1: {  	s3 =	rddreg [dreg:$0x0]  }
0x2: {  	s0 =	simm.s32 $0x0;
	s2 =	srdreg.scid;
	s28 =	stileid.u32  }
0x3: {  	s8 =	simm.s32 $0x100;
	s9 =	simm.s32 $0x0;
	[smem:$0x7FF] =	sst s0  }
0x4: {  	s4 =	sand.u32 $0x1, s2;
	s5 =	sadd.s32 $0x3600, s3;
	s30 =	sadd.s32 $0x702000, s3  }
0x5: {  	s3 =	sadd.s32 $0x3DBC00, s3;
	_ =	strace $0x80000065;
	s6 =	sshll.u32 s4, $0x4  }
0x6: {  	[dreg:$0x2] =	wrdreg s5;
	s4 =	ssub.s32 $0x2, s4;
	s29 =	sor.u32 s28, s6  }
0x7: {  	[dreg:$0x4] =	wrdreg s30;
	s31 =	sshrl.u32 s4, $0x1;
	s7 =	smul.u32 $0x320, s29  }
0x8: {  	[dreg:$0x3] =	wrdreg s8;
	s8 =	simm.s32 $0x5;
	s6 =	ssub.s32 s4, s31  }
0x9: {  	s4 =	smul.u32 $0x19, s29;
	s6 =	smax.u32 s6, $0x1;
	s5 =	sadd.s32 s3, s7  }
.LBB2_1:
0xa: {  	_ =	strace $0x80000066;
	s0 =	simm.s32 $0x0  }
0xb: {  	s10 =	simm.s32 $0x1;
	p0 =	por $0x0, $0x0;
	p5 =	por $0x1, $0x1  }
0xc: {  	s11 =	simm.s32 $0x19;
	s14 =	simm.s32 $0x0;
	s12 =	simm.s32 $0xFFFFFFFF  }
0xd: {  	[tilespmem:s0], [sflag:$0x1] =	stream.linear.gather [hbm4b:s5+s0], $0x100, $0x200038;
	[tilespmem:$0x10200] =	vst v63  }
0xe: {  	s1 =	simm.s32 $0x1;
	s10 =	simm.s32 @p0 $0x0;
	s21 =	sadd.s32 $0x0, s4  }
0xf: {  	p1 =	sne.s32 s10, $0x0;
	_ =	strace $0x90000066;
	s15 =	sadd.s32 s4, s10  }
0x10: {  	s22 =	sshra.s32 s21, $0x1F;
	s23 =	smulhi.u32 $0x51EB851F, s21;
	p0 =	por !p5, !p1  }
0x11: {  	s28 =	sshra.s32 s15, $0x1F;
	s22 =	smul.u32 $0x51EB851F, s22;
	p2 =	por !p0, !p0  }
0x12: {  	p0 =	por $0x1, $0x1;
	s29 =	smul.u32 $0x51EB851F, s28;
	s13 =	sand.u32 @p2 $0x1, s1  }
0x13: {  	s16 =	sshll.u32 @p2 s15, $0x5;
	s12 =	simm.s32 @p0 $0x18;
	_ =	strace @p2 $0x80000067  }
0x14: {  	s20 =	simm.s32 @p2 $0x0;
	s1 =	smulhi.u32 $0x51EB851F, s15;
	s2 =	sadd.s32 s22, s23  }
0x15: {  	p0 =	por $0x0, $0x0;
	s22 =	simm.s32 $0x1;
	s17 =	sshll.u32 @p2 s13, $0x8  }
0x16: {  	s16 =	sand.u32 @p2 $0x1FFFFFE0, s16;
	s18 =	sadd.s32 s4, s12;
	s13 =	sadd.s32 @p2 $0x1, s13  }
0x17: {  	s23 =	sshrl.u32 s2, $0x1F;
	s26 =	sshra.s32 s18, $0x1F;
	s19 =	smulhi.u32 $0x51EB851F, s18  }
0x18: {  	p1 =	por p0, p1;
	s12 =	sadd.s32 @p2 s3, s16;
	s16 =	smul.u32 $0x51EB851F, s26  }
0x19: {  	[tilespmem:s17], [sflag:s13] =	stream.linear.gather @p2 [hbm4b:s12+s20], $0x100, $0x200038;
	[tilespmem:$0x10200] =	vst v63  }
0x1a: {  	p6 =	slt.s32 s18, $0x1;
	s22 =	simm.s32 @!p1 $0x0;
	s12 =	simm.s32 $0x18  }
0x1b: {  	s13 =	sand.u32 $0x1, s0;
	_ =	strace @p2 $0x90000067;
	s16 =	sadd.s32 s16, s19  }
0x1c: {  	s19 =	sshra.s32 s2, $0x7;
	_ =	strace $0x80000068;
	s30 =	sshrl.u32 s16, $0x1F  }
0x1d: {  	s31 =	sshra.s32 s16, $0x7;
	s19 =	sadd.s32 s23, s19;
	s16 =	sadd.s32 s29, s1  }
0x1e: {  	s29 =	sadd.s32 $0x1, s13;
	s7 =	sadd.s32 s30, s31;
	s26 =	smul.u32 $0xFFFFFE70, s19  }
0x1f: {  	s28 =	sshra.s32 s16, $0x7;
	_ =	swait.ge [sflag:s29], $0x100;
	s25 =	smul.u32 $0xFFFFFE70, s7  }
0x20: {  	s16 =	sshrl.u32 s16, $0x1F;
	s30 =	sshll.u32 s13, $0xF;
	[sflag:s29] =	ssyncset.done $0x0  }
0x21: {  	s20 =	sadd.s32 s21, s26;
	[sflag:s29] =	ssyncadd.s32 $0xFFFFFF00;
	s17 =	sadd.s32 s18, s25  }
0x22: {  	p5 =	slt.s32 s20, $0x0;
	_ =	strace $0x90000068;
	s18 =	simm.s32 $0x0  }
0x23: {  	p4 =	sne.s32 s17, $0x0;
	p3 =	slt.s32 s17, $0x0;
	s23 =	sadd.s32 $0x190, s17  }
0x24: {  	_ =	strace $0x80000069;
	s17 =	smov.u32 @p3 s23;
	p3 =	sne.s32 s20, $0x0  }
0x25: {  	s23 =	sadd.s32 $0x190, s20;
	p4 =	por !p6, !p4;
	p6 =	slt.s32 s21, $0x1  }
0x26: {  	s21 =	simm.s32 $0x1;
	s20 =	smov.u32 @p5 s23;
	s23 =	sadd.s32 s16, s28  }
0x27: {  	p4 =	por !p4, !p4;
	p5 =	por !p6, !p3;
	s16 =	smul.u32 $0xFFFFFE70, s23  }
0x28: {  	s21 =	simm.s32 @!p4 $0x0;
	p4 =	slt.s32 s15, $0x1;
	p3 =	por !p5, !p5  }
0x29: {  	s31 =	ssub.s32 s7, s21;
	s24 =	sadd.s32 s15, s16;
	s15 =	simm.s32 $0x1  }
0x2a: {  	s16 =	sor.u32 $0x200, s30;
	s15 =	simm.s32 @!p2 $0x0;
	p2 =	sne.s32 s20, s17  }
0x2b: {  	s17 =	simm.s32 $0x1;
	p6 =	sne.s32 s24, $0x0;
	s15 =	sadd.s32 $0x1, s15  }
0x2c: {  	s17 =	simm.s32 @!p3 $0x0;
	p1 =	por !p4, !p6;
	p3 =	slt.s32 s24, $0x0  }
0x2d: {  	s21 =	ssub.s32 s19, s17;
	s17 =	sadd.s32 $0x190, s24;
	p1 =	por !p1, !p1  }
0x2e: {  	s19 =	simm.s32 $0x1;
	s24 =	smov.u32 @p3 s17;
	s17 =	sadd.s32 $0x0, s22  }
0x2f: {  	s19 =	simm.s32 @!p1 $0x0;
	s22 =	rddreg [dreg:$0x2];
	p3 =	sne.s32 s21, s31  }
0x30: {  	s25 =	ssub.s32 s23, s19;
	s23 =	rddreg [dreg:$0x3];
	s19 =	sand.u32 $0x100, s14  }
0x31: {  	p4 =	sne.s32 s20, s24;
	s14 =	simm.s32 $0x0;
	p5 =	sne.s32 s21, s25  }
.LBB2_2:
0x32: {  	[tilespmem:s16], [sflag:$0x5] =	stream.indirect.gather [hbm4b:s22+s23], $0x80, s19, s23, $0x2000b8;
	[tilespmem:$0x10200] =	vst v63  }
0x33: {  	s19 =	sshll.u32 s17, $0x8;
	p2 =	por p2, p3  }
0x34: {  	s28 =	smov.u32 s12;
	s12 =	sadd.s32 $0xFFFFFFFF, s12;
	p6 =	por p4, p5  }
0x35: {  	p4 =	sne.s32 s11, $0x19;
	s24 =	simm.s32 $0x1;
	s29 =	smov.u32 s10  }
0x36: {  	s10 =	sadd.s32 $0x1, s10;
	s2 =	simm.s32 $0x1;
	_ =	swait.ge [sflag:s8], $0x8000  }
0x37: {  	p1 =	sne.s32 s12, $0x0;
	p0 =	por p0, p6;
	p2 =	por !p4, !p2  }
0x38: {  	p3 =	seq.s32 s10, $0x19;
	s22 =	sadd.s32 $0xFFFFFFFF, s29;
	p4 =	seq.s32 s29, $0x0  }
0x39: {  	s19 =	sand.u32 $0x100, s19;
	[sflag:s8] =	ssyncset.done $0x0;
	s11 =	sshll.u32 @p0 s20, $0x10  }
0x3a: {  	s20 =	sshll.u32 @p0 s21, $0xA;
	s13 =	sadd.s32 @p0 $0x3, s13;
	p2 =	por !p2, !p2  }
0x3b: {  	s21 =	simm.s32 $0x1;
	s25 =	simm.s32 @p0 $0x800;
	s10 =	simm.s32 @p3 $0x0  }
0x3c: {  	s22 =	simm.s32 @p4 $0x18;
	[sflag:s8] =	ssyncadd.s32 $0xFFFF8000;
	s11 =	sadd.s32 @p0 s11, s20  }
0x3d: {  	s21 =	simm.s32 @!p0 $0x0;
	s23 =	sand.u32 @p2 $0x1, s14;
	s24 =	simm.s32 @!p2 $0x0  }
0x3e: {  	p5 =	sne.s32 s29, s10;
	s22 =	sadd.s32 s4, s22;
	_ =	strace $0x90000069  }
0x3f: {  	s11 =	sshrl.u32 @p0 s11, $0x3;
	s14 =	sadd.s32 s24, s14;
	s18 =	sadd.s32 s21, s18  }
0x40: {  	s21 =	sadd.s32 s4, s29;
	s1 =	sshra.s32 s22, $0x1F;
	_ =	strace @p0 $0x8000006A  }
0x41: {  	s31 =	sshra.s32 s21, $0x1F;
	s0 =	smulhi.u32 $0x51EB851F, s21;
	s20 =	rddreg [dreg:$0x4]  }
0x42: {  	s1 =	smul.u32 $0x51EB851F, s1;
	s11 =	sadd.s32 @p0 s20, s11;
	s20 =	simm.s32 @p0 $0x400  }
0x43: {  	[hbm4b:s11+s20] =	stream.strided.scatter @p0 [tilespmem:s16], [sflag:s13], $0x8000, s25, s20, $0x200038;
	[tilespmem:$0x10200] =	vst v63  }
0x44: {  	p4 =	slt.s32 s22, $0x1;
	s31 =	smul.u32 $0x51EB851F, s31;
	s16 =	sadd.s32 @p2 $0x3, s23  }
0x45: {  	s11 =	smov.u32 s28;
	s13 =	sand.u32 $0x1, s18;
	s20 =	sadd.s32 s4, s10  }
0x46: {  	s25 =	simm.s32 $0x1;
	s0 =	sadd.s32 s31, s0;
	_ =	strace @p0 $0x9000006A  }
0x47: {  	p0 =	seq.s32 s11, $0x1;
	p6 =	sne.s32 s11, $0x1;
	s30 =	sshll.u32 s13, $0xF  }
0x48: {  	s29 =	sshra.s32 s20, $0x1F;
	_ =	strace @p2 $0x8000006B;
	p3 =	por !p6, !p5  }
0x49: {  	s7 =	smulhi.u32 $0x51EB851F, s20;
	_ =	swait.ge @p2 [sflag:s16], $0x8000;
	p3 =	por !p3, !p3  }
0x4a: {  	s29 =	smul.u32 $0x51EB851F, s29;
	[sflag:s16] =	ssyncset.done @p2 $0x0;
	s23 =	sand.u32 @p3 $0x1, s15  }
0x4b: {  	s24 =	sshll.u32 @p3 s20, $0x5;
	s28 =	simm.s32 @p3 $0x0;
	s2 =	simm.s32 @!p3 $0x0  }
0x4c: {  	s7 =	sadd.s32 s29, s7;
	[sflag:s16] =	ssyncadd.s32 @p2 $0xFFFF8000;
	s16 =	sor.u32 $0x200, s30  }
0x4d: {  	s26 =	sshll.u32 @p3 s23, $0x8;
	s24 =	sand.u32 @p3 $0x1FFFFFE0, s24;
	s23 =	sadd.s32 @p3 $0x1, s23  }
0x4e: {  	s30 =	sand.u32 $0x1, s17;
	s15 =	sadd.s32 s2, s15;
	s2 =	smulhi.u32 $0x51EB851F, s22  }
0x4f: {  	_ =	strace @p2 $0x9000006B;
	p2 =	por p0, p5;
	s24 =	sadd.s32 @p3 s3, s24  }
0x50: {  	s30 =	sadd.s32 $0x1, s30;
	s25 =	simm.s32 @!p2 $0x0;
	_ =	strace @p3 $0x80000067  }
0x51: {  	s1 =	sadd.s32 s1, s2;
	s17 =	sadd.s32 s25, s17;
	s25 =	sshra.s32 s7, $0x7  }
0x52: {  	[tilespmem:s26], [sflag:s23] =	stream.linear.gather @p3 [hbm4b:s24+s28], $0x100, $0x200038;
	[tilespmem:$0x10200] =	vst v63  }
0x53: {  	s2 =	sshrl.u32 s1, $0x1F;
	s1 =	sshra.s32 s1, $0x7;
	s7 =	sshrl.u32 s7, $0x1F  }
0x54: {  	s28 =	sshrl.u32 s0, $0x1F;
	s0 =	sshra.s32 s0, $0x7;
	s1 =	sadd.s32 s2, s1  }
0x55: {  	_ =	strace @p3 $0x90000067;
	s2 =	sadd.s32 s7, s25;
	s26 =	smul.u32 $0xFFFFFE70, s1  }
0x56: {  	s0 =	sadd.s32 s28, s0;
	_ =	strace $0x80000068;
	s29 =	smul.u32 $0xFFFFFE70, s2  }
0x57: {  	p2 =	slt.s32 s20, $0x1;
	s31 =	smul.u32 $0xFFFFFE70, s0;
	_ =	swait.ge [sflag:s30], $0x100  }
0x58: {  	p3 =	slt.s32 s21, $0x1;
	s7 =	sadd.s32 s22, s26;
	[sflag:s30] =	ssyncset.done $0x0  }
0x59: {  	s24 =	sadd.s32 s20, s29;
	s20 =	sadd.s32 s21, s31;
	p6 =	sne.s32 s7, $0x0  }
0x5a: {  	p5 =	slt.s32 s7, $0x0;
	[sflag:s30] =	ssyncadd.s32 $0xFFFFFF00;
	s25 =	sadd.s32 $0x190, s24  }
0x5b: {  	s22 =	sadd.s32 $0x190, s7;
	s21 =	sadd.s32 $0x190, s20;
	p4 =	por !p4, !p6  }
0x5c: {  	_ =	strace $0x90000068;
	s7 =	smov.u32 @p5 s22;
	s22 =	simm.s32 $0x1  }
0x5d: {  	p5 =	sne.s32 s20, $0x0;
	p6 =	slt.s32 s20, $0x0;
	p4 =	por !p4, !p4  }
0x5e: {  	_ =	strace $0x80000069;
	p3 =	por !p3, !p5;
	s20 =	smov.u32 @p6 s21  }
0x5f: {  	s21 =	simm.s32 $0x1;
	s22 =	simm.s32 @!p4 $0x0;
	p4 =	sne.s32 s24, $0x0  }
0x60: {  	s23 =	rddreg [dreg:$0x3];
	p3 =	por !p3, !p3;
	s1 =	ssub.s32 s1, s22  }
.Ltmp0:
0x61: {  	p2 =	por !p2, !p4;
	s21 =	simm.s32 @!p3 $0x0;
	(pc) =	sbr.rel @p1 .LBB2_2-.Ltmp0, $4  }
0x62: {  	p3 =	por !p2, !p2;
	s21 =	ssub.s32 s0, s21;
	s0 =	simm.s32 $0x1  }
0x63: {  	s22 =	rddreg [dreg:$0x2];
	p4 =	slt.s32 s24, $0x0;
	s0 =	simm.s32 @!p3 $0x0  }
0x64: {  	p2 =	sne.s32 s20, s7;
	s24 =	smov.u32 @p4 s25;
	s0 =	ssub.s32 s2, s0  }
0x65: {  	p3 =	sne.s32 s21, s1;
	p4 =	sne.s32 s20, s24;
	p5 =	sne.s32 s21, s0  }
0x66: {  	[tilespmem:s16], [sflag:$0x5] =	stream.indirect.gather [hbm4b:s22+s23], $0x80, s19, s23, $0x2000b8;
	[tilespmem:$0x10200] =	vst v63  }
0x67: {  	p1 =	por p4, p5;
	_ =	swait.ge [sflag:s8], $0x8000  }
0x68: {  	p5 =	por p2, p3;
	p6 =	sne.s32 s11, $0x19;
	[sflag:s8] =	ssyncset.done $0x0  }
0x69: {  	p0 =	por p0, p1;
	p1 =	por !p6, !p5;
	[sflag:s8] =	ssyncadd.s32 $0xFFFF8000  }
0x6a: {  	s0 =	sshll.u32 @p0 s20, $0x10;
	s1 =	sshll.u32 @p0 s21, $0xA;
	_ =	strace $0x90000069  }
0x6b: {  	p1 =	por !p1, !p1;
	s0 =	sadd.s32 @p0 s0, s1;
	_ =	strace @p0 $0x8000006A  }
0x6c: {  	s7 =	simm.s32 @p0 $0x800;
	s0 =	sshrl.u32 @p0 s0, $0x3;
	s2 =	rddreg [dreg:$0x4]  }
0x6d: {  	s1 =	sadd.s32 @p0 $0x3, s13;
	s0 =	sadd.s32 @p0 s2, s0;
	s2 =	simm.s32 @p0 $0x400  }
0x6e: {  	[hbm4b:s0+s2] =	stream.strided.scatter @p0 [tilespmem:s16], [sflag:s1], $0x8000, s7, s2, $0x200038;
	[tilespmem:$0x10200] =	vst v63  }
0x6f: {  	s0 =	sand.u32 @p1 $0x1, s14;
	_ =	strace @p0 $0x9000006A  }
0x70: {  	s0 =	sadd.s32 @p1 $0x3, s0;
	_ =	strace @p1 $0x8000006B  }
0x71: {  	s1 =	simm.s32 $0x1;
	_ =	swait.ge @p1 [sflag:s0], $0x8000  }
0x72: {  	s1 =	simm.s32 @!p1 $0x0;
	[sflag:s0] =	ssyncset.done @p1 $0x0  }
0x73: {  	s9 =	sadd.s32 $0x1, s9;
	s1 =	sadd.s32 s1, s14;
	[sflag:s0] =	ssyncadd.s32 @p1 $0xFFFF8000  }
0x74: {  	p0 =	sne.s32 s9, s6;
	s31 =	sand.u32 $0x1, s1;
	_ =	strace @p1 $0x9000006B  }
.Ltmp1:
0x75: {  	s0 =	sadd.s32 $0x3, s31;
	_ =	strace $0x8000006C;
	(pc) =	sbr.rel @p0 .LBB2_1-.Ltmp1, $4  }
0x76: {  	_ =	swait.ge [sflag:s0], $0x8000  }
0x77: {  	[sflag:s0] =	ssyncset.done $0x0  }
0x78: {  	[sflag:s0] =	ssyncadd.s32 $0xFFFF8000  }
0x79: {  	_ =	strace $0x9000006C  }
0x7a: {  	_ =	sfence.sel $0x180000  }
0x7b: {  	[bflag:$0x0] =	sbarrier.arrive $0xFFFF  }
0x7c: {  	_ =	strace $0x90000065  }
0x7d: {  	s0 =	stileid.u32;
	[bflag:$0x2] =	sbarrier.arrive $0xFFFF  }
0x7e: {  	p0 =	sne.s32 s0, $0x0;
	s0 =	rddreg [dreg:$0x1]  }
0x7f: {  	s0 =	sadd.s32 @!p0 $0x100000, s0  }
0x80: {  	[sflag:s0] =	ssyncadd.tile.s32 @!p0 $0x1;
	_ =	shalt  }
.Lfunc_end2:
_tile_overlayer_lowered:
.L_overlay_start_2:
0x81: {  	(tag) =	ssettag $0x2  }
0x82: {  	s0 =	rddreg [dreg:$0x0];
	s2 =	stileid.u32  }
0x83: {  	s1 =	rddreg [dreg:$0x1];
	p0 =	sne.s32 s2, $0x0  }
0x84: {  	s3 =	rddreg [dreg:$0x2];
	[bflag:$0x3] =	sbarrier.arrive $0xFFFF;
	s2 =	simm.s32 @!p0 $0x1C01  }
0x85: {  	[timem:s3], [sflag:s2] =	dma.local @!p0 [hbm:s0], s1  }
0x86: {  	s0 =	simm.s32 @!p0 $0x1  }
0x87: {  	_ =	swait.ge @!p0 [sflag:s0], s1  }
0x88: {  	s1 =	ssub.s32 @!p0 $0x0, s1;
	[sflag:s0] =	ssyncset.done @!p0 $0x0  }
0x89: {  	[sflag:s0] =	ssyncadd.s32 @!p0 s1  }
0x8a: {  	[bflag:$0x3] =	sbarrier.arrive $0xFFFF  }
0x8b: {  	_ =	shalt  }

// kernel: kernel.14.cloned.1.call-start
scs
__scs_entry_jumppad:
0x0: {  	(pc) =	sbr.rel $0x88, $3  }
0x1: {  	(tag) =	ssettag $0x0;
	lr =	simm.s32 $0x1  }
0x2: {  	[smem:$0x3F9A] =	sst lr;
	_ =	strace $0xD0000000  }
0x3: {  	_ = 	snop  }
0x4: {  	_ = 	snop  }
0x5: {  	_ = 	snop  }
0x6: {  	_ = 	snop  }
0x7: {  	_ = 	snop  }
__scs_overlays_trampoline_lowered:
0x8: {  	[smem:$0x3FA9] =	sst s0  }
0x9: {  	[smem:$0x3FAA] =	sst s1  }
0xa: {  	[smem:$0x3FAB] =	sst s2  }
0xb: {  	[smem:$0x3FAC] =	sst s3  }
0xc: {  	[smem:$0x3FAD] =	sst s4  }
0xd: {  	[smem:$0x3FAE] =	sst s5  }
0xe: {  	[smem:$0x3FAF] =	sst s6  }
0xf: {  	[smem:$0x3FB0] =	sst s7  }
0x10: {  	[smem:$0x3FB1] =	sst s8  }
0x11: {  	[smem:$0x3FB2] =	sst s9;
	s0 =	simm.s32 @!p0 $0x0  }
0x12: {  	s1 =	sld [smem:$0x3F98];
	s0 =	simm.s32 @p0 $0x1  }
0x13: {  	[smem:$0x3FB3] =	sst s0;
	s0 =	simm.s32 @!p1 $0x0  }
0x14: {  	s2 =	sld [smem:$0x3F97];
	s0 =	simm.s32 @p1 $0x1  }
0x15: {  	[smem:$0x3FB4] =	sst s0;
	s0 =	simm.s32 @!p2 $0x0  }
0x16: {  	s3 =	sld [smem:$0x3FDB];
	s0 =	simm.s32 @p2 $0x1  }
0x17: {  	s4 =	simm.s32 $0x1BF5;
	[smem:$0x3FB6] =	sst s0  }
0x18: {  	s0 =	sld [smem:$0x3F99];
	_ =	swait.ge [sflag:s4], $0x0  }
0x19: {  	s7 =	sld [smem:$0x3F9A]  }
0x1a: {  	s8 =	sadd.s32 $0xFFFFE003, lr  }
0x1b: {  	s9 =	sadd.s32 $0xFFFFFEF7, lr;
	s5 =	simm.s32 $0xFFFFFFFF;
	p2 =	slt.u32 s8, $0xFFFFF086  }
0x1c: {  	p1 =	slt.u32 s9, $0xF7A;
	s5 =	simm.s32 @!p2 $0x0  }
0x1d: {  	s5 =	simm.s32 @p1 $0x1;
	p0 =	seq.s32 s7, s2  }
0x1e: {  	s7 =	smul.u32 @!p0 $0xF7A, s2;
	p2 =	seq.s32 @!p0 s5, $0x0  }
0x1f: {  	s9 =	smul.u32 $0xF7A, s1;
	s8 =	simm.s32 @!p0 $0x1BF5;
	p2 =	por !p2, p0  }
0x20: {  	[sflag:s8] =	ssyncset.s32 @!p0 $0xFFFFF086;
	s6 =	sadd.s32 @!p0 s3, s7;
	s7 =	simm.s32 @!p0 $0x108  }
0x21: {  	s3 =	sadd.s32 s3, s9;
	s6 =	sadd.s32 @!p0 $0x88, s6;
	s7 =	simm.s32 @p2 $0x1082  }
0x22: {  	[simem:s7], [sflag:s8] =	dma.local @!p0 [hbm:s6], $0xF7A  }
0x23: {  	s9 =	sor.u32 $0xD0000000, s2;
	s6 =	simm.s32 $0x108;
	_ =	swait.ge @!p0 [sflag:s8], $0x0  }
0x24: {  	s3 =	sadd.s32 $0x88, s3;
	s6 =	simm.s32 @!p1 $0x1082;
	[sflag:s4] =	ssyncset.s32 $0xFFFFF086  }
0x25: {  	[simem:s6], [sflag:s4] =	dma.local [hbm:s3], $0xF7A  }
0x26: {  	[smem:$0x3F9A] =	sst s1;
	(tag) =	ssettag s2;
	_ =	strace s9  }
0x27: {  	s1 =	sld [smem:$0x3FAA]  }
0x28: {  	s2 =	sld [smem:$0x3FAB]  }
0x29: {  	s4 =	sld [smem:$0x3FAD]  }
0x2a: {  	p0 =	seq.s32 s5, $0x0;
	s5 =	sld [smem:$0x3FAE]  }
0x2b: {  	s6 =	sld [smem:$0x3FAF]  }
0x2c: {  	s7 =	sld [smem:$0x3FB0]  }
0x2d: {  	s3 =	simm.s32 $0x108;
	s8 =	sld [smem:$0x3FB1]  }
0x2e: {  	s3 =	simm.s32 @!p0 $0x1082;
	s9 =	sld [smem:$0x3FB2]  }
0x2f: {  	lr =	sadd.s32 s0, s3;
	s0 =	sld [smem:$0x3FA9]  }
0x30: {  	s3 =	sld [smem:$0x3FAC]  }
0x31: {  	[smem:$0x3FB5] =	sst s10  }
0x32: {  	s10 =	sld [smem:$0x3FB3];
	_ =	sdelay $0x3  }
0x33: {  	p0 =	seq.s32 s10, $0x1;
	s10 =	sld [smem:$0x3FB5];
	_ =	sdelay $0x3  }
0x34: {  	[smem:$0x3FB5] =	sst s10  }
0x35: {  	s10 =	sld [smem:$0x3FB4];
	_ =	sdelay $0x3  }
0x36: {  	p1 =	seq.s32 s10, $0x1;
	s10 =	sld [smem:$0x3FB5];
	_ =	sdelay $0x3  }
0x37: {  	[smem:$0x3FB5] =	sst s10  }
0x38: {  	s10 =	sld [smem:$0x3FB6]  }
0x39: {  	_ = 	snop;
	(pc) =	sbr.ind lr, $3  }
0x3a: {  	_ = 	snop  }
0x3b: {  	_ = 	snop  }
0x3c: {  	p2 =	seq.s32 s10, $0x1;
	s10 =	sld [smem:$0x3FB5]  }
0x3d: {  	_ =	shalt  }
0x3e: {  	_ =	shalt  }
0x3f: {  	_ =	shalt  }
0x40: {  	_ =	shalt  }
0x41: {  	_ =	shalt  }
0x42: {  	_ =	shalt  }
0x43: {  	_ =	shalt  }
0x44: {  	_ =	shalt  }
0x45: {  	_ =	shalt  }
0x46: {  	_ =	shalt  }
0x47: {  	_ =	shalt  }
0x48: {  	_ =	shalt  }
0x49: {  	_ =	shalt  }
0x4a: {  	_ =	shalt  }
0x4b: {  	_ =	shalt  }
0x4c: {  	_ =	shalt  }
0x4d: {  	_ =	shalt  }
0x4e: {  	_ =	shalt  }
0x4f: {  	_ =	shalt  }
0x50: {  	_ =	shalt  }
0x51: {  	_ =	shalt  }
0x52: {  	_ =	shalt  }
0x53: {  	_ =	shalt  }
0x54: {  	_ =	shalt  }
0x55: {  	_ =	shalt  }
0x56: {  	_ =	shalt  }
0x57: {  	_ =	shalt  }
0x58: {  	_ =	shalt  }
0x59: {  	_ =	shalt  }
0x5a: {  	_ =	shalt  }
0x5b: {  	_ =	shalt  }
0x5c: {  	_ =	shalt  }
0x5d: {  	_ =	shalt  }
0x5e: {  	_ =	shalt  }
0x5f: {  	_ =	shalt  }
0x60: {  	_ =	shalt  }
0x61: {  	_ =	shalt  }
0x62: {  	_ =	shalt  }
0x63: {  	_ =	shalt  }
0x64: {  	_ =	shalt  }
0x65: {  	_ =	shalt  }
0x66: {  	_ =	shalt  }
0x67: {  	_ =	shalt  }
0x68: {  	_ =	shalt  }
0x69: {  	_ =	shalt  }
0x6a: {  	_ =	shalt  }
0x6b: {  	_ =	shalt  }
0x6c: {  	_ =	shalt  }
0x6d: {  	_ =	shalt  }
0x6e: {  	_ =	shalt  }
0x6f: {  	_ =	shalt  }
0x70: {  	_ =	shalt  }
0x71: {  	_ =	shalt  }
0x72: {  	_ =	shalt  }
0x73: {  	_ =	shalt  }
0x74: {  	_ =	shalt  }
0x75: {  	_ =	shalt  }
0x76: {  	_ =	shalt  }
0x77: {  	_ =	shalt  }
0x78: {  	_ =	shalt  }
0x79: {  	_ =	shalt  }
0x7a: {  	_ =	shalt  }
0x7b: {  	_ =	shalt  }
0x7c: {  	_ =	shalt  }
0x7d: {  	_ =	shalt  }
0x7e: {  	_ =	shalt  }
0x7f: {  	_ =	shalt  }
0x80: {  	_ =	shalt  }
0x81: {  	_ =	shalt  }
0x82: {  	_ =	shalt  }
0x83: {  	_ =	shalt  }
0x84: {  	_ =	shalt  }
0x85: {  	_ =	shalt  }
0x86: {  	_ =	shalt  }
0x87: {  	_ =	shalt  }
.Lfunc_end0:
.L_simem_size_0:
called_computation.1_lowered:
.L_overlay_start_0:
0x88: {  	s2 =	sld [smem:$0x3FD9]  }
0x89: {  	s3 =	sld [smem:$0x3FFE];
	_ =	sdelay $0x1  }
0x8a: {  	s1 =	srdreg.scid  }
0x8b: {  	s0 =	sand.u32 $0x1, s1  }
0x8c: {  	s17 =	sshll.u32 s0, $0xA;
	s2 =	sadd.s32 s3, s2  }
0x8d: {  	s2 =	sadd.s32 s2, s17  }
0x8e: {  	[smem:$0x3FC1] =	sst s2  }
0x8f: {  	_ = 	snop  }
0x90: {  	(tm) =	ssettm $0x1  }
0x91: {  	s18 =	sld [smem:$0x3FFB];
	_ =	sdelay $0x3  }
0x92: {  	_ =	strace s18  }
0x93: {  	s2 =	sld [smem:$0x3FFC];
	_ =	sdelay $0x3  }
0x94: {  	_ =	strace s2  }
0x95: {  	s2 =	sld [smem:$0x3FFD];
	_ =	sdelay $0x3  }
0x96: {  	_ =	strace s2  }
0x97: {  	_ =	strace $0x8FFFFFFF  }
0x98: {  	s19 =	sld [smem:$0x3FDB];
	_ =	sdelay $0x1  }
0x99: {  	s20 =	simm.s32 $_scs_section_size  }
0x9a: {  	s4 =	simm.s32 $_size__tile_overlayer_lowered;
	s5 =	simm.s32 $_tile_overlayer_lowered  }
0x9b: {  	s6 =	simm.s32 $0x1BFF;
	s21 =	sshll.u32 s5, $0x1;
	s3 =	sadd.s32 s20, s19  }
0x9c: {  	s22 =	simm.s32 $0x0;
	s4 =	sshll.u32 s4, $0x1;
	s5 =	sadd.s32 s21, s3  }
0x9d: {  	[timem:s22], [sflag:s6] =	dma.local [hbm:s5], s4  }
0x9e: {  	_ =	swait.ge [sflag:s6], s4  }
0x9f: {  	s4 =	ssub.s32 $0x0, s4;
	[sflag:s6] =	ssyncset.done $0x0  }
0xa0: {  	[sflag:s6] =	ssyncadd.s32 s4;
	_ =	sdelay $0x1  }
0xa1: {  	s23 =	simm.s32 $0x1B8B  }
0xa2: {  	_ =	swait.ge [sflag:s23], $0x1  }
0xa3: {  	[sflag:s23] =	ssyncset.done $0x0  }
0xa4: {  	[sflag:s23] =	ssyncadd.s32 $0xFFFFFFFF  }
0xa5: {  	s4 =	sld [smem:$0x0]  }
0xa6: {  	s5 =	sand.u32 $0xFFFFFFFE, s1  }
0xa7: {  	p0 =	sne.s32 s1, s5  }
0xa8: {  	s5 =	sshll.u32 @p0 s5, $0xE  }
0xa9: {  	s5 =	sadd.s32 @p0 $0x11B8D, s5;
	s6 =	sshll.u32 @p0 s4, $0x11  }
0xaa: {  	s5 =	sor.u32 @p0 s6, s5  }
0xab: {  	[sflag:s5] =	ssyncadd.remote.s32 @p0 $0x1;
	_ =	sdelay $0x1  }
0xac: {  	s5 =	simm.s32 @p0 $0x1B8D  }
0xad: {  	_ =	swait.eq @p0 [sflag:s5], $0x1  }
0xae: {  	[sflag:s5] =	ssyncadd.s32 @p0 $0xFFFFFFFF  }
0xaf: {  	s6 =	sshll.u32 @!p0 s1, $0xE  }
0xb0: {  	s6 =	sor.u32 @!p0 $0x4000, s6;
	s5 =	simm.s32 @!p0 $0x1B8D  }
0xb1: {  	s4 =	sshll.u32 @!p0 s4, $0x11;
	s6 =	sadd.s32 @!p0 $0x11B8D, s6;
	_ =	swait.eq @!p0 [sflag:s5], $0x1  }
0xb2: {  	s4 =	sor.u32 @!p0 s4, s6;
	[sflag:s5] =	ssyncadd.s32 @!p0 $0xFFFFFFFF  }
0xb3: {  	s25 =	simm.s32 $0x1B8E;
	s24 =	sld [smem:$0x3FFE];
	[sflag:s4] =	ssyncadd.remote.s32 @!p0 $0x1  }
0xb4: {  	s26 =	simm.s32 $execute0_lowered;
	[smem:$0x3FD2] =	sst s25  }
0xb5: {  	s5 =	sshll.u32 s26, $0x1;
	_ =	strace $0x8000005A;
	[dreg:$0x1] =	wrdreg $0xFFFFFFFF  }
0xb6: {  	s28 =	simm.s32 $_size_execute0_lowered;
	s3 =	sadd.s32 s3, s5;
	[dreg:$0x0] =	wrdreg $0x0  }
0xb7: {  	s5 =	sshll.u32 s28, $0x1;
	[dreg:$0x2] =	wrdreg s3  }
0xb8: {  	[dreg:$0x3] =	wrdreg s5  }
0xb9: {  	[dreg:$0x4] =	wrdreg $0xC0  }
0xba: {  	_ =	task [dreg:s22], $0x5FFFF  }
0xbb: {  	[dreg:$0x1] =	wrdreg $0xFFFFFFFF  }
0xbc: {  	[dreg:$0x0] =	wrdreg $0x60  }
0xbd: {  	[dreg:$0x2] =	wrdreg s24  }
0xbe: {  	[dreg:$0x3] =	wrdreg $0xA  }
0xbf: {  	_ =	task.clear_ibuf [dreg:s22], $0x4FFFF;
	_ =	strace $0x9000005A  }
0xc0: {  	s29 =	simm.s32 $0xA;
	_ =	strace $0x80000063  }
0xc1: {  	_ =	swait.ge [sflag:s29], $0x1  }
0xc2: {  	[sflag:s29] =	ssyncadd.s32 $0xFFFFFFFF  }
0xc3: {  	_ =	strace $0x90000063  }
0xc4: {  	_ =	sfence  }
0xc5: {  	s30 =	sld [smem:$0x0];
	_ =	sdelay $0x2  }
0xc6: {  	s31 =	sshll.u32 s1, $0xD;
	s1 =	sshrl.u32 s1, $0x2  }
0xc7: {  	s4 =	sand.u32 $0x4000, s31;
	s1 =	sadd.s32 s1, s30  }
0xc8: {  	s0 =	sor.u32 s4, s0;
	s1 =	sshll.u32 s1, $0x11  }
0xc9: {  	s0 =	sor.u32 s1, s0  }
0xca: {  	s0 =	sadd.s32 $0x8F2B, s0  }
0xcb: {  	[sflag:s0] =	ssyncadd.remote.s32 $0x1  }
0xcc: {  	_ =	sfence.sel $0xFFFF  }
0xcd: {  	[dreg:$0x0] =	wrdreg $0xFFFFFFFF;
	(pc) =	sbr.abs _section_cstart, $3  }
0xce: {  	[dreg:$0x1] =	wrdreg $0xFFFFFFFF  }
0xcf: {  	_ =	task.clear_ibuf [dreg:s22], $0x2FFFF;
	_ =	strace $0x9FFFFFFF  }
0xd0: {  	(tm) =	ssettm $0x7FFFFFFF  }
0xd1: {  	_ =	shalt  }
tec
execute0_lowered:
.L_overlay_start_1:
0x0: {  	(tag) =	ssettag $0x1  }
0x1: {  	s3 =	rddreg [dreg:$0x0]  }
0x2: {  	s0 =	simm.s32 $0x0;
	s2 =	srdreg.scid;
	s28 =	stileid.u32  }
0x3: {  	s8 =	simm.s32 $0x100;
	s9 =	simm.s32 $0x0;
	[smem:$0x7FF] =	sst s0  }
0x4: {  	s4 =	sand.u32 $0x1, s2;
	s5 =	sadd.s32 $0x3600, s3;
	s30 =	sadd.s32 $0x3E2000, s3  }
0x5: {  	s3 =	sadd.s32 $0x3D5800, s3;
	_ =	strace $0x8000005B;
	s6 =	sshll.u32 s4, $0x4  }
0x6: {  	[dreg:$0x2] =	wrdreg s5;
	s4 =	ssub.s32 $0x2, s4;
	s29 =	sor.u32 s28, s6  }
0x7: {  	[dreg:$0x4] =	wrdreg s30;
	s31 =	sshrl.u32 s4, $0x1;
	s7 =	smul.u32 $0x320, s29  }
0x8: {  	[dreg:$0x3] =	wrdreg s8;
	s8 =	simm.s32 $0x5;
	s6 =	ssub.s32 s4, s31  }
0x9: {  	s4 =	smul.u32 $0x19, s29;
	s6 =	smax.u32 s6, $0x1;
	s5 =	sadd.s32 s3, s7  }
.LBB2_1:
0xa: {  	_ =	strace $0x8000005C;
	s0 =	simm.s32 $0x0  }
0xb: {  	s10 =	simm.s32 $0x1;
	p0 =	por $0x0, $0x0;
	p5 =	por $0x1, $0x1  }
0xc: {  	s11 =	simm.s32 $0x19;
	s14 =	simm.s32 $0x0;
	s12 =	simm.s32 $0xFFFFFFFF  }
0xd: {  	[tilespmem:s0], [sflag:$0x1] =	stream.linear.gather [hbm4b:s5+s0], $0x100, $0x200038;
	[tilespmem:$0x10200] =	vst v63  }
0xe: {  	s1 =	simm.s32 $0x1;
	s10 =	simm.s32 @p0 $0x0;
	s21 =	sadd.s32 $0x0, s4  }
0xf: {  	p1 =	sne.s32 s10, $0x0;
	_ =	strace $0x9000005C;
	s15 =	sadd.s32 s4, s10  }
0x10: {  	s22 =	sshra.s32 s21, $0x1F;
	s23 =	smulhi.u32 $0x51EB851F, s21;
	p0 =	por !p5, !p1  }
0x11: {  	s28 =	sshra.s32 s15, $0x1F;
	s22 =	smul.u32 $0x51EB851F, s22;
	p2 =	por !p0, !p0  }
0x12: {  	p0 =	por $0x1, $0x1;
	s29 =	smul.u32 $0x51EB851F, s28;
	s13 =	sand.u32 @p2 $0x1, s1  }
0x13: {  	s16 =	sshll.u32 @p2 s15, $0x5;
	s12 =	simm.s32 @p0 $0x18;
	_ =	strace @p2 $0x8000005D  }
0x14: {  	s20 =	simm.s32 @p2 $0x0;
	s1 =	smulhi.u32 $0x51EB851F, s15;
	s2 =	sadd.s32 s22, s23  }
0x15: {  	p0 =	por $0x0, $0x0;
	s22 =	simm.s32 $0x1;
	s17 =	sshll.u32 @p2 s13, $0x8  }
0x16: {  	s16 =	sand.u32 @p2 $0x1FFFFFE0, s16;
	s18 =	sadd.s32 s4, s12;
	s13 =	sadd.s32 @p2 $0x1, s13  }
0x17: {  	s23 =	sshrl.u32 s2, $0x1F;
	s26 =	sshra.s32 s18, $0x1F;
	s19 =	smulhi.u32 $0x51EB851F, s18  }
0x18: {  	p1 =	por p0, p1;
	s12 =	sadd.s32 @p2 s3, s16;
	s16 =	smul.u32 $0x51EB851F, s26  }
0x19: {  	[tilespmem:s17], [sflag:s13] =	stream.linear.gather @p2 [hbm4b:s12+s20], $0x100, $0x200038;
	[tilespmem:$0x10200] =	vst v63  }
0x1a: {  	p6 =	slt.s32 s18, $0x1;
	s22 =	simm.s32 @!p1 $0x0;
	s12 =	simm.s32 $0x18  }
0x1b: {  	s13 =	sand.u32 $0x1, s0;
	_ =	strace @p2 $0x9000005D;
	s16 =	sadd.s32 s16, s19  }
0x1c: {  	s19 =	sshra.s32 s2, $0x7;
	_ =	strace $0x8000005E;
	s30 =	sshrl.u32 s16, $0x1F  }
0x1d: {  	s31 =	sshra.s32 s16, $0x7;
	s19 =	sadd.s32 s23, s19;
	s16 =	sadd.s32 s29, s1  }
0x1e: {  	s29 =	sadd.s32 $0x1, s13;
	s7 =	sadd.s32 s30, s31;
	s26 =	smul.u32 $0xFFFFFE70, s19  }
0x1f: {  	s28 =	sshra.s32 s16, $0x7;
	_ =	swait.ge [sflag:s29], $0x100;
	s25 =	smul.u32 $0xFFFFFE70, s7  }
0x20: {  	s16 =	sshrl.u32 s16, $0x1F;
	s30 =	sshll.u32 s13, $0xF;
	[sflag:s29] =	ssyncset.done $0x0  }
0x21: {  	s20 =	sadd.s32 s21, s26;
	[sflag:s29] =	ssyncadd.s32 $0xFFFFFF00;
	s17 =	sadd.s32 s18, s25  }
0x22: {  	p5 =	slt.s32 s20, $0x0;
	_ =	strace $0x9000005E;
	s18 =	simm.s32 $0x0  }
0x23: {  	p4 =	sne.s32 s17, $0x0;
	p3 =	slt.s32 s17, $0x0;
	s23 =	sadd.s32 $0x190, s17  }
0x24: {  	_ =	strace $0x8000005F;
	s17 =	smov.u32 @p3 s23;
	p3 =	sne.s32 s20, $0x0  }
0x25: {  	s23 =	sadd.s32 $0x190, s20;
	p4 =	por !p6, !p4;
	p6 =	slt.s32 s21, $0x1  }
0x26: {  	s21 =	simm.s32 $0x1;
	s20 =	smov.u32 @p5 s23;
	s23 =	sadd.s32 s16, s28  }
0x27: {  	p4 =	por !p4, !p4;
	p5 =	por !p6, !p3;
	s16 =	smul.u32 $0xFFFFFE70, s23  }
0x28: {  	s21 =	simm.s32 @!p4 $0x0;
	p4 =	slt.s32 s15, $0x1;
	p3 =	por !p5, !p5  }
0x29: {  	s31 =	ssub.s32 s7, s21;
	s24 =	sadd.s32 s15, s16;
	s15 =	simm.s32 $0x1  }
0x2a: {  	s16 =	sor.u32 $0x200, s30;
	s15 =	simm.s32 @!p2 $0x0;
	p2 =	sne.s32 s20, s17  }
0x2b: {  	s17 =	simm.s32 $0x1;
	p6 =	sne.s32 s24, $0x0;
	s15 =	sadd.s32 $0x1, s15  }
0x2c: {  	s17 =	simm.s32 @!p3 $0x0;
	p1 =	por !p4, !p6;
	p3 =	slt.s32 s24, $0x0  }
0x2d: {  	s21 =	ssub.s32 s19, s17;
	s17 =	sadd.s32 $0x190, s24;
	p1 =	por !p1, !p1  }
0x2e: {  	s19 =	simm.s32 $0x1;
	s24 =	smov.u32 @p3 s17;
	s17 =	sadd.s32 $0x0, s22  }
0x2f: {  	s19 =	simm.s32 @!p1 $0x0;
	s22 =	rddreg [dreg:$0x2];
	p3 =	sne.s32 s21, s31  }
0x30: {  	s25 =	ssub.s32 s23, s19;
	s23 =	rddreg [dreg:$0x3];
	s19 =	sand.u32 $0x100, s14  }
0x31: {  	p4 =	sne.s32 s20, s24;
	s14 =	simm.s32 $0x0;
	p5 =	sne.s32 s21, s25  }
.LBB2_2:
0x32: {  	[tilespmem:s16], [sflag:$0x5] =	stream.indirect.gather [hbm4b:s22+s23], $0x80, s19, s23, $0x2000b8;
	[tilespmem:$0x10200] =	vst v63  }
0x33: {  	s19 =	sshll.u32 s17, $0x8;
	p2 =	por p2, p3  }
0x34: {  	s28 =	smov.u32 s12;
	s12 =	sadd.s32 $0xFFFFFFFF, s12;
	p6 =	por p4, p5  }
0x35: {  	p4 =	sne.s32 s11, $0x19;
	s24 =	simm.s32 $0x1;
	s29 =	smov.u32 s10  }
0x36: {  	s10 =	sadd.s32 $0x1, s10;
	s2 =	simm.s32 $0x1;
	_ =	swait.ge [sflag:s8], $0x8000  }
0x37: {  	p1 =	sne.s32 s12, $0x0;
	p0 =	por p0, p6;
	p2 =	por !p4, !p2  }
0x38: {  	p3 =	seq.s32 s10, $0x19;
	s22 =	sadd.s32 $0xFFFFFFFF, s29;
	p4 =	seq.s32 s29, $0x0  }
0x39: {  	s19 =	sand.u32 $0x100, s19;
	[sflag:s8] =	ssyncset.done $0x0;
	s11 =	sshll.u32 @p0 s20, $0x10  }
0x3a: {  	s20 =	sshll.u32 @p0 s21, $0xA;
	s13 =	sadd.s32 @p0 $0x3, s13;
	p2 =	por !p2, !p2  }
0x3b: {  	s21 =	simm.s32 $0x1;
	s25 =	simm.s32 @p0 $0x800;
	s10 =	simm.s32 @p3 $0x0  }
0x3c: {  	s22 =	simm.s32 @p4 $0x18;
	[sflag:s8] =	ssyncadd.s32 $0xFFFF8000;
	s11 =	sadd.s32 @p0 s11, s20  }
0x3d: {  	s21 =	simm.s32 @!p0 $0x0;
	s23 =	sand.u32 @p2 $0x1, s14;
	s24 =	simm.s32 @!p2 $0x0  }
0x3e: {  	p5 =	sne.s32 s29, s10;
	s22 =	sadd.s32 s4, s22;
	_ =	strace $0x9000005F  }
0x3f: {  	s11 =	sshrl.u32 @p0 s11, $0x3;
	s14 =	sadd.s32 s24, s14;
	s18 =	sadd.s32 s21, s18  }
0x40: {  	s21 =	sadd.s32 s4, s29;
	s1 =	sshra.s32 s22, $0x1F;
	_ =	strace @p0 $0x80000060  }
0x41: {  	s31 =	sshra.s32 s21, $0x1F;
	s0 =	smulhi.u32 $0x51EB851F, s21;
	s20 =	rddreg [dreg:$0x4]  }
0x42: {  	s1 =	smul.u32 $0x51EB851F, s1;
	s11 =	sadd.s32 @p0 s20, s11;
	s20 =	simm.s32 @p0 $0x400  }
0x43: {  	[hbm4b:s11+s20] =	stream.strided.scatter @p0 [tilespmem:s16], [sflag:s13], $0x8000, s25, s20, $0x200038;
	[tilespmem:$0x10200] =	vst v63  }
0x44: {  	p4 =	slt.s32 s22, $0x1;
	s31 =	smul.u32 $0x51EB851F, s31;
	s16 =	sadd.s32 @p2 $0x3, s23  }
0x45: {  	s11 =	smov.u32 s28;
	s13 =	sand.u32 $0x1, s18;
	s20 =	sadd.s32 s4, s10  }
0x46: {  	s25 =	simm.s32 $0x1;
	s0 =	sadd.s32 s31, s0;
	_ =	strace @p0 $0x90000060  }
0x47: {  	p0 =	seq.s32 s11, $0x1;
	p6 =	sne.s32 s11, $0x1;
	s30 =	sshll.u32 s13, $0xF  }
0x48: {  	s29 =	sshra.s32 s20, $0x1F;
	_ =	strace @p2 $0x80000061;
	p3 =	por !p6, !p5  }
0x49: {  	s7 =	smulhi.u32 $0x51EB851F, s20;
	_ =	swait.ge @p2 [sflag:s16], $0x8000;
	p3 =	por !p3, !p3  }
0x4a: {  	s29 =	smul.u32 $0x51EB851F, s29;
	[sflag:s16] =	ssyncset.done @p2 $0x0;
	s23 =	sand.u32 @p3 $0x1, s15  }
0x4b: {  	s24 =	sshll.u32 @p3 s20, $0x5;
	s28 =	simm.s32 @p3 $0x0;
	s2 =	simm.s32 @!p3 $0x0  }
0x4c: {  	s7 =	sadd.s32 s29, s7;
	[sflag:s16] =	ssyncadd.s32 @p2 $0xFFFF8000;
	s16 =	sor.u32 $0x200, s30  }
0x4d: {  	s26 =	sshll.u32 @p3 s23, $0x8;
	s24 =	sand.u32 @p3 $0x1FFFFFE0, s24;
	s23 =	sadd.s32 @p3 $0x1, s23  }
0x4e: {  	s30 =	sand.u32 $0x1, s17;
	s15 =	sadd.s32 s2, s15;
	s2 =	smulhi.u32 $0x51EB851F, s22  }
0x4f: {  	_ =	strace @p2 $0x90000061;
	p2 =	por p0, p5;
	s24 =	sadd.s32 @p3 s3, s24  }
0x50: {  	s30 =	sadd.s32 $0x1, s30;
	s25 =	simm.s32 @!p2 $0x0;
	_ =	strace @p3 $0x8000005D  }
0x51: {  	s1 =	sadd.s32 s1, s2;
	s17 =	sadd.s32 s25, s17;
	s25 =	sshra.s32 s7, $0x7  }
0x52: {  	[tilespmem:s26], [sflag:s23] =	stream.linear.gather @p3 [hbm4b:s24+s28], $0x100, $0x200038;
	[tilespmem:$0x10200] =	vst v63  }
0x53: {  	s2 =	sshrl.u32 s1, $0x1F;
	s1 =	sshra.s32 s1, $0x7;
	s7 =	sshrl.u32 s7, $0x1F  }
0x54: {  	s28 =	sshrl.u32 s0, $0x1F;
	s0 =	sshra.s32 s0, $0x7;
	s1 =	sadd.s32 s2, s1  }
0x55: {  	_ =	strace @p3 $0x9000005D;
	s2 =	sadd.s32 s7, s25;
	s26 =	smul.u32 $0xFFFFFE70, s1  }
0x56: {  	s0 =	sadd.s32 s28, s0;
	_ =	strace $0x8000005E;
	s29 =	smul.u32 $0xFFFFFE70, s2  }
0x57: {  	p2 =	slt.s32 s20, $0x1;
	s31 =	smul.u32 $0xFFFFFE70, s0;
	_ =	swait.ge [sflag:s30], $0x100  }
0x58: {  	p3 =	slt.s32 s21, $0x1;
	s7 =	sadd.s32 s22, s26;
	[sflag:s30] =	ssyncset.done $0x0  }
0x59: {  	s24 =	sadd.s32 s20, s29;
	s20 =	sadd.s32 s21, s31;
	p6 =	sne.s32 s7, $0x0  }
0x5a: {  	p5 =	slt.s32 s7, $0x0;
	[sflag:s30] =	ssyncadd.s32 $0xFFFFFF00;
	s25 =	sadd.s32 $0x190, s24  }
0x5b: {  	s22 =	sadd.s32 $0x190, s7;
	s21 =	sadd.s32 $0x190, s20;
	p4 =	por !p4, !p6  }
0x5c: {  	_ =	strace $0x9000005E;
	s7 =	smov.u32 @p5 s22;
	s22 =	simm.s32 $0x1  }
0x5d: {  	p5 =	sne.s32 s20, $0x0;
	p6 =	slt.s32 s20, $0x0;
	p4 =	por !p4, !p4  }
0x5e: {  	_ =	strace $0x8000005F;
	p3 =	por !p3, !p5;
	s20 =	smov.u32 @p6 s21  }
0x5f: {  	s21 =	simm.s32 $0x1;
	s22 =	simm.s32 @!p4 $0x0;
	p4 =	sne.s32 s24, $0x0  }
0x60: {  	s23 =	rddreg [dreg:$0x3];
	p3 =	por !p3, !p3;
	s1 =	ssub.s32 s1, s22  }
.Ltmp0:
0x61: {  	p2 =	por !p2, !p4;
	s21 =	simm.s32 @!p3 $0x0;
	(pc) =	sbr.rel @p1 .LBB2_2-.Ltmp0, $4  }
0x62: {  	p3 =	por !p2, !p2;
	s21 =	ssub.s32 s0, s21;
	s0 =	simm.s32 $0x1  }
0x63: {  	s22 =	rddreg [dreg:$0x2];
	p4 =	slt.s32 s24, $0x0;
	s0 =	simm.s32 @!p3 $0x0  }
0x64: {  	p2 =	sne.s32 s20, s7;
	s24 =	smov.u32 @p4 s25;
	s0 =	ssub.s32 s2, s0  }
0x65: {  	p3 =	sne.s32 s21, s1;
	p4 =	sne.s32 s20, s24;
	p5 =	sne.s32 s21, s0  }
0x66: {  	[tilespmem:s16], [sflag:$0x5] =	stream.indirect.gather [hbm4b:s22+s23], $0x80, s19, s23, $0x2000b8;
	[tilespmem:$0x10200] =	vst v63  }
0x67: {  	p1 =	por p4, p5;
	_ =	swait.ge [sflag:s8], $0x8000  }
0x68: {  	p5 =	por p2, p3;
	p6 =	sne.s32 s11, $0x19;
	[sflag:s8] =	ssyncset.done $0x0  }
0x69: {  	p0 =	por p0, p1;
	p1 =	por !p6, !p5;
	[sflag:s8] =	ssyncadd.s32 $0xFFFF8000  }
0x6a: {  	s0 =	sshll.u32 @p0 s20, $0x10;
	s1 =	sshll.u32 @p0 s21, $0xA;
	_ =	strace $0x9000005F  }
0x6b: {  	p1 =	por !p1, !p1;
	s0 =	sadd.s32 @p0 s0, s1;
	_ =	strace @p0 $0x80000060  }
0x6c: {  	s7 =	simm.s32 @p0 $0x800;
	s0 =	sshrl.u32 @p0 s0, $0x3;
	s2 =	rddreg [dreg:$0x4]  }
0x6d: {  	s1 =	sadd.s32 @p0 $0x3, s13;
	s0 =	sadd.s32 @p0 s2, s0;
	s2 =	simm.s32 @p0 $0x400  }
0x6e: {  	[hbm4b:s0+s2] =	stream.strided.scatter @p0 [tilespmem:s16], [sflag:s1], $0x8000, s7, s2, $0x200038;
	[tilespmem:$0x10200] =	vst v63  }
0x6f: {  	s0 =	sand.u32 @p1 $0x1, s14;
	_ =	strace @p0 $0x90000060  }
0x70: {  	s0 =	sadd.s32 @p1 $0x3, s0;
	_ =	strace @p1 $0x80000061  }
0x71: {  	s1 =	simm.s32 $0x1;
	_ =	swait.ge @p1 [sflag:s0], $0x8000  }
0x72: {  	s1 =	simm.s32 @!p1 $0x0;
	[sflag:s0] =	ssyncset.done @p1 $0x0  }
0x73: {  	s9 =	sadd.s32 $0x1, s9;
	s1 =	sadd.s32 s1, s14;
	[sflag:s0] =	ssyncadd.s32 @p1 $0xFFFF8000  }
0x74: {  	p0 =	sne.s32 s9, s6;
	s31 =	sand.u32 $0x1, s1;
	_ =	strace @p1 $0x90000061  }
.Ltmp1:
0x75: {  	s0 =	sadd.s32 $0x3, s31;
	_ =	strace $0x80000062;
	(pc) =	sbr.rel @p0 .LBB2_1-.Ltmp1, $4  }
0x76: {  	_ =	swait.ge [sflag:s0], $0x8000  }
0x77: {  	[sflag:s0] =	ssyncset.done $0x0  }
0x78: {  	[sflag:s0] =	ssyncadd.s32 $0xFFFF8000  }
0x79: {  	_ =	strace $0x90000062  }
0x7a: {  	_ =	sfence.sel $0x180000  }
0x7b: {  	[bflag:$0x0] =	sbarrier.arrive $0xFFFF  }
0x7c: {  	_ =	strace $0x9000005B  }
0x7d: {  	s0 =	stileid.u32;
	[bflag:$0x2] =	sbarrier.arrive $0xFFFF  }
0x7e: {  	p0 =	sne.s32 s0, $0x0;
	s0 =	rddreg [dreg:$0x1]  }
0x7f: {  	s0 =	sadd.s32 @!p0 $0x100000, s0  }
0x80: {  	[sflag:s0] =	ssyncadd.tile.s32 @!p0 $0x1;
	_ =	shalt  }
.Lfunc_end2:
_tile_overlayer_lowered:
.L_overlay_start_2:
0x81: {  	(tag) =	ssettag $0x2  }
0x82: {  	s0 =	rddreg [dreg:$0x0];
	s2 =	stileid.u32  }
0x83: {  	s1 =	rddreg [dreg:$0x1];
	p0 =	sne.s32 s2, $0x0  }
0x84: {  	s3 =	rddreg [dreg:$0x2];
	[bflag:$0x3] =	sbarrier.arrive $0xFFFF;
	s2 =	simm.s32 @!p0 $0x1C01  }
0x85: {  	[timem:s3], [sflag:s2] =	dma.local @!p0 [hbm:s0], s1  }
0x86: {  	s0 =	simm.s32 @!p0 $0x1  }
0x87: {  	_ =	swait.ge @!p0 [sflag:s0], s1  }
0x88: {  	s1 =	ssub.s32 @!p0 $0x0, s1;
	[sflag:s0] =	ssyncset.done @!p0 $0x0  }
0x89: {  	[sflag:s0] =	ssyncadd.s32 @!p0 s1  }
0x8a: {  	[bflag:$0x3] =	sbarrier.arrive $0xFFFF  }
0x8b: {  	_ =	shalt  }

// kernel: kernel.17.cloned.1.call-start
scs
__scs_entry_jumppad:
0x0: {  	(pc) =	sbr.rel $0x88, $3  }
0x1: {  	(tag) =	ssettag $0x0;
	lr =	simm.s32 $0x1  }
0x2: {  	[smem:$0x3F9A] =	sst lr;
	_ =	strace $0xD0000000  }
0x3: {  	_ = 	snop  }
0x4: {  	_ = 	snop  }
0x5: {  	_ = 	snop  }
0x6: {  	_ = 	snop  }
0x7: {  	_ = 	snop  }
__scs_overlays_trampoline_lowered:
0x8: {  	[smem:$0x3FA9] =	sst s0  }
0x9: {  	[smem:$0x3FAA] =	sst s1  }
0xa: {  	[smem:$0x3FAB] =	sst s2  }
0xb: {  	[smem:$0x3FAC] =	sst s3  }
0xc: {  	[smem:$0x3FAD] =	sst s4  }
0xd: {  	[smem:$0x3FAE] =	sst s5  }
0xe: {  	[smem:$0x3FAF] =	sst s6  }
0xf: {  	[smem:$0x3FB0] =	sst s7  }
0x10: {  	[smem:$0x3FB1] =	sst s8  }
0x11: {  	[smem:$0x3FB2] =	sst s9;
	s0 =	simm.s32 @!p0 $0x0  }
0x12: {  	s1 =	sld [smem:$0x3F98];
	s0 =	simm.s32 @p0 $0x1  }
0x13: {  	[smem:$0x3FB3] =	sst s0;
	s0 =	simm.s32 @!p1 $0x0  }
0x14: {  	s2 =	sld [smem:$0x3F97];
	s0 =	simm.s32 @p1 $0x1  }
0x15: {  	[smem:$0x3FB4] =	sst s0;
	s0 =	simm.s32 @!p2 $0x0  }
0x16: {  	s3 =	sld [smem:$0x3FDB];
	s0 =	simm.s32 @p2 $0x1  }
0x17: {  	s4 =	simm.s32 $0x1BF5;
	[smem:$0x3FB6] =	sst s0  }
0x18: {  	s0 =	sld [smem:$0x3F99];
	_ =	swait.ge [sflag:s4], $0x0  }
0x19: {  	s7 =	sld [smem:$0x3F9A]  }
0x1a: {  	s8 =	sadd.s32 $0xFFFFE003, lr  }
0x1b: {  	s9 =	sadd.s32 $0xFFFFFEF7, lr;
	s5 =	simm.s32 $0xFFFFFFFF;
	p2 =	slt.u32 s8, $0xFFFFF086  }
0x1c: {  	p1 =	slt.u32 s9, $0xF7A;
	s5 =	simm.s32 @!p2 $0x0  }
0x1d: {  	s5 =	simm.s32 @p1 $0x1;
	p0 =	seq.s32 s7, s2  }
0x1e: {  	s7 =	smul.u32 @!p0 $0xF7A, s2;
	p2 =	seq.s32 @!p0 s5, $0x0  }
0x1f: {  	s9 =	smul.u32 $0xF7A, s1;
	s8 =	simm.s32 @!p0 $0x1BF5;
	p2 =	por !p2, p0  }
0x20: {  	[sflag:s8] =	ssyncset.s32 @!p0 $0xFFFFF086;
	s6 =	sadd.s32 @!p0 s3, s7;
	s7 =	simm.s32 @!p0 $0x108  }
0x21: {  	s3 =	sadd.s32 s3, s9;
	s6 =	sadd.s32 @!p0 $0x88, s6;
	s7 =	simm.s32 @p2 $0x1082  }
0x22: {  	[simem:s7], [sflag:s8] =	dma.local @!p0 [hbm:s6], $0xF7A  }
0x23: {  	s9 =	sor.u32 $0xD0000000, s2;
	s6 =	simm.s32 $0x108;
	_ =	swait.ge @!p0 [sflag:s8], $0x0  }
0x24: {  	s3 =	sadd.s32 $0x88, s3;
	s6 =	simm.s32 @!p1 $0x1082;
	[sflag:s4] =	ssyncset.s32 $0xFFFFF086  }
0x25: {  	[simem:s6], [sflag:s4] =	dma.local [hbm:s3], $0xF7A  }
0x26: {  	[smem:$0x3F9A] =	sst s1;
	(tag) =	ssettag s2;
	_ =	strace s9  }
0x27: {  	s1 =	sld [smem:$0x3FAA]  }
0x28: {  	s2 =	sld [smem:$0x3FAB]  }
0x29: {  	s4 =	sld [smem:$0x3FAD]  }
0x2a: {  	p0 =	seq.s32 s5, $0x0;
	s5 =	sld [smem:$0x3FAE]  }
0x2b: {  	s6 =	sld [smem:$0x3FAF]  }
0x2c: {  	s7 =	sld [smem:$0x3FB0]  }
0x2d: {  	s3 =	simm.s32 $0x108;
	s8 =	sld [smem:$0x3FB1]  }
0x2e: {  	s3 =	simm.s32 @!p0 $0x1082;
	s9 =	sld [smem:$0x3FB2]  }
0x2f: {  	lr =	sadd.s32 s0, s3;
	s0 =	sld [smem:$0x3FA9]  }
0x30: {  	s3 =	sld [smem:$0x3FAC]  }
0x31: {  	[smem:$0x3FB5] =	sst s10  }
0x32: {  	s10 =	sld [smem:$0x3FB3];
	_ =	sdelay $0x3  }
0x33: {  	p0 =	seq.s32 s10, $0x1;
	s10 =	sld [smem:$0x3FB5];
	_ =	sdelay $0x3  }
0x34: {  	[smem:$0x3FB5] =	sst s10  }
0x35: {  	s10 =	sld [smem:$0x3FB4];
	_ =	sdelay $0x3  }
0x36: {  	p1 =	seq.s32 s10, $0x1;
	s10 =	sld [smem:$0x3FB5];
	_ =	sdelay $0x3  }
0x37: {  	[smem:$0x3FB5] =	sst s10  }
0x38: {  	s10 =	sld [smem:$0x3FB6]  }
0x39: {  	_ = 	snop;
	(pc) =	sbr.ind lr, $3  }
0x3a: {  	_ = 	snop  }
0x3b: {  	_ = 	snop  }
0x3c: {  	p2 =	seq.s32 s10, $0x1;
	s10 =	sld [smem:$0x3FB5]  }
0x3d: {  	_ =	shalt  }
0x3e: {  	_ =	shalt  }
0x3f: {  	_ =	shalt  }
0x40: {  	_ =	shalt  }
0x41: {  	_ =	shalt  }
0x42: {  	_ =	shalt  }
0x43: {  	_ =	shalt  }
0x44: {  	_ =	shalt  }
0x45: {  	_ =	shalt  }
0x46: {  	_ =	shalt  }
0x47: {  	_ =	shalt  }
0x48: {  	_ =	shalt  }
0x49: {  	_ =	shalt  }
0x4a: {  	_ =	shalt  }
0x4b: {  	_ =	shalt  }
0x4c: {  	_ =	shalt  }
0x4d: {  	_ =	shalt  }
0x4e: {  	_ =	shalt  }
0x4f: {  	_ =	shalt  }
0x50: {  	_ =	shalt  }
0x51: {  	_ =	shalt  }
0x52: {  	_ =	shalt  }
0x53: {  	_ =	shalt  }
0x54: {  	_ =	shalt  }
0x55: {  	_ =	shalt  }
0x56: {  	_ =	shalt  }
0x57: {  	_ =	shalt  }
0x58: {  	_ =	shalt  }
0x59: {  	_ =	shalt  }
0x5a: {  	_ =	shalt  }
0x5b: {  	_ =	shalt  }
0x5c: {  	_ =	shalt  }
0x5d: {  	_ =	shalt  }
0x5e: {  	_ =	shalt  }
0x5f: {  	_ =	shalt  }
0x60: {  	_ =	shalt  }
0x61: {  	_ =	shalt  }
0x62: {  	_ =	shalt  }
0x63: {  	_ =	shalt  }
0x64: {  	_ =	shalt  }
0x65: {  	_ =	shalt  }
0x66: {  	_ =	shalt  }
0x67: {  	_ =	shalt  }
0x68: {  	_ =	shalt  }
0x69: {  	_ =	shalt  }
0x6a: {  	_ =	shalt  }
0x6b: {  	_ =	shalt  }
0x6c: {  	_ =	shalt  }
0x6d: {  	_ =	shalt  }
0x6e: {  	_ =	shalt  }
0x6f: {  	_ =	shalt  }
0x70: {  	_ =	shalt  }
0x71: {  	_ =	shalt  }
0x72: {  	_ =	shalt  }
0x73: {  	_ =	shalt  }
0x74: {  	_ =	shalt  }
0x75: {  	_ =	shalt  }
0x76: {  	_ =	shalt  }
0x77: {  	_ =	shalt  }
0x78: {  	_ =	shalt  }
0x79: {  	_ =	shalt  }
0x7a: {  	_ =	shalt  }
0x7b: {  	_ =	shalt  }
0x7c: {  	_ =	shalt  }
0x7d: {  	_ =	shalt  }
0x7e: {  	_ =	shalt  }
0x7f: {  	_ =	shalt  }
0x80: {  	_ =	shalt  }
0x81: {  	_ =	shalt  }
0x82: {  	_ =	shalt  }
0x83: {  	_ =	shalt  }
0x84: {  	_ =	shalt  }
0x85: {  	_ =	shalt  }
0x86: {  	_ =	shalt  }
0x87: {  	_ =	shalt  }
.Lfunc_end0:
.L_simem_size_0:
called_computation.2_lowered:
.L_overlay_start_0:
0x88: {  	s2 =	sld [smem:$0x3FD9]  }
0x89: {  	s3 =	sld [smem:$0x3FFE];
	_ =	sdelay $0x1  }
0x8a: {  	s1 =	srdreg.scid  }
0x8b: {  	s0 =	sand.u32 $0x1, s1  }
0x8c: {  	s17 =	sshll.u32 s0, $0xA;
	s2 =	sadd.s32 s3, s2  }
0x8d: {  	s2 =	sadd.s32 s2, s17  }
0x8e: {  	[smem:$0x3FC1] =	sst s2  }
0x8f: {  	_ = 	snop  }
0x90: {  	s18 =	sld [smem:$0x3FD0];
	(tm) =	ssettm $0x1  }
0x91: {  	s19 =	sld [smem:$0x3FFB];
	_ =	sdelay $0x3  }
0x92: {  	_ =	strace s19  }
0x93: {  	s2 =	sld [smem:$0x3FFC];
	_ =	sdelay $0x3  }
0x94: {  	_ =	strace s2  }
0x95: {  	s2 =	sld [smem:$0x3FFD];
	_ =	sdelay $0x3  }
0x96: {  	_ =	strace s2  }
0x97: {  	_ =	strace $0x8FFFFFFF  }
0x98: {  	s20 =	sld [smem:$0x3FDB];
	_ =	sdelay $0x1  }
0x99: {  	s4 =	simm.s32 $_scs_section_size  }
0x9a: {  	s5 =	simm.s32 $_size__tile_overlayer_lowered;
	s6 =	simm.s32 $_tile_overlayer_lowered  }
0x9b: {  	s7 =	simm.s32 $0x1BFF;
	s21 =	sshll.u32 s6, $0x1;
	s4 =	sadd.s32 s4, s20  }
0x9c: {  	s22 =	simm.s32 $0x0;
	s5 =	sshll.u32 s5, $0x1;
	s6 =	sadd.s32 s21, s4  }
0x9d: {  	[timem:s22], [sflag:s7] =	dma.local [hbm:s6], s5  }
0x9e: {  	_ =	swait.ge [sflag:s7], s5  }
0x9f: {  	s5 =	ssub.s32 $0x0, s5;
	[sflag:s7] =	ssyncset.done $0x0  }
0xa0: {  	[sflag:s7] =	ssyncadd.s32 s5;
	_ =	sdelay $0x1  }
0xa1: {  	s23 =	simm.s32 $0x1B8B  }
0xa2: {  	_ =	swait.ge [sflag:s23], $0x1  }
0xa3: {  	[sflag:s23] =	ssyncset.done $0x0  }
0xa4: {  	[sflag:s23] =	ssyncadd.s32 $0xFFFFFFFF  }
0xa5: {  	s5 =	sld [smem:$0x0]  }
0xa6: {  	s6 =	sand.u32 $0xFFFFFFFE, s1  }
0xa7: {  	p0 =	sne.s32 s1, s6  }
0xa8: {  	s6 =	sshll.u32 @p0 s6, $0xE  }
0xa9: {  	s6 =	sadd.s32 @p0 $0x11B8D, s6;
	s7 =	sshll.u32 @p0 s5, $0x11  }
0xaa: {  	s6 =	sor.u32 @p0 s7, s6  }
0xab: {  	[sflag:s6] =	ssyncadd.remote.s32 @p0 $0x1;
	_ =	sdelay $0x1  }
0xac: {  	s6 =	simm.s32 @p0 $0x1B8D  }
0xad: {  	_ =	swait.eq @p0 [sflag:s6], $0x1  }
0xae: {  	[sflag:s6] =	ssyncadd.s32 @p0 $0xFFFFFFFF  }
0xaf: {  	s7 =	sshll.u32 @!p0 s1, $0xE  }
0xb0: {  	s7 =	sor.u32 @!p0 $0x4000, s7;
	s6 =	simm.s32 @!p0 $0x1B8D  }
0xb1: {  	s5 =	sshll.u32 @!p0 s5, $0x11;
	s7 =	sadd.s32 @!p0 $0x11B8D, s7;
	_ =	swait.eq @!p0 [sflag:s6], $0x1  }
0xb2: {  	s5 =	sor.u32 @!p0 s5, s7;
	[sflag:s6] =	ssyncadd.s32 @!p0 $0xFFFFFFFF  }
0xb3: {  	s25 =	simm.s32 $0x1B8E;
	s24 =	sld [smem:$0x3FFE];
	[sflag:s5] =	ssyncadd.remote.s32 @!p0 $0x1  }
0xb4: {  	s26 =	simm.s32 $execute0_lowered;
	[smem:$0x3FD2] =	sst s25  }
0xb5: {  	s6 =	sshll.u32 s26, $0x1;
	_ =	strace $0x80000050;
	[dreg:$0x1] =	wrdreg $0xFFFFFFFF  }
0xb6: {  	s28 =	simm.s32 $_size_execute0_lowered;
	s4 =	sadd.s32 s4, s6;
	[dreg:$0x0] =	wrdreg $0x0  }
0xb7: {  	s6 =	sshll.u32 s28, $0x1;
	[dreg:$0x2] =	wrdreg s4  }
0xb8: {  	[dreg:$0x3] =	wrdreg s6  }
0xb9: {  	[dreg:$0x4] =	wrdreg $0xC0  }
0xba: {  	_ =	task [dreg:s22], $0x5FFFF  }
0xbb: {  	[dreg:$0x1] =	wrdreg $0xFFFFFFFF  }
0xbc: {  	[dreg:$0x0] =	wrdreg $0x60  }
0xbd: {  	[dreg:$0x2] =	wrdreg s24  }
0xbe: {  	[dreg:$0x3] =	wrdreg s18  }
0xbf: {  	[dreg:$0x4] =	wrdreg $0xB  }
0xc0: {  	_ =	task.clear_ibuf [dreg:s22], $0x5FFFF;
	_ =	strace $0x90000050  }
0xc1: {  	s29 =	simm.s32 $0xB;
	_ =	strace $0x80000059  }
0xc2: {  	_ =	swait.ge [sflag:s29], $0x1  }
0xc3: {  	[sflag:s29] =	ssyncadd.s32 $0xFFFFFFFF  }
0xc4: {  	_ =	strace $0x90000059  }
0xc5: {  	_ =	sfence  }
0xc6: {  	s30 =	sld [smem:$0x0];
	_ =	sdelay $0x2  }
0xc7: {  	s31 =	sshll.u32 s1, $0xD;
	s1 =	sshrl.u32 s1, $0x2  }
0xc8: {  	s4 =	sand.u32 $0x4000, s31;
	s1 =	sadd.s32 s1, s30  }
0xc9: {  	s0 =	sor.u32 s4, s0;
	s1 =	sshll.u32 s1, $0x11  }
0xca: {  	s0 =	sor.u32 s1, s0  }
0xcb: {  	s0 =	sadd.s32 $0x8F2B, s0  }
0xcc: {  	[sflag:s0] =	ssyncadd.remote.s32 $0x1  }
0xcd: {  	_ =	sfence.sel $0xFFFF  }
0xce: {  	[dreg:$0x0] =	wrdreg $0xFFFFFFFF;
	(pc) =	sbr.abs _section_cstart, $3  }
0xcf: {  	[dreg:$0x1] =	wrdreg $0xFFFFFFFF  }
0xd0: {  	_ =	task.clear_ibuf [dreg:s22], $0x2FFFF;
	_ =	strace $0x9FFFFFFF  }
0xd1: {  	(tm) =	ssettm $0x7FFFFFFF  }
tec
execute0_lowered:
.L_overlay_start_1:
0x0: {  	(tag) =	ssettag $0x1  }
0x1: {  	s4 =	rddreg [dreg:$0x0]  }
0x2: {  	s1 =	rddreg [dreg:$0x1];
	s0 =	simm.s32 $0x0;
	s3 =	srdreg.scid  }
0x3: {  	s28 =	stileid.u32;
	s31 =	simm.s32 $0x100;
	s9 =	simm.s32 $0x0  }
0x4: {  	[smem:$0x7FF] =	sst s0;
	s5 =	sand.u32 $0x1, s3;
	s6 =	sadd.s32 $0x3600, s4  }
0x5: {  	s4 =	sadd.s32 $0xB5800, s4;
	_ =	strace $0x80000051;
	s7 =	sshll.u32 s5, $0x4  }
0x6: {  	[dreg:$0x3] =	wrdreg s6;
	s5 =	ssub.s32 $0x2, s5;
	s29 =	sor.u32 s28, s7  }
0x7: {  	[dreg:$0x5] =	wrdreg s4;
	s30 =	sshrl.u32 s5, $0x1;
	s7 =	smul.u32 $0x320, s29  }
0x8: {  	[dreg:$0x4] =	wrdreg s31;
	s8 =	ssub.s32 s5, s30;
	s4 =	smul.u32 $0x19, s29  }
0x9: {  	s6 =	smax.u32 s8, $0x1;
	s8 =	simm.s32 $0x5;
	s5 =	sadd.s32 s1, s7  }
.LBB2_1:
0xa: {  	_ =	strace $0x80000052;
	s0 =	simm.s32 $0x0  }
0xb: {  	s10 =	simm.s32 $0x1;
	p0 =	por $0x0, $0x0;
	p5 =	por $0x1, $0x1  }
0xc: {  	s11 =	simm.s32 $0x19;
	s14 =	simm.s32 $0x0;
	s12 =	simm.s32 $0xFFFFFFFF  }
0xd: {  	[tilespmem:s0], [sflag:$0x1] =	stream.linear.gather [hbm4b:s5+s0], $0x100, $0x200038;
	[tilespmem:$0x10200] =	vst v63  }
0xe: {  	s2 =	simm.s32 $0x1;
	s21 =	sadd.s32 $0x0, s4;
	s10 =	simm.s32 @p0 $0x0  }
0xf: {  	s22 =	sshra.s32 s21, $0x1F;
	s23 =	smulhi.u32 $0x51EB851F, s21;
	p1 =	sne.s32 s10, $0x0  }
0x10: {  	s15 =	sadd.s32 s4, s10;
	s22 =	smul.u32 $0x51EB851F, s22;
	p0 =	por !p5, !p1  }
0x11: {  	_ =	strace $0x90000052;
	s28 =	sshra.s32 s15, $0x1F;
	p2 =	por !p0, !p0  }
0x12: {  	p0 =	por $0x1, $0x1;
	s29 =	smul.u32 $0x51EB851F, s28;
	s3 =	sadd.s32 s22, s23  }
0x13: {  	s22 =	simm.s32 $0x1;
	s13 =	sand.u32 @p2 $0x1, s2;
	s16 =	sshll.u32 @p2 s15, $0x5  }
0x14: {  	s12 =	simm.s32 @p0 $0x18;
	_ =	strace @p2 $0x80000053;
	s20 =	simm.s32 @p2 $0x0  }
0x15: {  	s2 =	smulhi.u32 $0x51EB851F, s15;
	s23 =	sshrl.u32 s3, $0x1F;
	p0 =	por $0x0, $0x0  }
0x16: {  	s17 =	sshll.u32 @p2 s13, $0x8;
	s16 =	sand.u32 @p2 $0x1FFFFFE0, s16;
	s18 =	sadd.s32 s4, s12  }
0x17: {  	s13 =	sadd.s32 @p2 $0x1, s13;
	s26 =	sshra.s32 s18, $0x1F;
	s19 =	smulhi.u32 $0x51EB851F, s18  }
0x18: {  	p1 =	por p0, p1;
	s12 =	sadd.s32 @p2 s1, s16;
	s16 =	smul.u32 $0x51EB851F, s26  }
0x19: {  	[tilespmem:s17], [sflag:s13] =	stream.linear.gather @p2 [hbm4b:s12+s20], $0x100, $0x200038;
	[tilespmem:$0x10200] =	vst v63  }
0x1a: {  	p6 =	slt.s32 s18, $0x1;
	s22 =	simm.s32 @!p1 $0x0;
	s12 =	simm.s32 $0x18  }
0x1b: {  	s13 =	sand.u32 $0x1, s0;
	_ =	strace @p2 $0x90000053;
	s16 =	sadd.s32 s16, s19  }
0x1c: {  	s19 =	sshra.s32 s3, $0x7;
	_ =	strace $0x80000054;
	s30 =	sshrl.u32 s16, $0x1F  }
0x1d: {  	s31 =	sshra.s32 s16, $0x7;
	s19 =	sadd.s32 s23, s19;
	s16 =	sadd.s32 s29, s2  }
0x1e: {  	s29 =	sadd.s32 $0x1, s13;
	s7 =	sadd.s32 s30, s31;
	s26 =	smul.u32 $0xFFFFFE70, s19  }
0x1f: {  	s28 =	sshra.s32 s16, $0x7;
	_ =	swait.ge [sflag:s29], $0x100;
	s25 =	smul.u32 $0xFFFFFE70, s7  }
0x20: {  	s16 =	sshrl.u32 s16, $0x1F;
	s30 =	sshll.u32 s13, $0xF;
	[sflag:s29] =	ssyncset.done $0x0  }
0x21: {  	s20 =	sadd.s32 s21, s26;
	[sflag:s29] =	ssyncadd.s32 $0xFFFFFF00;
	s17 =	sadd.s32 s18, s25  }
0x22: {  	p5 =	slt.s32 s20, $0x0;
	_ =	strace $0x90000054;
	s18 =	simm.s32 $0x0  }
0x23: {  	p4 =	sne.s32 s17, $0x0;
	p3 =	slt.s32 s17, $0x0;
	s23 =	sadd.s32 $0x190, s17  }
0x24: {  	_ =	strace $0x80000055;
	s17 =	smov.u32 @p3 s23;
	p3 =	sne.s32 s20, $0x0  }
0x25: {  	s23 =	sadd.s32 $0x190, s20;
	p4 =	por !p6, !p4;
	p6 =	slt.s32 s21, $0x1  }
0x26: {  	s21 =	simm.s32 $0x1;
	s20 =	smov.u32 @p5 s23;
	s23 =	sadd.s32 s16, s28  }
0x27: {  	p4 =	por !p4, !p4;
	p5 =	por !p6, !p3;
	s16 =	smul.u32 $0xFFFFFE70, s23  }
0x28: {  	s21 =	simm.s32 @!p4 $0x0;
	p4 =	slt.s32 s15, $0x1;
	p3 =	por !p5, !p5  }
0x29: {  	s31 =	ssub.s32 s7, s21;
	s24 =	sadd.s32 s15, s16;
	s15 =	simm.s32 $0x1  }
0x2a: {  	s16 =	sor.u32 $0x200, s30;
	s15 =	simm.s32 @!p2 $0x0;
	p2 =	sne.s32 s20, s17  }
0x2b: {  	s17 =	simm.s32 $0x1;
	p6 =	sne.s32 s24, $0x0;
	s15 =	sadd.s32 $0x1, s15  }
0x2c: {  	s17 =	simm.s32 @!p3 $0x0;
	p1 =	por !p4, !p6;
	p3 =	slt.s32 s24, $0x0  }
0x2d: {  	s21 =	ssub.s32 s19, s17;
	s17 =	sadd.s32 $0x190, s24;
	p1 =	por !p1, !p1  }
0x2e: {  	s19 =	simm.s32 $0x1;
	s24 =	smov.u32 @p3 s17;
	s17 =	sadd.s32 $0x0, s22  }
0x2f: {  	s19 =	simm.s32 @!p1 $0x0;
	s22 =	rddreg [dreg:$0x3];
	p3 =	sne.s32 s21, s31  }
0x30: {  	s25 =	ssub.s32 s23, s19;
	s23 =	rddreg [dreg:$0x4];
	s19 =	sand.u32 $0x100, s14  }
0x31: {  	p4 =	sne.s32 s20, s24;
	s14 =	simm.s32 $0x0;
	p5 =	sne.s32 s21, s25  }
.LBB2_2:
0x32: {  	[tilespmem:s16], [sflag:$0x5] =	stream.indirect.gather [hbm4b:s22+s23], $0x80, s19, s23, $0x2000b8;
	[tilespmem:$0x10200] =	vst v63  }
0x33: {  	s19 =	sshll.u32 s17, $0x8;
	p2 =	por p2, p3  }
0x34: {  	s28 =	smov.u32 s12;
	s12 =	sadd.s32 $0xFFFFFFFF, s12;
	p6 =	por p4, p5  }
0x35: {  	p4 =	sne.s32 s11, $0x19;
	s24 =	simm.s32 $0x1;
	s29 =	smov.u32 s10  }
0x36: {  	s10 =	sadd.s32 $0x1, s10;
	s3 =	simm.s32 $0x1;
	_ =	swait.ge [sflag:s8], $0x8000  }
0x37: {  	p1 =	sne.s32 s12, $0x0;
	p0 =	por p0, p6;
	p2 =	por !p4, !p2  }
0x38: {  	p3 =	seq.s32 s10, $0x19;
	s22 =	sadd.s32 $0xFFFFFFFF, s29;
	p4 =	seq.s32 s29, $0x0  }
0x39: {  	s19 =	sand.u32 $0x100, s19;
	[sflag:s8] =	ssyncset.done $0x0;
	s11 =	sshll.u32 @p0 s20, $0x10  }
0x3a: {  	s20 =	sshll.u32 @p0 s21, $0xA;
	s13 =	sadd.s32 @p0 $0x3, s13;
	p2 =	por !p2, !p2  }
0x3b: {  	s21 =	simm.s32 $0x1;
	s25 =	simm.s32 @p0 $0x800;
	s10 =	simm.s32 @p3 $0x0  }
0x3c: {  	s22 =	simm.s32 @p4 $0x18;
	[sflag:s8] =	ssyncadd.s32 $0xFFFF8000;
	s11 =	sadd.s32 @p0 s11, s20  }
0x3d: {  	s21 =	simm.s32 @!p0 $0x0;
	s23 =	sand.u32 @p2 $0x1, s14;
	s24 =	simm.s32 @!p2 $0x0  }
0x3e: {  	p5 =	sne.s32 s29, s10;
	s22 =	sadd.s32 s4, s22;
	_ =	strace $0x90000055  }
0x3f: {  	s11 =	sshrl.u32 @p0 s11, $0x3;
	s14 =	sadd.s32 s24, s14;
	s18 =	sadd.s32 s21, s18  }
0x40: {  	s21 =	sadd.s32 s4, s29;
	s2 =	sshra.s32 s22, $0x1F;
	_ =	strace @p0 $0x80000056  }
0x41: {  	s31 =	sshra.s32 s21, $0x1F;
	s0 =	smulhi.u32 $0x51EB851F, s21;
	s20 =	rddreg [dreg:$0x5]  }
0x42: {  	s2 =	smul.u32 $0x51EB851F, s2;
	s11 =	sadd.s32 @p0 s20, s11;
	s20 =	simm.s32 @p0 $0x400  }
0x43: {  	[hbm4b:s11+s20] =	stream.strided.scatter @p0 [tilespmem:s16], [sflag:s13], $0x8000, s25, s20, $0x200038;
	[tilespmem:$0x10200] =	vst v63  }
0x44: {  	p4 =	slt.s32 s22, $0x1;
	s31 =	smul.u32 $0x51EB851F, s31;
	s16 =	sadd.s32 @p2 $0x3, s23  }
0x45: {  	s11 =	smov.u32 s28;
	s13 =	sand.u32 $0x1, s18;
	s20 =	sadd.s32 s4, s10  }
0x46: {  	s25 =	simm.s32 $0x1;
	s0 =	sadd.s32 s31, s0;
	_ =	strace @p0 $0x90000056  }
0x47: {  	p0 =	seq.s32 s11, $0x1;
	p6 =	sne.s32 s11, $0x1;
	s30 =	sshll.u32 s13, $0xF  }
0x48: {  	s29 =	sshra.s32 s20, $0x1F;
	_ =	strace @p2 $0x80000057;
	p3 =	por !p6, !p5  }
0x49: {  	s7 =	smulhi.u32 $0x51EB851F, s20;
	_ =	swait.ge @p2 [sflag:s16], $0x8000;
	p3 =	por !p3, !p3  }
0x4a: {  	s29 =	smul.u32 $0x51EB851F, s29;
	[sflag:s16] =	ssyncset.done @p2 $0x0;
	s23 =	sand.u32 @p3 $0x1, s15  }
0x4b: {  	s24 =	sshll.u32 @p3 s20, $0x5;
	s28 =	simm.s32 @p3 $0x0;
	s3 =	simm.s32 @!p3 $0x0  }
0x4c: {  	s7 =	sadd.s32 s29, s7;
	[sflag:s16] =	ssyncadd.s32 @p2 $0xFFFF8000;
	s16 =	sor.u32 $0x200, s30  }
0x4d: {  	s26 =	sshll.u32 @p3 s23, $0x8;
	s24 =	sand.u32 @p3 $0x1FFFFFE0, s24;
	s23 =	sadd.s32 @p3 $0x1, s23  }
0x4e: {  	s30 =	sand.u32 $0x1, s17;
	s15 =	sadd.s32 s3, s15;
	s3 =	smulhi.u32 $0x51EB851F, s22  }
0x4f: {  	_ =	strace @p2 $0x90000057;
	p2 =	por p0, p5;
	s24 =	sadd.s32 @p3 s1, s24  }
0x50: {  	s30 =	sadd.s32 $0x1, s30;
	s25 =	simm.s32 @!p2 $0x0;
	_ =	strace @p3 $0x80000053  }
0x51: {  	s2 =	sadd.s32 s2, s3;
	s17 =	sadd.s32 s25, s17;
	s25 =	sshra.s32 s7, $0x7  }
0x52: {  	[tilespmem:s26], [sflag:s23] =	stream.linear.gather @p3 [hbm4b:s24+s28], $0x100, $0x200038;
	[tilespmem:$0x10200] =	vst v63  }
0x53: {  	s3 =	sshrl.u32 s2, $0x1F;
	s2 =	sshra.s32 s2, $0x7;
	s7 =	sshrl.u32 s7, $0x1F  }
0x54: {  	s28 =	sshrl.u32 s0, $0x1F;
	s0 =	sshra.s32 s0, $0x7;
	s2 =	sadd.s32 s3, s2  }
0x55: {  	_ =	strace @p3 $0x90000053;
	s3 =	sadd.s32 s7, s25;
	s26 =	smul.u32 $0xFFFFFE70, s2  }
0x56: {  	s0 =	sadd.s32 s28, s0;
	_ =	strace $0x80000054;
	s29 =	smul.u32 $0xFFFFFE70, s3  }
0x57: {  	p2 =	slt.s32 s20, $0x1;
	s31 =	smul.u32 $0xFFFFFE70, s0;
	_ =	swait.ge [sflag:s30], $0x100  }
0x58: {  	p3 =	slt.s32 s21, $0x1;
	s7 =	sadd.s32 s22, s26;
	[sflag:s30] =	ssyncset.done $0x0  }
0x59: {  	s24 =	sadd.s32 s20, s29;
	s20 =	sadd.s32 s21, s31;
	p6 =	sne.s32 s7, $0x0  }
0x5a: {  	p5 =	slt.s32 s7, $0x0;
	[sflag:s30] =	ssyncadd.s32 $0xFFFFFF00;
	s25 =	sadd.s32 $0x190, s24  }
0x5b: {  	s22 =	sadd.s32 $0x190, s7;
	s21 =	sadd.s32 $0x190, s20;
	p4 =	por !p4, !p6  }
0x5c: {  	_ =	strace $0x90000054;
	s7 =	smov.u32 @p5 s22;
	s22 =	simm.s32 $0x1  }
0x5d: {  	p5 =	sne.s32 s20, $0x0;
	p6 =	slt.s32 s20, $0x0;
	p4 =	por !p4, !p4  }
0x5e: {  	_ =	strace $0x80000055;
	p3 =	por !p3, !p5;
	s20 =	smov.u32 @p6 s21  }
0x5f: {  	s21 =	simm.s32 $0x1;
	s22 =	simm.s32 @!p4 $0x0;
	p4 =	sne.s32 s24, $0x0  }
0x60: {  	s23 =	rddreg [dreg:$0x4];
	p3 =	por !p3, !p3;
	s2 =	ssub.s32 s2, s22  }
.Ltmp0:
0x61: {  	p2 =	por !p2, !p4;
	s21 =	simm.s32 @!p3 $0x0;
	(pc) =	sbr.rel @p1 .LBB2_2-.Ltmp0, $4  }
0x62: {  	p3 =	por !p2, !p2;
	s21 =	ssub.s32 s0, s21;
	s0 =	simm.s32 $0x1  }
0x63: {  	s22 =	rddreg [dreg:$0x3];
	p4 =	slt.s32 s24, $0x0;
	s0 =	simm.s32 @!p3 $0x0  }
0x64: {  	p2 =	sne.s32 s20, s7;
	s24 =	smov.u32 @p4 s25;
	s0 =	ssub.s32 s3, s0  }
0x65: {  	p3 =	sne.s32 s21, s2;
	p4 =	sne.s32 s20, s24;
	p5 =	sne.s32 s21, s0  }
0x66: {  	[tilespmem:s16], [sflag:$0x5] =	stream.indirect.gather [hbm4b:s22+s23], $0x80, s19, s23, $0x2000b8;
	[tilespmem:$0x10200] =	vst v63  }
0x67: {  	p1 =	por p4, p5;
	_ =	swait.ge [sflag:s8], $0x8000  }
0x68: {  	p5 =	por p2, p3;
	p6 =	sne.s32 s11, $0x19;
	[sflag:s8] =	ssyncset.done $0x0  }
0x69: {  	p0 =	por p0, p1;
	p1 =	por !p6, !p5;
	[sflag:s8] =	ssyncadd.s32 $0xFFFF8000  }
0x6a: {  	s0 =	sshll.u32 @p0 s20, $0x10;
	s2 =	sshll.u32 @p0 s21, $0xA;
	_ =	strace $0x90000055  }
0x6b: {  	p1 =	por !p1, !p1;
	s0 =	sadd.s32 @p0 s0, s2;
	_ =	strace @p0 $0x80000056  }
0x6c: {  	s7 =	simm.s32 @p0 $0x800;
	s0 =	sshrl.u32 @p0 s0, $0x3;
	s3 =	rddreg [dreg:$0x5]  }
0x6d: {  	s2 =	sadd.s32 @p0 $0x3, s13;
	s0 =	sadd.s32 @p0 s3, s0;
	s3 =	simm.s32 @p0 $0x400  }
0x6e: {  	[hbm4b:s0+s3] =	stream.strided.scatter @p0 [tilespmem:s16], [sflag:s2], $0x8000, s7, s3, $0x200038;
	[tilespmem:$0x10200] =	vst v63  }
0x6f: {  	s0 =	sand.u32 @p1 $0x1, s14;
	_ =	strace @p0 $0x90000056  }
0x70: {  	s0 =	sadd.s32 @p1 $0x3, s0;
	_ =	strace @p1 $0x80000057  }
0x71: {  	s2 =	simm.s32 $0x1;
	_ =	swait.ge @p1 [sflag:s0], $0x8000  }
0x72: {  	s2 =	simm.s32 @!p1 $0x0;
	[sflag:s0] =	ssyncset.done @p1 $0x0  }
0x73: {  	s9 =	sadd.s32 $0x1, s9;
	s2 =	sadd.s32 s2, s14;
	[sflag:s0] =	ssyncadd.s32 @p1 $0xFFFF8000  }
0x74: {  	p0 =	sne.s32 s9, s6;
	s31 =	sand.u32 $0x1, s2;
	_ =	strace @p1 $0x90000057  }
.Ltmp1:
0x75: {  	s0 =	sadd.s32 $0x3, s31;
	_ =	strace $0x80000058;
	(pc) =	sbr.rel @p0 .LBB2_1-.Ltmp1, $4  }
0x76: {  	_ =	swait.ge [sflag:s0], $0x8000  }
0x77: {  	[sflag:s0] =	ssyncset.done $0x0  }
0x78: {  	[sflag:s0] =	ssyncadd.s32 $0xFFFF8000  }
0x79: {  	_ =	strace $0x90000058  }
0x7a: {  	_ =	sfence.sel $0x180000  }
0x7b: {  	[bflag:$0x0] =	sbarrier.arrive $0xFFFF  }
0x7c: {  	_ =	strace $0x90000051  }
0x7d: {  	s0 =	stileid.u32;
	[bflag:$0x2] =	sbarrier.arrive $0xFFFF  }
0x7e: {  	p0 =	sne.s32 s0, $0x0;
	s0 =	rddreg [dreg:$0x2]  }
0x7f: {  	s0 =	sadd.s32 @!p0 $0x100000, s0  }
0x80: {  	[sflag:s0] =	ssyncadd.tile.s32 @!p0 $0x1;
	_ =	shalt  }
.Lfunc_end2:
_tile_overlayer_lowered:
.L_overlay_start_2:
0x81: {  	(tag) =	ssettag $0x2  }
0x82: {  	s0 =	rddreg [dreg:$0x0];
	s2 =	stileid.u32  }
0x83: {  	s1 =	rddreg [dreg:$0x1];
	p0 =	sne.s32 s2, $0x0  }
0x84: {  	s3 =	rddreg [dreg:$0x2];
	[bflag:$0x3] =	sbarrier.arrive $0xFFFF;
	s2 =	simm.s32 @!p0 $0x1C01  }
0x85: {  	[timem:s3], [sflag:s2] =	dma.local @!p0 [hbm:s0], s1  }
0x86: {  	s0 =	simm.s32 @!p0 $0x1  }
0x87: {  	_ =	swait.ge @!p0 [sflag:s0], s1  }
0x88: {  	s1 =	ssub.s32 @!p0 $0x0, s1;
	[sflag:s0] =	ssyncset.done @!p0 $0x0  }
0x89: {  	[sflag:s0] =	ssyncadd.s32 @!p0 s1  }
0x8a: {  	[bflag:$0x3] =	sbarrier.arrive $0xFFFF  }
0x8b: {  	_ =	shalt  }

// kernel: kernel.20.cloned.1.call-start
scs
__scs_entry_jumppad:
0x0: {  	(pc) =	sbr.rel $0x88, $3  }
0x1: {  	(tag) =	ssettag $0x0;
	lr =	simm.s32 $0x1  }
0x2: {  	[smem:$0x3F9A] =	sst lr;
	_ =	strace $0xD0000000  }
0x3: {  	_ = 	snop  }
0x4: {  	_ = 	snop  }
0x5: {  	_ = 	snop  }
0x6: {  	_ = 	snop  }
0x7: {  	_ = 	snop  }
__scs_overlays_trampoline_lowered:
0x8: {  	[smem:$0x3FA9] =	sst s0  }
0x9: {  	[smem:$0x3FAA] =	sst s1  }
0xa: {  	[smem:$0x3FAB] =	sst s2  }
0xb: {  	[smem:$0x3FAC] =	sst s3  }
0xc: {  	[smem:$0x3FAD] =	sst s4  }
0xd: {  	[smem:$0x3FAE] =	sst s5  }
0xe: {  	[smem:$0x3FAF] =	sst s6  }
0xf: {  	[smem:$0x3FB0] =	sst s7  }
0x10: {  	[smem:$0x3FB1] =	sst s8  }
0x11: {  	[smem:$0x3FB2] =	sst s9;
	s0 =	simm.s32 @!p0 $0x0  }
0x12: {  	s1 =	sld [smem:$0x3F98];
	s0 =	simm.s32 @p0 $0x1  }
0x13: {  	[smem:$0x3FB3] =	sst s0;
	s0 =	simm.s32 @!p1 $0x0  }
0x14: {  	s2 =	sld [smem:$0x3F97];
	s0 =	simm.s32 @p1 $0x1  }
0x15: {  	[smem:$0x3FB4] =	sst s0;
	s0 =	simm.s32 @!p2 $0x0  }
0x16: {  	s3 =	sld [smem:$0x3FDB];
	s0 =	simm.s32 @p2 $0x1  }
0x17: {  	s4 =	simm.s32 $0x1BF5;
	[smem:$0x3FB6] =	sst s0  }
0x18: {  	s0 =	sld [smem:$0x3F99];
	_ =	swait.ge [sflag:s4], $0x0  }
0x19: {  	s7 =	sld [smem:$0x3F9A]  }
0x1a: {  	s8 =	sadd.s32 $0xFFFFE003, lr  }
0x1b: {  	s9 =	sadd.s32 $0xFFFFFEF7, lr;
	s5 =	simm.s32 $0xFFFFFFFF;
	p2 =	slt.u32 s8, $0xFFFFF086  }
0x1c: {  	p1 =	slt.u32 s9, $0xF7A;
	s5 =	simm.s32 @!p2 $0x0  }
0x1d: {  	s5 =	simm.s32 @p1 $0x1;
	p0 =	seq.s32 s7, s2  }
0x1e: {  	s7 =	smul.u32 @!p0 $0xF7A, s2;
	p2 =	seq.s32 @!p0 s5, $0x0  }
0x1f: {  	s9 =	smul.u32 $0xF7A, s1;
	s8 =	simm.s32 @!p0 $0x1BF5;
	p2 =	por !p2, p0  }
0x20: {  	[sflag:s8] =	ssyncset.s32 @!p0 $0xFFFFF086;
	s6 =	sadd.s32 @!p0 s3, s7;
	s7 =	simm.s32 @!p0 $0x108  }
0x21: {  	s3 =	sadd.s32 s3, s9;
	s6 =	sadd.s32 @!p0 $0x88, s6;
	s7 =	simm.s32 @p2 $0x1082  }
0x22: {  	[simem:s7], [sflag:s8] =	dma.local @!p0 [hbm:s6], $0xF7A  }
0x23: {  	s9 =	sor.u32 $0xD0000000, s2;
	s6 =	simm.s32 $0x108;
	_ =	swait.ge @!p0 [sflag:s8], $0x0  }
0x24: {  	s3 =	sadd.s32 $0x88, s3;
	s6 =	simm.s32 @!p1 $0x1082;
	[sflag:s4] =	ssyncset.s32 $0xFFFFF086  }
0x25: {  	[simem:s6], [sflag:s4] =	dma.local [hbm:s3], $0xF7A  }
0x26: {  	[smem:$0x3F9A] =	sst s1;
	(tag) =	ssettag s2;
	_ =	strace s9  }
0x27: {  	s1 =	sld [smem:$0x3FAA]  }
0x28: {  	s2 =	sld [smem:$0x3FAB]  }
0x29: {  	s4 =	sld [smem:$0x3FAD]  }
0x2a: {  	p0 =	seq.s32 s5, $0x0;
	s5 =	sld [smem:$0x3FAE]  }
0x2b: {  	s6 =	sld [smem:$0x3FAF]  }
0x2c: {  	s7 =	sld [smem:$0x3FB0]  }
0x2d: {  	s3 =	simm.s32 $0x108;
	s8 =	sld [smem:$0x3FB1]  }
0x2e: {  	s3 =	simm.s32 @!p0 $0x1082;
	s9 =	sld [smem:$0x3FB2]  }
0x2f: {  	lr =	sadd.s32 s0, s3;
	s0 =	sld [smem:$0x3FA9]  }
0x30: {  	s3 =	sld [smem:$0x3FAC]  }
0x31: {  	[smem:$0x3FB5] =	sst s10  }
0x32: {  	s10 =	sld [smem:$0x3FB3];
	_ =	sdelay $0x3  }
0x33: {  	p0 =	seq.s32 s10, $0x1;
	s10 =	sld [smem:$0x3FB5];
	_ =	sdelay $0x3  }
0x34: {  	[smem:$0x3FB5] =	sst s10  }
0x35: {  	s10 =	sld [smem:$0x3FB4];
	_ =	sdelay $0x3  }
0x36: {  	p1 =	seq.s32 s10, $0x1;
	s10 =	sld [smem:$0x3FB5];
	_ =	sdelay $0x3  }
0x37: {  	[smem:$0x3FB5] =	sst s10  }
0x38: {  	s10 =	sld [smem:$0x3FB6]  }
0x39: {  	_ = 	snop;
	(pc) =	sbr.ind lr, $3  }
0x3a: {  	_ = 	snop  }
0x3b: {  	_ = 	snop  }
0x3c: {  	p2 =	seq.s32 s10, $0x1;
	s10 =	sld [smem:$0x3FB5]  }
0x3d: {  	_ =	shalt  }
0x3e: {  	_ =	shalt  }
0x3f: {  	_ =	shalt  }
0x40: {  	_ =	shalt  }
0x41: {  	_ =	shalt  }
0x42: {  	_ =	shalt  }
0x43: {  	_ =	shalt  }
0x44: {  	_ =	shalt  }
0x45: {  	_ =	shalt  }
0x46: {  	_ =	shalt  }
0x47: {  	_ =	shalt  }
0x48: {  	_ =	shalt  }
0x49: {  	_ =	shalt  }
0x4a: {  	_ =	shalt  }
0x4b: {  	_ =	shalt  }
0x4c: {  	_ =	shalt  }
0x4d: {  	_ =	shalt  }
0x4e: {  	_ =	shalt  }
0x4f: {  	_ =	shalt  }
0x50: {  	_ =	shalt  }
0x51: {  	_ =	shalt  }
0x52: {  	_ =	shalt  }
0x53: {  	_ =	shalt  }
0x54: {  	_ =	shalt  }
0x55: {  	_ =	shalt  }
0x56: {  	_ =	shalt  }
0x57: {  	_ =	shalt  }
0x58: {  	_ =	shalt  }
0x59: {  	_ =	shalt  }
0x5a: {  	_ =	shalt  }
0x5b: {  	_ =	shalt  }
0x5c: {  	_ =	shalt  }
0x5d: {  	_ =	shalt  }
0x5e: {  	_ =	shalt  }
0x5f: {  	_ =	shalt  }
0x60: {  	_ =	shalt  }
0x61: {  	_ =	shalt  }
0x62: {  	_ =	shalt  }
0x63: {  	_ =	shalt  }
0x64: {  	_ =	shalt  }
0x65: {  	_ =	shalt  }
0x66: {  	_ =	shalt  }
0x67: {  	_ =	shalt  }
0x68: {  	_ =	shalt  }
0x69: {  	_ =	shalt  }
0x6a: {  	_ =	shalt  }
0x6b: {  	_ =	shalt  }
0x6c: {  	_ =	shalt  }
0x6d: {  	_ =	shalt  }
0x6e: {  	_ =	shalt  }
0x6f: {  	_ =	shalt  }
0x70: {  	_ =	shalt  }
0x71: {  	_ =	shalt  }
0x72: {  	_ =	shalt  }
0x73: {  	_ =	shalt  }
0x74: {  	_ =	shalt  }
0x75: {  	_ =	shalt  }
0x76: {  	_ =	shalt  }
0x77: {  	_ =	shalt  }
0x78: {  	_ =	shalt  }
0x79: {  	_ =	shalt  }
0x7a: {  	_ =	shalt  }
0x7b: {  	_ =	shalt  }
0x7c: {  	_ =	shalt  }
0x7d: {  	_ =	shalt  }
0x7e: {  	_ =	shalt  }
0x7f: {  	_ =	shalt  }
0x80: {  	_ =	shalt  }
0x81: {  	_ =	shalt  }
0x82: {  	_ =	shalt  }
0x83: {  	_ =	shalt  }
0x84: {  	_ =	shalt  }
0x85: {  	_ =	shalt  }
0x86: {  	_ =	shalt  }
0x87: {  	_ =	shalt  }
.Lfunc_end0:
.L_simem_size_0:
called_computation.3_lowered:
.L_overlay_start_0:
0x88: {  	s2 =	sld [smem:$0x3FD9]  }
0x89: {  	s3 =	sld [smem:$0x3FFE];
	_ =	sdelay $0x1  }
0x8a: {  	s1 =	srdreg.scid  }
0x8b: {  	s0 =	sand.u32 $0x1, s1  }
0x8c: {  	s16 =	sshll.u32 s0, $0xA;
	s2 =	sadd.s32 s3, s2  }
0x8d: {  	s2 =	sadd.s32 s2, s16  }
0x8e: {  	[smem:$0x3FC1] =	sst s2  }
0x8f: {  	_ = 	snop  }
0x90: {  	(tm) =	ssettm $0x1  }
0x91: {  	s17 =	sld [smem:$0x3FFB];
	_ =	sdelay $0x3  }
0x92: {  	_ =	strace s17  }
0x93: {  	s2 =	sld [smem:$0x3FFC];
	_ =	sdelay $0x3  }
0x94: {  	_ =	strace s2  }
0x95: {  	s2 =	sld [smem:$0x3FFD];
	_ =	sdelay $0x3  }
0x96: {  	_ =	strace s2  }
0x97: {  	_ =	strace $0x8FFFFFFF  }
0x98: {  	s18 =	sld [smem:$0x3FDB];
	_ =	sdelay $0x1  }
0x99: {  	s19 =	simm.s32 $_scs_section_size  }
0x9a: {  	s4 =	simm.s32 $_size__tile_overlayer_lowered;
	s5 =	simm.s32 $_tile_overlayer_lowered  }
0x9b: {  	s22 =	simm.s32 $0x1BFF;
	s21 =	sshll.u32 s5, $0x1;
	s2 =	sadd.s32 s19, s18  }
0x9c: {  	s6 =	simm.s32 $0x0;
	s20 =	sshll.u32 s4, $0x1;
	s4 =	sadd.s32 s21, s2  }
0x9d: {  	[timem:s6], [sflag:s22] =	dma.local [hbm:s4], s20  }
0x9e: {  	_ =	swait.ge [sflag:s22], s20  }
0x9f: {  	s3 =	ssub.s32 $0x0, s20;
	[sflag:s22] =	ssyncset.done $0x0  }
0xa0: {  	[sflag:s22] =	ssyncadd.s32 s3;
	_ =	sdelay $0x1  }
0xa1: {  	s23 =	simm.s32 $0x1B8B  }
0xa2: {  	_ =	swait.ge [sflag:s23], $0x1  }
0xa3: {  	[sflag:s23] =	ssyncset.done $0x0  }
0xa4: {  	s25 =	simm.s32 $0x1B8E;
	s24 =	sld [smem:$0x3FFE];
	[sflag:s23] =	ssyncadd.s32 $0xFFFFFFFF  }
0xa5: {  	s26 =	simm.s32 $execute0_lowered;
	[smem:$0x3FD2] =	sst s25  }
0xa6: {  	s4 =	sshll.u32 s26, $0x1;
	_ =	strace $0x80000046;
	[dreg:$0x1] =	wrdreg $0xFFFFFFFF  }
0xa7: {  	s28 =	simm.s32 $_size_execute0_lowered;
	s2 =	sadd.s32 s2, s4;
	[dreg:$0x0] =	wrdreg $0x0  }
0xa8: {  	s4 =	sshll.u32 s28, $0x1;
	[dreg:$0x2] =	wrdreg s2  }
0xa9: {  	[dreg:$0x3] =	wrdreg s4  }
0xaa: {  	[dreg:$0x4] =	wrdreg $0xC0  }
0xab: {  	_ =	task [dreg:s6], $0x5FFFF  }
0xac: {  	[dreg:$0x1] =	wrdreg $0xFFFFFFFF  }
0xad: {  	[dreg:$0x0] =	wrdreg $0x60  }
0xae: {  	[dreg:$0x2] =	wrdreg s24  }
0xaf: {  	[dreg:$0x3] =	wrdreg $0xC  }
0xb0: {  	_ =	task.clear_ibuf [dreg:s6], $0x4FFFF;
	_ =	strace $0x90000046  }
0xb1: {  	s29 =	simm.s32 $0xC;
	_ =	strace $0x8000004F  }
0xb2: {  	_ =	swait.ge [sflag:s29], $0x1  }
0xb3: {  	[sflag:s29] =	ssyncadd.s32 $0xFFFFFFFF  }
0xb4: {  	_ =	strace $0x9000004F  }
0xb5: {  	_ =	sfence  }
0xb6: {  	s30 =	sld [smem:$0x0];
	_ =	sdelay $0x2  }
0xb7: {  	s31 =	sshll.u32 s1, $0xD;
	s1 =	sshrl.u32 s1, $0x2  }
0xb8: {  	s3 =	sand.u32 $0x4000, s31;
	s1 =	sadd.s32 s1, s30  }
0xb9: {  	s0 =	sor.u32 s3, s0;
	s1 =	sshll.u32 s1, $0x11  }
0xba: {  	s0 =	sor.u32 s1, s0  }
0xbb: {  	s0 =	sadd.s32 $0x8F2B, s0  }
0xbc: {  	[sflag:s0] =	ssyncadd.remote.s32 $0x1  }
0xbd: {  	_ =	sfence.sel $0xFFFF  }
0xbe: {  	[dreg:$0x0] =	wrdreg $0xFFFFFFFF;
	(pc) =	sbr.abs _section_cstart, $3  }
0xbf: {  	[dreg:$0x1] =	wrdreg $0xFFFFFFFF  }
0xc0: {  	_ =	task.clear_ibuf [dreg:s6], $0x2FFFF;
	_ =	strace $0x9FFFFFFF  }
0xc1: {  	(tm) =	ssettm $0x7FFFFFFF  }
tec
execute0_lowered:
.L_overlay_start_1:
0x0: {  	(tag) =	ssettag $0x1  }
0x1: {  	s0 =	srdreg.scid  }
0x2: {  	s6 =	rddreg [dreg:$0x0];
	s7 =	sand.u32 $0x1, s0  }
0x3: {  	s1 =	stileid.u32;
	s2 =	simm.s32 $0x0;
	s3 =	sshll.u32 s7, $0x4  }
0x4: {  	s12 =	simm.s32 $0x5;
	s13 =	simm.s32 $0x0;
	s5 =	sor.u32 s1, s3  }
0x5: {  	[smem:$0x7FF] =	sst s2;
	s4 =	sadd.s32 $0x2800, s6;
	s8 =	smul.u32 $0x3, s5  }
0x6: {  	_ =	strace $0x80000047;
	s29 =	ssub.s32 $0x2, s7;
	s7 =	simm.s32 $0x4  }
0x7: {  	p0 =	slt.u32 s5, $0x4;
	s9 =	sshll.u32 s5, $0x2;
	s5 =	sadd.s32 $0x4, s8  }
0x8: {  	s3 =	sadd.s32 $0x3600, s6;
	s6 =	sadd.s32 $0x51800, s6;
	s5 =	smov.u32 @p0 s9  }
0x9: {  	s30 =	sshrl.u32 s29, $0x1;
	s7 =	simm.s32 @!p0 $0x3;
	s10 =	sshll.u32 s5, $0x5  }
0xa: {  	s11 =	ssub.s32 s29, s30;
	s9 =	sadd.s32 $0xFFFFFFFF, s7;
	s31 =	sand.u32 $0x1FFFFFE0, s10  }
0xb: {  	s10 =	smax.u32 s11, $0x1;
	s11 =	simm.s32 $0x100;
	s8 =	sadd.s32 s4, s31  }
.LBB2_1:
0xc: {  	_ =	strace $0x80000048;
	s21 =	simm.s32 $0x0  }
0xd: {  	s14 =	simm.s32 $0x0;
	s15 =	simm.s32 $0x0;
	s16 =	simm.s32 $0x0  }
0xe: {  	[tilespmem:s2], [sflag:$0x1] =	stream.linear.gather [hbm4b:s8+s2], $0x100, $0x200038;
	[tilespmem:$0x10200] =	vst v63  }
0xf: {  	s17 =	simm.s32 $0x1;
	s18 =	simm.s32 $0x0;
	_ =	strace $0x90000048  }
.LBB2_2:
0x10: {  	s19 =	sadd.s32 $0x1, s21  }
0x11: {  	p0 =	seq.s32 s19, s7  }
0x12: {  	p1 =	slt.s32 s18, s9;
	s23 =	sadd.s32 $0xFFFFFFFF, s21;
	s19 =	simm.s32 @p0 $0x0  }
0x13: {  	p2 =	seq.s32 s21, $0x0;
	s29 =	sshll.u32 s16, $0x8;
	p0 =	sne.s32 s21, s19  }
0x14: {  	s23 =	smov.u32 @p2 s9;
	p2 =	seq.s32 s18, $0x0;
	p1 =	por !p1, !p0  }
0x15: {  	p3 =	seq.s32 @!p2 s21, s23;
	s22 =	sadd.s32 s5, s19;
	p1 =	por !p1, !p1  }
0x16: {  	p2 =	por p2, !p3;
	s20 =	sand.u32 @p1 $0x1, s17;
	s24 =	sshll.u32 @p1 s22, $0x5  }
0x17: {  	_ =	strace @p1 $0x80000049;
	s26 =	simm.s32 @p1 $0x0;
	s24 =	sand.u32 @p1 $0x1FFFFFE0, s24  }
0x18: {  	s25 =	sshll.u32 @p1 s20, $0x8;
	s20 =	sadd.s32 @p1 $0x1, s20;
	s24 =	sadd.s32 @p1 s4, s24  }
0x19: {  	[tilespmem:s25], [sflag:s20] =	stream.linear.gather @p1 [hbm4b:s24+s26], $0x100, $0x200038;
	[tilespmem:$0x10200] =	vst v63  }
0x1a: {  	s0 =	smulhi.u32 $0x51EB851F, s22;
	s20 =	sand.u32 @p2 $0x1, s16;
	s24 =	sadd.s32 s5, s21  }
0x1b: {  	s25 =	sand.u32 $0x100, s29;
	_ =	strace @p1 $0x90000049;
	s30 =	smulhi.u32 $0x51EB851F, s24  }
0x1c: {  	s20 =	sadd.s32 @p2 $0x1, s20;
	s28 =	sshra.s32 s24, $0x1F;
	_ =	strace @p2 $0x8000004A  }
0x1d: {  	s29 =	sshra.s32 s22, $0x1F;
	s28 =	smul.u32 $0x51EB851F, s28;
	_ =	swait.ge @p2 [sflag:s20], $0x100  }
0x1e: {  	s23 =	sadd.s32 s5, s23;
	s29 =	smul.u32 $0x51EB851F, s29;
	[sflag:s20] =	ssyncset.done @p2 $0x0  }
0x1f: {  	s31 =	sadd.s32 s28, s30;
	[sflag:s20] =	ssyncadd.s32 @p2 $0xFFFFFF00;
	s20 =	sand.u32 $0x1, s15  }
0x20: {  	s28 =	sadd.s32 s29, s0;
	_ =	strace @p2 $0x9000004A;
	s26 =	sshll.u32 s20, $0xF  }
0x21: {  	s0 =	sshra.s32 s23, $0x1F;
	_ =	strace $0x8000004B;
	s21 =	sor.u32 $0x200, s26  }
0x22: {  	[tilespmem:s21], [sflag:$0x5] =	stream.indirect.gather [hbm4b:s3+s11], $0x80, s25, s11, $0x2000b8;
	[tilespmem:$0x10200] =	vst v63  }
0x23: {  	s0 =	smul.u32 $0x51EB851F, s0;
	s26 =	sshrl.u32 s31, $0x1F;
	s25 =	sshra.s32 s31, $0x4  }
0x24: {  	p6 =	slt.s32 s24, $0x1;
	s31 =	smulhi.u32 $0x51EB851F, s23;
	s25 =	sadd.s32 s26, s25  }
0x25: {  	s30 =	simm.s32 $0x1;
	_ =	swait.ge [sflag:s12], $0x8000;
	s26 =	smul.u32 $0xFFFFFFCE, s25  }
0x26: {  	s29 =	sshrl.u32 s28, $0x1F;
	s28 =	sshra.s32 s28, $0x4;
	[sflag:s12] =	ssyncset.done $0x0  }
0x27: {  	s0 =	sadd.s32 s0, s31;
	[sflag:s12] =	ssyncadd.s32 $0xFFFF8000;
	s26 =	sadd.s32 s24, s26  }
0x28: {  	s24 =	sadd.s32 s29, s28;
	_ =	strace $0x9000004B;
	p5 =	sne.s32 s26, $0x0  }
0x29: {  	p4 =	slt.s32 s26, $0x0;
	s28 =	sadd.s32 $0x32, s26;
	s29 =	smul.u32 $0xFFFFFFCE, s24  }
0x2a: {  	p2 =	por !p6, !p5;
	s26 =	smov.u32 @p4 s28;
	p6 =	slt.s32 s22, $0x1  }
0x2b: {  	s28 =	simm.s32 $0x1;
	p2 =	por !p2, !p2;
	s29 =	sadd.s32 s22, s29  }
0x2c: {  	s30 =	simm.s32 @!p2 $0x0;
	p5 =	sne.s32 s29, $0x0;
	p3 =	slt.s32 s29, $0x0  }
0x2d: {  	s25 =	ssub.s32 s25, s30;
	s30 =	sshrl.u32 s0, $0x1F;
	s0 =	sshra.s32 s0, $0x4  }
0x2e: {  	s22 =	sadd.s32 $0x32, s29;
	p2 =	por !p6, !p5;
	s0 =	sadd.s32 s30, s0  }
0x2f: {  	s29 =	smov.u32 @p3 s22;
	p2 =	por !p2, !p2;
	s30 =	smul.u32 $0xFFFFFFCE, s0  }
0x30: {  	p6 =	slt.s32 s23, $0x1;
	s22 =	simm.s32 $0x1;
	s28 =	simm.s32 @!p2 $0x0  }
0x31: {  	p2 =	seq.s32 s9, s18;
	s31 =	ssub.s32 s24, s28;
	s24 =	sadd.s32 s23, s30  }
0x32: {  	p5 =	sne.s32 s26, s29;
	p0 =	por p2, p0;
	p4 =	sne.s32 s24, $0x0  }
0x33: {  	s23 =	sadd.s32 $0x32, s24;
	p3 =	por !p6, !p4;
	p6 =	sne.s32 s25, s31  }
0x34: {  	p4 =	por p5, p6;
	p3 =	por !p3, !p3;
	p5 =	slt.s32 s24, $0x0  }
0x35: {  	s22 =	simm.s32 @!p3 $0x0;
	p3 =	por p2, p4;
	s24 =	smov.u32 @p5 s23  }
0x36: {  	s0 =	ssub.s32 s0, s22;
	s22 =	sshll.u32 @p3 s26, $0x10;
	p5 =	sne.s32 s26, s24  }
0x37: {  	_ =	strace @p3 $0x8000004C;
	p6 =	sne.s32 s25, s0;
	s0 =	sshll.u32 @p3 s25, $0xA  }
0x38: {  	s20 =	sadd.s32 @p3 $0x3, s20;
	s23 =	simm.s32 @p3 $0x800;
	s0 =	sadd.s32 @p3 s22, s0  }
0x39: {  	p4 =	por p5, p6;
	p6 =	sne.s32 s18, $0x0;
	s0 =	sshrl.u32 @p3 s0, $0x3  }
0x3a: {  	s22 =	simm.s32 @p3 $0x400;
	p4 =	por !p6, !p4;
	s0 =	sadd.s32 @p3 s6, s0  }
0x3b: {  	[hbm4b:s0+s22] =	stream.strided.scatter @p3 [tilespmem:s21], [sflag:s20], $0x8000, s23, s22, $0x200038;
	[tilespmem:$0x10200] =	vst v63  }
0x3c: {  	s18 =	sadd.s32 $0x1, s18;
	p4 =	por !p4, !p4;
	s20 =	simm.s32 $0x1  }
0x3d: {  	s0 =	sand.u32 @p4 $0x1, s14;
	_ =	strace @p3 $0x9000004C;
	s20 =	simm.s32 @!p1 $0x0  }
0x3e: {  	s0 =	sadd.s32 @p4 $0x3, s0;
	s17 =	sadd.s32 s20, s17;
	s20 =	simm.s32 $0x1  }
0x3f: {  	_ =	strace @p4 $0x8000004D;
	s20 =	simm.s32 @!p0 $0x0;
	p0 =	sne.s32 s7, s18  }
.Ltmp0:
0x40: {  	_ =	swait.ge @p4 [sflag:s0], $0x8000;
	(pc) =	sbr.rel @p0 .LBB2_2-.Ltmp0, $4  }
0x41: {  	s21 =	simm.s32 $0x1;
	[sflag:s0] =	ssyncset.done @p4 $0x0  }
0x42: {  	s21 =	simm.s32 @!p3 $0x0;
	[sflag:s0] =	ssyncadd.s32 @p4 $0xFFFF8000;
	s0 =	simm.s32 $0x1  }
0x43: {  	s15 =	sadd.s32 s21, s15;
	s21 =	smov.u32 s19;
	s0 =	simm.s32 @!p4 $0x0  }
0x44: {  	s16 =	sadd.s32 s20, s16;
	_ =	strace @p4 $0x9000004D;
	s14 =	sadd.s32 s0, s14  }
0x45: {  	s13 =	sadd.s32 $0x1, s13  }
0x46: {  	s0 =	sand.u32 $0x1, s14;
	p0 =	sne.s32 s13, s10  }
.Ltmp1:
0x47: {  	_ =	strace $0x8000004E;
	s0 =	sadd.s32 $0x3, s0;
	(pc) =	sbr.rel @p0 .LBB2_1-.Ltmp1, $4  }
0x48: {  	_ =	swait.ge [sflag:s0], $0x8000  }
0x49: {  	[sflag:s0] =	ssyncset.done $0x0  }
0x4a: {  	[sflag:s0] =	ssyncadd.s32 $0xFFFF8000  }
0x4b: {  	_ =	strace $0x9000004E  }
0x4c: {  	_ =	sfence.sel $0x180000  }
0x4d: {  	[bflag:$0x0] =	sbarrier.arrive $0xFFFF  }
0x4e: {  	_ =	strace $0x90000047  }
0x4f: {  	[bflag:$0x2] =	sbarrier.arrive $0xFFFF  }
0x50: {  	p0 =	sne.s32 s1, $0x0;
	s0 =	rddreg [dreg:$0x1]  }
0x51: {  	s0 =	sadd.s32 @!p0 $0x100000, s0  }
0x52: {  	[sflag:s0] =	ssyncadd.tile.s32 @!p0 $0x1;
	_ =	shalt  }
.Lfunc_end2:
_tile_overlayer_lowered:
.L_overlay_start_2:
0x53: {  	(tag) =	ssettag $0x2  }
0x54: {  	s0 =	rddreg [dreg:$0x0];
	s2 =	stileid.u32  }
0x55: {  	s1 =	rddreg [dreg:$0x1];
	p0 =	sne.s32 s2, $0x0  }
0x56: {  	s3 =	rddreg [dreg:$0x2];
	[bflag:$0x3] =	sbarrier.arrive $0xFFFF;
	s2 =	simm.s32 @!p0 $0x1C01  }
0x57: {  	[timem:s3], [sflag:s2] =	dma.local @!p0 [hbm:s0], s1  }
0x58: {  	s0 =	simm.s32 @!p0 $0x1  }
0x59: {  	_ =	swait.ge @!p0 [sflag:s0], s1  }
0x5a: {  	s1 =	ssub.s32 @!p0 $0x0, s1;
	[sflag:s0] =	ssyncset.done @!p0 $0x0  }
0x5b: {  	[sflag:s0] =	ssyncadd.s32 @!p0 s1  }
0x5c: {  	[bflag:$0x3] =	sbarrier.arrive $0xFFFF  }
0x5d: {  	_ =	shalt  }

</sc_bundles>
